<compile_context>
chip_gen: v7x
topology: tpu7x:2x2x1
jax: 0.10.2.dev20260603
libtpu: 0.0.44.dev20260713+nightly
codegen_flags: <defaults>
</compile_context>

<pallas_src>
import functools

import jax
import jax.numpy as jnp
from jax import lax
from jax.experimental import pallas as pl
from jax.experimental.pallas import tpu as pltpu
from jax.experimental.pallas import tpu_sc as plsc

R = 128
C = 32768


_J = 2
_B = C // _J


def _argmax_body(x_ref, out_ref, m_ref):
    j = pl.program_id(0)
    x = x_ref[...]
    m = jnp.max(x, axis=1, keepdims=True)
    ii = lax.broadcasted_iota(jnp.int32, x.shape, 1)
    li = jnp.min(jnp.where(x == m, ii, _B), axis=1, keepdims=True)

    @pl.when(j == 0)
    def _():
        m_ref[...] = m
        out_ref[...] = li

    @pl.when(j > 0)
    def _():
        better = m > m_ref[...]
        out_ref[...] = jnp.where(better, li + j * _B, out_ref[...])
        m_ref[...] = jnp.maximum(m_ref[...], m)


_argmax_tc = pl.pallas_call(
    _argmax_body,
    grid=(_J,),
    in_specs=[pl.BlockSpec((R, _B), lambda j: (0, j))],
    out_specs=pl.BlockSpec((R, 1), lambda j: (0, 0)),
    out_shape=jax.ShapeDtypeStruct((R, 1), jnp.int32),
    scratch_shapes=[pltpu.VMEM((R, 1), jnp.float32)],
)


_NC = 2
_NS = 16
_L = 16
_NW = _NC * _NS
_RPW = R // _NW
_ZW = 2048
_SEG = 128


def _zero_sc_body(out_hbm, zbuf, zsem):
    w = lax.axis_index("c") * _NS + lax.axis_index("s")
    base_row = pl.multiple_of(w * _RPW, _RPW)

    def zbody(i, carry):
        for k in range(4):
            for q in range(_RPW):
                zbuf[q, pl.ds((i * 4 + k) * _L, _L)] = jnp.zeros(
                    (_L,), jnp.float32
                )
        return carry

    lax.fori_loop(0, _ZW // (4 * _L), zbody, 0, unroll=False)

    def fire(k, carry):
        pltpu.async_copy(
            zbuf,
            out_hbm.at[
                pl.ds(base_row, _RPW),
                pl.ds(pl.multiple_of(k * _ZW, _ZW), _ZW),
            ],
            zsem,
        )
        return carry

    lax.fori_loop(0, C // _ZW, fire, 0, unroll=False)

    def drain(k, carry):
        pltpu.make_async_copy(
            zbuf,
            out_hbm.at[pl.ds(base_row, _RPW), pl.ds(0, _ZW)],
            zsem,
        ).wait()
        return carry

    lax.fori_loop(0, C // _ZW, drain, 0, unroll=False)


@functools.lru_cache(maxsize=1)
def _build_zero_sc():
    mesh = plsc.VectorSubcoreMesh(
        core_axis_name="c", subcore_axis_name="s",
        num_cores=_NC, num_subcores=_NS,
    )
    return pl.kernel(
        _zero_sc_body,
        out_type=jax.ShapeDtypeStruct((R, C), jnp.float32),
        mesh=mesh,
        scratch_types=[
            pltpu.VMEM((_RPW, _ZW), jnp.float32),
            pltpu.SemaphoreType.DMA,
        ],
    )




def _patch_body(idx_smem, idx_vmem, z_ref, out_ref, pbuf, sem):
    del z_ref
    iv = idx_vmem[...]
    within = lax.rem(iv, _SEG)
    cols = lax.broadcasted_iota(jnp.int32, (R, _SEG), 1)
    pbuf[...] = (cols == within).astype(jnp.float32)
    for r in range(R):
        seg = pl.multiple_of((idx_smem[r, 0] // _SEG) * _SEG, _SEG)
        pltpu.async_copy(
            pbuf.at[pl.ds(r, 1)],
            out_ref.at[pl.ds(r, 1), pl.ds(seg, _SEG)],
            sem,
        )
    pltpu.make_async_copy(pbuf, out_ref.at[pl.ds(0, R), pl.ds(0, _SEG)], sem).wait()


_patch_tc = pl.pallas_call(
    _patch_body,
    in_specs=[
        pl.BlockSpec(memory_space=pltpu.SMEM),
        pl.BlockSpec(memory_space=pltpu.VMEM),
        pl.BlockSpec(memory_space=pl.ANY),
    ],
    out_specs=pl.BlockSpec(memory_space=pl.ANY),
    out_shape=jax.ShapeDtypeStruct((R, C), jnp.float32),
    input_output_aliases={2: 0},
    scratch_shapes=[
        pltpu.VMEM((R, _SEG), jnp.float32),
        pltpu.SemaphoreType.DMA,
    ],
)


def kernel(vec):
    zeros = _build_zero_sc()()
    idx = _argmax_tc(vec)
    return _patch_tc(idx, idx, zeros)

# --- scband reference (transcript-rebuilt; emitter-appended) ---
"""Pipeline reference for scband-harden-6116033429909 (READ-ONLY COPY).

The authoritative reference and input builder live on the scoring server;
editing this copy changes nothing except your own understanding.
"""

import jax, jax.numpy as jnp
import numpy as np

def setup_inputs(seed: int = 0) -> dict:
    key = jax.random.key(seed)
    vec = jax.random.normal(key, (128, 32768), dtype=jnp.float32)
    return {"vec": vec}

def reference(vec):
    # Faithful translation of Harden.forward: take max over dim 1,
    # build a zero tensor of the same shape, scatter 1.0 at the argmax
    # position of each row (hard one-hot of the argmax).
    indices = jnp.argmax(vec, axis=1)
    y_onehot = jnp.zeros(vec.shape, dtype=jnp.float32)
    y_onehot = y_onehot.at[jnp.arange(vec.shape[0]), indices].set(1.0)
    return y_onehot

if __name__ == "__main__":
    import jax
    _d = setup_inputs()
    print(jax.jit(kernel)(*tuple(_d.values())))

</pallas_src>

<mosaic_0001>
#map = affine_map<(d0, d1) -> (0, 0)>
module attributes {stable_mosaic.version = 14 : i64} {
  func.func @_zero_sc_body(%arg0: i32, %arg1: i32, %arg2: memref<128x32768xf32, #tpu.memory_space<hbm>>, %arg3: memref<4x2048xf32, #tpu.memory_space<vmem>>, %arg4: memref<!tpu.dma_semaphore, #tpu.memory_space<semaphore_mem>>) attributes {dimension_semantics = [#tpu.dimension_semantics<core_parallel>, #tpu.dimension_semantics<subcore_parallel>], iteration_bounds = array<i64: 2, 16>, scalar_prefetch = 0 : i64, scratch_operands = 2 : i64, tpu.core_type = #tpu.core_type<sc_vector_subcore>, window_params = [{transform_indices = #map}]} {
    %mul3A = arith.constant 16 : i32
    %mul3A_0 = arith.muli %arg0, %mul3A : i32
    %add3A = arith.addi %mul3A_0, %arg1 : i32
    %mul3A_1 = arith.constant 4 : i32
    %mul3A_2 = arith.muli %add3A, %mul3A_1 : i32
    %multiple_of3A = tpu.assume_multiple %mul3A_2, 4 : i32
    %scan3A = arith.constant 0 : i32
    %scan3A_3 = arith.constant 0 : i32
    %scan3A_4 = arith.constant 32 : i32
    %scan3A_5 = arith.addi %scan3A_3, %scan3A_4 : i32
    %scan3A_6 = arith.constant 1 : i32
    scf.for %scan3A_20 = %scan3A_3 to %scan3A_5 step %scan3A_6  : i32 {
      %broadcast_in_dim3A = arith.constant 0.000000e+00 : f32
      %broadcast_in_dim3A_21 = vector.broadcast %broadcast_in_dim3A : f32 to vector<16xf32>
      %mul3A_22 = arith.constant 4 : i32
      %mul3A_23 = arith.muli %scan3A_20, %mul3A_22 : i32
      %add3A_24 = arith.constant 0 : i32
      %add3A_25 = arith.addi %mul3A_23, %add3A_24 : i32
      %mul3A_26 = arith.constant 16 : i32
      %mul3A_27 = arith.muli %add3A_25, %mul3A_26 : i32
      %swap3A = arith.constant 0 : i32
      %swap3A_28 = arith.index_cast %swap3A : i32 to index
      %swap3A_29 = arith.index_cast %mul3A_27 : i32 to index
      %swap3A_30 = tpu.vector_load %arg3[%swap3A_28, %swap3A_29] {strides = array<i32>} : memref<4x2048xf32, #tpu.memory_space<vmem>>, vector<1x16xf32>,
      %swap3A_31 = vector.shape_cast %swap3A_30 : vector<1x16xf32> to vector<16xf32>
      %swap3A_32 = vector.shape_cast %broadcast_in_dim3A_21 : vector<16xf32> to vector<1x16xf32>
      tpu.vector_store %arg3[%swap3A_28, %swap3A_29], %swap3A_32 {strides = array<i32>} : memref<4x2048xf32, #tpu.memory_space<vmem>>, vector<1x16xf32>,
      %broadcast_in_dim3A_33 = arith.constant 0.000000e+00 : f32
      %broadcast_in_dim3A_34 = vector.broadcast %broadcast_in_dim3A_33 : f32 to vector<16xf32>
      %mul3A_35 = arith.constant 4 : i32
      %mul3A_36 = arith.muli %scan3A_20, %mul3A_35 : i32
      %add3A_37 = arith.constant 0 : i32
      %add3A_38 = arith.addi %mul3A_36, %add3A_37 : i32
      %mul3A_39 = arith.constant 16 : i32
      %mul3A_40 = arith.muli %add3A_38, %mul3A_39 : i32
      %swap3A_41 = arith.constant 1 : i32
      %swap3A_42 = arith.index_cast %swap3A_41 : i32 to index
      %swap3A_43 = arith.index_cast %mul3A_40 : i32 to index
      %swap3A_44 = tpu.vector_load %arg3[%swap3A_42, %swap3A_43] {strides = array<i32>} : memref<4x2048xf32, #tpu.memory_space<vmem>>, vector<1x16xf32>,
      %swap3A_45 = vector.shape_cast %swap3A_44 : vector<1x16xf32> to vector<16xf32>
      %swap3A_46 = vector.shape_cast %broadcast_in_dim3A_34 : vector<16xf32> to vector<1x16xf32>
      tpu.vector_store %arg3[%swap3A_42, %swap3A_43], %swap3A_46 {strides = array<i32>} : memref<4x2048xf32, #tpu.memory_space<vmem>>, vector<1x16xf32>,
      %broadcast_in_dim3A_47 = arith.constant 0.000000e+00 : f32
      %broadcast_in_dim3A_48 = vector.broadcast %broadcast_in_dim3A_47 : f32 to vector<16xf32>
      %mul3A_49 = arith.constant 4 : i32
      %mul3A_50 = arith.muli %scan3A_20, %mul3A_49 : i32
      %add3A_51 = arith.constant 0 : i32
      %add3A_52 = arith.addi %mul3A_50, %add3A_51 : i32
      %mul3A_53 = arith.constant 16 : i32
      %mul3A_54 = arith.muli %add3A_52, %mul3A_53 : i32
      %swap3A_55 = arith.constant 2 : i32
      %swap3A_56 = arith.index_cast %swap3A_55 : i32 to index
      %swap3A_57 = arith.index_cast %mul3A_54 : i32 to index
      %swap3A_58 = tpu.vector_load %arg3[%swap3A_56, %swap3A_57] {strides = array<i32>} : memref<4x2048xf32, #tpu.memory_space<vmem>>, vector<1x16xf32>,
      %swap3A_59 = vector.shape_cast %swap3A_58 : vector<1x16xf32> to vector<16xf32>
      %swap3A_60 = vector.shape_cast %broadcast_in_dim3A_48 : vector<16xf32> to vector<1x16xf32>
      tpu.vector_store %arg3[%swap3A_56, %swap3A_57], %swap3A_60 {strides = array<i32>} : memref<4x2048xf32, #tpu.memory_space<vmem>>, vector<1x16xf32>,
      %broadcast_in_dim3A_61 = arith.constant 0.000000e+00 : f32
      %broadcast_in_dim3A_62 = vector.broadcast %broadcast_in_dim3A_61 : f32 to vector<16xf32>
      %mul3A_63 = arith.constant 4 : i32
      %mul3A_64 = arith.muli %scan3A_20, %mul3A_63 : i32
      %add3A_65 = arith.constant 0 : i32
      %add3A_66 = arith.addi %mul3A_64, %add3A_65 : i32
      %mul3A_67 = arith.constant 16 : i32
      %mul3A_68 = arith.muli %add3A_66, %mul3A_67 : i32
      %swap3A_69 = arith.constant 3 : i32
      %swap3A_70 = arith.index_cast %swap3A_69 : i32 to index
      %swap3A_71 = arith.index_cast %mul3A_68 : i32 to index
      %swap3A_72 = tpu.vector_load %arg3[%swap3A_70, %swap3A_71] {strides = array<i32>} : memref<4x2048xf32, #tpu.memory_space<vmem>>, vector<1x16xf32>,
      %swap3A_73 = vector.shape_cast %swap3A_72 : vector<1x16xf32> to vector<16xf32>
      %swap3A_74 = vector.shape_cast %broadcast_in_dim3A_62 : vector<16xf32> to vector<1x16xf32>
      tpu.vector_store %arg3[%swap3A_70, %swap3A_71], %swap3A_74 {strides = array<i32>} : memref<4x2048xf32, #tpu.memory_space<vmem>>, vector<1x16xf32>,
      %broadcast_in_dim3A_75 = arith.constant 0.000000e+00 : f32
      %broadcast_in_dim3A_76 = vector.broadcast %broadcast_in_dim3A_75 : f32 to vector<16xf32>
      %mul3A_77 = arith.constant 4 : i32
      %mul3A_78 = arith.muli %scan3A_20, %mul3A_77 : i32
      %add3A_79 = arith.constant 1 : i32
      %add3A_80 = arith.addi %mul3A_78, %add3A_79 : i32
      %mul3A_81 = arith.constant 16 : i32
      %mul3A_82 = arith.muli %add3A_80, %mul3A_81 : i32
      %swap3A_83 = arith.constant 0 : i32
      %swap3A_84 = arith.index_cast %swap3A_83 : i32 to index
      %swap3A_85 = arith.index_cast %mul3A_82 : i32 to index
      %swap3A_86 = tpu.vector_load %arg3[%swap3A_84, %swap3A_85] {strides = array<i32>} : memref<4x2048xf32, #tpu.memory_space<vmem>>, vector<1x16xf32>,
      %swap3A_87 = vector.shape_cast %swap3A_86 : vector<1x16xf32> to vector<16xf32>
      %swap3A_88 = vector.shape_cast %broadcast_in_dim3A_76 : vector<16xf32> to vector<1x16xf32>
      tpu.vector_store %arg3[%swap3A_84, %swap3A_85], %swap3A_88 {strides = array<i32>} : memref<4x2048xf32, #tpu.memory_space<vmem>>, vector<1x16xf32>,
      %broadcast_in_dim3A_89 = arith.constant 0.000000e+00 : f32
      %broadcast_in_dim3A_90 = vector.broadcast %broadcast_in_dim3A_89 : f32 to vector<16xf32>
      %mul3A_91 = arith.constant 4 : i32
      %mul3A_92 = arith.muli %scan3A_20, %mul3A_91 : i32
      %add3A_93 = arith.constant 1 : i32
      %add3A_94 = arith.addi %mul3A_92, %add3A_93 : i32
      %mul3A_95 = arith.constant 16 : i32
      %mul3A_96 = arith.muli %add3A_94, %mul3A_95 : i32
      %swap3A_97 = arith.constant 1 : i32
      %swap3A_98 = arith.index_cast %swap3A_97 : i32 to index
      %swap3A_99 = arith.index_cast %mul3A_96 : i32 to index
      %swap3A_100 = tpu.vector_load %arg3[%swap3A_98, %swap3A_99] {strides = array<i32>} : memref<4x2048xf32, #tpu.memory_space<vmem>>, vector<1x16xf32>,
      %swap3A_101 = vector.shape_cast %swap3A_100 : vector<1x16xf32> to vector<16xf32>
      %swap3A_102 = vector.shape_cast %broadcast_in_dim3A_90 : vector<16xf32> to vector<1x16xf32>
      tpu.vector_store %arg3[%swap3A_98, %swap3A_99], %swap3A_102 {strides = array<i32>} : memref<4x2048xf32, #tpu.memory_space<vmem>>, vector<1x16xf32>,
      %broadcast_in_dim3A_103 = arith.constant 0.000000e+00 : f32
      %broadcast_in_dim3A_104 = vector.broadcast %broadcast_in_dim3A_103 : f32 to vector<16xf32>
      %mul3A_105 = arith.constant 4 : i32
      %mul3A_106 = arith.muli %scan3A_20, %mul3A_105 : i32
      %add3A_107 = arith.constant 1 : i32
      %add3A_108 = arith.addi %mul3A_106, %add3A_107 : i32
      %mul3A_109 = arith.constant 16 : i32
      %mul3A_110 = arith.muli %add3A_108, %mul3A_109 : i32
      %swap3A_111 = arith.constant 2 : i32
      %swap3A_112 = arith.index_cast %swap3A_111 : i32 to index
      %swap3A_113 = arith.index_cast %mul3A_110 : i32 to index
      %swap3A_114 = tpu.vector_load %arg3[%swap3A_112, %swap3A_113] {strides = array<i32>} : memref<4x2048xf32, #tpu.memory_space<vmem>>, vector<1x16xf32>,
      %swap3A_115 = vector.shape_cast %swap3A_114 : vector<1x16xf32> to vector<16xf32>
      %swap3A_116 = vector.shape_cast %broadcast_in_dim3A_104 : vector<16xf32> to vector<1x16xf32>
      tpu.vector_store %arg3[%swap3A_112, %swap3A_113], %swap3A_116 {strides = array<i32>} : memref<4x2048xf32, #tpu.memory_space<vmem>>, vector<1x16xf32>,
      %broadcast_in_dim3A_117 = arith.constant 0.000000e+00 : f32
      %broadcast_in_dim3A_118 = vector.broadcast %broadcast_in_dim3A_117 : f32 to vector<16xf32>
      %mul3A_119 = arith.constant 4 : i32
      %mul3A_120 = arith.muli %scan3A_20, %mul3A_119 : i32
      %add3A_121 = arith.constant 1 : i32
      %add3A_122 = arith.addi %mul3A_120, %add3A_121 : i32
      %mul3A_123 = arith.constant 16 : i32
      %mul3A_124 = arith.muli %add3A_122, %mul3A_123 : i32
      %swap3A_125 = arith.constant 3 : i32
      %swap3A_126 = arith.index_cast %swap3A_125 : i32 to index
      %swap3A_127 = arith.index_cast %mul3A_124 : i32 to index
      %swap3A_128 = tpu.vector_load %arg3[%swap3A_126, %swap3A_127] {strides = array<i32>} : memref<4x2048xf32, #tpu.memory_space<vmem>>, vector<1x16xf32>,
      %swap3A_129 = vector.shape_cast %swap3A_128 : vector<1x16xf32> to vector<16xf32>
      %swap3A_130 = vector.shape_cast %broadcast_in_dim3A_118 : vector<16xf32> to vector<1x16xf32>
      tpu.vector_store %arg3[%swap3A_126, %swap3A_127], %swap3A_130 {strides = array<i32>} : memref<4x2048xf32, #tpu.memory_space<vmem>>, vector<1x16xf32>,
      %broadcast_in_dim3A_131 = arith.constant 0.000000e+00 : f32
      %broadcast_in_dim3A_132 = vector.broadcast %broadcast_in_dim3A_131 : f32 to vector<16xf32>
      %mul3A_133 = arith.constant 4 : i32
      %mul3A_134 = arith.muli %scan3A_20, %mul3A_133 : i32
      %add3A_135 = arith.constant 2 : i32
      %add3A_136 = arith.addi %mul3A_134, %add3A_135 : i32
      %mul3A_137 = arith.constant 16 : i32
      %mul3A_138 = arith.muli %add3A_136, %mul3A_137 : i32
      %swap3A_139 = arith.constant 0 : i32
      %swap3A_140 = arith.index_cast %swap3A_139 : i32 to index
      %swap3A_141 = arith.index_cast %mul3A_138 : i32 to index
      %swap3A_142 = tpu.vector_load %arg3[%swap3A_140, %swap3A_141] {strides = array<i32>} : memref<4x2048xf32, #tpu.memory_space<vmem>>, vector<1x16xf32>,
      %swap3A_143 = vector.shape_cast %swap3A_142 : vector<1x16xf32> to vector<16xf32>
      %swap3A_144 = vector.shape_cast %broadcast_in_dim3A_132 : vector<16xf32> to vector<1x16xf32>
      tpu.vector_store %arg3[%swap3A_140, %swap3A_141], %swap3A_144 {strides = array<i32>} : memref<4x2048xf32, #tpu.memory_space<vmem>>, vector<1x16xf32>,
      %broadcast_in_dim3A_145 = arith.constant 0.000000e+00 : f32
      %broadcast_in_dim3A_146 = vector.broadcast %broadcast_in_dim3A_145 : f32 to vector<16xf32>
      %mul3A_147 = arith.constant 4 : i32
      %mul3A_148 = arith.muli %scan3A_20, %mul3A_147 : i32
      %add3A_149 = arith.constant 2 : i32
      %add3A_150 = arith.addi %mul3A_148, %add3A_149 : i32
      %mul3A_151 = arith.constant 16 : i32
      %mul3A_152 = arith.muli %add3A_150, %mul3A_151 : i32
      %swap3A_153 = arith.constant 1 : i32
      %swap3A_154 = arith.index_cast %swap3A_153 : i32 to index
      %swap3A_155 = arith.index_cast %mul3A_152 : i32 to index
      %swap3A_156 = tpu.vector_load %arg3[%swap3A_154, %swap3A_155] {strides = array<i32>} : memref<4x2048xf32, #tpu.memory_space<vmem>>, vector<1x16xf32>,
      %swap3A_157 = vector.shape_cast %swap3A_156 : vector<1x16xf32> to vector<16xf32>
      %swap3A_158 = vector.shape_cast %broadcast_in_dim3A_146 : vector<16xf32> to vector<1x16xf32>
      tpu.vector_store %arg3[%swap3A_154, %swap3A_155], %swap3A_158 {strides = array<i32>} : memref<4x2048xf32, #tpu.memory_space<vmem>>, vector<1x16xf32>,
      %broadcast_in_dim3A_159 = arith.constant 0.000000e+00 : f32
      %broadcast_in_dim3A_160 = vector.broadcast %broadcast_in_dim3A_159 : f32 to vector<16xf32>
      %mul3A_161 = arith.constant 4 : i32
      %mul3A_162 = arith.muli %scan3A_20, %mul3A_161 : i32
      %add3A_163 = arith.constant 2 : i32
      %add3A_164 = arith.addi %mul3A_162, %add3A_163 : i32
      %mul3A_165 = arith.constant 16 : i32
      %mul3A_166 = arith.muli %add3A_164, %mul3A_165 : i32
      %swap3A_167 = arith.constant 2 : i32
      %swap3A_168 = arith.index_cast %swap3A_167 : i32 to index
      %swap3A_169 = arith.index_cast %mul3A_166 : i32 to index
      %swap3A_170 = tpu.vector_load %arg3[%swap3A_168, %swap3A_169] {strides = array<i32>} : memref<4x2048xf32, #tpu.memory_space<vmem>>, vector<1x16xf32>,
      %swap3A_171 = vector.shape_cast %swap3A_170 : vector<1x16xf32> to vector<16xf32>
      %swap3A_172 = vector.shape_cast %broadcast_in_dim3A_160 : vector<16xf32> to vector<1x16xf32>
      tpu.vector_store %arg3[%swap3A_168, %swap3A_169], %swap3A_172 {strides = array<i32>} : memref<4x2048xf32, #tpu.memory_space<vmem>>, vector<1x16xf32>,
      %broadcast_in_dim3A_173 = arith.constant 0.000000e+00 : f32
      %broadcast_in_dim3A_174 = vector.broadcast %broadcast_in_dim3A_173 : f32 to vector<16xf32>
      %mul3A_175 = arith.constant 4 : i32
      %mul3A_176 = arith.muli %scan3A_20, %mul3A_175 : i32
      %add3A_177 = arith.constant 2 : i32
      %add3A_178 = arith.addi %mul3A_176, %add3A_177 : i32
      %mul3A_179 = arith.constant 16 : i32
      %mul3A_180 = arith.muli %add3A_178, %mul3A_179 : i32
      %swap3A_181 = arith.constant 3 : i32
      %swap3A_182 = arith.index_cast %swap3A_181 : i32 to index
      %swap3A_183 = arith.index_cast %mul3A_180 : i32 to index
      %swap3A_184 = tpu.vector_load %arg3[%swap3A_182, %swap3A_183] {strides = array<i32>} : memref<4x2048xf32, #tpu.memory_space<vmem>>, vector<1x16xf32>,
      %swap3A_185 = vector.shape_cast %swap3A_184 : vector<1x16xf32> to vector<16xf32>
      %swap3A_186 = vector.shape_cast %broadcast_in_dim3A_174 : vector<16xf32> to vector<1x16xf32>
      tpu.vector_store %arg3[%swap3A_182, %swap3A_183], %swap3A_186 {strides = array<i32>} : memref<4x2048xf32, #tpu.memory_space<vmem>>, vector<1x16xf32>,
      %broadcast_in_dim3A_187 = arith.constant 0.000000e+00 : f32
      %broadcast_in_dim3A_188 = vector.broadcast %broadcast_in_dim3A_187 : f32 to vector<16xf32>
      %mul3A_189 = arith.constant 4 : i32
      %mul3A_190 = arith.muli %scan3A_20, %mul3A_189 : i32
      %add3A_191 = arith.constant 3 : i32
      %add3A_192 = arith.addi %mul3A_190, %add3A_191 : i32
      %mul3A_193 = arith.constant 16 : i32
      %mul3A_194 = arith.muli %add3A_192, %mul3A_193 : i32
      %swap3A_195 = arith.constant 0 : i32
      %swap3A_196 = arith.index_cast %swap3A_195 : i32 to index
      %swap3A_197 = arith.index_cast %mul3A_194 : i32 to index
      %swap3A_198 = tpu.vector_load %arg3[%swap3A_196, %swap3A_197] {strides = array<i32>} : memref<4x2048xf32, #tpu.memory_space<vmem>>, vector<1x16xf32>,
      %swap3A_199 = vector.shape_cast %swap3A_198 : vector<1x16xf32> to vector<16xf32>
      %swap3A_200 = vector.shape_cast %broadcast_in_dim3A_188 : vector<16xf32> to vector<1x16xf32>
      tpu.vector_store %arg3[%swap3A_196, %swap3A_197], %swap3A_200 {strides = array<i32>} : memref<4x2048xf32, #tpu.memory_space<vmem>>, vector<1x16xf32>,
      %broadcast_in_dim3A_201 = arith.constant 0.000000e+00 : f32
      %broadcast_in_dim3A_202 = vector.broadcast %broadcast_in_dim3A_201 : f32 to vector<16xf32>
      %mul3A_203 = arith.constant 4 : i32
      %mul3A_204 = arith.muli %scan3A_20, %mul3A_203 : i32
      %add3A_205 = arith.constant 3 : i32
      %add3A_206 = arith.addi %mul3A_204, %add3A_205 : i32
      %mul3A_207 = arith.constant 16 : i32
      %mul3A_208 = arith.muli %add3A_206, %mul3A_207 : i32
      %swap3A_209 = arith.constant 1 : i32
      %swap3A_210 = arith.index_cast %swap3A_209 : i32 to index
      %swap3A_211 = arith.index_cast %mul3A_208 : i32 to index
      %swap3A_212 = tpu.vector_load %arg3[%swap3A_210, %swap3A_211] {strides = array<i32>} : memref<4x2048xf32, #tpu.memory_space<vmem>>, vector<1x16xf32>,
      %swap3A_213 = vector.shape_cast %swap3A_212 : vector<1x16xf32> to vector<16xf32>
      %swap3A_214 = vector.shape_cast %broadcast_in_dim3A_202 : vector<16xf32> to vector<1x16xf32>
      tpu.vector_store %arg3[%swap3A_210, %swap3A_211], %swap3A_214 {strides = array<i32>} : memref<4x2048xf32, #tpu.memory_space<vmem>>, vector<1x16xf32>,
      %broadcast_in_dim3A_215 = arith.constant 0.000000e+00 : f32
      %broadcast_in_dim3A_216 = vector.broadcast %broadcast_in_dim3A_215 : f32 to vector<16xf32>
      %mul3A_217 = arith.constant 4 : i32
      %mul3A_218 = arith.muli %scan3A_20, %mul3A_217 : i32
      %add3A_219 = arith.constant 3 : i32
      %add3A_220 = arith.addi %mul3A_218, %add3A_219 : i32
      %mul3A_221 = arith.constant 16 : i32
      %mul3A_222 = arith.muli %add3A_220, %mul3A_221 : i32
      %swap3A_223 = arith.constant 2 : i32
      %swap3A_224 = arith.index_cast %swap3A_223 : i32 to index
      %swap3A_225 = arith.index_cast %mul3A_222 : i32 to index
      %swap3A_226 = tpu.vector_load %arg3[%swap3A_224, %swap3A_225] {strides = array<i32>} : memref<4x2048xf32, #tpu.memory_space<vmem>>, vector<1x16xf32>,
      %swap3A_227 = vector.shape_cast %swap3A_226 : vector<1x16xf32> to vector<16xf32>
      %swap3A_228 = vector.shape_cast %broadcast_in_dim3A_216 : vector<16xf32> to vector<1x16xf32>
      tpu.vector_store %arg3[%swap3A_224, %swap3A_225], %swap3A_228 {strides = array<i32>} : memref<4x2048xf32, #tpu.memory_space<vmem>>, vector<1x16xf32>,
      %broadcast_in_dim3A_229 = arith.constant 0.000000e+00 : f32
      %broadcast_in_dim3A_230 = vector.broadcast %broadcast_in_dim3A_229 : f32 to vector<16xf32>
      %mul3A_231 = arith.constant 4 : i32
      %mul3A_232 = arith.muli %scan3A_20, %mul3A_231 : i32
      %add3A_233 = arith.constant 3 : i32
      %add3A_234 = arith.addi %mul3A_232, %add3A_233 : i32
      %mul3A_235 = arith.constant 16 : i32
      %mul3A_236 = arith.muli %add3A_234, %mul3A_235 : i32
      %swap3A_237 = arith.constant 3 : i32
      %swap3A_238 = arith.index_cast %swap3A_237 : i32 to index
      %swap3A_239 = arith.index_cast %mul3A_236 : i32 to index
      %swap3A_240 = tpu.vector_load %arg3[%swap3A_238, %swap3A_239] {strides = array<i32>} : memref<4x2048xf32, #tpu.memory_space<vmem>>, vector<1x16xf32>,
      %swap3A_241 = vector.shape_cast %swap3A_240 : vector<1x16xf32> to vector<16xf32>
      %swap3A_242 = vector.shape_cast %broadcast_in_dim3A_230 : vector<16xf32> to vector<1x16xf32>
      tpu.vector_store %arg3[%swap3A_238, %swap3A_239], %swap3A_242 {strides = array<i32>} : memref<4x2048xf32, #tpu.memory_space<vmem>>, vector<1x16xf32>,
    }
    %scan3A_7 = arith.constant 32 : i32
    %scan3A_8 = arith.constant 0 : i32
    %scan3A_9 = arith.constant 0 : i32
    %scan3A_10 = arith.constant 16 : i32
    %scan3A_11 = arith.addi %scan3A_9, %scan3A_10 : i32
    %scan3A_12 = arith.constant 1 : i32
    scf.for %scan3A_20 = %scan3A_9 to %scan3A_11 step %scan3A_12  : i32 {
      %mul3A_21 = arith.constant 2048 : i32
      %mul3A_22 = arith.muli %scan3A_20, %mul3A_21 : i32
      %multiple_of3A_23 = tpu.assume_multiple %mul3A_22, 2048 : i32
      %dma_start3A = tpu.memref_slice %arg2[%multiple_of3A, %multiple_of3A_23] : memref<128x32768xf32, #tpu.memory_space<hbm>> -> memref<4x2048xf32, #tpu.memory_space<hbm>>
      %dma_start3A_24 = tpu.memref_slice %arg2[%multiple_of3A, %multiple_of3A_23] : memref<128x32768xf32, #tpu.memory_space<hbm>> -> memref<4x2048xf32, #tpu.memory_space<hbm>>
      tpu.enqueue_dma source(%arg3 : memref<4x2048xf32, #tpu.memory_space<vmem>>) target(%dma_start3A_24 : memref<4x2048xf32, #tpu.memory_space<hbm>>) target_semaphore(%arg4 : memref<!tpu.dma_semaphore, #tpu.memory_space<semaphore_mem>>)
    }
    %scan3A_13 = arith.constant 16 : i32
    %scan3A_14 = arith.constant 0 : i32
    %scan3A_15 = arith.constant 0 : i32
    %scan3A_16 = arith.constant 16 : i32
    %scan3A_17 = arith.addi %scan3A_15, %scan3A_16 : i32
    %scan3A_18 = arith.constant 1 : i32
    scf.for %scan3A_20 = %scan3A_15 to %scan3A_17 step %scan3A_18  : i32 {
      %dma_wait3A = arith.constant 0 : i32
      %dma_wait3A_21 = tpu.memref_slice %arg2[%multiple_of3A, %dma_wait3A] : memref<128x32768xf32, #tpu.memory_space<hbm>> -> memref<4x2048xf32, #tpu.memory_space<hbm>>
      %dma_wait3A_22 = arith.constant 0 : i32
      %dma_wait3A_23 = tpu.memref_slice %arg2[%multiple_of3A, %dma_wait3A_22] : memref<128x32768xf32, #tpu.memory_space<hbm>> -> memref<4x2048xf32, #tpu.memory_space<hbm>>
      tpu.wait_dma2 semaphore(%arg4 : memref<!tpu.dma_semaphore, #tpu.memory_space<semaphore_mem>>) src(%arg3 : memref<4x2048xf32, #tpu.memory_space<vmem>>) dst(%dma_wait3A_23 : memref<4x2048xf32, #tpu.memory_space<hbm>>)
    }
    %scan3A_19 = arith.constant 16 : i32
    return
  }
}

module attributes {stable_mosaic.version = 14 : i64} {
  func.func @_argmax_body(%arg0: i32, %arg1: memref<128x16384xf32, #tpu.memory_space<vmem>>, %arg2: memref<128x1xi32, #tpu.memory_space<vmem>>, %arg3: memref<128x1xf32, #tpu.memory_space<vmem>>) attributes {dimension_semantics = [#tpu.dimension_semantics<arbitrary>], iteration_bounds = array<i64: 2>, scalar_prefetch = 0 : i64, scratch_operands = 1 : i64, tpu.core_type = #tpu.core_type<tc>, window_params = [{transform_indices = @transform_0, window_bounds = array<i64: 128, 16384>}, {pipeline_mode = #tpu.pipeline_mode<synchronous>, transform_indices = @transform_1, window_bounds = array<i64: 128, 1>}]} {
    %get3A = arith.constant 0 : index
    %get3A_0 = arith.constant 0 : index
    %get3A_1 = vector.load %arg1[%get3A, %get3A_0] : memref<128x16384xf32, #tpu.memory_space<vmem>>, vector<128x16384xf32>
    %reduce_max3A = arith.constant dense<0xFF800000> : vector<128xf32>
    %reduce_max3A_2 = vector.multi_reduction <maximumf>, %get3A_1, %reduce_max3A [1] : vector<128x16384xf32> to vector<128xf32>
    %broadcast_in_dim3A = vector.shape_cast %reduce_max3A_2 : vector<128xf32> to vector<128x1xf32>
    %iota3A = tpu.iota {dimensions = array<i32: 1>} : vector<128x16384xi32>
    %eq3A = vector.broadcast %broadcast_in_dim3A : vector<128x1xf32> to vector<128x16384xf32>
    %eq3A_3 = arith.cmpf oeq, %get3A_1, %eq3A : vector<128x16384xf32>
    %jit3A = arith.constant 16384 : i32
    %broadcast_in_dim3A_4 = vector.broadcast %jit3A : i32 to vector<128x16384xi32>
    %select_n3A = arith.select %eq3A_3, %iota3A, %broadcast_in_dim3A_4 : vector<128x16384xi1>, vector<128x16384xi32>
    %reduce_min3A = arith.constant dense<2147483647> : vector<128xi32>
    %reduce_min3A_5 = vector.multi_reduction <minsi>, %select_n3A, %reduce_min3A [1] : vector<128x16384xi32> to vector<128xi32>
    %broadcast_in_dim3A_6 = vector.shape_cast %reduce_min3A_5 : vector<128xi32> to vector<128x1xi32>
    %eq3A_7 = arith.constant 0 : i32
    %eq3A_8 = arith.cmpi eq, %arg0, %eq3A_7 : i32
    %convert_element_type3A = arith.extui %eq3A_8 : i1 to i32
    %cond3A = arith.constant 0 : i32
    %cond3A_9 = arith.cmpi ne, %convert_element_type3A, %cond3A : i32
    scf.if %cond3A_9 {
      %swap3A = arith.constant 0 : index
      %swap3A_14 = arith.constant 0 : index
      %swap3A_15 = vector.load %arg3[%swap3A, %swap3A_14] : memref<128x1xf32, #tpu.memory_space<vmem>>, vector<128x1xf32>
      tpu.vector_store %arg3[%swap3A, %swap3A_14], %broadcast_in_dim3A {strides = array<i32>} : memref<128x1xf32, #tpu.memory_space<vmem>>, vector<128x1xf32>,
      %swap3A_16 = arith.constant 0 : index
      %swap3A_17 = arith.constant 0 : index
      %swap3A_18 = vector.load %arg2[%swap3A_16, %swap3A_17] : memref<128x1xi32, #tpu.memory_space<vmem>>, vector<128x1xi32>
      tpu.vector_store %arg2[%swap3A_16, %swap3A_17], %broadcast_in_dim3A_6 {strides = array<i32>} : memref<128x1xi32, #tpu.memory_space<vmem>>, vector<128x1xi32>,
    } else {
    }
    %gt3A = arith.constant 0 : i32
    %gt3A_10 = arith.cmpi sgt, %arg0, %gt3A : i32
    %convert_element_type3A_11 = arith.extui %gt3A_10 : i1 to i32
    %cond3A_12 = arith.constant 0 : i32
    %cond3A_13 = arith.cmpi ne, %convert_element_type3A_11, %cond3A_12 : i32
    scf.if %cond3A_13 {
      %get3A_14 = arith.constant 0 : index
      %get3A_15 = arith.constant 0 : index
      %get3A_16 = vector.load %arg3[%get3A_14, %get3A_15] : memref<128x1xf32, #tpu.memory_space<vmem>>, vector<128x1xf32>
      %gt3A_17 = arith.cmpf ogt, %broadcast_in_dim3A, %get3A_16 : vector<128x1xf32>
      %mul3A = arith.constant 16384 : i32
      %mul3A_18 = arith.muli %arg0, %mul3A : i32
      %add3A = vector.broadcast %mul3A_18 : i32 to vector<128x1xi32>
      %add3A_19 = arith.addi %broadcast_in_dim3A_6, %add3A : vector<128x1xi32>
      %get3A_20 = arith.constant 0 : index
      %get3A_21 = arith.constant 0 : index
      %get3A_22 = vector.load %arg2[%get3A_20, %get3A_21] : memref<128x1xi32, #tpu.memory_space<vmem>>, vector<128x1xi32>
      %select_n3A_23 = arith.select %gt3A_17, %add3A_19, %get3A_22 : vector<128x1xi1>, vector<128x1xi32>
      %swap3A = arith.constant 0 : index
      %swap3A_24 = arith.constant 0 : index
      %swap3A_25 = vector.load %arg2[%swap3A, %swap3A_24] : memref<128x1xi32, #tpu.memory_space<vmem>>, vector<128x1xi32>
      tpu.vector_store %arg2[%swap3A, %swap3A_24], %select_n3A_23 {strides = array<i32>} : memref<128x1xi32, #tpu.memory_space<vmem>>, vector<128x1xi32>,
      %get3A_26 = arith.constant 0 : index
      %get3A_27 = arith.constant 0 : index
      %get3A_28 = vector.load %arg3[%get3A_26, %get3A_27] : memref<128x1xf32, #tpu.memory_space<vmem>>, vector<128x1xf32>
      %max3A = arith.maximumf %get3A_28, %broadcast_in_dim3A : vector<128x1xf32>
      %swap3A_29 = arith.constant 0 : index
      %swap3A_30 = arith.constant 0 : index
      %swap3A_31 = vector.load %arg3[%swap3A_29, %swap3A_30] : memref<128x1xf32, #tpu.memory_space<vmem>>, vector<128x1xf32>
      tpu.vector_store %arg3[%swap3A_29, %swap3A_30], %max3A {strides = array<i32>} : memref<128x1xf32, #tpu.memory_space<vmem>>, vector<128x1xf32>,
    } else {
    }
    return
  }
  func.func @transform_0(%arg0: i32) -> (i32, i32) {
    %c0_i32 = arith.constant 0 : i32
    %c0_i32_0 = arith.constant 0 : i32
    return %c0_i32, %arg0 : i32, i32
  }
  func.func @transform_1(%arg0: i32) -> (i32, i32) {
    %c0_i32 = arith.constant 0 : i32
    %c0_i32_0 = arith.constant 0 : i32
    %c0_i32_1 = arith.constant 0 : i32
    return %c0_i32, %c0_i32_0 : i32, i32
  }
}

module attributes {stable_mosaic.version = 14 : i64} {
  func.func @_patch_body(%arg0: memref<128x1xi32, #tpu.memory_space<smem>>, %arg1: memref<128x1xi32, #tpu.memory_space<vmem>>, %arg2: memref<128x32768xf32, #tpu.memory_space<any>>, %arg3: memref<128x32768xf32, #tpu.memory_space<any>>, %arg4: memref<128x128xf32, #tpu.memory_space<vmem>>, %arg5: memref<!tpu.dma_semaphore, #tpu.memory_space<semaphore_mem>>) attributes {dimension_semantics = [], scalar_prefetch = 0 : i64, scratch_operands = 2 : i64, tpu.core_type = #tpu.core_type<tc>} {
    %get3A = arith.constant 0 : index
    %get3A_0 = arith.constant 0 : index
    %get3A_1 = vector.load %arg1[%get3A, %get3A_0] : memref<128x1xi32, #tpu.memory_space<vmem>>, vector<128x1xi32>
    %rem3A = arith.constant 128 : i32
    %rem3A_2 = vector.broadcast %rem3A : i32 to vector<128x1xi32>
    %rem3A_3 = arith.remsi %get3A_1, %rem3A_2 : vector<128x1xi32>
    %iota3A = tpu.iota {dimensions = array<i32: 1>} : vector<128x128xi32>
    %eq3A = vector.broadcast %rem3A_3 : vector<128x1xi32> to vector<128x128xi32>
    %eq3A_4 = arith.cmpi eq, %iota3A, %eq3A : vector<128x128xi32>
    %convert_element_type3A = arith.extui %eq3A_4 : vector<128x128xi1> to vector<128x128xi32>
    %convert_element_type3A_5 = arith.sitofp %convert_element_type3A : vector<128x128xi32> to vector<128x128xf32>
    %swap3A = arith.constant 0 : index
    %swap3A_6 = arith.constant 0 : index
    %swap3A_7 = vector.load %arg4[%swap3A, %swap3A_6] : memref<128x128xf32, #tpu.memory_space<vmem>>, vector<128x128xf32>
    tpu.vector_store %arg4[%swap3A, %swap3A_6], %convert_element_type3A_5 {strides = array<i32>} : memref<128x128xf32, #tpu.memory_space<vmem>>, vector<128x128xf32>,
    %get3A_8 = arith.constant 0 : index
    %get3A_9 = arith.constant 0 : index
    %get3A_10 = memref.load %arg0[%get3A_8, %get3A_9] : memref<128x1xi32, #tpu.memory_space<smem>>
    %jit3A = arith.constant 128 : i32
    %div3A = arith.divsi %get3A_10, %jit3A : i32
    %sign3A = arith.constant 0 : i32
    %sign3A_11 = arith.cmpi sgt, %get3A_10, %sign3A : i32
    %sign3A_12 = arith.extui %sign3A_11 : i1 to i32
    %sign3A_13 = arith.constant 0 : i32
    %sign3A_14 = arith.cmpi slt, %get3A_10, %sign3A_13 : i32
    %sign3A_15 = arith.extui %sign3A_14 : i1 to i32
    %sign3A_16 = arith.subi %sign3A_12, %sign3A_15 : i32
    %sign3A_17 = arith.constant 0 : i32
    %sign3A_18 = arith.cmpi sgt, %jit3A, %sign3A_17 : i32
    %sign3A_19 = arith.extui %sign3A_18 : i1 to i32
    %sign3A_20 = arith.constant 0 : i32
    %sign3A_21 = arith.cmpi slt, %jit3A, %sign3A_20 : i32
    %sign3A_22 = arith.extui %sign3A_21 : i1 to i32
    %sign3A_23 = arith.subi %sign3A_19, %sign3A_22 : i32
    %ne3A = arith.cmpi ne, %sign3A_16, %sign3A_23 : i32
    %rem3A_24 = arith.remsi %get3A_10, %jit3A : i32
    %ne3A_25 = arith.constant 0 : i32
    %ne3A_26 = arith.cmpi ne, %rem3A_24, %ne3A_25 : i32
    %and3A = arith.andi %ne3A, %ne3A_26 : i1
    %sub3A = arith.constant 1 : i32
    %sub3A_27 = arith.subi %div3A, %sub3A : i32
    %select_n3A = arith.select %and3A, %sub3A_27, %div3A : i32
    %mul3A = arith.constant 128 : i32
    %mul3A_28 = arith.muli %select_n3A, %mul3A : i32
    %multiple_of3A = tpu.assume_multiple %mul3A_28, 128 : i32
    %dma_start3A = arith.constant 0 : i32
    %dma_start3A_29 = tpu.memref_slice %arg3[%dma_start3A, %multiple_of3A] : memref<128x32768xf32, #tpu.memory_space<any>> -> memref<1x128xf32, #tpu.memory_space<any>>
    %dma_start3A_30 = arith.constant 0 : i32
    %dma_start3A_31 = arith.constant 0 : i32
    %dma_start3A_32 = tpu.memref_slice %arg4[%dma_start3A_30, %dma_start3A_31] : memref<128x128xf32, #tpu.memory_space<vmem>> -> memref<1x128xf32, #tpu.memory_space<vmem>>
    tpu.enqueue_dma source(%dma_start3A_32 : memref<1x128xf32, #tpu.memory_space<vmem>>) target(%dma_start3A_29 : memref<1x128xf32, #tpu.memory_space<any>>) target_semaphore(%arg5 : memref<!tpu.dma_semaphore, #tpu.memory_space<semaphore_mem>>)
    %get3A_33 = arith.constant 1 : index
    %get3A_34 = arith.constant 0 : index
    %get3A_35 = memref.load %arg0[%get3A_33, %get3A_34] : memref<128x1xi32, #tpu.memory_space<smem>>
    %jit3A_36 = arith.constant 128 : i32
    %div3A_37 = arith.divsi %get3A_35, %jit3A_36 : i32
    %sign3A_38 = arith.constant 0 : i32
    %sign3A_39 = arith.cmpi sgt, %get3A_35, %sign3A_38 : i32
    %sign3A_40 = arith.extui %sign3A_39 : i1 to i32
    %sign3A_41 = arith.constant 0 : i32
    %sign3A_42 = arith.cmpi slt, %get3A_35, %sign3A_41 : i32
    %sign3A_43 = arith.extui %sign3A_42 : i1 to i32
    %sign3A_44 = arith.subi %sign3A_40, %sign3A_43 : i32
    %sign3A_45 = arith.constant 0 : i32
    %sign3A_46 = arith.cmpi sgt, %jit3A_36, %sign3A_45 : i32
    %sign3A_47 = arith.extui %sign3A_46 : i1 to i32
    %sign3A_48 = arith.constant 0 : i32
    %sign3A_49 = arith.cmpi slt, %jit3A_36, %sign3A_48 : i32
    %sign3A_50 = arith.extui %sign3A_49 : i1 to i32
    %sign3A_51 = arith.subi %sign3A_47, %sign3A_50 : i32
    %ne3A_52 = arith.cmpi ne, %sign3A_44, %sign3A_51 : i32
    %rem3A_53 = arith.remsi %get3A_35, %jit3A_36 : i32
    %ne3A_54 = arith.constant 0 : i32
    %ne3A_55 = arith.cmpi ne, %rem3A_53, %ne3A_54 : i32
    %and3A_56 = arith.andi %ne3A_52, %ne3A_55 : i1
    %sub3A_57 = arith.constant 1 : i32
    %sub3A_58 = arith.subi %div3A_37, %sub3A_57 : i32
    %select_n3A_59 = arith.select %and3A_56, %sub3A_58, %div3A_37 : i32
    %mul3A_60 = arith.constant 128 : i32
    %mul3A_61 = arith.muli %select_n3A_59, %mul3A_60 : i32
    %multiple_of3A_62 = tpu.assume_multiple %mul3A_61, 128 : i32
    %dma_start3A_63 = arith.constant 1 : i32
    %dma_start3A_64 = tpu.memref_slice %arg3[%dma_start3A_63, %multiple_of3A_62] : memref<128x32768xf32, #tpu.memory_space<any>> -> memref<1x128xf32, #tpu.memory_space<any>>
    %dma_start3A_65 = arith.constant 1 : i32
    %dma_start3A_66 = arith.constant 0 : i32
    %dma_start3A_67 = tpu.memref_slice %arg4[%dma_start3A_65, %dma_start3A_66] : memref<128x128xf32, #tpu.memory_space<vmem>> -> memref<1x128xf32, #tpu.memory_space<vmem>>
    tpu.enqueue_dma source(%dma_start3A_67 : memref<1x128xf32, #tpu.memory_space<vmem>>) target(%dma_start3A_64 : memref<1x128xf32, #tpu.memory_space<any>>) target_semaphore(%arg5 : memref<!tpu.dma_semaphore, #tpu.memory_space<semaphore_mem>>)
    %get3A_68 = arith.constant 2 : index
    %get3A_69 = arith.constant 0 : index
    %get3A_70 = memref.load %arg0[%get3A_68, %get3A_69] : memref<128x1xi32, #tpu.memory_space<smem>>
    %jit3A_71 = arith.constant 128 : i32
    %div3A_72 = arith.divsi %get3A_70, %jit3A_71 : i32
    %sign3A_73 = arith.constant 0 : i32
    %sign3A_74 = arith.cmpi sgt, %get3A_70, %sign3A_73 : i32
    %sign3A_75 = arith.extui %sign3A_74 : i1 to i32
    %sign3A_76 = arith.constant 0 : i32
    %sign3A_77 = arith.cmpi slt, %get3A_70, %sign3A_76 : i32
    %sign3A_78 = arith.extui %sign3A_77 : i1 to i32
    %sign3A_79 = arith.subi %sign3A_75, %sign3A_78 : i32
    %sign3A_80 = arith.constant 0 : i32
    %sign3A_81 = arith.cmpi sgt, %jit3A_71, %sign3A_80 : i32
    %sign3A_82 = arith.extui %sign3A_81 : i1 to i32
    %sign3A_83 = arith.constant 0 : i32
    %sign3A_84 = arith.cmpi slt, %jit3A_71, %sign3A_83 : i32
    %sign3A_85 = arith.extui %sign3A_84 : i1 to i32
    %sign3A_86 = arith.subi %sign3A_82, %sign3A_85 : i32
    %ne3A_87 = arith.cmpi ne, %sign3A_79, %sign3A_86 : i32
    %rem3A_88 = arith.remsi %get3A_70, %jit3A_71 : i32
    %ne3A_89 = arith.constant 0 : i32
    %ne3A_90 = arith.cmpi ne, %rem3A_88, %ne3A_89 : i32
    %and3A_91 = arith.andi %ne3A_87, %ne3A_90 : i1
    %sub3A_92 = arith.constant 1 : i32
    %sub3A_93 = arith.subi %div3A_72, %sub3A_92 : i32
    %select_n3A_94 = arith.select %and3A_91, %sub3A_93, %div3A_72 : i32
    %mul3A_95 = arith.constant 128 : i32
    %mul3A_96 = arith.muli %select_n3A_94, %mul3A_95 : i32
    %multiple_of3A_97 = tpu.assume_multiple %mul3A_96, 128 : i32
    %dma_start3A_98 = arith.constant 2 : i32
    %dma_start3A_99 = tpu.memref_slice %arg3[%dma_start3A_98, %multiple_of3A_97] : memref<128x32768xf32, #tpu.memory_space<any>> -> memref<1x128xf32, #tpu.memory_space<any>>
    %dma_start3A_100 = arith.constant 2 : i32
    %dma_start3A_101 = arith.constant 0 : i32
    %dma_start3A_102 = tpu.memref_slice %arg4[%dma_start3A_100, %dma_start3A_101] : memref<128x128xf32, #tpu.memory_space<vmem>> -> memref<1x128xf32, #tpu.memory_space<vmem>>
    tpu.enqueue_dma source(%dma_start3A_102 : memref<1x128xf32, #tpu.memory_space<vmem>>) target(%dma_start3A_99 : memref<1x128xf32, #tpu.memory_space<any>>) target_semaphore(%arg5 : memref<!tpu.dma_semaphore, #tpu.memory_space<semaphore_mem>>)
    %get3A_103 = arith.constant 3 : index
    %get3A_104 = arith.constant 0 : index
    %get3A_105 = memref.load %arg0[%get3A_103, %get3A_104] : memref<128x1xi32, #tpu.memory_space<smem>>
    %jit3A_106 = arith.constant 128 : i32
    %div3A_107 = arith.divsi %get3A_105, %jit3A_106 : i32
    %sign3A_108 = arith.constant 0 : i32
    %sign3A_109 = arith.cmpi sgt, %get3A_105, %sign3A_108 : i32
    %sign3A_110 = arith.extui %sign3A_109 : i1 to i32
    %sign3A_111 = arith.constant 0 : i32
    %sign3A_112 = arith.cmpi slt, %get3A_105, %sign3A_111 : i32
    %sign3A_113 = arith.extui %sign3A_112 : i1 to i32
    %sign3A_114 = arith.subi %sign3A_110, %sign3A_113 : i32
    %sign3A_115 = arith.constant 0 : i32
    %sign3A_116 = arith.cmpi sgt, %jit3A_106, %sign3A_115 : i32
    %sign3A_117 = arith.extui %sign3A_116 : i1 to i32
    %sign3A_118 = arith.constant 0 : i32
    %sign3A_119 = arith.cmpi slt, %jit3A_106, %sign3A_118 : i32
    %sign3A_120 = arith.extui %sign3A_119 : i1 to i32
    %sign3A_121 = arith.subi %sign3A_117, %sign3A_120 : i32
    %ne3A_122 = arith.cmpi ne, %sign3A_114, %sign3A_121 : i32
    %rem3A_123 = arith.remsi %get3A_105, %jit3A_106 : i32
    %ne3A_124 = arith.constant 0 : i32
    %ne3A_125 = arith.cmpi ne, %rem3A_123, %ne3A_124 : i32
    %and3A_126 = arith.andi %ne3A_122, %ne3A_125 : i1
    %sub3A_127 = arith.constant 1 : i32
    %sub3A_128 = arith.subi %div3A_107, %sub3A_127 : i32
    %select_n3A_129 = arith.select %and3A_126, %sub3A_128, %div3A_107 : i32
    %mul3A_130 = arith.constant 128 : i32
    %mul3A_131 = arith.muli %select_n3A_129, %mul3A_130 : i32
    %multiple_of3A_132 = tpu.assume_multiple %mul3A_131, 128 : i32
    %dma_start3A_133 = arith.constant 3 : i32
    %dma_start3A_134 = tpu.memref_slice %arg3[%dma_start3A_133, %multiple_of3A_132] : memref<128x32768xf32, #tpu.memory_space<any>> -> memref<1x128xf32, #tpu.memory_space<any>>
    %dma_start3A_135 = arith.constant 3 : i32
    %dma_start3A_136 = arith.constant 0 : i32
    %dma_start3A_137 = tpu.memref_slice %arg4[%dma_start3A_135, %dma_start3A_136] : memref<128x128xf32, #tpu.memory_space<vmem>> -> memref<1x128xf32, #tpu.memory_space<vmem>>
    tpu.enqueue_dma source(%dma_start3A_137 : memref<1x128xf32, #tpu.memory_space<vmem>>) target(%dma_start3A_134 : memref<1x128xf32, #tpu.memory_space<any>>) target_semaphore(%arg5 : memref<!tpu.dma_semaphore, #tpu.memory_space<semaphore_mem>>)
    %get3A_138 = arith.constant 4 : index
    %get3A_139 = arith.constant 0 : index
    %get3A_140 = memref.load %arg0[%get3A_138, %get3A_139] : memref<128x1xi32, #tpu.memory_space<smem>>
    %jit3A_141 = arith.constant 128 : i32
    %div3A_142 = arith.divsi %get3A_140, %jit3A_141 : i32
    %sign3A_143 = arith.constant 0 : i32
    %sign3A_144 = arith.cmpi sgt, %get3A_140, %sign3A_143 : i32
    %sign3A_145 = arith.extui %sign3A_144 : i1 to i32
    %sign3A_146 = arith.constant 0 : i32
    %sign3A_147 = arith.cmpi slt, %get3A_140, %sign3A_146 : i32
    %sign3A_148 = arith.extui %sign3A_147 : i1 to i32
    %sign3A_149 = arith.subi %sign3A_145, %sign3A_148 : i32
    %sign3A_150 = arith.constant 0 : i32
    %sign3A_151 = arith.cmpi sgt, %jit3A_141, %sign3A_150 : i32
    %sign3A_152 = arith.extui %sign3A_151 : i1 to i32
    %sign3A_153 = arith.constant 0 : i32
    %sign3A_154 = arith.cmpi slt, %jit3A_141, %sign3A_153 : i32
    %sign3A_155 = arith.extui %sign3A_154 : i1 to i32
    %sign3A_156 = arith.subi %sign3A_152, %sign3A_155 : i32
    %ne3A_157 = arith.cmpi ne, %sign3A_149, %sign3A_156 : i32
    %rem3A_158 = arith.remsi %get3A_140, %jit3A_141 : i32
    %ne3A_159 = arith.constant 0 : i32
    %ne3A_160 = arith.cmpi ne, %rem3A_158, %ne3A_159 : i32
    %and3A_161 = arith.andi %ne3A_157, %ne3A_160 : i1
    %sub3A_162 = arith.constant 1 : i32
    %sub3A_163 = arith.subi %div3A_142, %sub3A_162 : i32
    %select_n3A_164 = arith.select %and3A_161, %sub3A_163, %div3A_142 : i32
    %mul3A_165 = arith.constant 128 : i32
    %mul3A_166 = arith.muli %select_n3A_164, %mul3A_165 : i32
    %multiple_of3A_167 = tpu.assume_multiple %mul3A_166, 128 : i32
    %dma_start3A_168 = arith.constant 4 : i32
    %dma_start3A_169 = tpu.memref_slice %arg3[%dma_start3A_168, %multiple_of3A_167] : memref<128x32768xf32, #tpu.memory_space<any>> -> memref<1x128xf32, #tpu.memory_space<any>>
    %dma_start3A_170 = arith.constant 4 : i32
    %dma_start3A_171 = arith.constant 0 : i32
    %dma_start3A_172 = tpu.memref_slice %arg4[%dma_start3A_170, %dma_start3A_171] : memref<128x128xf32, #tpu.memory_space<vmem>> -> memref<1x128xf32, #tpu.memory_space<vmem>>
    tpu.enqueue_dma source(%dma_start3A_172 : memref<1x128xf32, #tpu.memory_space<vmem>>) target(%dma_start3A_169 : memref<1x128xf32, #tpu.memory_space<any>>) target_semaphore(%arg5 : memref<!tpu.dma_semaphore, #tpu.memory_space<semaphore_mem>>)
    %get3A_173 = arith.constant 5 : index
    %get3A_174 = arith.constant 0 : index
    %get3A_175 = memref.load %arg0[%get3A_173, %get3A_174] : memref<128x1xi32, #tpu.memory_space<smem>>
    %jit3A_176 = arith.constant 128 : i32
    %div3A_177 = arith.divsi %get3A_175, %jit3A_176 : i32
    %sign3A_178 = arith.constant 0 : i32
    %sign3A_179 = arith.cmpi sgt, %get3A_175, %sign3A_178 : i32
    %sign3A_180 = arith.extui %sign3A_179 : i1 to i32
    %sign3A_181 = arith.constant 0 : i32
    %sign3A_182 = arith.cmpi slt, %get3A_175, %sign3A_181 : i32
    %sign3A_183 = arith.extui %sign3A_182 : i1 to i32
    %sign3A_184 = arith.subi %sign3A_180, %sign3A_183 : i32
    %sign3A_185 = arith.constant 0 : i32
    %sign3A_186 = arith.cmpi sgt, %jit3A_176, %sign3A_185 : i32
    %sign3A_187 = arith.extui %sign3A_186 : i1 to i32
    %sign3A_188 = arith.constant 0 : i32
    %sign3A_189 = arith.cmpi slt, %jit3A_176, %sign3A_188 : i32
    %sign3A_190 = arith.extui %sign3A_189 : i1 to i32
    %sign3A_191 = arith.subi %sign3A_187, %sign3A_190 : i32
    %ne3A_192 = arith.cmpi ne, %sign3A_184, %sign3A_191 : i32
    %rem3A_193 = arith.remsi %get3A_175, %jit3A_176 : i32
    %ne3A_194 = arith.constant 0 : i32
    %ne3A_195 = arith.cmpi ne, %rem3A_193, %ne3A_194 : i32
    %and3A_196 = arith.andi %ne3A_192, %ne3A_195 : i1
    %sub3A_197 = arith.constant 1 : i32
    %sub3A_198 = arith.subi %div3A_177, %sub3A_197 : i32
    %select_n3A_199 = arith.select %and3A_196, %sub3A_198, %div3A_177 : i32
    %mul3A_200 = arith.constant 128 : i32
    %mul3A_201 = arith.muli %select_n3A_199, %mul3A_200 : i32
    %multiple_of3A_202 = tpu.assume_multiple %mul3A_201, 128 : i32
    %dma_start3A_203 = arith.constant 5 : i32
    %dma_start3A_204 = tpu.memref_slice %arg3[%dma_start3A_203, %multiple_of3A_202] : memref<128x32768xf32, #tpu.memory_space<any>> -> memref<1x128xf32, #tpu.memory_space<any>>
    %dma_start3A_205 = arith.constant 5 : i32
    %dma_start3A_206 = arith.constant 0 : i32
    %dma_start3A_207 = tpu.memref_slice %arg4[%dma_start3A_205, %dma_start3A_206] : memref<128x128xf32, #tpu.memory_space<vmem>> -> memref<1x128xf32, #tpu.memory_space<vmem>>
    tpu.enqueue_dma source(%dma_start3A_207 : memref<1x128xf32, #tpu.memory_space<vmem>>) target(%dma_start3A_204 : memref<1x128xf32, #tpu.memory_space<any>>) target_semaphore(%arg5 : memref<!tpu.dma_semaphore, #tpu.memory_space<semaphore_mem>>)
    %get3A_208 = arith.constant 6 : index
    %get3A_209 = arith.constant 0 : index
    %get3A_210 = memref.load %arg0[%get3A_208, %get3A_209] : memref<128x1xi32, #tpu.memory_space<smem>>
    %jit3A_211 = arith.constant 128 : i32
    %div3A_212 = arith.divsi %get3A_210, %jit3A_211 : i32
    %sign3A_213 = arith.constant 0 : i32
    %sign3A_214 = arith.cmpi sgt, %get3A_210, %sign3A_213 : i32
    %sign3A_215 = arith.extui %sign3A_214 : i1 to i32
    %sign3A_216 = arith.constant 0 : i32
    %sign3A_217 = arith.cmpi slt, %get3A_210, %sign3A_216 : i32
    %sign3A_218 = arith.extui %sign3A_217 : i1 to i32
    %sign3A_219 = arith.subi %sign3A_215, %sign3A_218 : i32
    %sign3A_220 = arith.constant 0 : i32
    %sign3A_221 = arith.cmpi sgt, %jit3A_211, %sign3A_220 : i32
    %sign3A_222 = arith.extui %sign3A_221 : i1 to i32
    %sign3A_223 = arith.constant 0 : i32
    %sign3A_224 = arith.cmpi slt, %jit3A_211, %sign3A_223 : i32
    %sign3A_225 = arith.extui %sign3A_224 : i1 to i32
    %sign3A_226 = arith.subi %sign3A_222, %sign3A_225 : i32
    %ne3A_227 = arith.cmpi ne, %sign3A_219, %sign3A_226 : i32
    %rem3A_228 = arith.remsi %get3A_210, %jit3A_211 : i32
    %ne3A_229 = arith.constant 0 : i32
    %ne3A_230 = arith.cmpi ne, %rem3A_228, %ne3A_229 : i32
    %and3A_231 = arith.andi %ne3A_227, %ne3A_230 : i1
    %sub3A_232 = arith.constant 1 : i32
    %sub3A_233 = arith.subi %div3A_212, %sub3A_232 : i32
    %select_n3A_234 = arith.select %and3A_231, %sub3A_233, %div3A_212 : i32
    %mul3A_235 = arith.constant 128 : i32
    %mul3A_236 = arith.muli %select_n3A_234, %mul3A_235 : i32
    %multiple_of3A_237 = tpu.assume_multiple %mul3A_236, 128 : i32
    %dma_start3A_238 = arith.constant 6 : i32
    %dma_start3A_239 = tpu.memref_slice %arg3[%dma_start3A_238, %multiple_of3A_237] : memref<128x32768xf32, #tpu.memory_space<any>> -> memref<1x128xf32, #tpu.memory_space<any>>
    %dma_start3A_240 = arith.constant 6 : i32
    %dma_start3A_241 = arith.constant 0 : i32
    %dma_start3A_242 = tpu.memref_slice %arg4[%dma_start3A_240, %dma_start3A_241] : memref<128x128xf32, #tpu.memory_space<vmem>> -> memref<1x128xf32, #tpu.memory_space<vmem>>
    tpu.enqueue_dma source(%dma_start3A_242 : memref<1x128xf32, #tpu.memory_space<vmem>>) target(%dma_start3A_239 : memref<1x128xf32, #tpu.memory_space<any>>) target_semaphore(%arg5 : memref<!tpu.dma_semaphore, #tpu.memory_space<semaphore_mem>>)
    %get3A_243 = arith.constant 7 : index
    %get3A_244 = arith.constant 0 : index
    %get3A_245 = memref.load %arg0[%get3A_243, %get3A_244] : memref<128x1xi32, #tpu.memory_space<smem>>
    %jit3A_246 = arith.constant 128 : i32
    %div3A_247 = arith.divsi %get3A_245, %jit3A_246 : i32
    %sign3A_248 = arith.constant 0 : i32
    %sign3A_249 = arith.cmpi sgt, %get3A_245, %sign3A_248 : i32
    %sign3A_250 = arith.extui %sign3A_249 : i1 to i32
    %sign3A_251 = arith.constant 0 : i32
    %sign3A_252 = arith.cmpi slt, %get3A_245, %sign3A_251 : i32
    %sign3A_253 = arith.extui %sign3A_252 : i1 to i32
    %sign3A_254 = arith.subi %sign3A_250, %sign3A_253 : i32
    %sign3A_255 = arith.constant 0 : i32
    %sign3A_256 = arith.cmpi sgt, %jit3A_246, %sign3A_255 : i32
    %sign3A_257 = arith.extui %sign3A_256 : i1 to i32
    %sign3A_258 = arith.constant 0 : i32
    %sign3A_259 = arith.cmpi slt, %jit3A_246, %sign3A_258 : i32
    %sign3A_260 = arith.extui %sign3A_259 : i1 to i32
    %sign3A_261 = arith.subi %sign3A_257, %sign3A_260 : i32
    %ne3A_262 = arith.cmpi ne, %sign3A_254, %sign3A_261 : i32
    %rem3A_263 = arith.remsi %get3A_245, %jit3A_246 : i32
    %ne3A_264 = arith.constant 0 : i32
    %ne3A_265 = arith.cmpi ne, %rem3A_263, %ne3A_264 : i32
    %and3A_266 = arith.andi %ne3A_262, %ne3A_265 : i1
    %sub3A_267 = arith.constant 1 : i32
    %sub3A_268 = arith.subi %div3A_247, %sub3A_267 : i32
    %select_n3A_269 = arith.select %and3A_266, %sub3A_268, %div3A_247 : i32
    %mul3A_270 = arith.constant 128 : i32
    %mul3A_271 = arith.muli %select_n3A_269, %mul3A_270 : i32
    %multiple_of3A_272 = tpu.assume_multiple %mul3A_271, 128 : i32
    %dma_start3A_273 = arith.constant 7 : i32
    %dma_start3A_274 = tpu.memref_slice %arg3[%dma_start3A_273, %multiple_of3A_272] : memref<128x32768xf32, #tpu.memory_space<any>> -> memref<1x128xf32, #tpu.memory_space<any>>
    %dma_start3A_275 = arith.constant 7 : i32
    %dma_start3A_276 = arith.constant 0 : i32
    %dma_start3A_277 = tpu.memref_slice %arg4[%dma_start3A_275, %dma_start3A_276] : memref<128x128xf32, #tpu.memory_space<vmem>> -> memref<1x128xf32, #tpu.memory_space<vmem>>
    tpu.enqueue_dma source(%dma_start3A_277 : memref<1x128xf32, #tpu.memory_space<vmem>>) target(%dma_start3A_274 : memref<1x128xf32, #tpu.memory_space<any>>) target_semaphore(%arg5 : memref<!tpu.dma_semaphore, #tpu.memory_space<semaphore_mem>>)
    %get3A_278 = arith.constant 8 : index
    %get3A_279 = arith.constant 0 : index
    %get3A_280 = memref.load %arg0[%get3A_278, %get3A_279] : memref<128x1xi32, #tpu.memory_space<smem>>
    %jit3A_281 = arith.constant 128 : i32
    %div3A_282 = arith.divsi %get3A_280, %jit3A_281 : i32
    %sign3A_283 = arith.constant 0 : i32
    %sign3A_284 = arith.cmpi sgt, %get3A_280, %sign3A_283 : i32
    %sign3A_285 = arith.extui %sign3A_284 : i1 to i32
    %sign3A_286 = arith.constant 0 : i32
    %sign3A_287 = arith.cmpi slt, %get3A_280, %sign3A_286 : i32
    %sign3A_288 = arith.extui %sign3A_287 : i1 to i32
    %sign3A_289 = arith.subi %sign3A_285, %sign3A_288 : i32
    %sign3A_290 = arith.constant 0 : i32
    %sign3A_291 = arith.cmpi sgt, %jit3A_281, %sign3A_290 : i32
    %sign3A_292 = arith.extui %sign3A_291 : i1 to i32
    %sign3A_293 = arith.constant 0 : i32
    %sign3A_294 = arith.cmpi slt, %jit3A_281, %sign3A_293 : i32
    %sign3A_295 = arith.extui %sign3A_294 : i1 to i32
    %sign3A_296 = arith.subi %sign3A_292, %sign3A_295 : i32
    %ne3A_297 = arith.cmpi ne, %sign3A_289, %sign3A_296 : i32
    %rem3A_298 = arith.remsi %get3A_280, %jit3A_281 : i32
    %ne3A_299 = arith.constant 0 : i32
    %ne3A_300 = arith.cmpi ne, %rem3A_298, %ne3A_299 : i32
    %and3A_301 = arith.andi %ne3A_297, %ne3A_300 : i1
    %sub3A_302 = arith.constant 1 : i32
    %sub3A_303 = arith.subi %div3A_282, %sub3A_302 : i32
    %select_n3A_304 = arith.select %and3A_301, %sub3A_303, %div3A_282 : i32
    %mul3A_305 = arith.constant 128 : i32
    %mul3A_306 = arith.muli %select_n3A_304, %mul3A_305 : i32
    %multiple_of3A_307 = tpu.assume_multiple %mul3A_306, 128 : i32
    %dma_start3A_308 = arith.constant 8 : i32
    %dma_start3A_309 = tpu.memref_slice %arg3[%dma_start3A_308, %multiple_of3A_307] : memref<128x32768xf32, #tpu.memory_space<any>> -> memref<1x128xf32, #tpu.memory_space<any>>
    %dma_start3A_310 = arith.constant 8 : i32
    %dma_start3A_311 = arith.constant 0 : i32
    %dma_start3A_312 = tpu.memref_slice %arg4[%dma_start3A_310, %dma_start3A_311] : memref<128x128xf32, #tpu.memory_space<vmem>> -> memref<1x128xf32, #tpu.memory_space<vmem>>
    tpu.enqueue_dma source(%dma_start3A_312 : memref<1x128xf32, #tpu.memory_space<vmem>>) target(%dma_start3A_309 : memref<1x128xf32, #tpu.memory_space<any>>) target_semaphore(%arg5 : memref<!tpu.dma_semaphore, #tpu.memory_space<semaphore_mem>>)
    %get3A_313 = arith.constant 9 : index
    %get3A_314 = arith.constant 0 : index
    %get3A_315 = memref.load %arg0[%get3A_313, %get3A_314] : memref<128x1xi32, #tpu.memory_space<smem>>
    %jit3A_316 = arith.constant 128 : i32
    %div3A_317 = arith.divsi %get3A_315, %jit3A_316 : i32
    %sign3A_318 = arith.constant 0 : i32
    %sign3A_319 = arith.cmpi sgt, %get3A_315, %sign3A_318 : i32
    %sign3A_320 = arith.extui %sign3A_319 : i1 to i32
    %sign3A_321 = arith.constant 0 : i32
    %sign3A_322 = arith.cmpi slt, %get3A_315, %sign3A_321 : i32
    %sign3A_323 = arith.extui %sign3A_322 : i1 to i32
    %sign3A_324 = arith.subi %sign3A_320, %sign3A_323 : i32
    %sign3A_325 = arith.constant 0 : i32
    %sign3A_326 = arith.cmpi sgt, %jit3A_316, %sign3A_325 : i32
    %sign3A_327 = arith.extui %sign3A_326 : i1 to i32
    %sign3A_328 = arith.constant 0 : i32
    %sign3A_329 = arith.cmpi slt, %jit3A_316, %sign3A_328 : i32
    %sign3A_330 = arith.extui %sign3A_329 : i1 to i32
    %sign3A_331 = arith.subi %sign3A_327, %sign3A_330 : i32
    %ne3A_332 = arith.cmpi ne, %sign3A_324, %sign3A_331 : i32
    %rem3A_333 = arith.remsi %get3A_315, %jit3A_316 : i32
    %ne3A_334 = arith.constant 0 : i32
    %ne3A_335 = arith.cmpi ne, %rem3A_333, %ne3A_334 : i32
    %and3A_336 = arith.andi %ne3A_332, %ne3A_335 : i1
    %sub3A_337 = arith.constant 1 : i32
    %sub3A_338 = arith.subi %div3A_317, %sub3A_337 : i32
    %select_n3A_339 = arith.select %and3A_336, %sub3A_338, %div3A_317 : i32
    %mul3A_340 = arith.constant 128 : i32
    %mul3A_341 = arith.muli %select_n3A_339, %mul3A_340 : i32
    %multiple_of3A_342 = tpu.assume_multiple %mul3A_341, 128 : i32
    %dma_start3A_343 = arith.constant 9 : i32
    %dma_start3A_344 = tpu.memref_slice %arg3[%dma_start3A_343, %multiple_of3A_342] : memref<128x32768xf32, #tpu.memory_space<any>> -> memref<1x128xf32, #tpu.memory_space<any>>
    %dma_start3A_345 = arith.constant 9 : i32
    %dma_start3A_346 = arith.constant 0 : i32
    %dma_start3A_347 = tpu.memref_slice %arg4[%dma_start3A_345, %dma_start3A_346] : memref<128x128xf32, #tpu.memory_space<vmem>> -> memref<1x128xf32, #tpu.memory_space<vmem>>
    tpu.enqueue_dma source(%dma_start3A_347 : memref<1x128xf32, #tpu.memory_space<vmem>>) target(%dma_start3A_344 : memref<1x128xf32, #tpu.memory_space<any>>) target_semaphore(%arg5 : memref<!tpu.dma_semaphore, #tpu.memory_space<semaphore_mem>>)
    %get3A_348 = arith.constant 10 : index
    %get3A_349 = arith.constant 0 : index
    %get3A_350 = memref.load %arg0[%get3A_348, %get3A_349] : memref<128x1xi32, #tpu.memory_space<smem>>
    %jit3A_351 = arith.constant 128 : i32
    %div3A_352 = arith.divsi %get3A_350, %jit3A_351 : i32
    %sign3A_353 = arith.constant 0 : i32
    %sign3A_354 = arith.cmpi sgt, %get3A_350, %sign3A_353 : i32
    %sign3A_355 = arith.extui %sign3A_354 : i1 to i32
    %sign3A_356 = arith.constant 0 : i32
    %sign3A_357 = arith.cmpi slt, %get3A_350, %sign3A_356 : i32
    %sign3A_358 = arith.extui %sign3A_357 : i1 to i32
    %sign3A_359 = arith.subi %sign3A_355, %sign3A_358 : i32
    %sign3A_360 = arith.constant 0 : i32
    %sign3A_361 = arith.cmpi sgt, %jit3A_351, %sign3A_360 : i32
    %sign3A_362 = arith.extui %sign3A_361 : i1 to i32
    %sign3A_363 = arith.constant 0 : i32
    %sign3A_364 = arith.cmpi slt, %jit3A_351, %sign3A_363 : i32
    %sign3A_365 = arith.extui %sign3A_364 : i1 to i32
    %sign3A_366 = arith.subi %sign3A_362, %sign3A_365 : i32
    %ne3A_367 = arith.cmpi ne, %sign3A_359, %sign3A_366 : i32
    %rem3A_368 = arith.remsi %get3A_350, %jit3A_351 : i32
    %ne3A_369 = arith.constant 0 : i32
    %ne3A_370 = arith.cmpi ne, %rem3A_368, %ne3A_369 : i32
    %and3A_371 = arith.andi %ne3A_367, %ne3A_370 : i1
    %sub3A_372 = arith.constant 1 : i32
    %sub3A_373 = arith.subi %div3A_352, %sub3A_372 : i32
    %select_n3A_374 = arith.select %and3A_371, %sub3A_373, %div3A_352 : i32
    %mul3A_375 = arith.constant 128 : i32
    %mul3A_376 = arith.muli %select_n3A_374, %mul3A_375 : i32
    %multiple_of3A_377 = tpu.assume_multiple %mul3A_376, 128 : i32
    %dma_start3A_378 = arith.constant 10 : i32
    %dma_start3A_379 = tpu.memref_slice %arg3[%dma_start3A_378, %multiple_of3A_377] : memref<128x32768xf32, #tpu.memory_space<any>> -> memref<1x128xf32, #tpu.memory_space<any>>
    %dma_start3A_380 = arith.constant 10 : i32
    %dma_start3A_381 = arith.constant 0 : i32
    %dma_start3A_382 = tpu.memref_slice %arg4[%dma_start3A_380, %dma_start3A_381] : memref<128x128xf32, #tpu.memory_space<vmem>> -> memref<1x128xf32, #tpu.memory_space<vmem>>
    tpu.enqueue_dma source(%dma_start3A_382 : memref<1x128xf32, #tpu.memory_space<vmem>>) target(%dma_start3A_379 : memref<1x128xf32, #tpu.memory_space<any>>) target_semaphore(%arg5 : memref<!tpu.dma_semaphore, #tpu.memory_space<semaphore_mem>>)
    %get3A_383 = arith.constant 11 : index
    %get3A_384 = arith.constant 0 : index
    %get3A_385 = memref.load %arg0[%get3A_383, %get3A_384] : memref<128x1xi32, #tpu.memory_space<smem>>
    %jit3A_386 = arith.constant 128 : i32
    %div3A_387 = arith.divsi %get3A_385, %jit3A_386 : i32
    %sign3A_388 = arith.constant 0 : i32
    %sign3A_389 = arith.cmpi sgt, %get3A_385, %sign3A_388 : i32
    %sign3A_390 = arith.extui %sign3A_389 : i1 to i32
    %sign3A_391 = arith.constant 0 : i32
    %sign3A_392 = arith.cmpi slt, %get3A_385, %sign3A_391 : i32
    %sign3A_393 = arith.extui %sign3A_392 : i1 to i32
    %sign3A_394 = arith.subi %sign3A_390, %sign3A_393 : i32
    %sign3A_395 = arith.constant 0 : i32
    %sign3A_396 = arith.cmpi sgt, %jit3A_386, %sign3A_395 : i32
    %sign3A_397 = arith.extui %sign3A_396 : i1 to i32
    %sign3A_398 = arith.constant 0 : i32
    %sign3A_399 = arith.cmpi slt, %jit3A_386, %sign3A_398 : i32
    %sign3A_400 = arith.extui %sign3A_399 : i1 to i32
    %sign3A_401 = arith.subi %sign3A_397, %sign3A_400 : i32
    %ne3A_402 = arith.cmpi ne, %sign3A_394, %sign3A_401 : i32
    %rem3A_403 = arith.remsi %get3A_385, %jit3A_386 : i32
    %ne3A_404 = arith.constant 0 : i32
    %ne3A_405 = arith.cmpi ne, %rem3A_403, %ne3A_404 : i32
    %and3A_406 = arith.andi %ne3A_402, %ne3A_405 : i1
    %sub3A_407 = arith.constant 1 : i32
    %sub3A_408 = arith.subi %div3A_387, %sub3A_407 : i32
    %select_n3A_409 = arith.select %and3A_406, %sub3A_408, %div3A_387 : i32
    %mul3A_410 = arith.constant 128 : i32
    %mul3A_411 = arith.muli %select_n3A_409, %mul3A_410 : i32
    %multiple_of3A_412 = tpu.assume_multiple %mul3A_411, 128 : i32
    %dma_start3A_413 = arith.constant 11 : i32
    %dma_start3A_414 = tpu.memref_slice %arg3[%dma_start3A_413, %multiple_of3A_412] : memref<128x32768xf32, #tpu.memory_space<any>> -> memref<1x128xf32, #tpu.memory_space<any>>
    %dma_start3A_415 = arith.constant 11 : i32
    %dma_start3A_416 = arith.constant 0 : i32
    %dma_start3A_417 = tpu.memref_slice %arg4[%dma_start3A_415, %dma_start3A_416] : memref<128x128xf32, #tpu.memory_space<vmem>> -> memref<1x128xf32, #tpu.memory_space<vmem>>
    tpu.enqueue_dma source(%dma_start3A_417 : memref<1x128xf32, #tpu.memory_space<vmem>>) target(%dma_start3A_414 : memref<1x128xf32, #tpu.memory_space<any>>) target_semaphore(%arg5 : memref<!tpu.dma_semaphore, #tpu.memory_space<semaphore_mem>>)
    %get3A_418 = arith.constant 12 : index
    %get3A_419 = arith.constant 0 : index
    %get3A_420 = memref.load %arg0[%get3A_418, %get3A_419] : memref<128x1xi32, #tpu.memory_space<smem>>
    %jit3A_421 = arith.constant 128 : i32
    %div3A_422 = arith.divsi %get3A_420, %jit3A_421 : i32
    %sign3A_423 = arith.constant 0 : i32
    %sign3A_424 = arith.cmpi sgt, %get3A_420, %sign3A_423 : i32
    %sign3A_425 = arith.extui %sign3A_424 : i1 to i32
    %sign3A_426 = arith.constant 0 : i32
    %sign3A_427 = arith.cmpi slt, %get3A_420, %sign3A_426 : i32
    %sign3A_428 = arith.extui %sign3A_427 : i1 to i32
    %sign3A_429 = arith.subi %sign3A_425, %sign3A_428 : i32
    %sign3A_430 = arith.constant 0 : i32
    %sign3A_431 = arith.cmpi sgt, %jit3A_421, %sign3A_430 : i32
    %sign3A_432 = arith.extui %sign3A_431 : i1 to i32
    %sign3A_433 = arith.constant 0 : i32
    %sign3A_434 = arith.cmpi slt, %jit3A_421, %sign3A_433 : i32
    %sign3A_435 = arith.extui %sign3A_434 : i1 to i32
    %sign3A_436 = arith.subi %sign3A_432, %sign3A_435 : i32
    %ne3A_437 = arith.cmpi ne, %sign3A_429, %sign3A_436 : i32
    %rem3A_438 = arith.remsi %get3A_420, %jit3A_421 : i32
    %ne3A_439 = arith.constant 0 : i32
    %ne3A_440 = arith.cmpi ne, %rem3A_438, %ne3A_439 : i32
    %and3A_441 = arith.andi %ne3A_437, %ne3A_440 : i1
    %sub3A_442 = arith.constant 1 : i32
    %sub3A_443 = arith.subi %div3A_422, %sub3A_442 : i32
    %select_n3A_444 = arith.select %and3A_441, %sub3A_443, %div3A_422 : i32
    %mul3A_445 = arith.constant 128 : i32
    %mul3A_446 = arith.muli %select_n3A_444, %mul3A_445 : i32
    %multiple_of3A_447 = tpu.assume_multiple %mul3A_446, 128 : i32
    %dma_start3A_448 = arith.constant 12 : i32
    %dma_start3A_449 = tpu.memref_slice %arg3[%dma_start3A_448, %multiple_of3A_447] : memref<128x32768xf32, #tpu.memory_space<any>> -> memref<1x128xf32, #tpu.memory_space<any>>
    %dma_start3A_450 = arith.constant 12 : i32
    %dma_start3A_451 = arith.constant 0 : i32
    %dma_start3A_452 = tpu.memref_slice %arg4[%dma_start3A_450, %dma_start3A_451] : memref<128x128xf32, #tpu.memory_space<vmem>> -> memref<1x128xf32, #tpu.memory_space<vmem>>
    tpu.enqueue_dma source(%dma_start3A_452 : memref<1x128xf32, #tpu.memory_space<vmem>>) target(%dma_start3A_449 : memref<1x128xf32, #tpu.memory_space<any>>) target_semaphore(%arg5 : memref<!tpu.dma_semaphore, #tpu.memory_space<semaphore_mem>>)
    %get3A_453 = arith.constant 13 : index
    %get3A_454 = arith.constant 0 : index
    %get3A_455 = memref.load %arg0[%get3A_453, %get3A_454] : memref<128x1xi32, #tpu.memory_space<smem>>
    %jit3A_456 = arith.constant 128 : i32
    %div3A_457 = arith.divsi %get3A_455, %jit3A_456 : i32
    %sign3A_458 = arith.constant 0 : i32
    %sign3A_459 = arith.cmpi sgt, %get3A_455, %sign3A_458 : i32
    %sign3A_460 = arith.extui %sign3A_459 : i1 to i32
    %sign3A_461 = arith.constant 0 : i32
    %sign3A_462 = arith.cmpi slt, %get3A_455, %sign3A_461 : i32
    %sign3A_463 = arith.extui %sign3A_462 : i1 to i32
    %sign3A_464 = arith.subi %sign3A_460, %sign3A_463 : i32
    %sign3A_465 = arith.constant 0 : i32
    %sign3A_466 = arith.cmpi sgt, %jit3A_456, %sign3A_465 : i32
    %sign3A_467 = arith.extui %sign3A_466 : i1 to i32
    %sign3A_468 = arith.constant 0 : i32
    %sign3A_469 = arith.cmpi slt, %jit3A_456, %sign3A_468 : i32
    %sign3A_470 = arith.extui %sign3A_469 : i1 to i32
    %sign3A_471 = arith.subi %sign3A_467, %sign3A_470 : i32
    %ne3A_472 = arith.cmpi ne, %sign3A_464, %sign3A_471 : i32
    %rem3A_473 = arith.remsi %get3A_455, %jit3A_456 : i32
    %ne3A_474 = arith.constant 0 : i32
    %ne3A_475 = arith.cmpi ne, %rem3A_473, %ne3A_474 : i32
    %and3A_476 = arith.andi %ne3A_472, %ne3A_475 : i1
    %sub3A_477 = arith.constant 1 : i32
    %sub3A_478 = arith.subi %div3A_457, %sub3A_477 : i32
    %select_n3A_479 = arith.select %and3A_476, %sub3A_478, %div3A_457 : i32
    %mul3A_480 = arith.constant 128 : i32
    %mul3A_481 = arith.muli %select_n3A_479, %mul3A_480 : i32
    %multiple_of3A_482 = tpu.assume_multiple %mul3A_481, 128 : i32
    %dma_start3A_483 = arith.constant 13 : i32
    %dma_start3A_484 = tpu.memref_slice %arg3[%dma_start3A_483, %multiple_of3A_482] : memref<128x32768xf32, #tpu.memory_space<any>> -> memref<1x128xf32, #tpu.memory_space<any>>
    %dma_start3A_485 = arith.constant 13 : i32
    %dma_start3A_486 = arith.constant 0 : i32
    %dma_start3A_487 = tpu.memref_slice %arg4[%dma_start3A_485, %dma_start3A_486] : memref<128x128xf32, #tpu.memory_space<vmem>> -> memref<1x128xf32, #tpu.memory_space<vmem>>
    tpu.enqueue_dma source(%dma_start3A_487 : memref<1x128xf32, #tpu.memory_space<vmem>>) target(%dma_start3A_484 : memref<1x128xf32, #tpu.memory_space<any>>) target_semaphore(%arg5 : memref<!tpu.dma_semaphore, #tpu.memory_space<semaphore_mem>>)
    %get3A_488 = arith.constant 14 : index
    %get3A_489 = arith.constant 0 : index
    %get3A_490 = memref.load %arg0[%get3A_488, %get3A_489] : memref<128x1xi32, #tpu.memory_space<smem>>
    %jit3A_491 = arith.constant 128 : i32
    %div3A_492 = arith.divsi %get3A_490, %jit3A_491 : i32
    %sign3A_493 = arith.constant 0 : i32
    %sign3A_494 = arith.cmpi sgt, %get3A_490, %sign3A_493 : i32
    %sign3A_495 = arith.extui %sign3A_494 : i1 to i32
    %sign3A_496 = arith.constant 0 : i32
    %sign3A_497 = arith.cmpi slt, %get3A_490, %sign3A_496 : i32
    %sign3A_498 = arith.extui %sign3A_497 : i1 to i32
    %sign3A_499 = arith.subi %sign3A_495, %sign3A_498 : i32
    %sign3A_500 = arith.constant 0 : i32
    %sign3A_501 = arith.cmpi sgt, %jit3A_491, %sign3A_500 : i32
    %sign3A_502 = arith.extui %sign3A_501 : i1 to i32
    %sign3A_503 = arith.constant 0 : i32
    %sign3A_504 = arith.cmpi slt, %jit3A_491, %sign3A_503 : i32
    %sign3A_505 = arith.extui %sign3A_504 : i1 to i32
    %sign3A_506 = arith.subi %sign3A_502, %sign3A_505 : i32
    %ne3A_507 = arith.cmpi ne, %sign3A_499, %sign3A_506 : i32
    %rem3A_508 = arith.remsi %get3A_490, %jit3A_491 : i32
    %ne3A_509 = arith.constant 0 : i32
    %ne3A_510 = arith.cmpi ne, %rem3A_508, %ne3A_509 : i32
    %and3A_511 = arith.andi %ne3A_507, %ne3A_510 : i1
    %sub3A_512 = arith.constant 1 : i32
    %sub3A_513 = arith.subi %div3A_492, %sub3A_512 : i32
    %select_n3A_514 = arith.select %and3A_511, %sub3A_513, %div3A_492 : i32
    %mul3A_515 = arith.constant 128 : i32
    %mul3A_516 = arith.muli %select_n3A_514, %mul3A_515 : i32
    %multiple_of3A_517 = tpu.assume_multiple %mul3A_516, 128 : i32
    %dma_start3A_518 = arith.constant 14 : i32
    %dma_start3A_519 = tpu.memref_slice %arg3[%dma_start3A_518, %multiple_of3A_517] : memref<128x32768xf32, #tpu.memory_space<any>> -> memref<1x128xf32, #tpu.memory_space<any>>
    %dma_start3A_520 = arith.constant 14 : i32
    %dma_start3A_521 = arith.constant 0 : i32
    %dma_start3A_522 = tpu.memref_slice %arg4[%dma_start3A_520, %dma_start3A_521] : memref<128x128xf32, #tpu.memory_space<vmem>> -> memref<1x128xf32, #tpu.memory_space<vmem>>
    tpu.enqueue_dma source(%dma_start3A_522 : memref<1x128xf32, #tpu.memory_space<vmem>>) target(%dma_start3A_519 : memref<1x128xf32, #tpu.memory_space<any>>) target_semaphore(%arg5 : memref<!tpu.dma_semaphore, #tpu.memory_space<semaphore_mem>>)
    %get3A_523 = arith.constant 15 : index
    %get3A_524 = arith.constant 0 : index
    %get3A_525 = memref.load %arg0[%get3A_523, %get3A_524] : memref<128x1xi32, #tpu.memory_space<smem>>
    %jit3A_526 = arith.constant 128 : i32
    %div3A_527 = arith.divsi %get3A_525, %jit3A_526 : i32
    %sign3A_528 = arith.constant 0 : i32
    %sign3A_529 = arith.cmpi sgt, %get3A_525, %sign3A_528 : i32
    %sign3A_530 = arith.extui %sign3A_529 : i1 to i32
    %sign3A_531 = arith.constant 0 : i32
    %sign3A_532 = arith.cmpi slt, %get3A_525, %sign3A_531 : i32
    %sign3A_533 = arith.extui %sign3A_532 : i1 to i32
    %sign3A_534 = arith.subi %sign3A_530, %sign3A_533 : i32
    %sign3A_535 = arith.constant 0 : i32
    %sign3A_536 = arith.cmpi sgt, %jit3A_526, %sign3A_535 : i32
    %sign3A_537 = arith.extui %sign3A_536 : i1 to i32
    %sign3A_538 = arith.constant 0 : i32
    %sign3A_539 = arith.cmpi slt, %jit3A_526, %sign3A_538 : i32
    %sign3A_540 = arith.extui %sign3A_539 : i1 to i32
    %sign3A_541 = arith.subi %sign3A_537, %sign3A_540 : i32
    %ne3A_542 = arith.cmpi ne, %sign3A_534, %sign3A_541 : i32
    %rem3A_543 = arith.remsi %get3A_525, %jit3A_526 : i32
    %ne3A_544 = arith.constant 0 : i32
    %ne3A_545 = arith.cmpi ne, %rem3A_543, %ne3A_544 : i32
    %and3A_546 = arith.andi %ne3A_542, %ne3A_545 : i1
    %sub3A_547 = arith.constant 1 : i32
    %sub3A_548 = arith.subi %div3A_527, %sub3A_547 : i32
    %select_n3A_549 = arith.select %and3A_546, %sub3A_548, %div3A_527 : i32
    %mul3A_550 = arith.constant 128 : i32
    %mul3A_551 = arith.muli %select_n3A_549, %mul3A_550 : i32
    %multiple_of3A_552 = tpu.assume_multiple %mul3A_551, 128 : i32
    %dma_start3A_553 = arith.constant 15 : i32
    %dma_start3A_554 = tpu.memref_slice %arg3[%dma_start3A_553, %multiple_of3A_552] : memref<128x32768xf32, #tpu.memory_space<any>> -> memref<1x128xf32, #tpu.memory_space<any>>
    %dma_start3A_555 = arith.constant 15 : i32
    %dma_start3A_556 = arith.constant 0 : i32
    %dma_start3A_557 = tpu.memref_slice %arg4[%dma_start3A_555, %dma_start3A_556] : memref<128x128xf32, #tpu.memory_space<vmem>> -> memref<1x128xf32, #tpu.memory_space<vmem>>
    tpu.enqueue_dma source(%dma_start3A_557 : memref<1x128xf32, #tpu.memory_space<vmem>>) target(%dma_start3A_554 : memref<1x128xf32, #tpu.memory_space<any>>) target_semaphore(%arg5 : memref<!tpu.dma_semaphore, #tpu.memory_space<semaphore_mem>>)
    %get3A_558 = arith.constant 16 : index
    %get3A_559 = arith.constant 0 : index
    %get3A_560 = memref.load %arg0[%get3A_558, %get3A_559] : memref<128x1xi32, #tpu.memory_space<smem>>
    %jit3A_561 = arith.constant 128 : i32
    %div3A_562 = arith.divsi %get3A_560, %jit3A_561 : i32
    %sign3A_563 = arith.constant 0 : i32
    %sign3A_564 = arith.cmpi sgt, %get3A_560, %sign3A_563 : i32
    %sign3A_565 = arith.extui %sign3A_564 : i1 to i32
    %sign3A_566 = arith.constant 0 : i32
    %sign3A_567 = arith.cmpi slt, %get3A_560, %sign3A_566 : i32
    %sign3A_568 = arith.extui %sign3A_567 : i1 to i32
    %sign3A_569 = arith.subi %sign3A_565, %sign3A_568 : i32
    %sign3A_570 = arith.constant 0 : i32
    %sign3A_571 = arith.cmpi sgt, %jit3A_561, %sign3A_570 : i32
    %sign3A_572 = arith.extui %sign3A_571 : i1 to i32
    %sign3A_573 = arith.constant 0 : i32
    %sign3A_574 = arith.cmpi slt, %jit3A_561, %sign3A_573 : i32
    %sign3A_575 = arith.extui %sign3A_574 : i1 to i32
    %sign3A_576 = arith.subi %sign3A_572, %sign3A_575 : i32
    %ne3A_577 = arith.cmpi ne, %sign3A_569, %sign3A_576 : i32
    %rem3A_578 = arith.remsi %get3A_560, %jit3A_561 : i32
    %ne3A_579 = arith.constant 0 : i32
    %ne3A_580 = arith.cmpi ne, %rem3A_578, %ne3A_579 : i32
    %and3A_581 = arith.andi %ne3A_577, %ne3A_580 : i1
    %sub3A_582 = arith.constant 1 : i32
    %sub3A_583 = arith.subi %div3A_562, %sub3A_582 : i32
    %select_n3A_584 = arith.select %and3A_581, %sub3A_583, %div3A_562 : i32
    %mul3A_585 = arith.constant 128 : i32
    %mul3A_586 = arith.muli %select_n3A_584, %mul3A_585 : i32
    %multiple_of3A_587 = tpu.assume_multiple %mul3A_586, 128 : i32
    %dma_start3A_588 = arith.constant 16 : i32
    %dma_start3A_589 = tpu.memref_slice %arg3[%dma_start3A_588, %multiple_of3A_587] : memref<128x32768xf32, #tpu.memory_space<any>> -> memref<1x128xf32, #tpu.memory_space<any>>
    %dma_start3A_590 = arith.constant 16 : i32
    %dma_start3A_591 = arith.constant 0 : i32
    %dma_start3A_592 = tpu.memref_slice %arg4[%dma_start3A_590, %dma_start3A_591] : memref<128x128xf32, #tpu.memory_space<vmem>> -> memref<1x128xf32, #tpu.memory_space<vmem>>
    tpu.enqueue_dma source(%dma_start3A_592 : memref<1x128xf32, #tpu.memory_space<vmem>>) target(%dma_start3A_589 : memref<1x128xf32, #tpu.memory_space<any>>) target_semaphore(%arg5 : memref<!tpu.dma_semaphore, #tpu.memory_space<semaphore_mem>>)
    %get3A_593 = arith.constant 17 : index
    %get3A_594 = arith.constant 0 : index
    %get3A_595 = memref.load %arg0[%get3A_593, %get3A_594] : memref<128x1xi32, #tpu.memory_space<smem>>
    %jit3A_596 = arith.constant 128 : i32
    %div3A_597 = arith.divsi %get3A_595, %jit3A_596 : i32
    %sign3A_598 = arith.constant 0 : i32
    %sign3A_599 = arith.cmpi sgt, %get3A_595, %sign3A_598 : i32
    %sign3A_600 = arith.extui %sign3A_599 : i1 to i32
    %sign3A_601 = arith.constant 0 : i32
    %sign3A_602 = arith.cmpi slt, %get3A_595, %sign3A_601 : i32
    %sign3A_603 = arith.extui %sign3A_602 : i1 to i32
    %sign3A_604 = arith.subi %sign3A_600, %sign3A_603 : i32
    %sign3A_605 = arith.constant 0 : i32
    %sign3A_606 = arith.cmpi sgt, %jit3A_596, %sign3A_605 : i32
    %sign3A_607 = arith.extui %sign3A_606 : i1 to i32
    %sign3A_608 = arith.constant 0 : i32
    %sign3A_609 = arith.cmpi slt, %jit3A_596, %sign3A_608 : i32
    %sign3A_610 = arith.extui %sign3A_609 : i1 to i32
    %sign3A_611 = arith.subi %sign3A_607, %sign3A_610 : i32
    %ne3A_612 = arith.cmpi ne, %sign3A_604, %sign3A_611 : i32
    %rem3A_613 = arith.remsi %get3A_595, %jit3A_596 : i32
    %ne3A_614 = arith.constant 0 : i32
    %ne3A_615 = arith.cmpi ne, %rem3A_613, %ne3A_614 : i32
    %and3A_616 = arith.andi %ne3A_612, %ne3A_615 : i1
    %sub3A_617 = arith.constant 1 : i32
    %sub3A_618 = arith.subi %div3A_597, %sub3A_617 : i32
    %select_n3A_619 = arith.select %and3A_616, %sub3A_618, %div3A_597 : i32
    %mul3A_620 = arith.constant 128 : i32
    %mul3A_621 = arith.muli %select_n3A_619, %mul3A_620 : i32
    %multiple_of3A_622 = tpu.assume_multiple %mul3A_621, 128 : i32
    %dma_start3A_623 = arith.constant 17 : i32
    %dma_start3A_624 = tpu.memref_slice %arg3[%dma_start3A_623, %multiple_of3A_622] : memref<128x32768xf32, #tpu.memory_space<any>> -> memref<1x128xf32, #tpu.memory_space<any>>
    %dma_start3A_625 = arith.constant 17 : i32
    %dma_start3A_626 = arith.constant 0 : i32
    %dma_start3A_627 = tpu.memref_slice %arg4[%dma_start3A_625, %dma_start3A_626] : memref<128x128xf32, #tpu.memory_space<vmem>> -> memref<1x128xf32, #tpu.memory_space<vmem>>
    tpu.enqueue_dma source(%dma_start3A_627 : memref<1x128xf32, #tpu.memory_space<vmem>>) target(%dma_start3A_624 : memref<1x128xf32, #tpu.memory_space<any>>) target_semaphore(%arg5 : memref<!tpu.dma_semaphore, #tpu.memory_space<semaphore_mem>>)
    %get3A_628 = arith.constant 18 : index
    %get3A_629 = arith.constant 0 : index
    %get3A_630 = memref.load %arg0[%get3A_628, %get3A_629] : memref<128x1xi32, #tpu.memory_space<smem>>
    %jit3A_631 = arith.constant 128 : i32
    %div3A_632 = arith.divsi %get3A_630, %jit3A_631 : i32
    %sign3A_633 = arith.constant 0 : i32
    %sign3A_634 = arith.cmpi sgt, %get3A_630, %sign3A_633 : i32
    %sign3A_635 = arith.extui %sign3A_634 : i1 to i32
    %sign3A_636 = arith.constant 0 : i32
    %sign3A_637 = arith.cmpi slt, %get3A_630, %sign3A_636 : i32
    %sign3A_638 = arith.extui %sign3A_637 : i1 to i32
    %sign3A_639 = arith.subi %sign3A_635, %sign3A_638 : i32
    %sign3A_640 = arith.constant 0 : i32
    %sign3A_641 = arith.cmpi sgt, %jit3A_631, %sign3A_640 : i32
    %sign3A_642 = arith.extui %sign3A_641 : i1 to i32
    %sign3A_643 = arith.constant 0 : i32
    %sign3A_644 = arith.cmpi slt, %jit3A_631, %sign3A_643 : i32
    %sign3A_645 = arith.extui %sign3A_644 : i1 to i32
    %sign3A_646 = arith.subi %sign3A_642, %sign3A_645 : i32
    %ne3A_647 = arith.cmpi ne, %sign3A_639, %sign3A_646 : i32
    %rem3A_648 = arith.remsi %get3A_630, %jit3A_631 : i32
    %ne3A_649 = arith.constant 0 : i32
    %ne3A_650 = arith.cmpi ne, %rem3A_648, %ne3A_649 : i32
    %and3A_651 = arith.andi %ne3A_647, %ne3A_650 : i1
    %sub3A_652 = arith.constant 1 : i32
    %sub3A_653 = arith.subi %div3A_632, %sub3A_652 : i32
    %select_n3A_654 = arith.select %and3A_651, %sub3A_653, %div3A_632 : i32
    %mul3A_655 = arith.constant 128 : i32
    %mul3A_656 = arith.muli %select_n3A_654, %mul3A_655 : i32
    %multiple_of3A_657 = tpu.assume_multiple %mul3A_656, 128 : i32
    %dma_start3A_658 = arith.constant 18 : i32
    %dma_start3A_659 = tpu.memref_slice %arg3[%dma_start3A_658, %multiple_of3A_657] : memref<128x32768xf32, #tpu.memory_space<any>> -> memref<1x128xf32, #tpu.memory_space<any>>
    %dma_start3A_660 = arith.constant 18 : i32
    %dma_start3A_661 = arith.constant 0 : i32
    %dma_start3A_662 = tpu.memref_slice %arg4[%dma_start3A_660, %dma_start3A_661] : memref<128x128xf32, #tpu.memory_space<vmem>> -> memref<1x128xf32, #tpu.memory_space<vmem>>
    tpu.enqueue_dma source(%dma_start3A_662 : memref<1x128xf32, #tpu.memory_space<vmem>>) target(%dma_start3A_659 : memref<1x128xf32, #tpu.memory_space<any>>) target_semaphore(%arg5 : memref<!tpu.dma_semaphore, #tpu.memory_space<semaphore_mem>>)
    %get3A_663 = arith.constant 19 : index
    %get3A_664 = arith.constant 0 : index
    %get3A_665 = memref.load %arg0[%get3A_663, %get3A_664] : memref<128x1xi32, #tpu.memory_space<smem>>
    %jit3A_666 = arith.constant 128 : i32
    %div3A_667 = arith.divsi %get3A_665, %jit3A_666 : i32
    %sign3A_668 = arith.constant 0 : i32
    %sign3A_669 = arith.cmpi sgt, %get3A_665, %sign3A_668 : i32
    %sign3A_670 = arith.extui %sign3A_669 : i1 to i32
    %sign3A_671 = arith.constant 0 : i32
    %sign3A_672 = arith.cmpi slt, %get3A_665, %sign3A_671 : i32
    %sign3A_673 = arith.extui %sign3A_672 : i1 to i32
    %sign3A_674 = arith.subi %sign3A_670, %sign3A_673 : i32
    %sign3A_675 = arith.constant 0 : i32
    %sign3A_676 = arith.cmpi sgt, %jit3A_666, %sign3A_675 : i32
    %sign3A_677 = arith.extui %sign3A_676 : i1 to i32
    %sign3A_678 = arith.constant 0 : i32
    %sign3A_679 = arith.cmpi slt, %jit3A_666, %sign3A_678 : i32
    %sign3A_680 = arith.extui %sign3A_679 : i1 to i32
    %sign3A_681 = arith.subi %sign3A_677, %sign3A_680 : i32
    %ne3A_682 = arith.cmpi ne, %sign3A_674, %sign3A_681 : i32
    %rem3A_683 = arith.remsi %get3A_665, %jit3A_666 : i32
    %ne3A_684 = arith.constant 0 : i32
    %ne3A_685 = arith.cmpi ne, %rem3A_683, %ne3A_684 : i32
    %and3A_686 = arith.andi %ne3A_682, %ne3A_685 : i1
    %sub3A_687 = arith.constant 1 : i32
    %sub3A_688 = arith.subi %div3A_667, %sub3A_687 : i32
    %select_n3A_689 = arith.select %and3A_686, %sub3A_688, %div3A_667 : i32
    %mul3A_690 = arith.constant 128 : i32
    %mul3A_691 = arith.muli %select_n3A_689, %mul3A_690 : i32
    %multiple_of3A_692 = tpu.assume_multiple %mul3A_691, 128 : i32
    %dma_start3A_693 = arith.constant 19 : i32
    %dma_start3A_694 = tpu.memref_slice %arg3[%dma_start3A_693, %multiple_of3A_692] : memref<128x32768xf32, #tpu.memory_space<any>> -> memref<1x128xf32, #tpu.memory_space<any>>
    %dma_start3A_695 = arith.constant 19 : i32
    %dma_start3A_696 = arith.constant 0 : i32
    %dma_start3A_697 = tpu.memref_slice %arg4[%dma_start3A_695, %dma_start3A_696] : memref<128x128xf32, #tpu.memory_space<vmem>> -> memref<1x128xf32, #tpu.memory_space<vmem>>
    tpu.enqueue_dma source(%dma_start3A_697 : memref<1x128xf32, #tpu.memory_space<vmem>>) target(%dma_start3A_694 : memref<1x128xf32, #tpu.memory_space<any>>) target_semaphore(%arg5 : memref<!tpu.dma_semaphore, #tpu.memory_space<semaphore_mem>>)
    %get3A_698 = arith.constant 20 : index
    %get3A_699 = arith.constant 0 : index
    %get3A_700 = memref.load %arg0[%get3A_698, %get3A_699] : memref<128x1xi32, #tpu.memory_space<smem>>
    %jit3A_701 = arith.constant 128 : i32
    %div3A_702 = arith.divsi %get3A_700, %jit3A_701 : i32
    %sign3A_703 = arith.constant 0 : i32
    %sign3A_704 = arith.cmpi sgt, %get3A_700, %sign3A_703 : i32
    %sign3A_705 = arith.extui %sign3A_704 : i1 to i32
    %sign3A_706 = arith.constant 0 : i32
    %sign3A_707 = arith.cmpi slt, %get3A_700, %sign3A_706 : i32
    %sign3A_708 = arith.extui %sign3A_707 : i1 to i32
    %sign3A_709 = arith.subi %sign3A_705, %sign3A_708 : i32
    %sign3A_710 = arith.constant 0 : i32
    %sign3A_711 = arith.cmpi sgt, %jit3A_701, %sign3A_710 : i32
    %sign3A_712 = arith.extui %sign3A_711 : i1 to i32
    %sign3A_713 = arith.constant 0 : i32
    %sign3A_714 = arith.cmpi slt, %jit3A_701, %sign3A_713 : i32
    %sign3A_715 = arith.extui %sign3A_714 : i1 to i32
    %sign3A_716 = arith.subi %sign3A_712, %sign3A_715 : i32
    %ne3A_717 = arith.cmpi ne, %sign3A_709, %sign3A_716 : i32
    %rem3A_718 = arith.remsi %get3A_700, %jit3A_701 : i32
    %ne3A_719 = arith.constant 0 : i32
    %ne3A_720 = arith.cmpi ne, %rem3A_718, %ne3A_719 : i32
    %and3A_721 = arith.andi %ne3A_717, %ne3A_720 : i1
    %sub3A_722 = arith.constant 1 : i32
    %sub3A_723 = arith.subi %div3A_702, %sub3A_722 : i32
    %select_n3A_724 = arith.select %and3A_721, %sub3A_723, %div3A_702 : i32
    %mul3A_725 = arith.constant 128 : i32
    %mul3A_726 = arith.muli %select_n3A_724, %mul3A_725 : i32
    %multiple_of3A_727 = tpu.assume_multiple %mul3A_726, 128 : i32
    %dma_start3A_728 = arith.constant 20 : i32
    %dma_start3A_729 = tpu.memref_slice %arg3[%dma_start3A_728, %multiple_of3A_727] : memref<128x32768xf32, #tpu.memory_space<any>> -> memref<1x128xf32, #tpu.memory_space<any>>
    %dma_start3A_730 = arith.constant 20 : i32
    %dma_start3A_731 = arith.constant 0 : i32
    %dma_start3A_732 = tpu.memref_slice %arg4[%dma_start3A_730, %dma_start3A_731] : memref<128x128xf32, #tpu.memory_space<vmem>> -> memref<1x128xf32, #tpu.memory_space<vmem>>
    tpu.enqueue_dma source(%dma_start3A_732 : memref<1x128xf32, #tpu.memory_space<vmem>>) target(%dma_start3A_729 : memref<1x128xf32, #tpu.memory_space<any>>) target_semaphore(%arg5 : memref<!tpu.dma_semaphore, #tpu.memory_space<semaphore_mem>>)
    %get3A_733 = arith.constant 21 : index
    %get3A_734 = arith.constant 0 : index
    %get3A_735 = memref.load %arg0[%get3A_733, %get3A_734] : memref<128x1xi32, #tpu.memory_space<smem>>
    %jit3A_736 = arith.constant 128 : i32
    %div3A_737 = arith.divsi %get3A_735, %jit3A_736 : i32
    %sign3A_738 = arith.constant 0 : i32
    %sign3A_739 = arith.cmpi sgt, %get3A_735, %sign3A_738 : i32
    %sign3A_740 = arith.extui %sign3A_739 : i1 to i32
    %sign3A_741 = arith.constant 0 : i32
    %sign3A_742 = arith.cmpi slt, %get3A_735, %sign3A_741 : i32
    %sign3A_743 = arith.extui %sign3A_742 : i1 to i32
    %sign3A_744 = arith.subi %sign3A_740, %sign3A_743 : i32
    %sign3A_745 = arith.constant 0 : i32
    %sign3A_746 = arith.cmpi sgt, %jit3A_736, %sign3A_745 : i32
    %sign3A_747 = arith.extui %sign3A_746 : i1 to i32
    %sign3A_748 = arith.constant 0 : i32
    %sign3A_749 = arith.cmpi slt, %jit3A_736, %sign3A_748 : i32
    %sign3A_750 = arith.extui %sign3A_749 : i1 to i32
    %sign3A_751 = arith.subi %sign3A_747, %sign3A_750 : i32
    %ne3A_752 = arith.cmpi ne, %sign3A_744, %sign3A_751 : i32
    %rem3A_753 = arith.remsi %get3A_735, %jit3A_736 : i32
    %ne3A_754 = arith.constant 0 : i32
    %ne3A_755 = arith.cmpi ne, %rem3A_753, %ne3A_754 : i32
    %and3A_756 = arith.andi %ne3A_752, %ne3A_755 : i1
    %sub3A_757 = arith.constant 1 : i32
    %sub3A_758 = arith.subi %div3A_737, %sub3A_757 : i32
    %select_n3A_759 = arith.select %and3A_756, %sub3A_758, %div3A_737 : i32
    %mul3A_760 = arith.constant 128 : i32
    %mul3A_761 = arith.muli %select_n3A_759, %mul3A_760 : i32
    %multiple_of3A_762 = tpu.assume_multiple %mul3A_761, 128 : i32
    %dma_start3A_763 = arith.constant 21 : i32
    %dma_start3A_764 = tpu.memref_slice %arg3[%dma_start3A_763, %multiple_of3A_762] : memref<128x32768xf32, #tpu.memory_space<any>> -> memref<1x128xf32, #tpu.memory_space<any>>
    %dma_start3A_765 = arith.constant 21 : i32
    %dma_start3A_766 = arith.constant 0 : i32
    %dma_start3A_767 = tpu.memref_slice %arg4[%dma_start3A_765, %dma_start3A_766] : memref<128x128xf32, #tpu.memory_space<vmem>> -> memref<1x128xf32, #tpu.memory_space<vmem>>
    tpu.enqueue_dma source(%dma_start3A_767 : memref<1x128xf32, #tpu.memory_space<vmem>>) target(%dma_start3A_764 : memref<1x128xf32, #tpu.memory_space<any>>) target_semaphore(%arg5 : memref<!tpu.dma_semaphore, #tpu.memory_space<semaphore_mem>>)
    %get3A_768 = arith.constant 22 : index
    %get3A_769 = arith.constant 0 : index
    %get3A_770 = memref.load %arg0[%get3A_768, %get3A_769] : memref<128x1xi32, #tpu.memory_space<smem>>
    %jit3A_771 = arith.constant 128 : i32
    %div3A_772 = arith.divsi %get3A_770, %jit3A_771 : i32
    %sign3A_773 = arith.constant 0 : i32
    %sign3A_774 = arith.cmpi sgt, %get3A_770, %sign3A_773 : i32
    %sign3A_775 = arith.extui %sign3A_774 : i1 to i32
    %sign3A_776 = arith.constant 0 : i32
    %sign3A_777 = arith.cmpi slt, %get3A_770, %sign3A_776 : i32
    %sign3A_778 = arith.extui %sign3A_777 : i1 to i32
    %sign3A_779 = arith.subi %sign3A_775, %sign3A_778 : i32
    %sign3A_780 = arith.constant 0 : i32
    %sign3A_781 = arith.cmpi sgt, %jit3A_771, %sign3A_780 : i32
    %sign3A_782 = arith.extui %sign3A_781 : i1 to i32
    %sign3A_783 = arith.constant 0 : i32
    %sign3A_784 = arith.cmpi slt, %jit3A_771, %sign3A_783 : i32
    %sign3A_785 = arith.extui %sign3A_784 : i1 to i32
    %sign3A_786 = arith.subi %sign3A_782, %sign3A_785 : i32
    %ne3A_787 = arith.cmpi ne, %sign3A_779, %sign3A_786 : i32
    %rem3A_788 = arith.remsi %get3A_770, %jit3A_771 : i32
    %ne3A_789 = arith.constant 0 : i32
    %ne3A_790 = arith.cmpi ne, %rem3A_788, %ne3A_789 : i32
    %and3A_791 = arith.andi %ne3A_787, %ne3A_790 : i1
    %sub3A_792 = arith.constant 1 : i32
    %sub3A_793 = arith.subi %div3A_772, %sub3A_792 : i32
    %select_n3A_794 = arith.select %and3A_791, %sub3A_793, %div3A_772 : i32
    %mul3A_795 = arith.constant 128 : i32
    %mul3A_796 = arith.muli %select_n3A_794, %mul3A_795 : i32
    %multiple_of3A_797 = tpu.assume_multiple %mul3A_796, 128 : i32
    %dma_start3A_798 = arith.constant 22 : i32
    %dma_start3A_799 = tpu.memref_slice %arg3[%dma_start3A_798, %multiple_of3A_797] : memref<128x32768xf32, #tpu.memory_space<any>> -> memref<1x128xf32, #tpu.memory_space<any>>
    %dma_start3A_800 = arith.constant 22 : i32
    %dma_start3A_801 = arith.constant 0 : i32
    %dma_start3A_802 = tpu.memref_slice %arg4[%dma_start3A_800, %dma_start3A_801] : memref<128x128xf32, #tpu.memory_space<vmem>> -> memref<1x128xf32, #tpu.memory_space<vmem>>
    tpu.enqueue_dma source(%dma_start3A_802 : memref<1x128xf32, #tpu.memory_space<vmem>>) target(%dma_start3A_799 : memref<1x128xf32, #tpu.memory_space<any>>) target_semaphore(%arg5 : memref<!tpu.dma_semaphore, #tpu.memory_space<semaphore_mem>>)
    %get3A_803 = arith.constant 23 : index
    %get3A_804 = arith.constant 0 : index
    %get3A_805 = memref.load %arg0[%get3A_803, %get3A_804] : memref<128x1xi32, #tpu.memory_space<smem>>
    %jit3A_806 = arith.constant 128 : i32
    %div3A_807 = arith.divsi %get3A_805, %jit3A_806 : i32
    %sign3A_808 = arith.constant 0 : i32
    %sign3A_809 = arith.cmpi sgt, %get3A_805, %sign3A_808 : i32
    %sign3A_810 = arith.extui %sign3A_809 : i1 to i32
    %sign3A_811 = arith.constant 0 : i32
    %sign3A_812 = arith.cmpi slt, %get3A_805, %sign3A_811 : i32
    %sign3A_813 = arith.extui %sign3A_812 : i1 to i32
    %sign3A_814 = arith.subi %sign3A_810, %sign3A_813 : i32
    %sign3A_815 = arith.constant 0 : i32
    %sign3A_816 = arith.cmpi sgt, %jit3A_806, %sign3A_815 : i32
    %sign3A_817 = arith.extui %sign3A_816 : i1 to i32
    %sign3A_818 = arith.constant 0 : i32
    %sign3A_819 = arith.cmpi slt, %jit3A_806, %sign3A_818 : i32
    %sign3A_820 = arith.extui %sign3A_819 : i1 to i32
    %sign3A_821 = arith.subi %sign3A_817, %sign3A_820 : i32
    %ne3A_822 = arith.cmpi ne, %sign3A_814, %sign3A_821 : i32
    %rem3A_823 = arith.remsi %get3A_805, %jit3A_806 : i32
    %ne3A_824 = arith.constant 0 : i32
    %ne3A_825 = arith.cmpi ne, %rem3A_823, %ne3A_824 : i32
    %and3A_826 = arith.andi %ne3A_822, %ne3A_825 : i1
    %sub3A_827 = arith.constant 1 : i32
    %sub3A_828 = arith.subi %div3A_807, %sub3A_827 : i32
    %select_n3A_829 = arith.select %and3A_826, %sub3A_828, %div3A_807 : i32
    %mul3A_830 = arith.constant 128 : i32
    %mul3A_831 = arith.muli %select_n3A_829, %mul3A_830 : i32
    %multiple_of3A_832 = tpu.assume_multiple %mul3A_831, 128 : i32
    %dma_start3A_833 = arith.constant 23 : i32
    %dma_start3A_834 = tpu.memref_slice %arg3[%dma_start3A_833, %multiple_of3A_832] : memref<128x32768xf32, #tpu.memory_space<any>> -> memref<1x128xf32, #tpu.memory_space<any>>
    %dma_start3A_835 = arith.constant 23 : i32
    %dma_start3A_836 = arith.constant 0 : i32
    %dma_start3A_837 = tpu.memref_slice %arg4[%dma_start3A_835, %dma_start3A_836] : memref<128x128xf32, #tpu.memory_space<vmem>> -> memref<1x128xf32, #tpu.memory_space<vmem>>
    tpu.enqueue_dma source(%dma_start3A_837 : memref<1x128xf32, #tpu.memory_space<vmem>>) target(%dma_start3A_834 : memref<1x128xf32, #tpu.memory_space<any>>) target_semaphore(%arg5 : memref<!tpu.dma_semaphore, #tpu.memory_space<semaphore_mem>>)
    %get3A_838 = arith.constant 24 : index
    %get3A_839 = arith.constant 0 : index
    %get3A_840 = memref.load %arg0[%get3A_838, %get3A_839] : memref<128x1xi32, #tpu.memory_space<smem>>
    %jit3A_841 = arith.constant 128 : i32
    %div3A_842 = arith.divsi %get3A_840, %jit3A_841 : i32
    %sign3A_843 = arith.constant 0 : i32
    %sign3A_844 = arith.cmpi sgt, %get3A_840, %sign3A_843 : i32
    %sign3A_845 = arith.extui %sign3A_844 : i1 to i32
    %sign3A_846 = arith.constant 0 : i32
    %sign3A_847 = arith.cmpi slt, %get3A_840, %sign3A_846 : i32
    %sign3A_848 = arith.extui %sign3A_847 : i1 to i32
    %sign3A_849 = arith.subi %sign3A_845, %sign3A_848 : i32
    %sign3A_850 = arith.constant 0 : i32
    %sign3A_851 = arith.cmpi sgt, %jit3A_841, %sign3A_850 : i32
    %sign3A_852 = arith.extui %sign3A_851 : i1 to i32
    %sign3A_853 = arith.constant 0 : i32
    %sign3A_854 = arith.cmpi slt, %jit3A_841, %sign3A_853 : i32
    %sign3A_855 = arith.extui %sign3A_854 : i1 to i32
    %sign3A_856 = arith.subi %sign3A_852, %sign3A_855 : i32
    %ne3A_857 = arith.cmpi ne, %sign3A_849, %sign3A_856 : i32
    %rem3A_858 = arith.remsi %get3A_840, %jit3A_841 : i32
    %ne3A_859 = arith.constant 0 : i32
    %ne3A_860 = arith.cmpi ne, %rem3A_858, %ne3A_859 : i32
    %and3A_861 = arith.andi %ne3A_857, %ne3A_860 : i1
    %sub3A_862 = arith.constant 1 : i32
    %sub3A_863 = arith.subi %div3A_842, %sub3A_862 : i32
    %select_n3A_864 = arith.select %and3A_861, %sub3A_863, %div3A_842 : i32
    %mul3A_865 = arith.constant 128 : i32
    %mul3A_866 = arith.muli %select_n3A_864, %mul3A_865 : i32
    %multiple_of3A_867 = tpu.assume_multiple %mul3A_866, 128 : i32
    %dma_start3A_868 = arith.constant 24 : i32
    %dma_start3A_869 = tpu.memref_slice %arg3[%dma_start3A_868, %multiple_of3A_867] : memref<128x32768xf32, #tpu.memory_space<any>> -> memref<1x128xf32, #tpu.memory_space<any>>
    %dma_start3A_870 = arith.constant 24 : i32
    %dma_start3A_871 = arith.constant 0 : i32
    %dma_start3A_872 = tpu.memref_slice %arg4[%dma_start3A_870, %dma_start3A_871] : memref<128x128xf32, #tpu.memory_space<vmem>> -> memref<1x128xf32, #tpu.memory_space<vmem>>
    tpu.enqueue_dma source(%dma_start3A_872 : memref<1x128xf32, #tpu.memory_space<vmem>>) target(%dma_start3A_869 : memref<1x128xf32, #tpu.memory_space<any>>) target_semaphore(%arg5 : memref<!tpu.dma_semaphore, #tpu.memory_space<semaphore_mem>>)
    %get3A_873 = arith.constant 25 : index
    %get3A_874 = arith.constant 0 : index
    %get3A_875 = memref.load %arg0[%get3A_873, %get3A_874] : memref<128x1xi32, #tpu.memory_space<smem>>
    %jit3A_876 = arith.constant 128 : i32
    %div3A_877 = arith.divsi %get3A_875, %jit3A_876 : i32
    %sign3A_878 = arith.constant 0 : i32
    %sign3A_879 = arith.cmpi sgt, %get3A_875, %sign3A_878 : i32
    %sign3A_880 = arith.extui %sign3A_879 : i1 to i32
    %sign3A_881 = arith.constant 0 : i32
    %sign3A_882 = arith.cmpi slt, %get3A_875, %sign3A_881 : i32
    %sign3A_883 = arith.extui %sign3A_882 : i1 to i32
    %sign3A_884 = arith.subi %sign3A_880, %sign3A_883 : i32
    %sign3A_885 = arith.constant 0 : i32
    %sign3A_886 = arith.cmpi sgt, %jit3A_876, %sign3A_885 : i32
    %sign3A_887 = arith.extui %sign3A_886 : i1 to i32
    %sign3A_888 = arith.constant 0 : i32
    %sign3A_889 = arith.cmpi slt, %jit3A_876, %sign3A_888 : i32
    %sign3A_890 = arith.extui %sign3A_889 : i1 to i32
    %sign3A_891 = arith.subi %sign3A_887, %sign3A_890 : i32
    %ne3A_892 = arith.cmpi ne, %sign3A_884, %sign3A_891 : i32
    %rem3A_893 = arith.remsi %get3A_875, %jit3A_876 : i32
    %ne3A_894 = arith.constant 0 : i32
    %ne3A_895 = arith.cmpi ne, %rem3A_893, %ne3A_894 : i32
    %and3A_896 = arith.andi %ne3A_892, %ne3A_895 : i1
    %sub3A_897 = arith.constant 1 : i32
    %sub3A_898 = arith.subi %div3A_877, %sub3A_897 : i32
    %select_n3A_899 = arith.select %and3A_896, %sub3A_898, %div3A_877 : i32
    %mul3A_900 = arith.constant 128 : i32
    %mul3A_901 = arith.muli %select_n3A_899, %mul3A_900 : i32
    %multiple_of3A_902 = tpu.assume_multiple %mul3A_901, 128 : i32
    %dma_start3A_903 = arith.constant 25 : i32
    %dma_start3A_904 = tpu.memref_slice %arg3[%dma_start3A_903, %multiple_of3A_902] : memref<128x32768xf32, #tpu.memory_space<any>> -> memref<1x128xf32, #tpu.memory_space<any>>
    %dma_start3A_905 = arith.constant 25 : i32
    %dma_start3A_906 = arith.constant 0 : i32
    %dma_start3A_907 = tpu.memref_slice %arg4[%dma_start3A_905, %dma_start3A_906] : memref<128x128xf32, #tpu.memory_space<vmem>> -> memref<1x128xf32, #tpu.memory_space<vmem>>
    tpu.enqueue_dma source(%dma_start3A_907 : memref<1x128xf32, #tpu.memory_space<vmem>>) target(%dma_start3A_904 : memref<1x128xf32, #tpu.memory_space<any>>) target_semaphore(%arg5 : memref<!tpu.dma_semaphore, #tpu.memory_space<semaphore_mem>>)
    %get3A_908 = arith.constant 26 : index
    %get3A_909 = arith.constant 0 : index
    %get3A_910 = memref.load %arg0[%get3A_908, %get3A_909] : memref<128x1xi32, #tpu.memory_space<smem>>
    %jit3A_911 = arith.constant 128 : i32
    %div3A_912 = arith.divsi %get3A_910, %jit3A_911 : i32
    %sign3A_913 = arith.constant 0 : i32
    %sign3A_914 = arith.cmpi sgt, %get3A_910, %sign3A_913 : i32
    %sign3A_915 = arith.extui %sign3A_914 : i1 to i32
    %sign3A_916 = arith.constant 0 : i32
    %sign3A_917 = arith.cmpi slt, %get3A_910, %sign3A_916 : i32
    %sign3A_918 = arith.extui %sign3A_917 : i1 to i32
    %sign3A_919 = arith.subi %sign3A_915, %sign3A_918 : i32
    %sign3A_920 = arith.constant 0 : i32
    %sign3A_921 = arith.cmpi sgt, %jit3A_911, %sign3A_920 : i32
    %sign3A_922 = arith.extui %sign3A_921 : i1 to i32
    %sign3A_923 = arith.constant 0 : i32
    %sign3A_924 = arith.cmpi slt, %jit3A_911, %sign3A_923 : i32
    %sign3A_925 = arith.extui %sign3A_924 : i1 to i32
    %sign3A_926 = arith.subi %sign3A_922, %sign3A_925 : i32
    %ne3A_927 = arith.cmpi ne, %sign3A_919, %sign3A_926 : i32
    %rem3A_928 = arith.remsi %get3A_910, %jit3A_911 : i32
    %ne3A_929 = arith.constant 0 : i32
    %ne3A_930 = arith.cmpi ne, %rem3A_928, %ne3A_929 : i32
    %and3A_931 = arith.andi %ne3A_927, %ne3A_930 : i1
    %sub3A_932 = arith.constant 1 : i32
    %sub3A_933 = arith.subi %div3A_912, %sub3A_932 : i32
    %select_n3A_934 = arith.select %and3A_931, %sub3A_933, %div3A_912 : i32
    %mul3A_935 = arith.constant 128 : i32
    %mul3A_936 = arith.muli %select_n3A_934, %mul3A_935 : i32
    %multiple_of3A_937 = tpu.assume_multiple %mul3A_936, 128 : i32
    %dma_start3A_938 = arith.constant 26 : i32
    %dma_start3A_939 = tpu.memref_slice %arg3[%dma_start3A_938, %multiple_of3A_937] : memref<128x32768xf32, #tpu.memory_space<any>> -> memref<1x128xf32, #tpu.memory_space<any>>
    %dma_start3A_940 = arith.constant 26 : i32
    %dma_start3A_941 = arith.constant 0 : i32
    %dma_start3A_942 = tpu.memref_slice %arg4[%dma_start3A_940, %dma_start3A_941] : memref<128x128xf32, #tpu.memory_space<vmem>> -> memref<1x128xf32, #tpu.memory_space<vmem>>
    tpu.enqueue_dma source(%dma_start3A_942 : memref<1x128xf32, #tpu.memory_space<vmem>>) target(%dma_start3A_939 : memref<1x128xf32, #tpu.memory_space<any>>) target_semaphore(%arg5 : memref<!tpu.dma_semaphore, #tpu.memory_space<semaphore_mem>>)
    %get3A_943 = arith.constant 27 : index
    %get3A_944 = arith.constant 0 : index
    %get3A_945 = memref.load %arg0[%get3A_943, %get3A_944] : memref<128x1xi32, #tpu.memory_space<smem>>
    %jit3A_946 = arith.constant 128 : i32
    %div3A_947 = arith.divsi %get3A_945, %jit3A_946 : i32
    %sign3A_948 = arith.constant 0 : i32
    %sign3A_949 = arith.cmpi sgt, %get3A_945, %sign3A_948 : i32
    %sign3A_950 = arith.extui %sign3A_949 : i1 to i32
    %sign3A_951 = arith.constant 0 : i32
    %sign3A_952 = arith.cmpi slt, %get3A_945, %sign3A_951 : i32
    %sign3A_953 = arith.extui %sign3A_952 : i1 to i32
    %sign3A_954 = arith.subi %sign3A_950, %sign3A_953 : i32
    %sign3A_955 = arith.constant 0 : i32
    %sign3A_956 = arith.cmpi sgt, %jit3A_946, %sign3A_955 : i32
    %sign3A_957 = arith.extui %sign3A_956 : i1 to i32
    %sign3A_958 = arith.constant 0 : i32
    %sign3A_959 = arith.cmpi slt, %jit3A_946, %sign3A_958 : i32
    %sign3A_960 = arith.extui %sign3A_959 : i1 to i32
    %sign3A_961 = arith.subi %sign3A_957, %sign3A_960 : i32
    %ne3A_962 = arith.cmpi ne, %sign3A_954, %sign3A_961 : i32
    %rem3A_963 = arith.remsi %get3A_945, %jit3A_946 : i32
    %ne3A_964 = arith.constant 0 : i32
    %ne3A_965 = arith.cmpi ne, %rem3A_963, %ne3A_964 : i32
    %and3A_966 = arith.andi %ne3A_962, %ne3A_965 : i1
    %sub3A_967 = arith.constant 1 : i32
    %sub3A_968 = arith.subi %div3A_947, %sub3A_967 : i32
    %select_n3A_969 = arith.select %and3A_966, %sub3A_968, %div3A_947 : i32
    %mul3A_970 = arith.constant 128 : i32
    %mul3A_971 = arith.muli %select_n3A_969, %mul3A_970 : i32
    %multiple_of3A_972 = tpu.assume_multiple %mul3A_971, 128 : i32
    %dma_start3A_973 = arith.constant 27 : i32
    %dma_start3A_974 = tpu.memref_slice %arg3[%dma_start3A_973, %multiple_of3A_972] : memref<128x32768xf32, #tpu.memory_space<any>> -> memref<1x128xf32, #tpu.memory_space<any>>
    %dma_start3A_975 = arith.constant 27 : i32
    %dma_start3A_976 = arith.constant 0 : i32
    %dma_start3A_977 = tpu.memref_slice %arg4[%dma_start3A_975, %dma_start3A_976] : memref<128x128xf32, #tpu.memory_space<vmem>> -> memref<1x128xf32, #tpu.memory_space<vmem>>
    tpu.enqueue_dma source(%dma_start3A_977 : memref<1x128xf32, #tpu.memory_space<vmem>>) target(%dma_start3A_974 : memref<1x128xf32, #tpu.memory_space<any>>) target_semaphore(%arg5 : memref<!tpu.dma_semaphore, #tpu.memory_space<semaphore_mem>>)
    %get3A_978 = arith.constant 28 : index
    %get3A_979 = arith.constant 0 : index
    %get3A_980 = memref.load %arg0[%get3A_978, %get3A_979] : memref<128x1xi32, #tpu.memory_space<smem>>
    %jit3A_981 = arith.constant 128 : i32
    %div3A_982 = arith.divsi %get3A_980, %jit3A_981 : i32
    %sign3A_983 = arith.constant 0 : i32
    %sign3A_984 = arith.cmpi sgt, %get3A_980, %sign3A_983 : i32
    %sign3A_985 = arith.extui %sign3A_984 : i1 to i32
    %sign3A_986 = arith.constant 0 : i32
    %sign3A_987 = arith.cmpi slt, %get3A_980, %sign3A_986 : i32
    %sign3A_988 = arith.extui %sign3A_987 : i1 to i32
    %sign3A_989 = arith.subi %sign3A_985, %sign3A_988 : i32
    %sign3A_990 = arith.constant 0 : i32
    %sign3A_991 = arith.cmpi sgt, %jit3A_981, %sign3A_990 : i32
    %sign3A_992 = arith.extui %sign3A_991 : i1 to i32
    %sign3A_993 = arith.constant 0 : i32
    %sign3A_994 = arith.cmpi slt, %jit3A_981, %sign3A_993 : i32
    %sign3A_995 = arith.extui %sign3A_994 : i1 to i32
    %sign3A_996 = arith.subi %sign3A_992, %sign3A_995 : i32
    %ne3A_997 = arith.cmpi ne, %sign3A_989, %sign3A_996 : i32
    %rem3A_998 = arith.remsi %get3A_980, %jit3A_981 : i32
    %ne3A_999 = arith.constant 0 : i32
    %ne3A_1000 = arith.cmpi ne, %rem3A_998, %ne3A_999 : i32
    %and3A_1001 = arith.andi %ne3A_997, %ne3A_1000 : i1
    %sub3A_1002 = arith.constant 1 : i32
    %sub3A_1003 = arith.subi %div3A_982, %sub3A_1002 : i32
    %select_n3A_1004 = arith.select %and3A_1001, %sub3A_1003, %div3A_982 : i32
    %mul3A_1005 = arith.constant 128 : i32
    %mul3A_1006 = arith.muli %select_n3A_1004, %mul3A_1005 : i32
    %multiple_of3A_1007 = tpu.assume_multiple %mul3A_1006, 128 : i32
    %dma_start3A_1008 = arith.constant 28 : i32
    %dma_start3A_1009 = tpu.memref_slice %arg3[%dma_start3A_1008, %multiple_of3A_1007] : memref<128x32768xf32, #tpu.memory_space<any>> -> memref<1x128xf32, #tpu.memory_space<any>>
    %dma_start3A_1010 = arith.constant 28 : i32
    %dma_start3A_1011 = arith.constant 0 : i32
    %dma_start3A_1012 = tpu.memref_slice %arg4[%dma_start3A_1010, %dma_start3A_1011] : memref<128x128xf32, #tpu.memory_space<vmem>> -> memref<1x128xf32, #tpu.memory_space<vmem>>
    tpu.enqueue_dma source(%dma_start3A_1012 : memref<1x128xf32, #tpu.memory_space<vmem>>) target(%dma_start3A_1009 : memref<1x128xf32, #tpu.memory_space<any>>) target_semaphore(%arg5 : memref<!tpu.dma_semaphore, #tpu.memory_space<semaphore_mem>>)
    %get3A_1013 = arith.constant 29 : index
    %get3A_1014 = arith.constant 0 : index
    %get3A_1015 = memref.load %arg0[%get3A_1013, %get3A_1014] : memref<128x1xi32, #tpu.memory_space<smem>>
    %jit3A_1016 = arith.constant 128 : i32
    %div3A_1017 = arith.divsi %get3A_1015, %jit3A_1016 : i32
    %sign3A_1018 = arith.constant 0 : i32
    %sign3A_1019 = arith.cmpi sgt, %get3A_1015, %sign3A_1018 : i32
    %sign3A_1020 = arith.extui %sign3A_1019 : i1 to i32
    %sign3A_1021 = arith.constant 0 : i32
    %sign3A_1022 = arith.cmpi slt, %get3A_1015, %sign3A_1021 : i32
    %sign3A_1023 = arith.extui %sign3A_1022 : i1 to i32
    %sign3A_1024 = arith.subi %sign3A_1020, %sign3A_1023 : i32
    %sign3A_1025 = arith.constant 0 : i32
    %sign3A_1026 = arith.cmpi sgt, %jit3A_1016, %sign3A_1025 : i32
    %sign3A_1027 = arith.extui %sign3A_1026 : i1 to i32
    %sign3A_1028 = arith.constant 0 : i32
    %sign3A_1029 = arith.cmpi slt, %jit3A_1016, %sign3A_1028 : i32
    %sign3A_1030 = arith.extui %sign3A_1029 : i1 to i32
    %sign3A_1031 = arith.subi %sign3A_1027, %sign3A_1030 : i32
    %ne3A_1032 = arith.cmpi ne, %sign3A_1024, %sign3A_1031 : i32
    %rem3A_1033 = arith.remsi %get3A_1015, %jit3A_1016 : i32
    %ne3A_1034 = arith.constant 0 : i32
    %ne3A_1035 = arith.cmpi ne, %rem3A_1033, %ne3A_1034 : i32
    %and3A_1036 = arith.andi %ne3A_1032, %ne3A_1035 : i1
    %sub3A_1037 = arith.constant 1 : i32
    %sub3A_1038 = arith.subi %div3A_1017, %sub3A_1037 : i32
    %select_n3A_1039 = arith.select %and3A_1036, %sub3A_1038, %div3A_1017 : i32
    %mul3A_1040 = arith.constant 128 : i32
    %mul3A_1041 = arith.muli %select_n3A_1039, %mul3A_1040 : i32
    %multiple_of3A_1042 = tpu.assume_multiple %mul3A_1041, 128 : i32
    %dma_start3A_1043 = arith.constant 29 : i32
    %dma_start3A_1044 = tpu.memref_slice %arg3[%dma_start3A_1043, %multiple_of3A_1042] : memref<128x32768xf32, #tpu.memory_space<any>> -> memref<1x128xf32, #tpu.memory_space<any>>
    %dma_start3A_1045 = arith.constant 29 : i32
    %dma_start3A_1046 = arith.constant 0 : i32
    %dma_start3A_1047 = tpu.memref_slice %arg4[%dma_start3A_1045, %dma_start3A_1046] : memref<128x128xf32, #tpu.memory_space<vmem>> -> memref<1x128xf32, #tpu.memory_space<vmem>>
    tpu.enqueue_dma source(%dma_start3A_1047 : memref<1x128xf32, #tpu.memory_space<vmem>>) target(%dma_start3A_1044 : memref<1x128xf32, #tpu.memory_space<any>>) target_semaphore(%arg5 : memref<!tpu.dma_semaphore, #tpu.memory_space<semaphore_mem>>)
    %get3A_1048 = arith.constant 30 : index
    %get3A_1049 = arith.constant 0 : index
    %get3A_1050 = memref.load %arg0[%get3A_1048, %get3A_1049] : memref<128x1xi32, #tpu.memory_space<smem>>
    %jit3A_1051 = arith.constant 128 : i32
    %div3A_1052 = arith.divsi %get3A_1050, %jit3A_1051 : i32
    %sign3A_1053 = arith.constant 0 : i32
    %sign3A_1054 = arith.cmpi sgt, %get3A_1050, %sign3A_1053 : i32
    %sign3A_1055 = arith.extui %sign3A_1054 : i1 to i32
    %sign3A_1056 = arith.constant 0 : i32
    %sign3A_1057 = arith.cmpi slt, %get3A_1050, %sign3A_1056 : i32
    %sign3A_1058 = arith.extui %sign3A_1057 : i1 to i32
    %sign3A_1059 = arith.subi %sign3A_1055, %sign3A_1058 : i32
    %sign3A_1060 = arith.constant 0 : i32
    %sign3A_1061 = arith.cmpi sgt, %jit3A_1051, %sign3A_1060 : i32
    %sign3A_1062 = arith.extui %sign3A_1061 : i1 to i32
    %sign3A_1063 = arith.constant 0 : i32
    %sign3A_1064 = arith.cmpi slt, %jit3A_1051, %sign3A_1063 : i32
    %sign3A_1065 = arith.extui %sign3A_1064 : i1 to i32
    %sign3A_1066 = arith.subi %sign3A_1062, %sign3A_1065 : i32
    %ne3A_1067 = arith.cmpi ne, %sign3A_1059, %sign3A_1066 : i32
    %rem3A_1068 = arith.remsi %get3A_1050, %jit3A_1051 : i32
    %ne3A_1069 = arith.constant 0 : i32
    %ne3A_1070 = arith.cmpi ne, %rem3A_1068, %ne3A_1069 : i32
    %and3A_1071 = arith.andi %ne3A_1067, %ne3A_1070 : i1
    %sub3A_1072 = arith.constant 1 : i32
    %sub3A_1073 = arith.subi %div3A_1052, %sub3A_1072 : i32
    %select_n3A_1074 = arith.select %and3A_1071, %sub3A_1073, %div3A_1052 : i32
    %mul3A_1075 = arith.constant 128 : i32
    %mul3A_1076 = arith.muli %select_n3A_1074, %mul3A_1075 : i32
    %multiple_of3A_1077 = tpu.assume_multiple %mul3A_1076, 128 : i32
    %dma_start3A_1078 = arith.constant 30 : i32
    %dma_start3A_1079 = tpu.memref_slice %arg3[%dma_start3A_1078, %multiple_of3A_1077] : memref<128x32768xf32, #tpu.memory_space<any>> -> memref<1x128xf32, #tpu.memory_space<any>>
    %dma_start3A_1080 = arith.constant 30 : i32
    %dma_start3A_1081 = arith.constant 0 : i32
    %dma_start3A_1082 = tpu.memref_slice %arg4[%dma_start3A_1080, %dma_start3A_1081] : memref<128x128xf32, #tpu.memory_space<vmem>> -> memref<1x128xf32, #tpu.memory_space<vmem>>
    tpu.enqueue_dma source(%dma_start3A_1082 : memref<1x128xf32, #tpu.memory_space<vmem>>) target(%dma_start3A_1079 : memref<1x128xf32, #tpu.memory_space<any>>) target_semaphore(%arg5 : memref<!tpu.dma_semaphore, #tpu.memory_space<semaphore_mem>>)
    %get3A_1083 = arith.constant 31 : index
    %get3A_1084 = arith.constant 0 : index
    %get3A_1085 = memref.load %arg0[%get3A_1083, %get3A_1084] : memref<128x1xi32, #tpu.memory_space<smem>>
    %jit3A_1086 = arith.constant 128 : i32
    %div3A_1087 = arith.divsi %get3A_1085, %jit3A_1086 : i32
    %sign3A_1088 = arith.constant 0 : i32
    %sign3A_1089 = arith.cmpi sgt, %get3A_1085, %sign3A_1088 : i32
    %sign3A_1090 = arith.extui %sign3A_1089 : i1 to i32
    %sign3A_1091 = arith.constant 0 : i32
    %sign3A_1092 = arith.cmpi slt, %get3A_1085, %sign3A_1091 : i32
    %sign3A_1093 = arith.extui %sign3A_1092 : i1 to i32
    %sign3A_1094 = arith.subi %sign3A_1090, %sign3A_1093 : i32
    %sign3A_1095 = arith.constant 0 : i32
    %sign3A_1096 = arith.cmpi sgt, %jit3A_1086, %sign3A_1095 : i32
    %sign3A_1097 = arith.extui %sign3A_1096 : i1 to i32
    %sign3A_1098 = arith.constant 0 : i32
    %sign3A_1099 = arith.cmpi slt, %jit3A_1086, %sign3A_1098 : i32
    %sign3A_1100 = arith.extui %sign3A_1099 : i1 to i32
    %sign3A_1101 = arith.subi %sign3A_1097, %sign3A_1100 : i32
    %ne3A_1102 = arith.cmpi ne, %sign3A_1094, %sign3A_1101 : i32
    %rem3A_1103 = arith.remsi %get3A_1085, %jit3A_1086 : i32
    %ne3A_1104 = arith.constant 0 : i32
    %ne3A_1105 = arith.cmpi ne, %rem3A_1103, %ne3A_1104 : i32
    %and3A_1106 = arith.andi %ne3A_1102, %ne3A_1105 : i1
    %sub3A_1107 = arith.constant 1 : i32
    %sub3A_1108 = arith.subi %div3A_1087, %sub3A_1107 : i32
    %select_n3A_1109 = arith.select %and3A_1106, %sub3A_1108, %div3A_1087 : i32
    %mul3A_1110 = arith.constant 128 : i32
    %mul3A_1111 = arith.muli %select_n3A_1109, %mul3A_1110 : i32
    %multiple_of3A_1112 = tpu.assume_multiple %mul3A_1111, 128 : i32
    %dma_start3A_1113 = arith.constant 31 : i32
    %dma_start3A_1114 = tpu.memref_slice %arg3[%dma_start3A_1113, %multiple_of3A_1112] : memref<128x32768xf32, #tpu.memory_space<any>> -> memref<1x128xf32, #tpu.memory_space<any>>
    %dma_start3A_1115 = arith.constant 31 : i32
    %dma_start3A_1116 = arith.constant 0 : i32
    %dma_start3A_1117 = tpu.memref_slice %arg4[%dma_start3A_1115, %dma_start3A_1116] : memref<128x128xf32, #tpu.memory_space<vmem>> -> memref<1x128xf32, #tpu.memory_space<vmem>>
    tpu.enqueue_dma source(%dma_start3A_1117 : memref<1x128xf32, #tpu.memory_space<vmem>>) target(%dma_start3A_1114 : memref<1x128xf32, #tpu.memory_space<any>>) target_semaphore(%arg5 : memref<!tpu.dma_semaphore, #tpu.memory_space<semaphore_mem>>)
    %get3A_1118 = arith.constant 32 : index
    %get3A_1119 = arith.constant 0 : index
    %get3A_1120 = memref.load %arg0[%get3A_1118, %get3A_1119] : memref<128x1xi32, #tpu.memory_space<smem>>
    %jit3A_1121 = arith.constant 128 : i32
    %div3A_1122 = arith.divsi %get3A_1120, %jit3A_1121 : i32
    %sign3A_1123 = arith.constant 0 : i32
    %sign3A_1124 = arith.cmpi sgt, %get3A_1120, %sign3A_1123 : i32
    %sign3A_1125 = arith.extui %sign3A_1124 : i1 to i32
    %sign3A_1126 = arith.constant 0 : i32
    %sign3A_1127 = arith.cmpi slt, %get3A_1120, %sign3A_1126 : i32
    %sign3A_1128 = arith.extui %sign3A_1127 : i1 to i32
    %sign3A_1129 = arith.subi %sign3A_1125, %sign3A_1128 : i32
    %sign3A_1130 = arith.constant 0 : i32
    %sign3A_1131 = arith.cmpi sgt, %jit3A_1121, %sign3A_1130 : i32
    %sign3A_1132 = arith.extui %sign3A_1131 : i1 to i32
    %sign3A_1133 = arith.constant 0 : i32
    %sign3A_1134 = arith.cmpi slt, %jit3A_1121, %sign3A_1133 : i32
    %sign3A_1135 = arith.extui %sign3A_1134 : i1 to i32
    %sign3A_1136 = arith.subi %sign3A_1132, %sign3A_1135 : i32
    %ne3A_1137 = arith.cmpi ne, %sign3A_1129, %sign3A_1136 : i32
    %rem3A_1138 = arith.remsi %get3A_1120, %jit3A_1121 : i32
    %ne3A_1139 = arith.constant 0 : i32
    %ne3A_1140 = arith.cmpi ne, %rem3A_1138, %ne3A_1139 : i32
    %and3A_1141 = arith.andi %ne3A_1137, %ne3A_1140 : i1
    %sub3A_1142 = arith.constant 1 : i32
    %sub3A_1143 = arith.subi %div3A_1122, %sub3A_1142 : i32
    %select_n3A_1144 = arith.select %and3A_1141, %sub3A_1143, %div3A_1122 : i32
    %mul3A_1145 = arith.constant 128 : i32
    %mul3A_1146 = arith.muli %select_n3A_1144, %mul3A_1145 : i32
    %multiple_of3A_1147 = tpu.assume_multiple %mul3A_1146, 128 : i32
    %dma_start3A_1148 = arith.constant 32 : i32
    %dma_start3A_1149 = tpu.memref_slice %arg3[%dma_start3A_1148, %multiple_of3A_1147] : memref<128x32768xf32, #tpu.memory_space<any>> -> memref<1x128xf32, #tpu.memory_space<any>>
    %dma_start3A_1150 = arith.constant 32 : i32
    %dma_start3A_1151 = arith.constant 0 : i32
    %dma_start3A_1152 = tpu.memref_slice %arg4[%dma_start3A_1150, %dma_start3A_1151] : memref<128x128xf32, #tpu.memory_space<vmem>> -> memref<1x128xf32, #tpu.memory_space<vmem>>
    tpu.enqueue_dma source(%dma_start3A_1152 : memref<1x128xf32, #tpu.memory_space<vmem>>) target(%dma_start3A_1149 : memref<1x128xf32, #tpu.memory_space<any>>) target_semaphore(%arg5 : memref<!tpu.dma_semaphore, #tpu.memory_space<semaphore_mem>>)
    %get3A_1153 = arith.constant 33 : index
    %get3A_1154 = arith.constant 0 : index
    %get3A_1155 = memref.load %arg0[%get3A_1153, %get3A_1154] : memref<128x1xi32, #tpu.memory_space<smem>>
    %jit3A_1156 = arith.constant 128 : i32
    %div3A_1157 = arith.divsi %get3A_1155, %jit3A_1156 : i32
    %sign3A_1158 = arith.constant 0 : i32
    %sign3A_1159 = arith.cmpi sgt, %get3A_1155, %sign3A_1158 : i32
    %sign3A_1160 = arith.extui %sign3A_1159 : i1 to i32
    %sign3A_1161 = arith.constant 0 : i32
    %sign3A_1162 = arith.cmpi slt, %get3A_1155, %sign3A_1161 : i32
    %sign3A_1163 = arith.extui %sign3A_1162 : i1 to i32
    %sign3A_1164 = arith.subi %sign3A_1160, %sign3A_1163 : i32
    %sign3A_1165 = arith.constant 0 : i32
    %sign3A_1166 = arith.cmpi sgt, %jit3A_1156, %sign3A_1165 : i32
    %sign3A_1167 = arith.extui %sign3A_1166 : i1 to i32
    %sign3A_1168 = arith.constant 0 : i32
    %sign3A_1169 = arith.cmpi slt, %jit3A_1156, %sign3A_1168 : i32
    %sign3A_1170 = arith.extui %sign3A_1169 : i1 to i32
    %sign3A_1171 = arith.subi %sign3A_1167, %sign3A_1170 : i32
    %ne3A_1172 = arith.cmpi ne, %sign3A_1164, %sign3A_1171 : i32
    %rem3A_1173 = arith.remsi %get3A_1155, %jit3A_1156 : i32
    %ne3A_1174 = arith.constant 0 : i32
    %ne3A_1175 = arith.cmpi ne, %rem3A_1173, %ne3A_1174 : i32
    %and3A_1176 = arith.andi %ne3A_1172, %ne3A_1175 : i1
    %sub3A_1177 = arith.constant 1 : i32
    %sub3A_1178 = arith.subi %div3A_1157, %sub3A_1177 : i32
    %select_n3A_1179 = arith.select %and3A_1176, %sub3A_1178, %div3A_1157 : i32
    %mul3A_1180 = arith.constant 128 : i32
    %mul3A_1181 = arith.muli %select_n3A_1179, %mul3A_1180 : i32
    %multiple_of3A_1182 = tpu.assume_multiple %mul3A_1181, 128 : i32
    %dma_start3A_1183 = arith.constant 33 : i32
    %dma_start3A_1184 = tpu.memref_slice %arg3[%dma_start3A_1183, %multiple_of3A_1182] : memref<128x32768xf32, #tpu.memory_space<any>> -> memref<1x128xf32, #tpu.memory_space<any>>
    %dma_start3A_1185 = arith.constant 33 : i32
    %dma_start3A_1186 = arith.constant 0 : i32
    %dma_start3A_1187 = tpu.memref_slice %arg4[%dma_start3A_1185, %dma_start3A_1186] : memref<128x128xf32, #tpu.memory_space<vmem>> -> memref<1x128xf32, #tpu.memory_space<vmem>>
    tpu.enqueue_dma source(%dma_start3A_1187 : memref<1x128xf32, #tpu.memory_space<vmem>>) target(%dma_start3A_1184 : memref<1x128xf32, #tpu.memory_space<any>>) target_semaphore(%arg5 : memref<!tpu.dma_semaphore, #tpu.memory_space<semaphore_mem>>)
    %get3A_1188 = arith.constant 34 : index
    %get3A_1189 = arith.constant 0 : index
    %get3A_1190 = memref.load %arg0[%get3A_1188, %get3A_1189] : memref<128x1xi32, #tpu.memory_space<smem>>
    %jit3A_1191 = arith.constant 128 : i32
    %div3A_1192 = arith.divsi %get3A_1190, %jit3A_1191 : i32
    %sign3A_1193 = arith.constant 0 : i32
    %sign3A_1194 = arith.cmpi sgt, %get3A_1190, %sign3A_1193 : i32
    %sign3A_1195 = arith.extui %sign3A_1194 : i1 to i32
    %sign3A_1196 = arith.constant 0 : i32
    %sign3A_1197 = arith.cmpi slt, %get3A_1190, %sign3A_1196 : i32
    %sign3A_1198 = arith.extui %sign3A_1197 : i1 to i32
    %sign3A_1199 = arith.subi %sign3A_1195, %sign3A_1198 : i32
    %sign3A_1200 = arith.constant 0 : i32
    %sign3A_1201 = arith.cmpi sgt, %jit3A_1191, %sign3A_1200 : i32
    %sign3A_1202 = arith.extui %sign3A_1201 : i1 to i32
    %sign3A_1203 = arith.constant 0 : i32
    %sign3A_1204 = arith.cmpi slt, %jit3A_1191, %sign3A_1203 : i32
    %sign3A_1205 = arith.extui %sign3A_1204 : i1 to i32
    %sign3A_1206 = arith.subi %sign3A_1202, %sign3A_1205 : i32
    %ne3A_1207 = arith.cmpi ne, %sign3A_1199, %sign3A_1206 : i32
    %rem3A_1208 = arith.remsi %get3A_1190, %jit3A_1191 : i32
    %ne3A_1209 = arith.constant 0 : i32
    %ne3A_1210 = arith.cmpi ne, %rem3A_1208, %ne3A_1209 : i32
    %and3A_1211 = arith.andi %ne3A_1207, %ne3A_1210 : i1
    %sub3A_1212 = arith.constant 1 : i32
    %sub3A_1213 = arith.subi %div3A_1192, %sub3A_1212 : i32
    %select_n3A_1214 = arith.select %and3A_1211, %sub3A_1213, %div3A_1192 : i32
    %mul3A_1215 = arith.constant 128 : i32
    %mul3A_1216 = arith.muli %select_n3A_1214, %mul3A_1215 : i32
    %multiple_of3A_1217 = tpu.assume_multiple %mul3A_1216, 128 : i32
    %dma_start3A_1218 = arith.constant 34 : i32
    %dma_start3A_1219 = tpu.memref_slice %arg3[%dma_start3A_1218, %multiple_of3A_1217] : memref<128x32768xf32, #tpu.memory_space<any>> -> memref<1x128xf32, #tpu.memory_space<any>>
    %dma_start3A_1220 = arith.constant 34 : i32
    %dma_start3A_1221 = arith.constant 0 : i32
    %dma_start3A_1222 = tpu.memref_slice %arg4[%dma_start3A_1220, %dma_start3A_1221] : memref<128x128xf32, #tpu.memory_space<vmem>> -> memref<1x128xf32, #tpu.memory_space<vmem>>
    tpu.enqueue_dma source(%dma_start3A_1222 : memref<1x128xf32, #tpu.memory_space<vmem>>) target(%dma_start3A_1219 : memref<1x128xf32, #tpu.memory_space<any>>) target_semaphore(%arg5 : memref<!tpu.dma_semaphore, #tpu.memory_space<semaphore_mem>>)
    %get3A_1223 = arith.constant 35 : index
    %get3A_1224 = arith.constant 0 : index
    %get3A_1225 = memref.load %arg0[%get3A_1223, %get3A_1224] : memref<128x1xi32, #tpu.memory_space<smem>>
    %jit3A_1226 = arith.constant 128 : i32
    %div3A_1227 = arith.divsi %get3A_1225, %jit3A_1226 : i32
    %sign3A_1228 = arith.constant 0 : i32
    %sign3A_1229 = arith.cmpi sgt, %get3A_1225, %sign3A_1228 : i32
    %sign3A_1230 = arith.extui %sign3A_1229 : i1 to i32
    %sign3A_1231 = arith.constant 0 : i32
    %sign3A_1232 = arith.cmpi slt, %get3A_1225, %sign3A_1231 : i32
    %sign3A_1233 = arith.extui %sign3A_1232 : i1 to i32
    %sign3A_1234 = arith.subi %sign3A_1230, %sign3A_1233 : i32
    %sign3A_1235 = arith.constant 0 : i32
    %sign3A_1236 = arith.cmpi sgt, %jit3A_1226, %sign3A_1235 : i32
    %sign3A_1237 = arith.extui %sign3A_1236 : i1 to i32
    %sign3A_1238 = arith.constant 0 : i32
    %sign3A_1239 = arith.cmpi slt, %jit3A_1226, %sign3A_1238 : i32
    %sign3A_1240 = arith.extui %sign3A_1239 : i1 to i32
    %sign3A_1241 = arith.subi %sign3A_1237, %sign3A_1240 : i32
    %ne3A_1242 = arith.cmpi ne, %sign3A_1234, %sign3A_1241 : i32
    %rem3A_1243 = arith.remsi %get3A_1225, %jit3A_1226 : i32
    %ne3A_1244 = arith.constant 0 : i32
    %ne3A_1245 = arith.cmpi ne, %rem3A_1243, %ne3A_1244 : i32
    %and3A_1246 = arith.andi %ne3A_1242, %ne3A_1245 : i1
    %sub3A_1247 = arith.constant 1 : i32
    %sub3A_1248 = arith.subi %div3A_1227, %sub3A_1247 : i32
    %select_n3A_1249 = arith.select %and3A_1246, %sub3A_1248, %div3A_1227 : i32
    %mul3A_1250 = arith.constant 128 : i32
    %mul3A_1251 = arith.muli %select_n3A_1249, %mul3A_1250 : i32
    %multiple_of3A_1252 = tpu.assume_multiple %mul3A_1251, 128 : i32
    %dma_start3A_1253 = arith.constant 35 : i32
    %dma_start3A_1254 = tpu.memref_slice %arg3[%dma_start3A_1253, %multiple_of3A_1252] : memref<128x32768xf32, #tpu.memory_space<any>> -> memref<1x128xf32, #tpu.memory_space<any>>
    %dma_start3A_1255 = arith.constant 35 : i32
    %dma_start3A_1256 = arith.constant 0 : i32
    %dma_start3A_1257 = tpu.memref_slice %arg4[%dma_start3A_1255, %dma_start3A_1256] : memref<128x128xf32, #tpu.memory_space<vmem>> -> memref<1x128xf32, #tpu.memory_space<vmem>>
    tpu.enqueue_dma source(%dma_start3A_1257 : memref<1x128xf32, #tpu.memory_space<vmem>>) target(%dma_start3A_1254 : memref<1x128xf32, #tpu.memory_space<any>>) target_semaphore(%arg5 : memref<!tpu.dma_semaphore, #tpu.memory_space<semaphore_mem>>)
    %get3A_1258 = arith.constant 36 : index
    %get3A_1259 = arith.constant 0 : index
    %get3A_1260 = memref.load %arg0[%get3A_1258, %get3A_1259] : memref<128x1xi32, #tpu.memory_space<smem>>
    %jit3A_1261 = arith.constant 128 : i32
    %div3A_1262 = arith.divsi %get3A_1260, %jit3A_1261 : i32
    %sign3A_1263 = arith.constant 0 : i32
    %sign3A_1264 = arith.cmpi sgt, %get3A_1260, %sign3A_1263 : i32
    %sign3A_1265 = arith.extui %sign3A_1264 : i1 to i32
    %sign3A_1266 = arith.constant 0 : i32
    %sign3A_1267 = arith.cmpi slt, %get3A_1260, %sign3A_1266 : i32
    %sign3A_1268 = arith.extui %sign3A_1267 : i1 to i32
    %sign3A_1269 = arith.subi %sign3A_1265, %sign3A_1268 : i32
    %sign3A_1270 = arith.constant 0 : i32
    %sign3A_1271 = arith.cmpi sgt, %jit3A_1261, %sign3A_1270 : i32
    %sign3A_1272 = arith.extui %sign3A_1271 : i1 to i32
    %sign3A_1273 = arith.constant 0 : i32
    %sign3A_1274 = arith.cmpi slt, %jit3A_1261, %sign3A_1273 : i32
    %sign3A_1275 = arith.extui %sign3A_1274 : i1 to i32
    %sign3A_1276 = arith.subi %sign3A_1272, %sign3A_1275 : i32
    %ne3A_1277 = arith.cmpi ne, %sign3A_1269, %sign3A_1276 : i32
    %rem3A_1278 = arith.remsi %get3A_1260, %jit3A_1261 : i32
    %ne3A_1279 = arith.constant 0 : i32
    %ne3A_1280 = arith.cmpi ne, %rem3A_1278, %ne3A_1279 : i32
    %and3A_1281 = arith.andi %ne3A_1277, %ne3A_1280 : i1
    %sub3A_1282 = arith.constant 1 : i32
    %sub3A_1283 = arith.subi %div3A_1262, %sub3A_1282 : i32
    %select_n3A_1284 = arith.select %and3A_1281, %sub3A_1283, %div3A_1262 : i32
    %mul3A_1285 = arith.constant 128 : i32
    %mul3A_1286 = arith.muli %select_n3A_1284, %mul3A_1285 : i32
    %multiple_of3A_1287 = tpu.assume_multiple %mul3A_1286, 128 : i32
    %dma_start3A_1288 = arith.constant 36 : i32
    %dma_start3A_1289 = tpu.memref_slice %arg3[%dma_start3A_1288, %multiple_of3A_1287] : memref<128x32768xf32, #tpu.memory_space<any>> -> memref<1x128xf32, #tpu.memory_space<any>>
    %dma_start3A_1290 = arith.constant 36 : i32
    %dma_start3A_1291 = arith.constant 0 : i32
    %dma_start3A_1292 = tpu.memref_slice %arg4[%dma_start3A_1290, %dma_start3A_1291] : memref<128x128xf32, #tpu.memory_space<vmem>> -> memref<1x128xf32, #tpu.memory_space<vmem>>
    tpu.enqueue_dma source(%dma_start3A_1292 : memref<1x128xf32, #tpu.memory_space<vmem>>) target(%dma_start3A_1289 : memref<1x128xf32, #tpu.memory_space<any>>) target_semaphore(%arg5 : memref<!tpu.dma_semaphore, #tpu.memory_space<semaphore_mem>>)
    %get3A_1293 = arith.constant 37 : index
    %get3A_1294 = arith.constant 0 : index
    %get3A_1295 = memref.load %arg0[%get3A_1293, %get3A_1294] : memref<128x1xi32, #tpu.memory_space<smem>>
    %jit3A_1296 = arith.constant 128 : i32
    %div3A_1297 = arith.divsi %get3A_1295, %jit3A_1296 : i32
    %sign3A_1298 = arith.constant 0 : i32
    %sign3A_1299 = arith.cmpi sgt, %get3A_1295, %sign3A_1298 : i32
    %sign3A_1300 = arith.extui %sign3A_1299 : i1 to i32
    %sign3A_1301 = arith.constant 0 : i32
    %sign3A_1302 = arith.cmpi slt, %get3A_1295, %sign3A_1301 : i32
    %sign3A_1303 = arith.extui %sign3A_1302 : i1 to i32
    %sign3A_1304 = arith.subi %sign3A_1300, %sign3A_1303 : i32
    %sign3A_1305 = arith.constant 0 : i32
    %sign3A_1306 = arith.cmpi sgt, %jit3A_1296, %sign3A_1305 : i32
    %sign3A_1307 = arith.extui %sign3A_1306 : i1 to i32
    %sign3A_1308 = arith.constant 0 : i32
    %sign3A_1309 = arith.cmpi slt, %jit3A_1296, %sign3A_1308 : i32
    %sign3A_1310 = arith.extui %sign3A_1309 : i1 to i32
    %sign3A_1311 = arith.subi %sign3A_1307, %sign3A_1310 : i32
    %ne3A_1312 = arith.cmpi ne, %sign3A_1304, %sign3A_1311 : i32
    %rem3A_1313 = arith.remsi %get3A_1295, %jit3A_1296 : i32
    %ne3A_1314 = arith.constant 0 : i32
    %ne3A_1315 = arith.cmpi ne, %rem3A_1313, %ne3A_1314 : i32
    %and3A_1316 = arith.andi %ne3A_1312, %ne3A_1315 : i1
    %sub3A_1317 = arith.constant 1 : i32
    %sub3A_1318 = arith.subi %div3A_1297, %sub3A_1317 : i32
    %select_n3A_1319 = arith.select %and3A_1316, %sub3A_1318, %div3A_1297 : i32
    %mul3A_1320 = arith.constant 128 : i32
    %mul3A_1321 = arith.muli %select_n3A_1319, %mul3A_1320 : i32
    %multiple_of3A_1322 = tpu.assume_multiple %mul3A_1321, 128 : i32
    %dma_start3A_1323 = arith.constant 37 : i32
    %dma_start3A_1324 = tpu.memref_slice %arg3[%dma_start3A_1323, %multiple_of3A_1322] : memref<128x32768xf32, #tpu.memory_space<any>> -> memref<1x128xf32, #tpu.memory_space<any>>
    %dma_start3A_1325 = arith.constant 37 : i32
    %dma_start3A_1326 = arith.constant 0 : i32
    %dma_start3A_1327 = tpu.memref_slice %arg4[%dma_start3A_1325, %dma_start3A_1326] : memref<128x128xf32, #tpu.memory_space<vmem>> -> memref<1x128xf32, #tpu.memory_space<vmem>>
    tpu.enqueue_dma source(%dma_start3A_1327 : memref<1x128xf32, #tpu.memory_space<vmem>>) target(%dma_start3A_1324 : memref<1x128xf32, #tpu.memory_space<any>>) target_semaphore(%arg5 : memref<!tpu.dma_semaphore, #tpu.memory_space<semaphore_mem>>)
    %get3A_1328 = arith.constant 38 : index
    %get3A_1329 = arith.constant 0 : index
    %get3A_1330 = memref.load %arg0[%get3A_1328, %get3A_1329] : memref<128x1xi32, #tpu.memory_space<smem>>
    %jit3A_1331 = arith.constant 128 : i32
    %div3A_1332 = arith.divsi %get3A_1330, %jit3A_1331 : i32
    %sign3A_1333 = arith.constant 0 : i32
    %sign3A_1334 = arith.cmpi sgt, %get3A_1330, %sign3A_1333 : i32
    %sign3A_1335 = arith.extui %sign3A_1334 : i1 to i32
    %sign3A_1336 = arith.constant 0 : i32
    %sign3A_1337 = arith.cmpi slt, %get3A_1330, %sign3A_1336 : i32
    %sign3A_1338 = arith.extui %sign3A_1337 : i1 to i32
    %sign3A_1339 = arith.subi %sign3A_1335, %sign3A_1338 : i32
    %sign3A_1340 = arith.constant 0 : i32
    %sign3A_1341 = arith.cmpi sgt, %jit3A_1331, %sign3A_1340 : i32
    %sign3A_1342 = arith.extui %sign3A_1341 : i1 to i32
    %sign3A_1343 = arith.constant 0 : i32
    %sign3A_1344 = arith.cmpi slt, %jit3A_1331, %sign3A_1343 : i32
    %sign3A_1345 = arith.extui %sign3A_1344 : i1 to i32
    %sign3A_1346 = arith.subi %sign3A_1342, %sign3A_1345 : i32
    %ne3A_1347 = arith.cmpi ne, %sign3A_1339, %sign3A_1346 : i32
    %rem3A_1348 = arith.remsi %get3A_1330, %jit3A_1331 : i32
    %ne3A_1349 = arith.constant 0 : i32
    %ne3A_1350 = arith.cmpi ne, %rem3A_1348, %ne3A_1349 : i32
    %and3A_1351 = arith.andi %ne3A_1347, %ne3A_1350 : i1
    %sub3A_1352 = arith.constant 1 : i32
    %sub3A_1353 = arith.subi %div3A_1332, %sub3A_1352 : i32
    %select_n3A_1354 = arith.select %and3A_1351, %sub3A_1353, %div3A_1332 : i32
    %mul3A_1355 = arith.constant 128 : i32
    %mul3A_1356 = arith.muli %select_n3A_1354, %mul3A_1355 : i32
    %multiple_of3A_1357 = tpu.assume_multiple %mul3A_1356, 128 : i32
    %dma_start3A_1358 = arith.constant 38 : i32
    %dma_start3A_1359 = tpu.memref_slice %arg3[%dma_start3A_1358, %multiple_of3A_1357] : memref<128x32768xf32, #tpu.memory_space<any>> -> memref<1x128xf32, #tpu.memory_space<any>>
    %dma_start3A_1360 = arith.constant 38 : i32
    %dma_start3A_1361 = arith.constant 0 : i32
    %dma_start3A_1362 = tpu.memref_slice %arg4[%dma_start3A_1360, %dma_start3A_1361] : memref<128x128xf32, #tpu.memory_space<vmem>> -> memref<1x128xf32, #tpu.memory_space<vmem>>
    tpu.enqueue_dma source(%dma_start3A_1362 : memref<1x128xf32, #tpu.memory_space<vmem>>) target(%dma_start3A_1359 : memref<1x128xf32, #tpu.memory_space<any>>) target_semaphore(%arg5 : memref<!tpu.dma_semaphore, #tpu.memory_space<semaphore_mem>>)
    %get3A_1363 = arith.constant 39 : index
    %get3A_1364 = arith.constant 0 : index
    %get3A_1365 = memref.load %arg0[%get3A_1363, %get3A_1364] : memref<128x1xi32, #tpu.memory_space<smem>>
    %jit3A_1366 = arith.constant 128 : i32
    %div3A_1367 = arith.divsi %get3A_1365, %jit3A_1366 : i32
    %sign3A_1368 = arith.constant 0 : i32
    %sign3A_1369 = arith.cmpi sgt, %get3A_1365, %sign3A_1368 : i32
    %sign3A_1370 = arith.extui %sign3A_1369 : i1 to i32
    %sign3A_1371 = arith.constant 0 : i32
    %sign3A_1372 = arith.cmpi slt, %get3A_1365, %sign3A_1371 : i32
    %sign3A_1373 = arith.extui %sign3A_1372 : i1 to i32
    %sign3A_1374 = arith.subi %sign3A_1370, %sign3A_1373 : i32
    %sign3A_1375 = arith.constant 0 : i32
    %sign3A_1376 = arith.cmpi sgt, %jit3A_1366, %sign3A_1375 : i32
    %sign3A_1377 = arith.extui %sign3A_1376 : i1 to i32
    %sign3A_1378 = arith.constant 0 : i32
    %sign3A_1379 = arith.cmpi slt, %jit3A_1366, %sign3A_1378 : i32
    %sign3A_1380 = arith.extui %sign3A_1379 : i1 to i32
    %sign3A_1381 = arith.subi %sign3A_1377, %sign3A_1380 : i32
    %ne3A_1382 = arith.cmpi ne, %sign3A_1374, %sign3A_1381 : i32
    %rem3A_1383 = arith.remsi %get3A_1365, %jit3A_1366 : i32
    %ne3A_1384 = arith.constant 0 : i32
    %ne3A_1385 = arith.cmpi ne, %rem3A_1383, %ne3A_1384 : i32
    %and3A_1386 = arith.andi %ne3A_1382, %ne3A_1385 : i1
    %sub3A_1387 = arith.constant 1 : i32
    %sub3A_1388 = arith.subi %div3A_1367, %sub3A_1387 : i32
    %select_n3A_1389 = arith.select %and3A_1386, %sub3A_1388, %div3A_1367 : i32
    %mul3A_1390 = arith.constant 128 : i32
    %mul3A_1391 = arith.muli %select_n3A_1389, %mul3A_1390 : i32
    %multiple_of3A_1392 = tpu.assume_multiple %mul3A_1391, 128 : i32
    %dma_start3A_1393 = arith.constant 39 : i32
    %dma_start3A_1394 = tpu.memref_slice %arg3[%dma_start3A_1393, %multiple_of3A_1392] : memref<128x32768xf32, #tpu.memory_space<any>> -> memref<1x128xf32, #tpu.memory_space<any>>
    %dma_start3A_1395 = arith.constant 39 : i32
    %dma_start3A_1396 = arith.constant 0 : i32
    %dma_start3A_1397 = tpu.memref_slice %arg4[%dma_start3A_1395, %dma_start3A_1396] : memref<128x128xf32, #tpu.memory_space<vmem>> -> memref<1x128xf32, #tpu.memory_space<vmem>>
    tpu.enqueue_dma source(%dma_start3A_1397 : memref<1x128xf32, #tpu.memory_space<vmem>>) target(%dma_start3A_1394 : memref<1x128xf32, #tpu.memory_space<any>>) target_semaphore(%arg5 : memref<!tpu.dma_semaphore, #tpu.memory_space<semaphore_mem>>)
    %get3A_1398 = arith.constant 40 : index
    %get3A_1399 = arith.constant 0 : index
    %get3A_1400 = memref.load %arg0[%get3A_1398, %get3A_1399] : memref<128x1xi32, #tpu.memory_space<smem>>
    %jit3A_1401 = arith.constant 128 : i32
    %div3A_1402 = arith.divsi %get3A_1400, %jit3A_1401 : i32
    %sign3A_1403 = arith.constant 0 : i32
    %sign3A_1404 = arith.cmpi sgt, %get3A_1400, %sign3A_1403 : i32
    %sign3A_1405 = arith.extui %sign3A_1404 : i1 to i32
    %sign3A_1406 = arith.constant 0 : i32
    %sign3A_1407 = arith.cmpi slt, %get3A_1400, %sign3A_1406 : i32
    %sign3A_1408 = arith.extui %sign3A_1407 : i1 to i32
    %sign3A_1409 = arith.subi %sign3A_1405, %sign3A_1408 : i32
    %sign3A_1410 = arith.constant 0 : i32
    %sign3A_1411 = arith.cmpi sgt, %jit3A_1401, %sign3A_1410 : i32
    %sign3A_1412 = arith.extui %sign3A_1411 : i1 to i32
    %sign3A_1413 = arith.constant 0 : i32
    %sign3A_1414 = arith.cmpi slt, %jit3A_1401, %sign3A_1413 : i32
    %sign3A_1415 = arith.extui %sign3A_1414 : i1 to i32
    %sign3A_1416 = arith.subi %sign3A_1412, %sign3A_1415 : i32
    %ne3A_1417 = arith.cmpi ne, %sign3A_1409, %sign3A_1416 : i32
    %rem3A_1418 = arith.remsi %get3A_1400, %jit3A_1401 : i32
    %ne3A_1419 = arith.constant 0 : i32
    %ne3A_1420 = arith.cmpi ne, %rem3A_1418, %ne3A_1419 : i32
    %and3A_1421 = arith.andi %ne3A_1417, %ne3A_1420 : i1
    %sub3A_1422 = arith.constant 1 : i32
    %sub3A_1423 = arith.subi %div3A_1402, %sub3A_1422 : i32
    %select_n3A_1424 = arith.select %and3A_1421, %sub3A_1423, %div3A_1402 : i32
    %mul3A_1425 = arith.constant 128 : i32
    %mul3A_1426 = arith.muli %select_n3A_1424, %mul3A_1425 : i32
    %multiple_of3A_1427 = tpu.assume_multiple %mul3A_1426, 128 : i32
    %dma_start3A_1428 = arith.constant 40 : i32
    %dma_start3A_1429 = tpu.memref_slice %arg3[%dma_start3A_1428, %multiple_of3A_1427] : memref<128x32768xf32, #tpu.memory_space<any>> -> memref<1x128xf32, #tpu.memory_space<any>>
    %dma_start3A_1430 = arith.constant 40 : i32
    %dma_start3A_1431 = arith.constant 0 : i32
    %dma_start3A_1432 = tpu.memref_slice %arg4[%dma_start3A_1430, %dma_start3A_1431] : memref<128x128xf32, #tpu.memory_space<vmem>> -> memref<1x128xf32, #tpu.memory_space<vmem>>
    tpu.enqueue_dma source(%dma_start3A_1432 : memref<1x128xf32, #tpu.memory_space<vmem>>) target(%dma_start3A_1429 : memref<1x128xf32, #tpu.memory_space<any>>) target_semaphore(%arg5 : memref<!tpu.dma_semaphore, #tpu.memory_space<semaphore_mem>>)
    %get3A_1433 = arith.constant 41 : index
    %get3A_1434 = arith.constant 0 : index
    %get3A_1435 = memref.load %arg0[%get3A_1433, %get3A_1434] : memref<128x1xi32, #tpu.memory_space<smem>>
    %jit3A_1436 = arith.constant 128 : i32
    %div3A_1437 = arith.divsi %get3A_1435, %jit3A_1436 : i32
    %sign3A_1438 = arith.constant 0 : i32
    %sign3A_1439 = arith.cmpi sgt, %get3A_1435, %sign3A_1438 : i32
    %sign3A_1440 = arith.extui %sign3A_1439 : i1 to i32
    %sign3A_1441 = arith.constant 0 : i32
    %sign3A_1442 = arith.cmpi slt, %get3A_1435, %sign3A_1441 : i32
    %sign3A_1443 = arith.extui %sign3A_1442 : i1 to i32
    %sign3A_1444 = arith.subi %sign3A_1440, %sign3A_1443 : i32
    %sign3A_1445 = arith.constant 0 : i32
    %sign3A_1446 = arith.cmpi sgt, %jit3A_1436, %sign3A_1445 : i32
    %sign3A_1447 = arith.extui %sign3A_1446 : i1 to i32
    %sign3A_1448 = arith.constant 0 : i32
    %sign3A_1449 = arith.cmpi slt, %jit3A_1436, %sign3A_1448 : i32
    %sign3A_1450 = arith.extui %sign3A_1449 : i1 to i32
    %sign3A_1451 = arith.subi %sign3A_1447, %sign3A_1450 : i32
    %ne3A_1452 = arith.cmpi ne, %sign3A_1444, %sign3A_1451 : i32
    %rem3A_1453 = arith.remsi %get3A_1435, %jit3A_1436 : i32
    %ne3A_1454 = arith.constant 0 : i32
    %ne3A_1455 = arith.cmpi ne, %rem3A_1453, %ne3A_1454 : i32
    %and3A_1456 = arith.andi %ne3A_1452, %ne3A_1455 : i1
    %sub3A_1457 = arith.constant 1 : i32
    %sub3A_1458 = arith.subi %div3A_1437, %sub3A_1457 : i32
    %select_n3A_1459 = arith.select %and3A_1456, %sub3A_1458, %div3A_1437 : i32
    %mul3A_1460 = arith.constant 128 : i32
    %mul3A_1461 = arith.muli %select_n3A_1459, %mul3A_1460 : i32
    %multiple_of3A_1462 = tpu.assume_multiple %mul3A_1461, 128 : i32
    %dma_start3A_1463 = arith.constant 41 : i32
    %dma_start3A_1464 = tpu.memref_slice %arg3[%dma_start3A_1463, %multiple_of3A_1462] : memref<128x32768xf32, #tpu.memory_space<any>> -> memref<1x128xf32, #tpu.memory_space<any>>
    %dma_start3A_1465 = arith.constant 41 : i32
    %dma_start3A_1466 = arith.constant 0 : i32
    %dma_start3A_1467 = tpu.memref_slice %arg4[%dma_start3A_1465, %dma_start3A_1466] : memref<128x128xf32, #tpu.memory_space<vmem>> -> memref<1x128xf32, #tpu.memory_space<vmem>>
    tpu.enqueue_dma source(%dma_start3A_1467 : memref<1x128xf32, #tpu.memory_space<vmem>>) target(%dma_start3A_1464 : memref<1x128xf32, #tpu.memory_space<any>>) target_semaphore(%arg5 : memref<!tpu.dma_semaphore, #tpu.memory_space<semaphore_mem>>)
    %get3A_1468 = arith.constant 42 : index
    %get3A_1469 = arith.constant 0 : index
    %get3A_1470 = memref.load %arg0[%get3A_1468, %get3A_1469] : memref<128x1xi32, #tpu.memory_space<smem>>
    %jit3A_1471 = arith.constant 128 : i32
    %div3A_1472 = arith.divsi %get3A_1470, %jit3A_1471 : i32
    %sign3A_1473 = arith.constant 0 : i32
    %sign3A_1474 = arith.cmpi sgt, %get3A_1470, %sign3A_1473 : i32
    %sign3A_1475 = arith.extui %sign3A_1474 : i1 to i32
    %sign3A_1476 = arith.constant 0 : i32
    %sign3A_1477 = arith.cmpi slt, %get3A_1470, %sign3A_1476 : i32
    %sign3A_1478 = arith.extui %sign3A_1477 : i1 to i32
    %sign3A_1479 = arith.subi %sign3A_1475, %sign3A_1478 : i32
    %sign3A_1480 = arith.constant 0 : i32
    %sign3A_1481 = arith.cmpi sgt, %jit3A_1471, %sign3A_1480 : i32
    %sign3A_1482 = arith.extui %sign3A_1481 : i1 to i32
    %sign3A_1483 = arith.constant 0 : i32
    %sign3A_1484 = arith.cmpi slt, %jit3A_1471, %sign3A_1483 : i32
    %sign3A_1485 = arith.extui %sign3A_1484 : i1 to i32
    %sign3A_1486 = arith.subi %sign3A_1482, %sign3A_1485 : i32
    %ne3A_1487 = arith.cmpi ne, %sign3A_1479, %sign3A_1486 : i32
    %rem3A_1488 = arith.remsi %get3A_1470, %jit3A_1471 : i32
    %ne3A_1489 = arith.constant 0 : i32
    %ne3A_1490 = arith.cmpi ne, %rem3A_1488, %ne3A_1489 : i32
    %and3A_1491 = arith.andi %ne3A_1487, %ne3A_1490 : i1
    %sub3A_1492 = arith.constant 1 : i32
    %sub3A_1493 = arith.subi %div3A_1472, %sub3A_1492 : i32
    %select_n3A_1494 = arith.select %and3A_1491, %sub3A_1493, %div3A_1472 : i32
    %mul3A_1495 = arith.constant 128 : i32
    %mul3A_1496 = arith.muli %select_n3A_1494, %mul3A_1495 : i32
    %multiple_of3A_1497 = tpu.assume_multiple %mul3A_1496, 128 : i32
    %dma_start3A_1498 = arith.constant 42 : i32
    %dma_start3A_1499 = tpu.memref_slice %arg3[%dma_start3A_1498, %multiple_of3A_1497] : memref<128x32768xf32, #tpu.memory_space<any>> -> memref<1x128xf32, #tpu.memory_space<any>>
    %dma_start3A_1500 = arith.constant 42 : i32
    %dma_start3A_1501 = arith.constant 0 : i32
    %dma_start3A_1502 = tpu.memref_slice %arg4[%dma_start3A_1500, %dma_start3A_1501] : memref<128x128xf32, #tpu.memory_space<vmem>> -> memref<1x128xf32, #tpu.memory_space<vmem>>
    tpu.enqueue_dma source(%dma_start3A_1502 : memref<1x128xf32, #tpu.memory_space<vmem>>) target(%dma_start3A_1499 : memref<1x128xf32, #tpu.memory_space<any>>) target_semaphore(%arg5 : memref<!tpu.dma_semaphore, #tpu.memory_space<semaphore_mem>>)
    %get3A_1503 = arith.constant 43 : index
    %get3A_1504 = arith.constant 0 : index
    %get3A_1505 = memref.load %arg0[%get3A_1503, %get3A_1504] : memref<128x1xi32, #tpu.memory_space<smem>>
    %jit3A_1506 = arith.constant 128 : i32
    %div3A_1507 = arith.divsi %get3A_1505, %jit3A_1506 : i32
    %sign3A_1508 = arith.constant 0 : i32
    %sign3A_1509 = arith.cmpi sgt, %get3A_1505, %sign3A_1508 : i32
    %sign3A_1510 = arith.extui %sign3A_1509 : i1 to i32
    %sign3A_1511 = arith.constant 0 : i32
    %sign3A_1512 = arith.cmpi slt, %get3A_1505, %sign3A_1511 : i32
    %sign3A_1513 = arith.extui %sign3A_1512 : i1 to i32
    %sign3A_1514 = arith.subi %sign3A_1510, %sign3A_1513 : i32
    %sign3A_1515 = arith.constant 0 : i32
    %sign3A_1516 = arith.cmpi sgt, %jit3A_1506, %sign3A_1515 : i32
    %sign3A_1517 = arith.extui %sign3A_1516 : i1 to i32
    %sign3A_1518 = arith.constant 0 : i32
    %sign3A_1519 = arith.cmpi slt, %jit3A_1506, %sign3A_1518 : i32
    %sign3A_1520 = arith.extui %sign3A_1519 : i1 to i32
    %sign3A_1521 = arith.subi %sign3A_1517, %sign3A_1520 : i32
    %ne3A_1522 = arith.cmpi ne, %sign3A_1514, %sign3A_1521 : i32
    %rem3A_1523 = arith.remsi %get3A_1505, %jit3A_1506 : i32
    %ne3A_1524 = arith.constant 0 : i32
    %ne3A_1525 = arith.cmpi ne, %rem3A_1523, %ne3A_1524 : i32
    %and3A_1526 = arith.andi %ne3A_1522, %ne3A_1525 : i1
    %sub3A_1527 = arith.constant 1 : i32
    %sub3A_1528 = arith.subi %div3A_1507, %sub3A_1527 : i32
    %select_n3A_1529 = arith.select %and3A_1526, %sub3A_1528, %div3A_1507 : i32
    %mul3A_1530 = arith.constant 128 : i32
    %mul3A_1531 = arith.muli %select_n3A_1529, %mul3A_1530 : i32
    %multiple_of3A_1532 = tpu.assume_multiple %mul3A_1531, 128 : i32
    %dma_start3A_1533 = arith.constant 43 : i32
    %dma_start3A_1534 = tpu.memref_slice %arg3[%dma_start3A_1533, %multiple_of3A_1532] : memref<128x32768xf32, #tpu.memory_space<any>> -> memref<1x128xf32, #tpu.memory_space<any>>
    %dma_start3A_1535 = arith.constant 43 : i32
    %dma_start3A_1536 = arith.constant 0 : i32
    %dma_start3A_1537 = tpu.memref_slice %arg4[%dma_start3A_1535, %dma_start3A_1536] : memref<128x128xf32, #tpu.memory_space<vmem>> -> memref<1x128xf32, #tpu.memory_space<vmem>>
    tpu.enqueue_dma source(%dma_start3A_1537 : memref<1x128xf32, #tpu.memory_space<vmem>>) target(%dma_start3A_1534 : memref<1x128xf32, #tpu.memory_space<any>>) target_semaphore(%arg5 : memref<!tpu.dma_semaphore, #tpu.memory_space<semaphore_mem>>)
    %get3A_1538 = arith.constant 44 : index
    %get3A_1539 = arith.constant 0 : index
    %get3A_1540 = memref.load %arg0[%get3A_1538, %get3A_1539] : memref<128x1xi32, #tpu.memory_space<smem>>
    %jit3A_1541 = arith.constant 128 : i32
    %div3A_1542 = arith.divsi %get3A_1540, %jit3A_1541 : i32
    %sign3A_1543 = arith.constant 0 : i32
    %sign3A_1544 = arith.cmpi sgt, %get3A_1540, %sign3A_1543 : i32
    %sign3A_1545 = arith.extui %sign3A_1544 : i1 to i32
    %sign3A_1546 = arith.constant 0 : i32
    %sign3A_1547 = arith.cmpi slt, %get3A_1540, %sign3A_1546 : i32
    %sign3A_1548 = arith.extui %sign3A_1547 : i1 to i32
    %sign3A_1549 = arith.subi %sign3A_1545, %sign3A_1548 : i32
    %sign3A_1550 = arith.constant 0 : i32
    %sign3A_1551 = arith.cmpi sgt, %jit3A_1541, %sign3A_1550 : i32
    %sign3A_1552 = arith.extui %sign3A_1551 : i1 to i32
    %sign3A_1553 = arith.constant 0 : i32
    %sign3A_1554 = arith.cmpi slt, %jit3A_1541, %sign3A_1553 : i32
    %sign3A_1555 = arith.extui %sign3A_1554 : i1 to i32
    %sign3A_1556 = arith.subi %sign3A_1552, %sign3A_1555 : i32
    %ne3A_1557 = arith.cmpi ne, %sign3A_1549, %sign3A_1556 : i32
    %rem3A_1558 = arith.remsi %get3A_1540, %jit3A_1541 : i32
    %ne3A_1559 = arith.constant 0 : i32
    %ne3A_1560 = arith.cmpi ne, %rem3A_1558, %ne3A_1559 : i32
    %and3A_1561 = arith.andi %ne3A_1557, %ne3A_1560 : i1
    %sub3A_1562 = arith.constant 1 : i32
    %sub3A_1563 = arith.subi %div3A_1542, %sub3A_1562 : i32
    %select_n3A_1564 = arith.select %and3A_1561, %sub3A_1563, %div3A_1542 : i32
    %mul3A_1565 = arith.constant 128 : i32
    %mul3A_1566 = arith.muli %select_n3A_1564, %mul3A_1565 : i32
    %multiple_of3A_1567 = tpu.assume_multiple %mul3A_1566, 128 : i32
    %dma_start3A_1568 = arith.constant 44 : i32
    %dma_start3A_1569 = tpu.memref_slice %arg3[%dma_start3A_1568, %multiple_of3A_1567] : memref<128x32768xf32, #tpu.memory_space<any>> -> memref<1x128xf32, #tpu.memory_space<any>>
    %dma_start3A_1570 = arith.constant 44 : i32
    %dma_start3A_1571 = arith.constant 0 : i32
    %dma_start3A_1572 = tpu.memref_slice %arg4[%dma_start3A_1570, %dma_start3A_1571] : memref<128x128xf32, #tpu.memory_space<vmem>> -> memref<1x128xf32, #tpu.memory_space<vmem>>
    tpu.enqueue_dma source(%dma_start3A_1572 : memref<1x128xf32, #tpu.memory_space<vmem>>) target(%dma_start3A_1569 : memref<1x128xf32, #tpu.memory_space<any>>) target_semaphore(%arg5 : memref<!tpu.dma_semaphore, #tpu.memory_space<semaphore_mem>>)
    %get3A_1573 = arith.constant 45 : index
    %get3A_1574 = arith.constant 0 : index
    %get3A_1575 = memref.load %arg0[%get3A_1573, %get3A_1574] : memref<128x1xi32, #tpu.memory_space<smem>>
    %jit3A_1576 = arith.constant 128 : i32
    %div3A_1577 = arith.divsi %get3A_1575, %jit3A_1576 : i32
    %sign3A_1578 = arith.constant 0 : i32
    %sign3A_1579 = arith.cmpi sgt, %get3A_1575, %sign3A_1578 : i32
    %sign3A_1580 = arith.extui %sign3A_1579 : i1 to i32
    %sign3A_1581 = arith.constant 0 : i32
    %sign3A_1582 = arith.cmpi slt, %get3A_1575, %sign3A_1581 : i32
    %sign3A_1583 = arith.extui %sign3A_1582 : i1 to i32
    %sign3A_1584 = arith.subi %sign3A_1580, %sign3A_1583 : i32
    %sign3A_1585 = arith.constant 0 : i32
    %sign3A_1586 = arith.cmpi sgt, %jit3A_1576, %sign3A_1585 : i32
    %sign3A_1587 = arith.extui %sign3A_1586 : i1 to i32
    %sign3A_1588 = arith.constant 0 : i32
    %sign3A_1589 = arith.cmpi slt, %jit3A_1576, %sign3A_1588 : i32
    %sign3A_1590 = arith.extui %sign3A_1589 : i1 to i32
    %sign3A_1591 = arith.subi %sign3A_1587, %sign3A_1590 : i32
    %ne3A_1592 = arith.cmpi ne, %sign3A_1584, %sign3A_1591 : i32
    %rem3A_1593 = arith.remsi %get3A_1575, %jit3A_1576 : i32
    %ne3A_1594 = arith.constant 0 : i32
    %ne3A_1595 = arith.cmpi ne, %rem3A_1593, %ne3A_1594 : i32
    %and3A_1596 = arith.andi %ne3A_1592, %ne3A_1595 : i1
    %sub3A_1597 = arith.constant 1 : i32
    %sub3A_1598 = arith.subi %div3A_1577, %sub3A_1597 : i32
    %select_n3A_1599 = arith.select %and3A_1596, %sub3A_1598, %div3A_1577 : i32
    %mul3A_1600 = arith.constant 128 : i32
    %mul3A_1601 = arith.muli %select_n3A_1599, %mul3A_1600 : i32
    %multiple_of3A_1602 = tpu.assume_multiple %mul3A_1601, 128 : i32
    %dma_start3A_1603 = arith.constant 45 : i32
    %dma_start3A_1604 = tpu.memref_slice %arg3[%dma_start3A_1603, %multiple_of3A_1602] : memref<128x32768xf32, #tpu.memory_space<any>> -> memref<1x128xf32, #tpu.memory_space<any>>
    %dma_start3A_1605 = arith.constant 45 : i32
    %dma_start3A_1606 = arith.constant 0 : i32
    %dma_start3A_1607 = tpu.memref_slice %arg4[%dma_start3A_1605, %dma_start3A_1606] : memref<128x128xf32, #tpu.memory_space<vmem>> -> memref<1x128xf32, #tpu.memory_space<vmem>>
    tpu.enqueue_dma source(%dma_start3A_1607 : memref<1x128xf32, #tpu.memory_space<vmem>>) target(%dma_start3A_1604 : memref<1x128xf32, #tpu.memory_space<any>>) target_semaphore(%arg5 : memref<!tpu.dma_semaphore, #tpu.memory_space<semaphore_mem>>)
    %get3A_1608 = arith.constant 46 : index
    %get3A_1609 = arith.constant 0 : index
    %get3A_1610 = memref.load %arg0[%get3A_1608, %get3A_1609] : memref<128x1xi32, #tpu.memory_space<smem>>
    %jit3A_1611 = arith.constant 128 : i32
    %div3A_1612 = arith.divsi %get3A_1610, %jit3A_1611 : i32
    %sign3A_1613 = arith.constant 0 : i32
    %sign3A_1614 = arith.cmpi sgt, %get3A_1610, %sign3A_1613 : i32
    %sign3A_1615 = arith.extui %sign3A_1614 : i1 to i32
    %sign3A_1616 = arith.constant 0 : i32
    %sign3A_1617 = arith.cmpi slt, %get3A_1610, %sign3A_1616 : i32
    %sign3A_1618 = arith.extui %sign3A_1617 : i1 to i32
    %sign3A_1619 = arith.subi %sign3A_1615, %sign3A_1618 : i32
    %sign3A_1620 = arith.constant 0 : i32
    %sign3A_1621 = arith.cmpi sgt, %jit3A_1611, %sign3A_1620 : i32
    %sign3A_1622 = arith.extui %sign3A_1621 : i1 to i32
    %sign3A_1623 = arith.constant 0 : i32
    %sign3A_1624 = arith.cmpi slt, %jit3A_1611, %sign3A_1623 : i32
    %sign3A_1625 = arith.extui %sign3A_1624 : i1 to i32
    %sign3A_1626 = arith.subi %sign3A_1622, %sign3A_1625 : i32
    %ne3A_1627 = arith.cmpi ne, %sign3A_1619, %sign3A_1626 : i32
    %rem3A_1628 = arith.remsi %get3A_1610, %jit3A_1611 : i32
    %ne3A_1629 = arith.constant 0 : i32
    %ne3A_1630 = arith.cmpi ne, %rem3A_1628, %ne3A_1629 : i32
    %and3A_1631 = arith.andi %ne3A_1627, %ne3A_1630 : i1
    %sub3A_1632 = arith.constant 1 : i32
    %sub3A_1633 = arith.subi %div3A_1612, %sub3A_1632 : i32
    %select_n3A_1634 = arith.select %and3A_1631, %sub3A_1633, %div3A_1612 : i32
    %mul3A_1635 = arith.constant 128 : i32
    %mul3A_1636 = arith.muli %select_n3A_1634, %mul3A_1635 : i32
    %multiple_of3A_1637 = tpu.assume_multiple %mul3A_1636, 128 : i32
    %dma_start3A_1638 = arith.constant 46 : i32
    %dma_start3A_1639 = tpu.memref_slice %arg3[%dma_start3A_1638, %multiple_of3A_1637] : memref<128x32768xf32, #tpu.memory_space<any>> -> memref<1x128xf32, #tpu.memory_space<any>>
    %dma_start3A_1640 = arith.constant 46 : i32
    %dma_start3A_1641 = arith.constant 0 : i32
    %dma_start3A_1642 = tpu.memref_slice %arg4[%dma_start3A_1640, %dma_start3A_1641] : memref<128x128xf32, #tpu.memory_space<vmem>> -> memref<1x128xf32, #tpu.memory_space<vmem>>
    tpu.enqueue_dma source(%dma_start3A_1642 : memref<1x128xf32, #tpu.memory_space<vmem>>) target(%dma_start3A_1639 : memref<1x128xf32, #tpu.memory_space<any>>) target_semaphore(%arg5 : memref<!tpu.dma_semaphore, #tpu.memory_space<semaphore_mem>>)
    %get3A_1643 = arith.constant 47 : index
    %get3A_1644 = arith.constant 0 : index
    %get3A_1645 = memref.load %arg0[%get3A_1643, %get3A_1644] : memref<128x1xi32, #tpu.memory_space<smem>>
    %jit3A_1646 = arith.constant 128 : i32
    %div3A_1647 = arith.divsi %get3A_1645, %jit3A_1646 : i32
    %sign3A_1648 = arith.constant 0 : i32
    %sign3A_1649 = arith.cmpi sgt, %get3A_1645, %sign3A_1648 : i32
    %sign3A_1650 = arith.extui %sign3A_1649 : i1 to i32
    %sign3A_1651 = arith.constant 0 : i32
    %sign3A_1652 = arith.cmpi slt, %get3A_1645, %sign3A_1651 : i32
    %sign3A_1653 = arith.extui %sign3A_1652 : i1 to i32
    %sign3A_1654 = arith.subi %sign3A_1650, %sign3A_1653 : i32
    %sign3A_1655 = arith.constant 0 : i32
    %sign3A_1656 = arith.cmpi sgt, %jit3A_1646, %sign3A_1655 : i32
    %sign3A_1657 = arith.extui %sign3A_1656 : i1 to i32
    %sign3A_1658 = arith.constant 0 : i32
    %sign3A_1659 = arith.cmpi slt, %jit3A_1646, %sign3A_1658 : i32
    %sign3A_1660 = arith.extui %sign3A_1659 : i1 to i32
    %sign3A_1661 = arith.subi %sign3A_1657, %sign3A_1660 : i32
    %ne3A_1662 = arith.cmpi ne, %sign3A_1654, %sign3A_1661 : i32
    %rem3A_1663 = arith.remsi %get3A_1645, %jit3A_1646 : i32
    %ne3A_1664 = arith.constant 0 : i32
    %ne3A_1665 = arith.cmpi ne, %rem3A_1663, %ne3A_1664 : i32
    %and3A_1666 = arith.andi %ne3A_1662, %ne3A_1665 : i1
    %sub3A_1667 = arith.constant 1 : i32
    %sub3A_1668 = arith.subi %div3A_1647, %sub3A_1667 : i32
    %select_n3A_1669 = arith.select %and3A_1666, %sub3A_1668, %div3A_1647 : i32
    %mul3A_1670 = arith.constant 128 : i32
    %mul3A_1671 = arith.muli %select_n3A_1669, %mul3A_1670 : i32
    %multiple_of3A_1672 = tpu.assume_multiple %mul3A_1671, 128 : i32
    %dma_start3A_1673 = arith.constant 47 : i32
    %dma_start3A_1674 = tpu.memref_slice %arg3[%dma_start3A_1673, %multiple_of3A_1672] : memref<128x32768xf32, #tpu.memory_space<any>> -> memref<1x128xf32, #tpu.memory_space<any>>
    %dma_start3A_1675 = arith.constant 47 : i32
    %dma_start3A_1676 = arith.constant 0 : i32
    %dma_start3A_1677 = tpu.memref_slice %arg4[%dma_start3A_1675, %dma_start3A_1676] : memref<128x128xf32, #tpu.memory_space<vmem>> -> memref<1x128xf32, #tpu.memory_space<vmem>>
    tpu.enqueue_dma source(%dma_start3A_1677 : memref<1x128xf32, #tpu.memory_space<vmem>>) target(%dma_start3A_1674 : memref<1x128xf32, #tpu.memory_space<any>>) target_semaphore(%arg5 : memref<!tpu.dma_semaphore, #tpu.memory_space<semaphore_mem>>)
    %get3A_1678 = arith.constant 48 : index
    %get3A_1679 = arith.constant 0 : index
    %get3A_1680 = memref.load %arg0[%get3A_1678, %get3A_1679] : memref<128x1xi32, #tpu.memory_space<smem>>
    %jit3A_1681 = arith.constant 128 : i32
    %div3A_1682 = arith.divsi %get3A_1680, %jit3A_1681 : i32
    %sign3A_1683 = arith.constant 0 : i32
    %sign3A_1684 = arith.cmpi sgt, %get3A_1680, %sign3A_1683 : i32
    %sign3A_1685 = arith.extui %sign3A_1684 : i1 to i32
    %sign3A_1686 = arith.constant 0 : i32
    %sign3A_1687 = arith.cmpi slt, %get3A_1680, %sign3A_1686 : i32
    %sign3A_1688 = arith.extui %sign3A_1687 : i1 to i32
    %sign3A_1689 = arith.subi %sign3A_1685, %sign3A_1688 : i32
    %sign3A_1690 = arith.constant 0 : i32
    %sign3A_1691 = arith.cmpi sgt, %jit3A_1681, %sign3A_1690 : i32
    %sign3A_1692 = arith.extui %sign3A_1691 : i1 to i32
    %sign3A_1693 = arith.constant 0 : i32
    %sign3A_1694 = arith.cmpi slt, %jit3A_1681, %sign3A_1693 : i32
    %sign3A_1695 = arith.extui %sign3A_1694 : i1 to i32
    %sign3A_1696 = arith.subi %sign3A_1692, %sign3A_1695 : i32
    %ne3A_1697 = arith.cmpi ne, %sign3A_1689, %sign3A_1696 : i32
    %rem3A_1698 = arith.remsi %get3A_1680, %jit3A_1681 : i32
    %ne3A_1699 = arith.constant 0 : i32
    %ne3A_1700 = arith.cmpi ne, %rem3A_1698, %ne3A_1699 : i32
    %and3A_1701 = arith.andi %ne3A_1697, %ne3A_1700 : i1
    %sub3A_1702 = arith.constant 1 : i32
    %sub3A_1703 = arith.subi %div3A_1682, %sub3A_1702 : i32
    %select_n3A_1704 = arith.select %and3A_1701, %sub3A_1703, %div3A_1682 : i32
    %mul3A_1705 = arith.constant 128 : i32
    %mul3A_1706 = arith.muli %select_n3A_1704, %mul3A_1705 : i32
    %multiple_of3A_1707 = tpu.assume_multiple %mul3A_1706, 128 : i32
    %dma_start3A_1708 = arith.constant 48 : i32
    %dma_start3A_1709 = tpu.memref_slice %arg3[%dma_start3A_1708, %multiple_of3A_1707] : memref<128x32768xf32, #tpu.memory_space<any>> -> memref<1x128xf32, #tpu.memory_space<any>>
    %dma_start3A_1710 = arith.constant 48 : i32
    %dma_start3A_1711 = arith.constant 0 : i32
    %dma_start3A_1712 = tpu.memref_slice %arg4[%dma_start3A_1710, %dma_start3A_1711] : memref<128x128xf32, #tpu.memory_space<vmem>> -> memref<1x128xf32, #tpu.memory_space<vmem>>
    tpu.enqueue_dma source(%dma_start3A_1712 : memref<1x128xf32, #tpu.memory_space<vmem>>) target(%dma_start3A_1709 : memref<1x128xf32, #tpu.memory_space<any>>) target_semaphore(%arg5 : memref<!tpu.dma_semaphore, #tpu.memory_space<semaphore_mem>>)
    %get3A_1713 = arith.constant 49 : index
    %get3A_1714 = arith.constant 0 : index
    %get3A_1715 = memref.load %arg0[%get3A_1713, %get3A_1714] : memref<128x1xi32, #tpu.memory_space<smem>>
    %jit3A_1716 = arith.constant 128 : i32
    %div3A_1717 = arith.divsi %get3A_1715, %jit3A_1716 : i32
    %sign3A_1718 = arith.constant 0 : i32
    %sign3A_1719 = arith.cmpi sgt, %get3A_1715, %sign3A_1718 : i32
    %sign3A_1720 = arith.extui %sign3A_1719 : i1 to i32
    %sign3A_1721 = arith.constant 0 : i32
    %sign3A_1722 = arith.cmpi slt, %get3A_1715, %sign3A_1721 : i32
    %sign3A_1723 = arith.extui %sign3A_1722 : i1 to i32
    %sign3A_1724 = arith.subi %sign3A_1720, %sign3A_1723 : i32
    %sign3A_1725 = arith.constant 0 : i32
    %sign3A_1726 = arith.cmpi sgt, %jit3A_1716, %sign3A_1725 : i32
    %sign3A_1727 = arith.extui %sign3A_1726 : i1 to i32
    %sign3A_1728 = arith.constant 0 : i32
    %sign3A_1729 = arith.cmpi slt, %jit3A_1716, %sign3A_1728 : i32
    %sign3A_1730 = arith.extui %sign3A_1729 : i1 to i32
    %sign3A_1731 = arith.subi %sign3A_1727, %sign3A_1730 : i32
    %ne3A_1732 = arith.cmpi ne, %sign3A_1724, %sign3A_1731 : i32
    %rem3A_1733 = arith.remsi %get3A_1715, %jit3A_1716 : i32
    %ne3A_1734 = arith.constant 0 : i32
    %ne3A_1735 = arith.cmpi ne, %rem3A_1733, %ne3A_1734 : i32
    %and3A_1736 = arith.andi %ne3A_1732, %ne3A_1735 : i1
    %sub3A_1737 = arith.constant 1 : i32
    %sub3A_1738 = arith.subi %div3A_1717, %sub3A_1737 : i32
    %select_n3A_1739 = arith.select %and3A_1736, %sub3A_1738, %div3A_1717 : i32
    %mul3A_1740 = arith.constant 128 : i32
    %mul3A_1741 = arith.muli %select_n3A_1739, %mul3A_1740 : i32
    %multiple_of3A_1742 = tpu.assume_multiple %mul3A_1741, 128 : i32
    %dma_start3A_1743 = arith.constant 49 : i32
    %dma_start3A_1744 = tpu.memref_slice %arg3[%dma_start3A_1743, %multiple_of3A_1742] : memref<128x32768xf32, #tpu.memory_space<any>> -> memref<1x128xf32, #tpu.memory_space<any>>
    %dma_start3A_1745 = arith.constant 49 : i32
    %dma_start3A_1746 = arith.constant 0 : i32
    %dma_start3A_1747 = tpu.memref_slice %arg4[%dma_start3A_1745, %dma_start3A_1746] : memref<128x128xf32, #tpu.memory_space<vmem>> -> memref<1x128xf32, #tpu.memory_space<vmem>>
    tpu.enqueue_dma source(%dma_start3A_1747 : memref<1x128xf32, #tpu.memory_space<vmem>>) target(%dma_start3A_1744 : memref<1x128xf32, #tpu.memory_space<any>>) target_semaphore(%arg5 : memref<!tpu.dma_semaphore, #tpu.memory_space<semaphore_mem>>)
    %get3A_1748 = arith.constant 50 : index
    %get3A_1749 = arith.constant 0 : index
    %get3A_1750 = memref.load %arg0[%get3A_1748, %get3A_1749] : memref<128x1xi32, #tpu.memory_space<smem>>
    %jit3A_1751 = arith.constant 128 : i32
    %div3A_1752 = arith.divsi %get3A_1750, %jit3A_1751 : i32
    %sign3A_1753 = arith.constant 0 : i32
    %sign3A_1754 = arith.cmpi sgt, %get3A_1750, %sign3A_1753 : i32
    %sign3A_1755 = arith.extui %sign3A_1754 : i1 to i32
    %sign3A_1756 = arith.constant 0 : i32
    %sign3A_1757 = arith.cmpi slt, %get3A_1750, %sign3A_1756 : i32
    %sign3A_1758 = arith.extui %sign3A_1757 : i1 to i32
    %sign3A_1759 = arith.subi %sign3A_1755, %sign3A_1758 : i32
    %sign3A_1760 = arith.constant 0 : i32
    %sign3A_1761 = arith.cmpi sgt, %jit3A_1751, %sign3A_1760 : i32
    %sign3A_1762 = arith.extui %sign3A_1761 : i1 to i32
    %sign3A_1763 = arith.constant 0 : i32
    %sign3A_1764 = arith.cmpi slt, %jit3A_1751, %sign3A_1763 : i32
    %sign3A_1765 = arith.extui %sign3A_1764 : i1 to i32
    %sign3A_1766 = arith.subi %sign3A_1762, %sign3A_1765 : i32
    %ne3A_1767 = arith.cmpi ne, %sign3A_1759, %sign3A_1766 : i32
    %rem3A_1768 = arith.remsi %get3A_1750, %jit3A_1751 : i32
    %ne3A_1769 = arith.constant 0 : i32
    %ne3A_1770 = arith.cmpi ne, %rem3A_1768, %ne3A_1769 : i32
    %and3A_1771 = arith.andi %ne3A_1767, %ne3A_1770 : i1
    %sub3A_1772 = arith.constant 1 : i32
    %sub3A_1773 = arith.subi %div3A_1752, %sub3A_1772 : i32
    %select_n3A_1774 = arith.select %and3A_1771, %sub3A_1773, %div3A_1752 : i32
    %mul3A_1775 = arith.constant 128 : i32
    %mul3A_1776 = arith.muli %select_n3A_1774, %mul3A_1775 : i32
    %multiple_of3A_1777 = tpu.assume_multiple %mul3A_1776, 128 : i32
    %dma_start3A_1778 = arith.constant 50 : i32
    %dma_start3A_1779 = tpu.memref_slice %arg3[%dma_start3A_1778, %multiple_of3A_1777] : memref<128x32768xf32, #tpu.memory_space<any>> -> memref<1x128xf32, #tpu.memory_space<any>>
    %dma_start3A_1780 = arith.constant 50 : i32
    %dma_start3A_1781 = arith.constant 0 : i32
    %dma_start3A_1782 = tpu.memref_slice %arg4[%dma_start3A_1780, %dma_start3A_1781] : memref<128x128xf32, #tpu.memory_space<vmem>> -> memref<1x128xf32, #tpu.memory_space<vmem>>
    tpu.enqueue_dma source(%dma_start3A_1782 : memref<1x128xf32, #tpu.memory_space<vmem>>) target(%dma_start3A_1779 : memref<1x128xf32, #tpu.memory_space<any>>) target_semaphore(%arg5 : memref<!tpu.dma_semaphore, #tpu.memory_space<semaphore_mem>>)
    %get3A_1783 = arith.constant 51 : index
    %get3A_1784 = arith.constant 0 : index
    %get3A_1785 = memref.load %arg0[%get3A_1783, %get3A_1784] : memref<128x1xi32, #tpu.memory_space<smem>>
    %jit3A_1786 = arith.constant 128 : i32
    %div3A_1787 = arith.divsi %get3A_1785, %jit3A_1786 : i32
    %sign3A_1788 = arith.constant 0 : i32
    %sign3A_1789 = arith.cmpi sgt, %get3A_1785, %sign3A_1788 : i32
    %sign3A_1790 = arith.extui %sign3A_1789 : i1 to i32
    %sign3A_1791 = arith.constant 0 : i32
    %sign3A_1792 = arith.cmpi slt, %get3A_1785, %sign3A_1791 : i32
    %sign3A_1793 = arith.extui %sign3A_1792 : i1 to i32
    %sign3A_1794 = arith.subi %sign3A_1790, %sign3A_1793 : i32
    %sign3A_1795 = arith.constant 0 : i32
    %sign3A_1796 = arith.cmpi sgt, %jit3A_1786, %sign3A_1795 : i32
    %sign3A_1797 = arith.extui %sign3A_1796 : i1 to i32
    %sign3A_1798 = arith.constant 0 : i32
    %sign3A_1799 = arith.cmpi slt, %jit3A_1786, %sign3A_1798 : i32
    %sign3A_1800 = arith.extui %sign3A_1799 : i1 to i32
    %sign3A_1801 = arith.subi %sign3A_1797, %sign3A_1800 : i32
    %ne3A_1802 = arith.cmpi ne, %sign3A_1794, %sign3A_1801 : i32
    %rem3A_1803 = arith.remsi %get3A_1785, %jit3A_1786 : i32
    %ne3A_1804 = arith.constant 0 : i32
    %ne3A_1805 = arith.cmpi ne, %rem3A_1803, %ne3A_1804 : i32
    %and3A_1806 = arith.andi %ne3A_1802, %ne3A_1805 : i1
    %sub3A_1807 = arith.constant 1 : i32
    %sub3A_1808 = arith.subi %div3A_1787, %sub3A_1807 : i32
    %select_n3A_1809 = arith.select %and3A_1806, %sub3A_1808, %div3A_1787 : i32
    %mul3A_1810 = arith.constant 128 : i32
    %mul3A_1811 = arith.muli %select_n3A_1809, %mul3A_1810 : i32
    %multiple_of3A_1812 = tpu.assume_multiple %mul3A_1811, 128 : i32
    %dma_start3A_1813 = arith.constant 51 : i32
    %dma_start3A_1814 = tpu.memref_slice %arg3[%dma_start3A_1813, %multiple_of3A_1812] : memref<128x32768xf32, #tpu.memory_space<any>> -> memref<1x128xf32, #tpu.memory_space<any>>
    %dma_start3A_1815 = arith.constant 51 : i32
    %dma_start3A_1816 = arith.constant 0 : i32
    %dma_start3A_1817 = tpu.memref_slice %arg4[%dma_start3A_1815, %dma_start3A_1816] : memref<128x128xf32, #tpu.memory_space<vmem>> -> memref<1x128xf32, #tpu.memory_space<vmem>>
    tpu.enqueue_dma source(%dma_start3A_1817 : memref<1x128xf32, #tpu.memory_space<vmem>>) target(%dma_start3A_1814 : memref<1x128xf32, #tpu.memory_space<any>>) target_semaphore(%arg5 : memref<!tpu.dma_semaphore, #tpu.memory_space<semaphore_mem>>)
    %get3A_1818 = arith.constant 52 : index
    %get3A_1819 = arith.constant 0 : index
    %get3A_1820 = memref.load %arg0[%get3A_1818, %get3A_1819] : memref<128x1xi32, #tpu.memory_space<smem>>
    %jit3A_1821 = arith.constant 128 : i32
    %div3A_1822 = arith.divsi %get3A_1820, %jit3A_1821 : i32
    %sign3A_1823 = arith.constant 0 : i32
    %sign3A_1824 = arith.cmpi sgt, %get3A_1820, %sign3A_1823 : i32
    %sign3A_1825 = arith.extui %sign3A_1824 : i1 to i32
    %sign3A_1826 = arith.constant 0 : i32
    %sign3A_1827 = arith.cmpi slt, %get3A_1820, %sign3A_1826 : i32
    %sign3A_1828 = arith.extui %sign3A_1827 : i1 to i32
    %sign3A_1829 = arith.subi %sign3A_1825, %sign3A_1828 : i32
    %sign3A_1830 = arith.constant 0 : i32
    %sign3A_1831 = arith.cmpi sgt, %jit3A_1821, %sign3A_1830 : i32
    %sign3A_1832 = arith.extui %sign3A_1831 : i1 to i32
    %sign3A_1833 = arith.constant 0 : i32
    %sign3A_1834 = arith.cmpi slt, %jit3A_1821, %sign3A_1833 : i32
    %sign3A_1835 = arith.extui %sign3A_1834 : i1 to i32
    %sign3A_1836 = arith.subi %sign3A_1832, %sign3A_1835 : i32
    %ne3A_1837 = arith.cmpi ne, %sign3A_1829, %sign3A_1836 : i32
    %rem3A_1838 = arith.remsi %get3A_1820, %jit3A_1821 : i32
    %ne3A_1839 = arith.constant 0 : i32
    %ne3A_1840 = arith.cmpi ne, %rem3A_1838, %ne3A_1839 : i32
    %and3A_1841 = arith.andi %ne3A_1837, %ne3A_1840 : i1
    %sub3A_1842 = arith.constant 1 : i32
    %sub3A_1843 = arith.subi %div3A_1822, %sub3A_1842 : i32
    %select_n3A_1844 = arith.select %and3A_1841, %sub3A_1843, %div3A_1822 : i32
    %mul3A_1845 = arith.constant 128 : i32
    %mul3A_1846 = arith.muli %select_n3A_1844, %mul3A_1845 : i32
    %multiple_of3A_1847 = tpu.assume_multiple %mul3A_1846, 128 : i32
    %dma_start3A_1848 = arith.constant 52 : i32
    %dma_start3A_1849 = tpu.memref_slice %arg3[%dma_start3A_1848, %multiple_of3A_1847] : memref<128x32768xf32, #tpu.memory_space<any>> -> memref<1x128xf32, #tpu.memory_space<any>>
    %dma_start3A_1850 = arith.constant 52 : i32
    %dma_start3A_1851 = arith.constant 0 : i32
    %dma_start3A_1852 = tpu.memref_slice %arg4[%dma_start3A_1850, %dma_start3A_1851] : memref<128x128xf32, #tpu.memory_space<vmem>> -> memref<1x128xf32, #tpu.memory_space<vmem>>
    tpu.enqueue_dma source(%dma_start3A_1852 : memref<1x128xf32, #tpu.memory_space<vmem>>) target(%dma_start3A_1849 : memref<1x128xf32, #tpu.memory_space<any>>) target_semaphore(%arg5 : memref<!tpu.dma_semaphore, #tpu.memory_space<semaphore_mem>>)
    %get3A_1853 = arith.constant 53 : index
    %get3A_1854 = arith.constant 0 : index
    %get3A_1855 = memref.load %arg0[%get3A_1853, %get3A_1854] : memref<128x1xi32, #tpu.memory_space<smem>>
    %jit3A_1856 = arith.constant 128 : i32
    %div3A_1857 = arith.divsi %get3A_1855, %jit3A_1856 : i32
    %sign3A_1858 = arith.constant 0 : i32
    %sign3A_1859 = arith.cmpi sgt, %get3A_1855, %sign3A_1858 : i32
    %sign3A_1860 = arith.extui %sign3A_1859 : i1 to i32
    %sign3A_1861 = arith.constant 0 : i32
    %sign3A_1862 = arith.cmpi slt, %get3A_1855, %sign3A_1861 : i32
    %sign3A_1863 = arith.extui %sign3A_1862 : i1 to i32
    %sign3A_1864 = arith.subi %sign3A_1860, %sign3A_1863 : i32
    %sign3A_1865 = arith.constant 0 : i32
    %sign3A_1866 = arith.cmpi sgt, %jit3A_1856, %sign3A_1865 : i32
    %sign3A_1867 = arith.extui %sign3A_1866 : i1 to i32
    %sign3A_1868 = arith.constant 0 : i32
    %sign3A_1869 = arith.cmpi slt, %jit3A_1856, %sign3A_1868 : i32
    %sign3A_1870 = arith.extui %sign3A_1869 : i1 to i32
    %sign3A_1871 = arith.subi %sign3A_1867, %sign3A_1870 : i32
    %ne3A_1872 = arith.cmpi ne, %sign3A_1864, %sign3A_1871 : i32
    %rem3A_1873 = arith.remsi %get3A_1855, %jit3A_1856 : i32
    %ne3A_1874 = arith.constant 0 : i32
    %ne3A_1875 = arith.cmpi ne, %rem3A_1873, %ne3A_1874 : i32
    %and3A_1876 = arith.andi %ne3A_1872, %ne3A_1875 : i1
    %sub3A_1877 = arith.constant 1 : i32
    %sub3A_1878 = arith.subi %div3A_1857, %sub3A_1877 : i32
    %select_n3A_1879 = arith.select %and3A_1876, %sub3A_1878, %div3A_1857 : i32
    %mul3A_1880 = arith.constant 128 : i32
    %mul3A_1881 = arith.muli %select_n3A_1879, %mul3A_1880 : i32
    %multiple_of3A_1882 = tpu.assume_multiple %mul3A_1881, 128 : i32
    %dma_start3A_1883 = arith.constant 53 : i32
    %dma_start3A_1884 = tpu.memref_slice %arg3[%dma_start3A_1883, %multiple_of3A_1882] : memref<128x32768xf32, #tpu.memory_space<any>> -> memref<1x128xf32, #tpu.memory_space<any>>
    %dma_start3A_1885 = arith.constant 53 : i32
    %dma_start3A_1886 = arith.constant 0 : i32
    %dma_start3A_1887 = tpu.memref_slice %arg4[%dma_start3A_1885, %dma_start3A_1886] : memref<128x128xf32, #tpu.memory_space<vmem>> -> memref<1x128xf32, #tpu.memory_space<vmem>>
    tpu.enqueue_dma source(%dma_start3A_1887 : memref<1x128xf32, #tpu.memory_space<vmem>>) target(%dma_start3A_1884 : memref<1x128xf32, #tpu.memory_space<any>>) target_semaphore(%arg5 : memref<!tpu.dma_semaphore, #tpu.memory_space<semaphore_mem>>)
    %get3A_1888 = arith.constant 54 : index
    %get3A_1889 = arith.constant 0 : index
    %get3A_1890 = memref.load %arg0[%get3A_1888, %get3A_1889] : memref<128x1xi32, #tpu.memory_space<smem>>
    %jit3A_1891 = arith.constant 128 : i32
    %div3A_1892 = arith.divsi %get3A_1890, %jit3A_1891 : i32
    %sign3A_1893 = arith.constant 0 : i32
    %sign3A_1894 = arith.cmpi sgt, %get3A_1890, %sign3A_1893 : i32
    %sign3A_1895 = arith.extui %sign3A_1894 : i1 to i32
    %sign3A_1896 = arith.constant 0 : i32
    %sign3A_1897 = arith.cmpi slt, %get3A_1890, %sign3A_1896 : i32
    %sign3A_1898 = arith.extui %sign3A_1897 : i1 to i32
    %sign3A_1899 = arith.subi %sign3A_1895, %sign3A_1898 : i32
    %sign3A_1900 = arith.constant 0 : i32
    %sign3A_1901 = arith.cmpi sgt, %jit3A_1891, %sign3A_1900 : i32
    %sign3A_1902 = arith.extui %sign3A_1901 : i1 to i32
    %sign3A_1903 = arith.constant 0 : i32
    %sign3A_1904 = arith.cmpi slt, %jit3A_1891, %sign3A_1903 : i32
    %sign3A_1905 = arith.extui %sign3A_1904 : i1 to i32
    %sign3A_1906 = arith.subi %sign3A_1902, %sign3A_1905 : i32
    %ne3A_1907 = arith.cmpi ne, %sign3A_1899, %sign3A_1906 : i32
    %rem3A_1908 = arith.remsi %get3A_1890, %jit3A_1891 : i32
    %ne3A_1909 = arith.constant 0 : i32
    %ne3A_1910 = arith.cmpi ne, %rem3A_1908, %ne3A_1909 : i32
    %and3A_1911 = arith.andi %ne3A_1907, %ne3A_1910 : i1
    %sub3A_1912 = arith.constant 1 : i32
    %sub3A_1913 = arith.subi %div3A_1892, %sub3A_1912 : i32
    %select_n3A_1914 = arith.select %and3A_1911, %sub3A_1913, %div3A_1892 : i32
    %mul3A_1915 = arith.constant 128 : i32
    %mul3A_1916 = arith.muli %select_n3A_1914, %mul3A_1915 : i32
    %multiple_of3A_1917 = tpu.assume_multiple %mul3A_1916, 128 : i32
    %dma_start3A_1918 = arith.constant 54 : i32
    %dma_start3A_1919 = tpu.memref_slice %arg3[%dma_start3A_1918, %multiple_of3A_1917] : memref<128x32768xf32, #tpu.memory_space<any>> -> memref<1x128xf32, #tpu.memory_space<any>>
    %dma_start3A_1920 = arith.constant 54 : i32
    %dma_start3A_1921 = arith.constant 0 : i32
    %dma_start3A_1922 = tpu.memref_slice %arg4[%dma_start3A_1920, %dma_start3A_1921] : memref<128x128xf32, #tpu.memory_space<vmem>> -> memref<1x128xf32, #tpu.memory_space<vmem>>
    tpu.enqueue_dma source(%dma_start3A_1922 : memref<1x128xf32, #tpu.memory_space<vmem>>) target(%dma_start3A_1919 : memref<1x128xf32, #tpu.memory_space<any>>) target_semaphore(%arg5 : memref<!tpu.dma_semaphore, #tpu.memory_space<semaphore_mem>>)
    %get3A_1923 = arith.constant 55 : index
    %get3A_1924 = arith.constant 0 : index
    %get3A_1925 = memref.load %arg0[%get3A_1923, %get3A_1924] : memref<128x1xi32, #tpu.memory_space<smem>>
    %jit3A_1926 = arith.constant 128 : i32
    %div3A_1927 = arith.divsi %get3A_1925, %jit3A_1926 : i32
    %sign3A_1928 = arith.constant 0 : i32
    %sign3A_1929 = arith.cmpi sgt, %get3A_1925, %sign3A_1928 : i32
    %sign3A_1930 = arith.extui %sign3A_1929 : i1 to i32
    %sign3A_1931 = arith.constant 0 : i32
    %sign3A_1932 = arith.cmpi slt, %get3A_1925, %sign3A_1931 : i32
    %sign3A_1933 = arith.extui %sign3A_1932 : i1 to i32
    %sign3A_1934 = arith.subi %sign3A_1930, %sign3A_1933 : i32
    %sign3A_1935 = arith.constant 0 : i32
    %sign3A_1936 = arith.cmpi sgt, %jit3A_1926, %sign3A_1935 : i32
    %sign3A_1937 = arith.extui %sign3A_1936 : i1 to i32
    %sign3A_1938 = arith.constant 0 : i32
    %sign3A_1939 = arith.cmpi slt, %jit3A_1926, %sign3A_1938 : i32
    %sign3A_1940 = arith.extui %sign3A_1939 : i1 to i32
    %sign3A_1941 = arith.subi %sign3A_1937, %sign3A_1940 : i32
    %ne3A_1942 = arith.cmpi ne, %sign3A_1934, %sign3A_1941 : i32
    %rem3A_1943 = arith.remsi %get3A_1925, %jit3A_1926 : i32
    %ne3A_1944 = arith.constant 0 : i32
    %ne3A_1945 = arith.cmpi ne, %rem3A_1943, %ne3A_1944 : i32
    %and3A_1946 = arith.andi %ne3A_1942, %ne3A_1945 : i1
    %sub3A_1947 = arith.constant 1 : i32
    %sub3A_1948 = arith.subi %div3A_1927, %sub3A_1947 : i32
    %select_n3A_1949 = arith.select %and3A_1946, %sub3A_1948, %div3A_1927 : i32
    %mul3A_1950 = arith.constant 128 : i32
    %mul3A_1951 = arith.muli %select_n3A_1949, %mul3A_1950 : i32
    %multiple_of3A_1952 = tpu.assume_multiple %mul3A_1951, 128 : i32
    %dma_start3A_1953 = arith.constant 55 : i32
    %dma_start3A_1954 = tpu.memref_slice %arg3[%dma_start3A_1953, %multiple_of3A_1952] : memref<128x32768xf32, #tpu.memory_space<any>> -> memref<1x128xf32, #tpu.memory_space<any>>
    %dma_start3A_1955 = arith.constant 55 : i32
    %dma_start3A_1956 = arith.constant 0 : i32
    %dma_start3A_1957 = tpu.memref_slice %arg4[%dma_start3A_1955, %dma_start3A_1956] : memref<128x128xf32, #tpu.memory_space<vmem>> -> memref<1x128xf32, #tpu.memory_space<vmem>>
    tpu.enqueue_dma source(%dma_start3A_1957 : memref<1x128xf32, #tpu.memory_space<vmem>>) target(%dma_start3A_1954 : memref<1x128xf32, #tpu.memory_space<any>>) target_semaphore(%arg5 : memref<!tpu.dma_semaphore, #tpu.memory_space<semaphore_mem>>)
    %get3A_1958 = arith.constant 56 : index
    %get3A_1959 = arith.constant 0 : index
    %get3A_1960 = memref.load %arg0[%get3A_1958, %get3A_1959] : memref<128x1xi32, #tpu.memory_space<smem>>
    %jit3A_1961 = arith.constant 128 : i32
    %div3A_1962 = arith.divsi %get3A_1960, %jit3A_1961 : i32
    %sign3A_1963 = arith.constant 0 : i32
    %sign3A_1964 = arith.cmpi sgt, %get3A_1960, %sign3A_1963 : i32
    %sign3A_1965 = arith.extui %sign3A_1964 : i1 to i32
    %sign3A_1966 = arith.constant 0 : i32
    %sign3A_1967 = arith.cmpi slt, %get3A_1960, %sign3A_1966 : i32
    %sign3A_1968 = arith.extui %sign3A_1967 : i1 to i32
    %sign3A_1969 = arith.subi %sign3A_1965, %sign3A_1968 : i32
    %sign3A_1970 = arith.constant 0 : i32
    %sign3A_1971 = arith.cmpi sgt, %jit3A_1961, %sign3A_1970 : i32
    %sign3A_1972 = arith.extui %sign3A_1971 : i1 to i32
    %sign3A_1973 = arith.constant 0 : i32
    %sign3A_1974 = arith.cmpi slt, %jit3A_1961, %sign3A_1973 : i32
    %sign3A_1975 = arith.extui %sign3A_1974 : i1 to i32
    %sign3A_1976 = arith.subi %sign3A_1972, %sign3A_1975 : i32
    %ne3A_1977 = arith.cmpi ne, %sign3A_1969, %sign3A_1976 : i32
    %rem3A_1978 = arith.remsi %get3A_1960, %jit3A_1961 : i32
    %ne3A_1979 = arith.constant 0 : i32
    %ne3A_1980 = arith.cmpi ne, %rem3A_1978, %ne3A_1979 : i32
    %and3A_1981 = arith.andi %ne3A_1977, %ne3A_1980 : i1
    %sub3A_1982 = arith.constant 1 : i32
    %sub3A_1983 = arith.subi %div3A_1962, %sub3A_1982 : i32
    %select_n3A_1984 = arith.select %and3A_1981, %sub3A_1983, %div3A_1962 : i32
    %mul3A_1985 = arith.constant 128 : i32
    %mul3A_1986 = arith.muli %select_n3A_1984, %mul3A_1985 : i32
    %multiple_of3A_1987 = tpu.assume_multiple %mul3A_1986, 128 : i32
    %dma_start3A_1988 = arith.constant 56 : i32
    %dma_start3A_1989 = tpu.memref_slice %arg3[%dma_start3A_1988, %multiple_of3A_1987] : memref<128x32768xf32, #tpu.memory_space<any>> -> memref<1x128xf32, #tpu.memory_space<any>>
    %dma_start3A_1990 = arith.constant 56 : i32
    %dma_start3A_1991 = arith.constant 0 : i32
    %dma_start3A_1992 = tpu.memref_slice %arg4[%dma_start3A_1990, %dma_start3A_1991] : memref<128x128xf32, #tpu.memory_space<vmem>> -> memref<1x128xf32, #tpu.memory_space<vmem>>
    tpu.enqueue_dma source(%dma_start3A_1992 : memref<1x128xf32, #tpu.memory_space<vmem>>) target(%dma_start3A_1989 : memref<1x128xf32, #tpu.memory_space<any>>) target_semaphore(%arg5 : memref<!tpu.dma_semaphore, #tpu.memory_space<semaphore_mem>>)
    %get3A_1993 = arith.constant 57 : index
    %get3A_1994 = arith.constant 0 : index
    %get3A_1995 = memref.load %arg0[%get3A_1993, %get3A_1994] : memref<128x1xi32, #tpu.memory_space<smem>>
    %jit3A_1996 = arith.constant 128 : i32
    %div3A_1997 = arith.divsi %get3A_1995, %jit3A_1996 : i32
    %sign3A_1998 = arith.constant 0 : i32
    %sign3A_1999 = arith.cmpi sgt, %get3A_1995, %sign3A_1998 : i32
    %sign3A_2000 = arith.extui %sign3A_1999 : i1 to i32
    %sign3A_2001 = arith.constant 0 : i32
    %sign3A_2002 = arith.cmpi slt, %get3A_1995, %sign3A_2001 : i32
    %sign3A_2003 = arith.extui %sign3A_2002 : i1 to i32
    %sign3A_2004 = arith.subi %sign3A_2000, %sign3A_2003 : i32
    %sign3A_2005 = arith.constant 0 : i32
    %sign3A_2006 = arith.cmpi sgt, %jit3A_1996, %sign3A_2005 : i32
    %sign3A_2007 = arith.extui %sign3A_2006 : i1 to i32
    %sign3A_2008 = arith.constant 0 : i32
    %sign3A_2009 = arith.cmpi slt, %jit3A_1996, %sign3A_2008 : i32
    %sign3A_2010 = arith.extui %sign3A_2009 : i1 to i32
    %sign3A_2011 = arith.subi %sign3A_2007, %sign3A_2010 : i32
    %ne3A_2012 = arith.cmpi ne, %sign3A_2004, %sign3A_2011 : i32
    %rem3A_2013 = arith.remsi %get3A_1995, %jit3A_1996 : i32
    %ne3A_2014 = arith.constant 0 : i32
    %ne3A_2015 = arith.cmpi ne, %rem3A_2013, %ne3A_2014 : i32
    %and3A_2016 = arith.andi %ne3A_2012, %ne3A_2015 : i1
    %sub3A_2017 = arith.constant 1 : i32
    %sub3A_2018 = arith.subi %div3A_1997, %sub3A_2017 : i32
    %select_n3A_2019 = arith.select %and3A_2016, %sub3A_2018, %div3A_1997 : i32
    %mul3A_2020 = arith.constant 128 : i32
    %mul3A_2021 = arith.muli %select_n3A_2019, %mul3A_2020 : i32
    %multiple_of3A_2022 = tpu.assume_multiple %mul3A_2021, 128 : i32
    %dma_start3A_2023 = arith.constant 57 : i32
    %dma_start3A_2024 = tpu.memref_slice %arg3[%dma_start3A_2023, %multiple_of3A_2022] : memref<128x32768xf32, #tpu.memory_space<any>> -> memref<1x128xf32, #tpu.memory_space<any>>
    %dma_start3A_2025 = arith.constant 57 : i32
    %dma_start3A_2026 = arith.constant 0 : i32
    %dma_start3A_2027 = tpu.memref_slice %arg4[%dma_start3A_2025, %dma_start3A_2026] : memref<128x128xf32, #tpu.memory_space<vmem>> -> memref<1x128xf32, #tpu.memory_space<vmem>>
    tpu.enqueue_dma source(%dma_start3A_2027 : memref<1x128xf32, #tpu.memory_space<vmem>>) target(%dma_start3A_2024 : memref<1x128xf32, #tpu.memory_space<any>>) target_semaphore(%arg5 : memref<!tpu.dma_semaphore, #tpu.memory_space<semaphore_mem>>)
    %get3A_2028 = arith.constant 58 : index
    %get3A_2029 = arith.constant 0 : index
    %get3A_2030 = memref.load %arg0[%get3A_2028, %get3A_2029] : memref<128x1xi32, #tpu.memory_space<smem>>
    %jit3A_2031 = arith.constant 128 : i32
    %div3A_2032 = arith.divsi %get3A_2030, %jit3A_2031 : i32
    %sign3A_2033 = arith.constant 0 : i32
    %sign3A_2034 = arith.cmpi sgt, %get3A_2030, %sign3A_2033 : i32
    %sign3A_2035 = arith.extui %sign3A_2034 : i1 to i32
    %sign3A_2036 = arith.constant 0 : i32
    %sign3A_2037 = arith.cmpi slt, %get3A_2030, %sign3A_2036 : i32
    %sign3A_2038 = arith.extui %sign3A_2037 : i1 to i32
    %sign3A_2039 = arith.subi %sign3A_2035, %sign3A_2038 : i32
    %sign3A_2040 = arith.constant 0 : i32
    %sign3A_2041 = arith.cmpi sgt, %jit3A_2031, %sign3A_2040 : i32
    %sign3A_2042 = arith.extui %sign3A_2041 : i1 to i32
    %sign3A_2043 = arith.constant 0 : i32
    %sign3A_2044 = arith.cmpi slt, %jit3A_2031, %sign3A_2043 : i32
    %sign3A_2045 = arith.extui %sign3A_2044 : i1 to i32
    %sign3A_2046 = arith.subi %sign3A_2042, %sign3A_2045 : i32
    %ne3A_2047 = arith.cmpi ne, %sign3A_2039, %sign3A_2046 : i32
    %rem3A_2048 = arith.remsi %get3A_2030, %jit3A_2031 : i32
    %ne3A_2049 = arith.constant 0 : i32
    %ne3A_2050 = arith.cmpi ne, %rem3A_2048, %ne3A_2049 : i32
    %and3A_2051 = arith.andi %ne3A_2047, %ne3A_2050 : i1
    %sub3A_2052 = arith.constant 1 : i32
    %sub3A_2053 = arith.subi %div3A_2032, %sub3A_2052 : i32
    %select_n3A_2054 = arith.select %and3A_2051, %sub3A_2053, %div3A_2032 : i32
    %mul3A_2055 = arith.constant 128 : i32
    %mul3A_2056 = arith.muli %select_n3A_2054, %mul3A_2055 : i32
    %multiple_of3A_2057 = tpu.assume_multiple %mul3A_2056, 128 : i32
    %dma_start3A_2058 = arith.constant 58 : i32
    %dma_start3A_2059 = tpu.memref_slice %arg3[%dma_start3A_2058, %multiple_of3A_2057] : memref<128x32768xf32, #tpu.memory_space<any>> -> memref<1x128xf32, #tpu.memory_space<any>>
    %dma_start3A_2060 = arith.constant 58 : i32
    %dma_start3A_2061 = arith.constant 0 : i32
    %dma_start3A_2062 = tpu.memref_slice %arg4[%dma_start3A_2060, %dma_start3A_2061] : memref<128x128xf32, #tpu.memory_space<vmem>> -> memref<1x128xf32, #tpu.memory_space<vmem>>
    tpu.enqueue_dma source(%dma_start3A_2062 : memref<1x128xf32, #tpu.memory_space<vmem>>) target(%dma_start3A_2059 : memref<1x128xf32, #tpu.memory_space<any>>) target_semaphore(%arg5 : memref<!tpu.dma_semaphore, #tpu.memory_space<semaphore_mem>>)
    %get3A_2063 = arith.constant 59 : index
    %get3A_2064 = arith.constant 0 : index
    %get3A_2065 = memref.load %arg0[%get3A_2063, %get3A_2064] : memref<128x1xi32, #tpu.memory_space<smem>>
    %jit3A_2066 = arith.constant 128 : i32
    %div3A_2067 = arith.divsi %get3A_2065, %jit3A_2066 : i32
    %sign3A_2068 = arith.constant 0 : i32
    %sign3A_2069 = arith.cmpi sgt, %get3A_2065, %sign3A_2068 : i32
    %sign3A_2070 = arith.extui %sign3A_2069 : i1 to i32
    %sign3A_2071 = arith.constant 0 : i32
    %sign3A_2072 = arith.cmpi slt, %get3A_2065, %sign3A_2071 : i32
    %sign3A_2073 = arith.extui %sign3A_2072 : i1 to i32
    %sign3A_2074 = arith.subi %sign3A_2070, %sign3A_2073 : i32
    %sign3A_2075 = arith.constant 0 : i32
    %sign3A_2076 = arith.cmpi sgt, %jit3A_2066, %sign3A_2075 : i32
    %sign3A_2077 = arith.extui %sign3A_2076 : i1 to i32
    %sign3A_2078 = arith.constant 0 : i32
    %sign3A_2079 = arith.cmpi slt, %jit3A_2066, %sign3A_2078 : i32
    %sign3A_2080 = arith.extui %sign3A_2079 : i1 to i32
    %sign3A_2081 = arith.subi %sign3A_2077, %sign3A_2080 : i32
    %ne3A_2082 = arith.cmpi ne, %sign3A_2074, %sign3A_2081 : i32
    %rem3A_2083 = arith.remsi %get3A_2065, %jit3A_2066 : i32
    %ne3A_2084 = arith.constant 0 : i32
    %ne3A_2085 = arith.cmpi ne, %rem3A_2083, %ne3A_2084 : i32
    %and3A_2086 = arith.andi %ne3A_2082, %ne3A_2085 : i1
    %sub3A_2087 = arith.constant 1 : i32
    %sub3A_2088 = arith.subi %div3A_2067, %sub3A_2087 : i32
    %select_n3A_2089 = arith.select %and3A_2086, %sub3A_2088, %div3A_2067 : i32
    %mul3A_2090 = arith.constant 128 : i32
    %mul3A_2091 = arith.muli %select_n3A_2089, %mul3A_2090 : i32
    %multiple_of3A_2092 = tpu.assume_multiple %mul3A_2091, 128 : i32
    %dma_start3A_2093 = arith.constant 59 : i32
    %dma_start3A_2094 = tpu.memref_slice %arg3[%dma_start3A_2093, %multiple_of3A_2092] : memref<128x32768xf32, #tpu.memory_space<any>> -> memref<1x128xf32, #tpu.memory_space<any>>
    %dma_start3A_2095 = arith.constant 59 : i32
    %dma_start3A_2096 = arith.constant 0 : i32
    %dma_start3A_2097 = tpu.memref_slice %arg4[%dma_start3A_2095, %dma_start3A_2096] : memref<128x128xf32, #tpu.memory_space<vmem>> -> memref<1x128xf32, #tpu.memory_space<vmem>>
    tpu.enqueue_dma source(%dma_start3A_2097 : memref<1x128xf32, #tpu.memory_space<vmem>>) target(%dma_start3A_2094 : memref<1x128xf32, #tpu.memory_space<any>>) target_semaphore(%arg5 : memref<!tpu.dma_semaphore, #tpu.memory_space<semaphore_mem>>)
    %get3A_2098 = arith.constant 60 : index
    %get3A_2099 = arith.constant 0 : index
    %get3A_2100 = memref.load %arg0[%get3A_2098, %get3A_2099] : memref<128x1xi32, #tpu.memory_space<smem>>
    %jit3A_2101 = arith.constant 128 : i32
    %div3A_2102 = arith.divsi %get3A_2100, %jit3A_2101 : i32
    %sign3A_2103 = arith.constant 0 : i32
    %sign3A_2104 = arith.cmpi sgt, %get3A_2100, %sign3A_2103 : i32
    %sign3A_2105 = arith.extui %sign3A_2104 : i1 to i32
    %sign3A_2106 = arith.constant 0 : i32
    %sign3A_2107 = arith.cmpi slt, %get3A_2100, %sign3A_2106 : i32
    %sign3A_2108 = arith.extui %sign3A_2107 : i1 to i32
    %sign3A_2109 = arith.subi %sign3A_2105, %sign3A_2108 : i32
    %sign3A_2110 = arith.constant 0 : i32
    %sign3A_2111 = arith.cmpi sgt, %jit3A_2101, %sign3A_2110 : i32
    %sign3A_2112 = arith.extui %sign3A_2111 : i1 to i32
    %sign3A_2113 = arith.constant 0 : i32
    %sign3A_2114 = arith.cmpi slt, %jit3A_2101, %sign3A_2113 : i32
    %sign3A_2115 = arith.extui %sign3A_2114 : i1 to i32
    %sign3A_2116 = arith.subi %sign3A_2112, %sign3A_2115 : i32
    %ne3A_2117 = arith.cmpi ne, %sign3A_2109, %sign3A_2116 : i32
    %rem3A_2118 = arith.remsi %get3A_2100, %jit3A_2101 : i32
    %ne3A_2119 = arith.constant 0 : i32
    %ne3A_2120 = arith.cmpi ne, %rem3A_2118, %ne3A_2119 : i32
    %and3A_2121 = arith.andi %ne3A_2117, %ne3A_2120 : i1
    %sub3A_2122 = arith.constant 1 : i32
    %sub3A_2123 = arith.subi %div3A_2102, %sub3A_2122 : i32
    %select_n3A_2124 = arith.select %and3A_2121, %sub3A_2123, %div3A_2102 : i32
    %mul3A_2125 = arith.constant 128 : i32
    %mul3A_2126 = arith.muli %select_n3A_2124, %mul3A_2125 : i32
    %multiple_of3A_2127 = tpu.assume_multiple %mul3A_2126, 128 : i32
    %dma_start3A_2128 = arith.constant 60 : i32
    %dma_start3A_2129 = tpu.memref_slice %arg3[%dma_start3A_2128, %multiple_of3A_2127] : memref<128x32768xf32, #tpu.memory_space<any>> -> memref<1x128xf32, #tpu.memory_space<any>>
    %dma_start3A_2130 = arith.constant 60 : i32
    %dma_start3A_2131 = arith.constant 0 : i32
    %dma_start3A_2132 = tpu.memref_slice %arg4[%dma_start3A_2130, %dma_start3A_2131] : memref<128x128xf32, #tpu.memory_space<vmem>> -> memref<1x128xf32, #tpu.memory_space<vmem>>
    tpu.enqueue_dma source(%dma_start3A_2132 : memref<1x128xf32, #tpu.memory_space<vmem>>) target(%dma_start3A_2129 : memref<1x128xf32, #tpu.memory_space<any>>) target_semaphore(%arg5 : memref<!tpu.dma_semaphore, #tpu.memory_space<semaphore_mem>>)
    %get3A_2133 = arith.constant 61 : index
    %get3A_2134 = arith.constant 0 : index
    %get3A_2135 = memref.load %arg0[%get3A_2133, %get3A_2134] : memref<128x1xi32, #tpu.memory_space<smem>>
    %jit3A_2136 = arith.constant 128 : i32
    %div3A_2137 = arith.divsi %get3A_2135, %jit3A_2136 : i32
    %sign3A_2138 = arith.constant 0 : i32
    %sign3A_2139 = arith.cmpi sgt, %get3A_2135, %sign3A_2138 : i32
    %sign3A_2140 = arith.extui %sign3A_2139 : i1 to i32
    %sign3A_2141 = arith.constant 0 : i32
    %sign3A_2142 = arith.cmpi slt, %get3A_2135, %sign3A_2141 : i32
    %sign3A_2143 = arith.extui %sign3A_2142 : i1 to i32
    %sign3A_2144 = arith.subi %sign3A_2140, %sign3A_2143 : i32
    %sign3A_2145 = arith.constant 0 : i32
    %sign3A_2146 = arith.cmpi sgt, %jit3A_2136, %sign3A_2145 : i32
    %sign3A_2147 = arith.extui %sign3A_2146 : i1 to i32
    %sign3A_2148 = arith.constant 0 : i32
    %sign3A_2149 = arith.cmpi slt, %jit3A_2136, %sign3A_2148 : i32
    %sign3A_2150 = arith.extui %sign3A_2149 : i1 to i32
    %sign3A_2151 = arith.subi %sign3A_2147, %sign3A_2150 : i32
    %ne3A_2152 = arith.cmpi ne, %sign3A_2144, %sign3A_2151 : i32
    %rem3A_2153 = arith.remsi %get3A_2135, %jit3A_2136 : i32
    %ne3A_2154 = arith.constant 0 : i32
    %ne3A_2155 = arith.cmpi ne, %rem3A_2153, %ne3A_2154 : i32
    %and3A_2156 = arith.andi %ne3A_2152, %ne3A_2155 : i1
    %sub3A_2157 = arith.constant 1 : i32
    %sub3A_2158 = arith.subi %div3A_2137, %sub3A_2157 : i32
    %select_n3A_2159 = arith.select %and3A_2156, %sub3A_2158, %div3A_2137 : i32
    %mul3A_2160 = arith.constant 128 : i32
    %mul3A_2161 = arith.muli %select_n3A_2159, %mul3A_2160 : i32
    %multiple_of3A_2162 = tpu.assume_multiple %mul3A_2161, 128 : i32
    %dma_start3A_2163 = arith.constant 61 : i32
    %dma_start3A_2164 = tpu.memref_slice %arg3[%dma_start3A_2163, %multiple_of3A_2162] : memref<128x32768xf32, #tpu.memory_space<any>> -> memref<1x128xf32, #tpu.memory_space<any>>
    %dma_start3A_2165 = arith.constant 61 : i32
    %dma_start3A_2166 = arith.constant 0 : i32
    %dma_start3A_2167 = tpu.memref_slice %arg4[%dma_start3A_2165, %dma_start3A_2166] : memref<128x128xf32, #tpu.memory_space<vmem>> -> memref<1x128xf32, #tpu.memory_space<vmem>>
    tpu.enqueue_dma source(%dma_start3A_2167 : memref<1x128xf32, #tpu.memory_space<vmem>>) target(%dma_start3A_2164 : memref<1x128xf32, #tpu.memory_space<any>>) target_semaphore(%arg5 : memref<!tpu.dma_semaphore, #tpu.memory_space<semaphore_mem>>)
    %get3A_2168 = arith.constant 62 : index
    %get3A_2169 = arith.constant 0 : index
    %get3A_2170 = memref.load %arg0[%get3A_2168, %get3A_2169] : memref<128x1xi32, #tpu.memory_space<smem>>
    %jit3A_2171 = arith.constant 128 : i32
    %div3A_2172 = arith.divsi %get3A_2170, %jit3A_2171 : i32
    %sign3A_2173 = arith.constant 0 : i32
    %sign3A_2174 = arith.cmpi sgt, %get3A_2170, %sign3A_2173 : i32
    %sign3A_2175 = arith.extui %sign3A_2174 : i1 to i32
    %sign3A_2176 = arith.constant 0 : i32
    %sign3A_2177 = arith.cmpi slt, %get3A_2170, %sign3A_2176 : i32
    %sign3A_2178 = arith.extui %sign3A_2177 : i1 to i32
    %sign3A_2179 = arith.subi %sign3A_2175, %sign3A_2178 : i32
    %sign3A_2180 = arith.constant 0 : i32
    %sign3A_2181 = arith.cmpi sgt, %jit3A_2171, %sign3A_2180 : i32
    %sign3A_2182 = arith.extui %sign3A_2181 : i1 to i32
    %sign3A_2183 = arith.constant 0 : i32
    %sign3A_2184 = arith.cmpi slt, %jit3A_2171, %sign3A_2183 : i32
    %sign3A_2185 = arith.extui %sign3A_2184 : i1 to i32
    %sign3A_2186 = arith.subi %sign3A_2182, %sign3A_2185 : i32
    %ne3A_2187 = arith.cmpi ne, %sign3A_2179, %sign3A_2186 : i32
    %rem3A_2188 = arith.remsi %get3A_2170, %jit3A_2171 : i32
    %ne3A_2189 = arith.constant 0 : i32
    %ne3A_2190 = arith.cmpi ne, %rem3A_2188, %ne3A_2189 : i32
    %and3A_2191 = arith.andi %ne3A_2187, %ne3A_2190 : i1
    %sub3A_2192 = arith.constant 1 : i32
    %sub3A_2193 = arith.subi %div3A_2172, %sub3A_2192 : i32
    %select_n3A_2194 = arith.select %and3A_2191, %sub3A_2193, %div3A_2172 : i32
    %mul3A_2195 = arith.constant 128 : i32
    %mul3A_2196 = arith.muli %select_n3A_2194, %mul3A_2195 : i32
    %multiple_of3A_2197 = tpu.assume_multiple %mul3A_2196, 128 : i32
    %dma_start3A_2198 = arith.constant 62 : i32
    %dma_start3A_2199 = tpu.memref_slice %arg3[%dma_start3A_2198, %multiple_of3A_2197] : memref<128x32768xf32, #tpu.memory_space<any>> -> memref<1x128xf32, #tpu.memory_space<any>>
    %dma_start3A_2200 = arith.constant 62 : i32
    %dma_start3A_2201 = arith.constant 0 : i32
    %dma_start3A_2202 = tpu.memref_slice %arg4[%dma_start3A_2200, %dma_start3A_2201] : memref<128x128xf32, #tpu.memory_space<vmem>> -> memref<1x128xf32, #tpu.memory_space<vmem>>
    tpu.enqueue_dma source(%dma_start3A_2202 : memref<1x128xf32, #tpu.memory_space<vmem>>) target(%dma_start3A_2199 : memref<1x128xf32, #tpu.memory_space<any>>) target_semaphore(%arg5 : memref<!tpu.dma_semaphore, #tpu.memory_space<semaphore_mem>>)
    %get3A_2203 = arith.constant 63 : index
    %get3A_2204 = arith.constant 0 : index
    %get3A_2205 = memref.load %arg0[%get3A_2203, %get3A_2204] : memref<128x1xi32, #tpu.memory_space<smem>>
    %jit3A_2206 = arith.constant 128 : i32
    %div3A_2207 = arith.divsi %get3A_2205, %jit3A_2206 : i32
    %sign3A_2208 = arith.constant 0 : i32
    %sign3A_2209 = arith.cmpi sgt, %get3A_2205, %sign3A_2208 : i32
    %sign3A_2210 = arith.extui %sign3A_2209 : i1 to i32
    %sign3A_2211 = arith.constant 0 : i32
    %sign3A_2212 = arith.cmpi slt, %get3A_2205, %sign3A_2211 : i32
    %sign3A_2213 = arith.extui %sign3A_2212 : i1 to i32
    %sign3A_2214 = arith.subi %sign3A_2210, %sign3A_2213 : i32
    %sign3A_2215 = arith.constant 0 : i32
    %sign3A_2216 = arith.cmpi sgt, %jit3A_2206, %sign3A_2215 : i32
    %sign3A_2217 = arith.extui %sign3A_2216 : i1 to i32
    %sign3A_2218 = arith.constant 0 : i32
    %sign3A_2219 = arith.cmpi slt, %jit3A_2206, %sign3A_2218 : i32
    %sign3A_2220 = arith.extui %sign3A_2219 : i1 to i32
    %sign3A_2221 = arith.subi %sign3A_2217, %sign3A_2220 : i32
    %ne3A_2222 = arith.cmpi ne, %sign3A_2214, %sign3A_2221 : i32
    %rem3A_2223 = arith.remsi %get3A_2205, %jit3A_2206 : i32
    %ne3A_2224 = arith.constant 0 : i32
    %ne3A_2225 = arith.cmpi ne, %rem3A_2223, %ne3A_2224 : i32
    %and3A_2226 = arith.andi %ne3A_2222, %ne3A_2225 : i1
    %sub3A_2227 = arith.constant 1 : i32
    %sub3A_2228 = arith.subi %div3A_2207, %sub3A_2227 : i32
    %select_n3A_2229 = arith.select %and3A_2226, %sub3A_2228, %div3A_2207 : i32
    %mul3A_2230 = arith.constant 128 : i32
    %mul3A_2231 = arith.muli %select_n3A_2229, %mul3A_2230 : i32
    %multiple_of3A_2232 = tpu.assume_multiple %mul3A_2231, 128 : i32
    %dma_start3A_2233 = arith.constant 63 : i32
    %dma_start3A_2234 = tpu.memref_slice %arg3[%dma_start3A_2233, %multiple_of3A_2232] : memref<128x32768xf32, #tpu.memory_space<any>> -> memref<1x128xf32, #tpu.memory_space<any>>
    %dma_start3A_2235 = arith.constant 63 : i32
    %dma_start3A_2236 = arith.constant 0 : i32
    %dma_start3A_2237 = tpu.memref_slice %arg4[%dma_start3A_2235, %dma_start3A_2236] : memref<128x128xf32, #tpu.memory_space<vmem>> -> memref<1x128xf32, #tpu.memory_space<vmem>>
    tpu.enqueue_dma source(%dma_start3A_2237 : memref<1x128xf32, #tpu.memory_space<vmem>>) target(%dma_start3A_2234 : memref<1x128xf32, #tpu.memory_space<any>>) target_semaphore(%arg5 : memref<!tpu.dma_semaphore, #tpu.memory_space<semaphore_mem>>)
    %get3A_2238 = arith.constant 64 : index
    %get3A_2239 = arith.constant 0 : index
    %get3A_2240 = memref.load %arg0[%get3A_2238, %get3A_2239] : memref<128x1xi32, #tpu.memory_space<smem>>
    %jit3A_2241 = arith.constant 128 : i32
    %div3A_2242 = arith.divsi %get3A_2240, %jit3A_2241 : i32
    %sign3A_2243 = arith.constant 0 : i32
    %sign3A_2244 = arith.cmpi sgt, %get3A_2240, %sign3A_2243 : i32
    %sign3A_2245 = arith.extui %sign3A_2244 : i1 to i32
    %sign3A_2246 = arith.constant 0 : i32
    %sign3A_2247 = arith.cmpi slt, %get3A_2240, %sign3A_2246 : i32
    %sign3A_2248 = arith.extui %sign3A_2247 : i1 to i32
    %sign3A_2249 = arith.subi %sign3A_2245, %sign3A_2248 : i32
    %sign3A_2250 = arith.constant 0 : i32
    %sign3A_2251 = arith.cmpi sgt, %jit3A_2241, %sign3A_2250 : i32
    %sign3A_2252 = arith.extui %sign3A_2251 : i1 to i32
    %sign3A_2253 = arith.constant 0 : i32
    %sign3A_2254 = arith.cmpi slt, %jit3A_2241, %sign3A_2253 : i32
    %sign3A_2255 = arith.extui %sign3A_2254 : i1 to i32
    %sign3A_2256 = arith.subi %sign3A_2252, %sign3A_2255 : i32
    %ne3A_2257 = arith.cmpi ne, %sign3A_2249, %sign3A_2256 : i32
    %rem3A_2258 = arith.remsi %get3A_2240, %jit3A_2241 : i32
    %ne3A_2259 = arith.constant 0 : i32
    %ne3A_2260 = arith.cmpi ne, %rem3A_2258, %ne3A_2259 : i32
    %and3A_2261 = arith.andi %ne3A_2257, %ne3A_2260 : i1
    %sub3A_2262 = arith.constant 1 : i32
    %sub3A_2263 = arith.subi %div3A_2242, %sub3A_2262 : i32
    %select_n3A_2264 = arith.select %and3A_2261, %sub3A_2263, %div3A_2242 : i32
    %mul3A_2265 = arith.constant 128 : i32
    %mul3A_2266 = arith.muli %select_n3A_2264, %mul3A_2265 : i32
    %multiple_of3A_2267 = tpu.assume_multiple %mul3A_2266, 128 : i32
    %dma_start3A_2268 = arith.constant 64 : i32
    %dma_start3A_2269 = tpu.memref_slice %arg3[%dma_start3A_2268, %multiple_of3A_2267] : memref<128x32768xf32, #tpu.memory_space<any>> -> memref<1x128xf32, #tpu.memory_space<any>>
    %dma_start3A_2270 = arith.constant 64 : i32
    %dma_start3A_2271 = arith.constant 0 : i32
    %dma_start3A_2272 = tpu.memref_slice %arg4[%dma_start3A_2270, %dma_start3A_2271] : memref<128x128xf32, #tpu.memory_space<vmem>> -> memref<1x128xf32, #tpu.memory_space<vmem>>
    tpu.enqueue_dma source(%dma_start3A_2272 : memref<1x128xf32, #tpu.memory_space<vmem>>) target(%dma_start3A_2269 : memref<1x128xf32, #tpu.memory_space<any>>) target_semaphore(%arg5 : memref<!tpu.dma_semaphore, #tpu.memory_space<semaphore_mem>>)
    %get3A_2273 = arith.constant 65 : index
    %get3A_2274 = arith.constant 0 : index
    %get3A_2275 = memref.load %arg0[%get3A_2273, %get3A_2274] : memref<128x1xi32, #tpu.memory_space<smem>>
    %jit3A_2276 = arith.constant 128 : i32
    %div3A_2277 = arith.divsi %get3A_2275, %jit3A_2276 : i32
    %sign3A_2278 = arith.constant 0 : i32
    %sign3A_2279 = arith.cmpi sgt, %get3A_2275, %sign3A_2278 : i32
    %sign3A_2280 = arith.extui %sign3A_2279 : i1 to i32
    %sign3A_2281 = arith.constant 0 : i32
    %sign3A_2282 = arith.cmpi slt, %get3A_2275, %sign3A_2281 : i32
    %sign3A_2283 = arith.extui %sign3A_2282 : i1 to i32
    %sign3A_2284 = arith.subi %sign3A_2280, %sign3A_2283 : i32
    %sign3A_2285 = arith.constant 0 : i32
    %sign3A_2286 = arith.cmpi sgt, %jit3A_2276, %sign3A_2285 : i32
    %sign3A_2287 = arith.extui %sign3A_2286 : i1 to i32
    %sign3A_2288 = arith.constant 0 : i32
    %sign3A_2289 = arith.cmpi slt, %jit3A_2276, %sign3A_2288 : i32
    %sign3A_2290 = arith.extui %sign3A_2289 : i1 to i32
    %sign3A_2291 = arith.subi %sign3A_2287, %sign3A_2290 : i32
    %ne3A_2292 = arith.cmpi ne, %sign3A_2284, %sign3A_2291 : i32
    %rem3A_2293 = arith.remsi %get3A_2275, %jit3A_2276 : i32
    %ne3A_2294 = arith.constant 0 : i32
    %ne3A_2295 = arith.cmpi ne, %rem3A_2293, %ne3A_2294 : i32
    %and3A_2296 = arith.andi %ne3A_2292, %ne3A_2295 : i1
    %sub3A_2297 = arith.constant 1 : i32
    %sub3A_2298 = arith.subi %div3A_2277, %sub3A_2297 : i32
    %select_n3A_2299 = arith.select %and3A_2296, %sub3A_2298, %div3A_2277 : i32
    %mul3A_2300 = arith.constant 128 : i32
    %mul3A_2301 = arith.muli %select_n3A_2299, %mul3A_2300 : i32
    %multiple_of3A_2302 = tpu.assume_multiple %mul3A_2301, 128 : i32
    %dma_start3A_2303 = arith.constant 65 : i32
    %dma_start3A_2304 = tpu.memref_slice %arg3[%dma_start3A_2303, %multiple_of3A_2302] : memref<128x32768xf32, #tpu.memory_space<any>> -> memref<1x128xf32, #tpu.memory_space<any>>
    %dma_start3A_2305 = arith.constant 65 : i32
    %dma_start3A_2306 = arith.constant 0 : i32
    %dma_start3A_2307 = tpu.memref_slice %arg4[%dma_start3A_2305, %dma_start3A_2306] : memref<128x128xf32, #tpu.memory_space<vmem>> -> memref<1x128xf32, #tpu.memory_space<vmem>>
    tpu.enqueue_dma source(%dma_start3A_2307 : memref<1x128xf32, #tpu.memory_space<vmem>>) target(%dma_start3A_2304 : memref<1x128xf32, #tpu.memory_space<any>>) target_semaphore(%arg5 : memref<!tpu.dma_semaphore, #tpu.memory_space<semaphore_mem>>)
    %get3A_2308 = arith.constant 66 : index
    %get3A_2309 = arith.constant 0 : index
    %get3A_2310 = memref.load %arg0[%get3A_2308, %get3A_2309] : memref<128x1xi32, #tpu.memory_space<smem>>
    %jit3A_2311 = arith.constant 128 : i32
    %div3A_2312 = arith.divsi %get3A_2310, %jit3A_2311 : i32
    %sign3A_2313 = arith.constant 0 : i32
    %sign3A_2314 = arith.cmpi sgt, %get3A_2310, %sign3A_2313 : i32
    %sign3A_2315 = arith.extui %sign3A_2314 : i1 to i32
    %sign3A_2316 = arith.constant 0 : i32
    %sign3A_2317 = arith.cmpi slt, %get3A_2310, %sign3A_2316 : i32
    %sign3A_2318 = arith.extui %sign3A_2317 : i1 to i32
    %sign3A_2319 = arith.subi %sign3A_2315, %sign3A_2318 : i32
    %sign3A_2320 = arith.constant 0 : i32
    %sign3A_2321 = arith.cmpi sgt, %jit3A_2311, %sign3A_2320 : i32
    %sign3A_2322 = arith.extui %sign3A_2321 : i1 to i32
    %sign3A_2323 = arith.constant 0 : i32
    %sign3A_2324 = arith.cmpi slt, %jit3A_2311, %sign3A_2323 : i32
    %sign3A_2325 = arith.extui %sign3A_2324 : i1 to i32
    %sign3A_2326 = arith.subi %sign3A_2322, %sign3A_2325 : i32
    %ne3A_2327 = arith.cmpi ne, %sign3A_2319, %sign3A_2326 : i32
    %rem3A_2328 = arith.remsi %get3A_2310, %jit3A_2311 : i32
    %ne3A_2329 = arith.constant 0 : i32
    %ne3A_2330 = arith.cmpi ne, %rem3A_2328, %ne3A_2329 : i32
    %and3A_2331 = arith.andi %ne3A_2327, %ne3A_2330 : i1
    %sub3A_2332 = arith.constant 1 : i32
    %sub3A_2333 = arith.subi %div3A_2312, %sub3A_2332 : i32
    %select_n3A_2334 = arith.select %and3A_2331, %sub3A_2333, %div3A_2312 : i32
    %mul3A_2335 = arith.constant 128 : i32
    %mul3A_2336 = arith.muli %select_n3A_2334, %mul3A_2335 : i32
    %multiple_of3A_2337 = tpu.assume_multiple %mul3A_2336, 128 : i32
    %dma_start3A_2338 = arith.constant 66 : i32
    %dma_start3A_2339 = tpu.memref_slice %arg3[%dma_start3A_2338, %multiple_of3A_2337] : memref<128x32768xf32, #tpu.memory_space<any>> -> memref<1x128xf32, #tpu.memory_space<any>>
    %dma_start3A_2340 = arith.constant 66 : i32
    %dma_start3A_2341 = arith.constant 0 : i32
    %dma_start3A_2342 = tpu.memref_slice %arg4[%dma_start3A_2340, %dma_start3A_2341] : memref<128x128xf32, #tpu.memory_space<vmem>> -> memref<1x128xf32, #tpu.memory_space<vmem>>
    tpu.enqueue_dma source(%dma_start3A_2342 : memref<1x128xf32, #tpu.memory_space<vmem>>) target(%dma_start3A_2339 : memref<1x128xf32, #tpu.memory_space<any>>) target_semaphore(%arg5 : memref<!tpu.dma_semaphore, #tpu.memory_space<semaphore_mem>>)
    %get3A_2343 = arith.constant 67 : index
    %get3A_2344 = arith.constant 0 : index
    %get3A_2345 = memref.load %arg0[%get3A_2343, %get3A_2344] : memref<128x1xi32, #tpu.memory_space<smem>>
    %jit3A_2346 = arith.constant 128 : i32
    %div3A_2347 = arith.divsi %get3A_2345, %jit3A_2346 : i32
    %sign3A_2348 = arith.constant 0 : i32
    %sign3A_2349 = arith.cmpi sgt, %get3A_2345, %sign3A_2348 : i32
    %sign3A_2350 = arith.extui %sign3A_2349 : i1 to i32
    %sign3A_2351 = arith.constant 0 : i32
    %sign3A_2352 = arith.cmpi slt, %get3A_2345, %sign3A_2351 : i32
    %sign3A_2353 = arith.extui %sign3A_2352 : i1 to i32
    %sign3A_2354 = arith.subi %sign3A_2350, %sign3A_2353 : i32
    %sign3A_2355 = arith.constant 0 : i32
    %sign3A_2356 = arith.cmpi sgt, %jit3A_2346, %sign3A_2355 : i32
    %sign3A_2357 = arith.extui %sign3A_2356 : i1 to i32
    %sign3A_2358 = arith.constant 0 : i32
    %sign3A_2359 = arith.cmpi slt, %jit3A_2346, %sign3A_2358 : i32
    %sign3A_2360 = arith.extui %sign3A_2359 : i1 to i32
    %sign3A_2361 = arith.subi %sign3A_2357, %sign3A_2360 : i32
    %ne3A_2362 = arith.cmpi ne, %sign3A_2354, %sign3A_2361 : i32
    %rem3A_2363 = arith.remsi %get3A_2345, %jit3A_2346 : i32
    %ne3A_2364 = arith.constant 0 : i32
    %ne3A_2365 = arith.cmpi ne, %rem3A_2363, %ne3A_2364 : i32
    %and3A_2366 = arith.andi %ne3A_2362, %ne3A_2365 : i1
    %sub3A_2367 = arith.constant 1 : i32
    %sub3A_2368 = arith.subi %div3A_2347, %sub3A_2367 : i32
    %select_n3A_2369 = arith.select %and3A_2366, %sub3A_2368, %div3A_2347 : i32
    %mul3A_2370 = arith.constant 128 : i32
    %mul3A_2371 = arith.muli %select_n3A_2369, %mul3A_2370 : i32
    %multiple_of3A_2372 = tpu.assume_multiple %mul3A_2371, 128 : i32
    %dma_start3A_2373 = arith.constant 67 : i32
    %dma_start3A_2374 = tpu.memref_slice %arg3[%dma_start3A_2373, %multiple_of3A_2372] : memref<128x32768xf32, #tpu.memory_space<any>> -> memref<1x128xf32, #tpu.memory_space<any>>
    %dma_start3A_2375 = arith.constant 67 : i32
    %dma_start3A_2376 = arith.constant 0 : i32
    %dma_start3A_2377 = tpu.memref_slice %arg4[%dma_start3A_2375, %dma_start3A_2376] : memref<128x128xf32, #tpu.memory_space<vmem>> -> memref<1x128xf32, #tpu.memory_space<vmem>>
    tpu.enqueue_dma source(%dma_start3A_2377 : memref<1x128xf32, #tpu.memory_space<vmem>>) target(%dma_start3A_2374 : memref<1x128xf32, #tpu.memory_space<any>>) target_semaphore(%arg5 : memref<!tpu.dma_semaphore, #tpu.memory_space<semaphore_mem>>)
    %get3A_2378 = arith.constant 68 : index
    %get3A_2379 = arith.constant 0 : index
    %get3A_2380 = memref.load %arg0[%get3A_2378, %get3A_2379] : memref<128x1xi32, #tpu.memory_space<smem>>
    %jit3A_2381 = arith.constant 128 : i32
    %div3A_2382 = arith.divsi %get3A_2380, %jit3A_2381 : i32
    %sign3A_2383 = arith.constant 0 : i32
    %sign3A_2384 = arith.cmpi sgt, %get3A_2380, %sign3A_2383 : i32
    %sign3A_2385 = arith.extui %sign3A_2384 : i1 to i32
    %sign3A_2386 = arith.constant 0 : i32
    %sign3A_2387 = arith.cmpi slt, %get3A_2380, %sign3A_2386 : i32
    %sign3A_2388 = arith.extui %sign3A_2387 : i1 to i32
    %sign3A_2389 = arith.subi %sign3A_2385, %sign3A_2388 : i32
    %sign3A_2390 = arith.constant 0 : i32
    %sign3A_2391 = arith.cmpi sgt, %jit3A_2381, %sign3A_2390 : i32
    %sign3A_2392 = arith.extui %sign3A_2391 : i1 to i32
    %sign3A_2393 = arith.constant 0 : i32
    %sign3A_2394 = arith.cmpi slt, %jit3A_2381, %sign3A_2393 : i32
    %sign3A_2395 = arith.extui %sign3A_2394 : i1 to i32
    %sign3A_2396 = arith.subi %sign3A_2392, %sign3A_2395 : i32
    %ne3A_2397 = arith.cmpi ne, %sign3A_2389, %sign3A_2396 : i32
    %rem3A_2398 = arith.remsi %get3A_2380, %jit3A_2381 : i32
    %ne3A_2399 = arith.constant 0 : i32
    %ne3A_2400 = arith.cmpi ne, %rem3A_2398, %ne3A_2399 : i32
    %and3A_2401 = arith.andi %ne3A_2397, %ne3A_2400 : i1
    %sub3A_2402 = arith.constant 1 : i32
    %sub3A_2403 = arith.subi %div3A_2382, %sub3A_2402 : i32
    %select_n3A_2404 = arith.select %and3A_2401, %sub3A_2403, %div3A_2382 : i32
    %mul3A_2405 = arith.constant 128 : i32
    %mul3A_2406 = arith.muli %select_n3A_2404, %mul3A_2405 : i32
    %multiple_of3A_2407 = tpu.assume_multiple %mul3A_2406, 128 : i32
    %dma_start3A_2408 = arith.constant 68 : i32
    %dma_start3A_2409 = tpu.memref_slice %arg3[%dma_start3A_2408, %multiple_of3A_2407] : memref<128x32768xf32, #tpu.memory_space<any>> -> memref<1x128xf32, #tpu.memory_space<any>>
    %dma_start3A_2410 = arith.constant 68 : i32
    %dma_start3A_2411 = arith.constant 0 : i32
    %dma_start3A_2412 = tpu.memref_slice %arg4[%dma_start3A_2410, %dma_start3A_2411] : memref<128x128xf32, #tpu.memory_space<vmem>> -> memref<1x128xf32, #tpu.memory_space<vmem>>
    tpu.enqueue_dma source(%dma_start3A_2412 : memref<1x128xf32, #tpu.memory_space<vmem>>) target(%dma_start3A_2409 : memref<1x128xf32, #tpu.memory_space<any>>) target_semaphore(%arg5 : memref<!tpu.dma_semaphore, #tpu.memory_space<semaphore_mem>>)
    %get3A_2413 = arith.constant 69 : index
    %get3A_2414 = arith.constant 0 : index
    %get3A_2415 = memref.load %arg0[%get3A_2413, %get3A_2414] : memref<128x1xi32, #tpu.memory_space<smem>>
    %jit3A_2416 = arith.constant 128 : i32
    %div3A_2417 = arith.divsi %get3A_2415, %jit3A_2416 : i32
    %sign3A_2418 = arith.constant 0 : i32
    %sign3A_2419 = arith.cmpi sgt, %get3A_2415, %sign3A_2418 : i32
    %sign3A_2420 = arith.extui %sign3A_2419 : i1 to i32
    %sign3A_2421 = arith.constant 0 : i32
    %sign3A_2422 = arith.cmpi slt, %get3A_2415, %sign3A_2421 : i32
    %sign3A_2423 = arith.extui %sign3A_2422 : i1 to i32
    %sign3A_2424 = arith.subi %sign3A_2420, %sign3A_2423 : i32
    %sign3A_2425 = arith.constant 0 : i32
    %sign3A_2426 = arith.cmpi sgt, %jit3A_2416, %sign3A_2425 : i32
    %sign3A_2427 = arith.extui %sign3A_2426 : i1 to i32
    %sign3A_2428 = arith.constant 0 : i32
    %sign3A_2429 = arith.cmpi slt, %jit3A_2416, %sign3A_2428 : i32
    %sign3A_2430 = arith.extui %sign3A_2429 : i1 to i32
    %sign3A_2431 = arith.subi %sign3A_2427, %sign3A_2430 : i32
    %ne3A_2432 = arith.cmpi ne, %sign3A_2424, %sign3A_2431 : i32
    %rem3A_2433 = arith.remsi %get3A_2415, %jit3A_2416 : i32
    %ne3A_2434 = arith.constant 0 : i32
    %ne3A_2435 = arith.cmpi ne, %rem3A_2433, %ne3A_2434 : i32
    %and3A_2436 = arith.andi %ne3A_2432, %ne3A_2435 : i1
    %sub3A_2437 = arith.constant 1 : i32
    %sub3A_2438 = arith.subi %div3A_2417, %sub3A_2437 : i32
    %select_n3A_2439 = arith.select %and3A_2436, %sub3A_2438, %div3A_2417 : i32
    %mul3A_2440 = arith.constant 128 : i32
    %mul3A_2441 = arith.muli %select_n3A_2439, %mul3A_2440 : i32
    %multiple_of3A_2442 = tpu.assume_multiple %mul3A_2441, 128 : i32
    %dma_start3A_2443 = arith.constant 69 : i32
    %dma_start3A_2444 = tpu.memref_slice %arg3[%dma_start3A_2443, %multiple_of3A_2442] : memref<128x32768xf32, #tpu.memory_space<any>> -> memref<1x128xf32, #tpu.memory_space<any>>
    %dma_start3A_2445 = arith.constant 69 : i32
    %dma_start3A_2446 = arith.constant 0 : i32
    %dma_start3A_2447 = tpu.memref_slice %arg4[%dma_start3A_2445, %dma_start3A_2446] : memref<128x128xf32, #tpu.memory_space<vmem>> -> memref<1x128xf32, #tpu.memory_space<vmem>>
    tpu.enqueue_dma source(%dma_start3A_2447 : memref<1x128xf32, #tpu.memory_space<vmem>>) target(%dma_start3A_2444 : memref<1x128xf32, #tpu.memory_space<any>>) target_semaphore(%arg5 : memref<!tpu.dma_semaphore, #tpu.memory_space<semaphore_mem>>)
    %get3A_2448 = arith.constant 70 : index
    %get3A_2449 = arith.constant 0 : index
    %get3A_2450 = memref.load %arg0[%get3A_2448, %get3A_2449] : memref<128x1xi32, #tpu.memory_space<smem>>
    %jit3A_2451 = arith.constant 128 : i32
    %div3A_2452 = arith.divsi %get3A_2450, %jit3A_2451 : i32
    %sign3A_2453 = arith.constant 0 : i32
    %sign3A_2454 = arith.cmpi sgt, %get3A_2450, %sign3A_2453 : i32
    %sign3A_2455 = arith.extui %sign3A_2454 : i1 to i32
    %sign3A_2456 = arith.constant 0 : i32
    %sign3A_2457 = arith.cmpi slt, %get3A_2450, %sign3A_2456 : i32
    %sign3A_2458 = arith.extui %sign3A_2457 : i1 to i32
    %sign3A_2459 = arith.subi %sign3A_2455, %sign3A_2458 : i32
    %sign3A_2460 = arith.constant 0 : i32
    %sign3A_2461 = arith.cmpi sgt, %jit3A_2451, %sign3A_2460 : i32
    %sign3A_2462 = arith.extui %sign3A_2461 : i1 to i32
    %sign3A_2463 = arith.constant 0 : i32
    %sign3A_2464 = arith.cmpi slt, %jit3A_2451, %sign3A_2463 : i32
    %sign3A_2465 = arith.extui %sign3A_2464 : i1 to i32
    %sign3A_2466 = arith.subi %sign3A_2462, %sign3A_2465 : i32
    %ne3A_2467 = arith.cmpi ne, %sign3A_2459, %sign3A_2466 : i32
    %rem3A_2468 = arith.remsi %get3A_2450, %jit3A_2451 : i32
    %ne3A_2469 = arith.constant 0 : i32
    %ne3A_2470 = arith.cmpi ne, %rem3A_2468, %ne3A_2469 : i32
    %and3A_2471 = arith.andi %ne3A_2467, %ne3A_2470 : i1
    %sub3A_2472 = arith.constant 1 : i32
    %sub3A_2473 = arith.subi %div3A_2452, %sub3A_2472 : i32
    %select_n3A_2474 = arith.select %and3A_2471, %sub3A_2473, %div3A_2452 : i32
    %mul3A_2475 = arith.constant 128 : i32
    %mul3A_2476 = arith.muli %select_n3A_2474, %mul3A_2475 : i32
    %multiple_of3A_2477 = tpu.assume_multiple %mul3A_2476, 128 : i32
    %dma_start3A_2478 = arith.constant 70 : i32
    %dma_start3A_2479 = tpu.memref_slice %arg3[%dma_start3A_2478, %multiple_of3A_2477] : memref<128x32768xf32, #tpu.memory_space<any>> -> memref<1x128xf32, #tpu.memory_space<any>>
    %dma_start3A_2480 = arith.constant 70 : i32
    %dma_start3A_2481 = arith.constant 0 : i32
    %dma_start3A_2482 = tpu.memref_slice %arg4[%dma_start3A_2480, %dma_start3A_2481] : memref<128x128xf32, #tpu.memory_space<vmem>> -> memref<1x128xf32, #tpu.memory_space<vmem>>
    tpu.enqueue_dma source(%dma_start3A_2482 : memref<1x128xf32, #tpu.memory_space<vmem>>) target(%dma_start3A_2479 : memref<1x128xf32, #tpu.memory_space<any>>) target_semaphore(%arg5 : memref<!tpu.dma_semaphore, #tpu.memory_space<semaphore_mem>>)
    %get3A_2483 = arith.constant 71 : index
    %get3A_2484 = arith.constant 0 : index
    %get3A_2485 = memref.load %arg0[%get3A_2483, %get3A_2484] : memref<128x1xi32, #tpu.memory_space<smem>>
    %jit3A_2486 = arith.constant 128 : i32
    %div3A_2487 = arith.divsi %get3A_2485, %jit3A_2486 : i32
    %sign3A_2488 = arith.constant 0 : i32
    %sign3A_2489 = arith.cmpi sgt, %get3A_2485, %sign3A_2488 : i32
    %sign3A_2490 = arith.extui %sign3A_2489 : i1 to i32
    %sign3A_2491 = arith.constant 0 : i32
    %sign3A_2492 = arith.cmpi slt, %get3A_2485, %sign3A_2491 : i32
    %sign3A_2493 = arith.extui %sign3A_2492 : i1 to i32
    %sign3A_2494 = arith.subi %sign3A_2490, %sign3A_2493 : i32
    %sign3A_2495 = arith.constant 0 : i32
    %sign3A_2496 = arith.cmpi sgt, %jit3A_2486, %sign3A_2495 : i32
    %sign3A_2497 = arith.extui %sign3A_2496 : i1 to i32
    %sign3A_2498 = arith.constant 0 : i32
    %sign3A_2499 = arith.cmpi slt, %jit3A_2486, %sign3A_2498 : i32
    %sign3A_2500 = arith.extui %sign3A_2499 : i1 to i32
    %sign3A_2501 = arith.subi %sign3A_2497, %sign3A_2500 : i32
    %ne3A_2502 = arith.cmpi ne, %sign3A_2494, %sign3A_2501 : i32
    %rem3A_2503 = arith.remsi %get3A_2485, %jit3A_2486 : i32
    %ne3A_2504 = arith.constant 0 : i32
    %ne3A_2505 = arith.cmpi ne, %rem3A_2503, %ne3A_2504 : i32
    %and3A_2506 = arith.andi %ne3A_2502, %ne3A_2505 : i1
    %sub3A_2507 = arith.constant 1 : i32
    %sub3A_2508 = arith.subi %div3A_2487, %sub3A_2507 : i32
    %select_n3A_2509 = arith.select %and3A_2506, %sub3A_2508, %div3A_2487 : i32
    %mul3A_2510 = arith.constant 128 : i32
    %mul3A_2511 = arith.muli %select_n3A_2509, %mul3A_2510 : i32
    %multiple_of3A_2512 = tpu.assume_multiple %mul3A_2511, 128 : i32
    %dma_start3A_2513 = arith.constant 71 : i32
    %dma_start3A_2514 = tpu.memref_slice %arg3[%dma_start3A_2513, %multiple_of3A_2512] : memref<128x32768xf32, #tpu.memory_space<any>> -> memref<1x128xf32, #tpu.memory_space<any>>
    %dma_start3A_2515 = arith.constant 71 : i32
    %dma_start3A_2516 = arith.constant 0 : i32
    %dma_start3A_2517 = tpu.memref_slice %arg4[%dma_start3A_2515, %dma_start3A_2516] : memref<128x128xf32, #tpu.memory_space<vmem>> -> memref<1x128xf32, #tpu.memory_space<vmem>>
    tpu.enqueue_dma source(%dma_start3A_2517 : memref<1x128xf32, #tpu.memory_space<vmem>>) target(%dma_start3A_2514 : memref<1x128xf32, #tpu.memory_space<any>>) target_semaphore(%arg5 : memref<!tpu.dma_semaphore, #tpu.memory_space<semaphore_mem>>)
    %get3A_2518 = arith.constant 72 : index
    %get3A_2519 = arith.constant 0 : index
    %get3A_2520 = memref.load %arg0[%get3A_2518, %get3A_2519] : memref<128x1xi32, #tpu.memory_space<smem>>
    %jit3A_2521 = arith.constant 128 : i32
    %div3A_2522 = arith.divsi %get3A_2520, %jit3A_2521 : i32
    %sign3A_2523 = arith.constant 0 : i32
    %sign3A_2524 = arith.cmpi sgt, %get3A_2520, %sign3A_2523 : i32
    %sign3A_2525 = arith.extui %sign3A_2524 : i1 to i32
    %sign3A_2526 = arith.constant 0 : i32
    %sign3A_2527 = arith.cmpi slt, %get3A_2520, %sign3A_2526 : i32
    %sign3A_2528 = arith.extui %sign3A_2527 : i1 to i32
    %sign3A_2529 = arith.subi %sign3A_2525, %sign3A_2528 : i32
    %sign3A_2530 = arith.constant 0 : i32
    %sign3A_2531 = arith.cmpi sgt, %jit3A_2521, %sign3A_2530 : i32
    %sign3A_2532 = arith.extui %sign3A_2531 : i1 to i32
    %sign3A_2533 = arith.constant 0 : i32
    %sign3A_2534 = arith.cmpi slt, %jit3A_2521, %sign3A_2533 : i32
    %sign3A_2535 = arith.extui %sign3A_2534 : i1 to i32
    %sign3A_2536 = arith.subi %sign3A_2532, %sign3A_2535 : i32
    %ne3A_2537 = arith.cmpi ne, %sign3A_2529, %sign3A_2536 : i32
    %rem3A_2538 = arith.remsi %get3A_2520, %jit3A_2521 : i32
    %ne3A_2539 = arith.constant 0 : i32
    %ne3A_2540 = arith.cmpi ne, %rem3A_2538, %ne3A_2539 : i32
    %and3A_2541 = arith.andi %ne3A_2537, %ne3A_2540 : i1
    %sub3A_2542 = arith.constant 1 : i32
    %sub3A_2543 = arith.subi %div3A_2522, %sub3A_2542 : i32
    %select_n3A_2544 = arith.select %and3A_2541, %sub3A_2543, %div3A_2522 : i32
    %mul3A_2545 = arith.constant 128 : i32
    %mul3A_2546 = arith.muli %select_n3A_2544, %mul3A_2545 : i32
    %multiple_of3A_2547 = tpu.assume_multiple %mul3A_2546, 128 : i32
    %dma_start3A_2548 = arith.constant 72 : i32
    %dma_start3A_2549 = tpu.memref_slice %arg3[%dma_start3A_2548, %multiple_of3A_2547] : memref<128x32768xf32, #tpu.memory_space<any>> -> memref<1x128xf32, #tpu.memory_space<any>>
    %dma_start3A_2550 = arith.constant 72 : i32
    %dma_start3A_2551 = arith.constant 0 : i32
    %dma_start3A_2552 = tpu.memref_slice %arg4[%dma_start3A_2550, %dma_start3A_2551] : memref<128x128xf32, #tpu.memory_space<vmem>> -> memref<1x128xf32, #tpu.memory_space<vmem>>
    tpu.enqueue_dma source(%dma_start3A_2552 : memref<1x128xf32, #tpu.memory_space<vmem>>) target(%dma_start3A_2549 : memref<1x128xf32, #tpu.memory_space<any>>) target_semaphore(%arg5 : memref<!tpu.dma_semaphore, #tpu.memory_space<semaphore_mem>>)
    %get3A_2553 = arith.constant 73 : index
    %get3A_2554 = arith.constant 0 : index
    %get3A_2555 = memref.load %arg0[%get3A_2553, %get3A_2554] : memref<128x1xi32, #tpu.memory_space<smem>>
    %jit3A_2556 = arith.constant 128 : i32
    %div3A_2557 = arith.divsi %get3A_2555, %jit3A_2556 : i32
    %sign3A_2558 = arith.constant 0 : i32
    %sign3A_2559 = arith.cmpi sgt, %get3A_2555, %sign3A_2558 : i32
    %sign3A_2560 = arith.extui %sign3A_2559 : i1 to i32
    %sign3A_2561 = arith.constant 0 : i32
    %sign3A_2562 = arith.cmpi slt, %get3A_2555, %sign3A_2561 : i32
    %sign3A_2563 = arith.extui %sign3A_2562 : i1 to i32
    %sign3A_2564 = arith.subi %sign3A_2560, %sign3A_2563 : i32
    %sign3A_2565 = arith.constant 0 : i32
    %sign3A_2566 = arith.cmpi sgt, %jit3A_2556, %sign3A_2565 : i32
    %sign3A_2567 = arith.extui %sign3A_2566 : i1 to i32
    %sign3A_2568 = arith.constant 0 : i32
    %sign3A_2569 = arith.cmpi slt, %jit3A_2556, %sign3A_2568 : i32
    %sign3A_2570 = arith.extui %sign3A_2569 : i1 to i32
    %sign3A_2571 = arith.subi %sign3A_2567, %sign3A_2570 : i32
    %ne3A_2572 = arith.cmpi ne, %sign3A_2564, %sign3A_2571 : i32
    %rem3A_2573 = arith.remsi %get3A_2555, %jit3A_2556 : i32
    %ne3A_2574 = arith.constant 0 : i32
    %ne3A_2575 = arith.cmpi ne, %rem3A_2573, %ne3A_2574 : i32
    %and3A_2576 = arith.andi %ne3A_2572, %ne3A_2575 : i1
    %sub3A_2577 = arith.constant 1 : i32
    %sub3A_2578 = arith.subi %div3A_2557, %sub3A_2577 : i32
    %select_n3A_2579 = arith.select %and3A_2576, %sub3A_2578, %div3A_2557 : i32
    %mul3A_2580 = arith.constant 128 : i32
    %mul3A_2581 = arith.muli %select_n3A_2579, %mul3A_2580 : i32
    %multiple_of3A_2582 = tpu.assume_multiple %mul3A_2581, 128 : i32
    %dma_start3A_2583 = arith.constant 73 : i32
    %dma_start3A_2584 = tpu.memref_slice %arg3[%dma_start3A_2583, %multiple_of3A_2582] : memref<128x32768xf32, #tpu.memory_space<any>> -> memref<1x128xf32, #tpu.memory_space<any>>
    %dma_start3A_2585 = arith.constant 73 : i32
    %dma_start3A_2586 = arith.constant 0 : i32
    %dma_start3A_2587 = tpu.memref_slice %arg4[%dma_start3A_2585, %dma_start3A_2586] : memref<128x128xf32, #tpu.memory_space<vmem>> -> memref<1x128xf32, #tpu.memory_space<vmem>>
    tpu.enqueue_dma source(%dma_start3A_2587 : memref<1x128xf32, #tpu.memory_space<vmem>>) target(%dma_start3A_2584 : memref<1x128xf32, #tpu.memory_space<any>>) target_semaphore(%arg5 : memref<!tpu.dma_semaphore, #tpu.memory_space<semaphore_mem>>)
    %get3A_2588 = arith.constant 74 : index
    %get3A_2589 = arith.constant 0 : index
    %get3A_2590 = memref.load %arg0[%get3A_2588, %get3A_2589] : memref<128x1xi32, #tpu.memory_space<smem>>
    %jit3A_2591 = arith.constant 128 : i32
    %div3A_2592 = arith.divsi %get3A_2590, %jit3A_2591 : i32
    %sign3A_2593 = arith.constant 0 : i32
    %sign3A_2594 = arith.cmpi sgt, %get3A_2590, %sign3A_2593 : i32
    %sign3A_2595 = arith.extui %sign3A_2594 : i1 to i32
    %sign3A_2596 = arith.constant 0 : i32
    %sign3A_2597 = arith.cmpi slt, %get3A_2590, %sign3A_2596 : i32
    %sign3A_2598 = arith.extui %sign3A_2597 : i1 to i32
    %sign3A_2599 = arith.subi %sign3A_2595, %sign3A_2598 : i32
    %sign3A_2600 = arith.constant 0 : i32
    %sign3A_2601 = arith.cmpi sgt, %jit3A_2591, %sign3A_2600 : i32
    %sign3A_2602 = arith.extui %sign3A_2601 : i1 to i32
    %sign3A_2603 = arith.constant 0 : i32
    %sign3A_2604 = arith.cmpi slt, %jit3A_2591, %sign3A_2603 : i32
    %sign3A_2605 = arith.extui %sign3A_2604 : i1 to i32
    %sign3A_2606 = arith.subi %sign3A_2602, %sign3A_2605 : i32
    %ne3A_2607 = arith.cmpi ne, %sign3A_2599, %sign3A_2606 : i32
    %rem3A_2608 = arith.remsi %get3A_2590, %jit3A_2591 : i32
    %ne3A_2609 = arith.constant 0 : i32
    %ne3A_2610 = arith.cmpi ne, %rem3A_2608, %ne3A_2609 : i32
    %and3A_2611 = arith.andi %ne3A_2607, %ne3A_2610 : i1
    %sub3A_2612 = arith.constant 1 : i32
    %sub3A_2613 = arith.subi %div3A_2592, %sub3A_2612 : i32
    %select_n3A_2614 = arith.select %and3A_2611, %sub3A_2613, %div3A_2592 : i32
    %mul3A_2615 = arith.constant 128 : i32
    %mul3A_2616 = arith.muli %select_n3A_2614, %mul3A_2615 : i32
    %multiple_of3A_2617 = tpu.assume_multiple %mul3A_2616, 128 : i32
    %dma_start3A_2618 = arith.constant 74 : i32
    %dma_start3A_2619 = tpu.memref_slice %arg3[%dma_start3A_2618, %multiple_of3A_2617] : memref<128x32768xf32, #tpu.memory_space<any>> -> memref<1x128xf32, #tpu.memory_space<any>>
    %dma_start3A_2620 = arith.constant 74 : i32
    %dma_start3A_2621 = arith.constant 0 : i32
    %dma_start3A_2622 = tpu.memref_slice %arg4[%dma_start3A_2620, %dma_start3A_2621] : memref<128x128xf32, #tpu.memory_space<vmem>> -> memref<1x128xf32, #tpu.memory_space<vmem>>
    tpu.enqueue_dma source(%dma_start3A_2622 : memref<1x128xf32, #tpu.memory_space<vmem>>) target(%dma_start3A_2619 : memref<1x128xf32, #tpu.memory_space<any>>) target_semaphore(%arg5 : memref<!tpu.dma_semaphore, #tpu.memory_space<semaphore_mem>>)
    %get3A_2623 = arith.constant 75 : index
    %get3A_2624 = arith.constant 0 : index
    %get3A_2625 = memref.load %arg0[%get3A_2623, %get3A_2624] : memref<128x1xi32, #tpu.memory_space<smem>>
    %jit3A_2626 = arith.constant 128 : i32
    %div3A_2627 = arith.divsi %get3A_2625, %jit3A_2626 : i32
    %sign3A_2628 = arith.constant 0 : i32
    %sign3A_2629 = arith.cmpi sgt, %get3A_2625, %sign3A_2628 : i32
    %sign3A_2630 = arith.extui %sign3A_2629 : i1 to i32
    %sign3A_2631 = arith.constant 0 : i32
    %sign3A_2632 = arith.cmpi slt, %get3A_2625, %sign3A_2631 : i32
    %sign3A_2633 = arith.extui %sign3A_2632 : i1 to i32
    %sign3A_2634 = arith.subi %sign3A_2630, %sign3A_2633 : i32
    %sign3A_2635 = arith.constant 0 : i32
    %sign3A_2636 = arith.cmpi sgt, %jit3A_2626, %sign3A_2635 : i32
    %sign3A_2637 = arith.extui %sign3A_2636 : i1 to i32
    %sign3A_2638 = arith.constant 0 : i32
    %sign3A_2639 = arith.cmpi slt, %jit3A_2626, %sign3A_2638 : i32
    %sign3A_2640 = arith.extui %sign3A_2639 : i1 to i32
    %sign3A_2641 = arith.subi %sign3A_2637, %sign3A_2640 : i32
    %ne3A_2642 = arith.cmpi ne, %sign3A_2634, %sign3A_2641 : i32
    %rem3A_2643 = arith.remsi %get3A_2625, %jit3A_2626 : i32
    %ne3A_2644 = arith.constant 0 : i32
    %ne3A_2645 = arith.cmpi ne, %rem3A_2643, %ne3A_2644 : i32
    %and3A_2646 = arith.andi %ne3A_2642, %ne3A_2645 : i1
    %sub3A_2647 = arith.constant 1 : i32
    %sub3A_2648 = arith.subi %div3A_2627, %sub3A_2647 : i32
    %select_n3A_2649 = arith.select %and3A_2646, %sub3A_2648, %div3A_2627 : i32
    %mul3A_2650 = arith.constant 128 : i32
    %mul3A_2651 = arith.muli %select_n3A_2649, %mul3A_2650 : i32
    %multiple_of3A_2652 = tpu.assume_multiple %mul3A_2651, 128 : i32
    %dma_start3A_2653 = arith.constant 75 : i32
    %dma_start3A_2654 = tpu.memref_slice %arg3[%dma_start3A_2653, %multiple_of3A_2652] : memref<128x32768xf32, #tpu.memory_space<any>> -> memref<1x128xf32, #tpu.memory_space<any>>
    %dma_start3A_2655 = arith.constant 75 : i32
    %dma_start3A_2656 = arith.constant 0 : i32
    %dma_start3A_2657 = tpu.memref_slice %arg4[%dma_start3A_2655, %dma_start3A_2656] : memref<128x128xf32, #tpu.memory_space<vmem>> -> memref<1x128xf32, #tpu.memory_space<vmem>>
    tpu.enqueue_dma source(%dma_start3A_2657 : memref<1x128xf32, #tpu.memory_space<vmem>>) target(%dma_start3A_2654 : memref<1x128xf32, #tpu.memory_space<any>>) target_semaphore(%arg5 : memref<!tpu.dma_semaphore, #tpu.memory_space<semaphore_mem>>)
    %get3A_2658 = arith.constant 76 : index
    %get3A_2659 = arith.constant 0 : index
    %get3A_2660 = memref.load %arg0[%get3A_2658, %get3A_2659] : memref<128x1xi32, #tpu.memory_space<smem>>
    %jit3A_2661 = arith.constant 128 : i32
    %div3A_2662 = arith.divsi %get3A_2660, %jit3A_2661 : i32
    %sign3A_2663 = arith.constant 0 : i32
    %sign3A_2664 = arith.cmpi sgt, %get3A_2660, %sign3A_2663 : i32
    %sign3A_2665 = arith.extui %sign3A_2664 : i1 to i32
    %sign3A_2666 = arith.constant 0 : i32
    %sign3A_2667 = arith.cmpi slt, %get3A_2660, %sign3A_2666 : i32
    %sign3A_2668 = arith.extui %sign3A_2667 : i1 to i32
    %sign3A_2669 = arith.subi %sign3A_2665, %sign3A_2668 : i32
    %sign3A_2670 = arith.constant 0 : i32
    %sign3A_2671 = arith.cmpi sgt, %jit3A_2661, %sign3A_2670 : i32
    %sign3A_2672 = arith.extui %sign3A_2671 : i1 to i32
    %sign3A_2673 = arith.constant 0 : i32
    %sign3A_2674 = arith.cmpi slt, %jit3A_2661, %sign3A_2673 : i32
    %sign3A_2675 = arith.extui %sign3A_2674 : i1 to i32
    %sign3A_2676 = arith.subi %sign3A_2672, %sign3A_2675 : i32
    %ne3A_2677 = arith.cmpi ne, %sign3A_2669, %sign3A_2676 : i32
    %rem3A_2678 = arith.remsi %get3A_2660, %jit3A_2661 : i32
    %ne3A_2679 = arith.constant 0 : i32
    %ne3A_2680 = arith.cmpi ne, %rem3A_2678, %ne3A_2679 : i32
    %and3A_2681 = arith.andi %ne3A_2677, %ne3A_2680 : i1
    %sub3A_2682 = arith.constant 1 : i32
    %sub3A_2683 = arith.subi %div3A_2662, %sub3A_2682 : i32
    %select_n3A_2684 = arith.select %and3A_2681, %sub3A_2683, %div3A_2662 : i32
    %mul3A_2685 = arith.constant 128 : i32
    %mul3A_2686 = arith.muli %select_n3A_2684, %mul3A_2685 : i32
    %multiple_of3A_2687 = tpu.assume_multiple %mul3A_2686, 128 : i32
    %dma_start3A_2688 = arith.constant 76 : i32
    %dma_start3A_2689 = tpu.memref_slice %arg3[%dma_start3A_2688, %multiple_of3A_2687] : memref<128x32768xf32, #tpu.memory_space<any>> -> memref<1x128xf32, #tpu.memory_space<any>>
    %dma_start3A_2690 = arith.constant 76 : i32
    %dma_start3A_2691 = arith.constant 0 : i32
    %dma_start3A_2692 = tpu.memref_slice %arg4[%dma_start3A_2690, %dma_start3A_2691] : memref<128x128xf32, #tpu.memory_space<vmem>> -> memref<1x128xf32, #tpu.memory_space<vmem>>
    tpu.enqueue_dma source(%dma_start3A_2692 : memref<1x128xf32, #tpu.memory_space<vmem>>) target(%dma_start3A_2689 : memref<1x128xf32, #tpu.memory_space<any>>) target_semaphore(%arg5 : memref<!tpu.dma_semaphore, #tpu.memory_space<semaphore_mem>>)
    %get3A_2693 = arith.constant 77 : index
    %get3A_2694 = arith.constant 0 : index
    %get3A_2695 = memref.load %arg0[%get3A_2693, %get3A_2694] : memref<128x1xi32, #tpu.memory_space<smem>>
    %jit3A_2696 = arith.constant 128 : i32
    %div3A_2697 = arith.divsi %get3A_2695, %jit3A_2696 : i32
    %sign3A_2698 = arith.constant 0 : i32
    %sign3A_2699 = arith.cmpi sgt, %get3A_2695, %sign3A_2698 : i32
    %sign3A_2700 = arith.extui %sign3A_2699 : i1 to i32
    %sign3A_2701 = arith.constant 0 : i32
    %sign3A_2702 = arith.cmpi slt, %get3A_2695, %sign3A_2701 : i32
    %sign3A_2703 = arith.extui %sign3A_2702 : i1 to i32
    %sign3A_2704 = arith.subi %sign3A_2700, %sign3A_2703 : i32
    %sign3A_2705 = arith.constant 0 : i32
    %sign3A_2706 = arith.cmpi sgt, %jit3A_2696, %sign3A_2705 : i32
    %sign3A_2707 = arith.extui %sign3A_2706 : i1 to i32
    %sign3A_2708 = arith.constant 0 : i32
    %sign3A_2709 = arith.cmpi slt, %jit3A_2696, %sign3A_2708 : i32
    %sign3A_2710 = arith.extui %sign3A_2709 : i1 to i32
    %sign3A_2711 = arith.subi %sign3A_2707, %sign3A_2710 : i32
    %ne3A_2712 = arith.cmpi ne, %sign3A_2704, %sign3A_2711 : i32
    %rem3A_2713 = arith.remsi %get3A_2695, %jit3A_2696 : i32
    %ne3A_2714 = arith.constant 0 : i32
    %ne3A_2715 = arith.cmpi ne, %rem3A_2713, %ne3A_2714 : i32
    %and3A_2716 = arith.andi %ne3A_2712, %ne3A_2715 : i1
    %sub3A_2717 = arith.constant 1 : i32
    %sub3A_2718 = arith.subi %div3A_2697, %sub3A_2717 : i32
    %select_n3A_2719 = arith.select %and3A_2716, %sub3A_2718, %div3A_2697 : i32
    %mul3A_2720 = arith.constant 128 : i32
    %mul3A_2721 = arith.muli %select_n3A_2719, %mul3A_2720 : i32
    %multiple_of3A_2722 = tpu.assume_multiple %mul3A_2721, 128 : i32
    %dma_start3A_2723 = arith.constant 77 : i32
    %dma_start3A_2724 = tpu.memref_slice %arg3[%dma_start3A_2723, %multiple_of3A_2722] : memref<128x32768xf32, #tpu.memory_space<any>> -> memref<1x128xf32, #tpu.memory_space<any>>
    %dma_start3A_2725 = arith.constant 77 : i32
    %dma_start3A_2726 = arith.constant 0 : i32
    %dma_start3A_2727 = tpu.memref_slice %arg4[%dma_start3A_2725, %dma_start3A_2726] : memref<128x128xf32, #tpu.memory_space<vmem>> -> memref<1x128xf32, #tpu.memory_space<vmem>>
    tpu.enqueue_dma source(%dma_start3A_2727 : memref<1x128xf32, #tpu.memory_space<vmem>>) target(%dma_start3A_2724 : memref<1x128xf32, #tpu.memory_space<any>>) target_semaphore(%arg5 : memref<!tpu.dma_semaphore, #tpu.memory_space<semaphore_mem>>)
    %get3A_2728 = arith.constant 78 : index
    %get3A_2729 = arith.constant 0 : index
    %get3A_2730 = memref.load %arg0[%get3A_2728, %get3A_2729] : memref<128x1xi32, #tpu.memory_space<smem>>
    %jit3A_2731 = arith.constant 128 : i32
    %div3A_2732 = arith.divsi %get3A_2730, %jit3A_2731 : i32
    %sign3A_2733 = arith.constant 0 : i32
    %sign3A_2734 = arith.cmpi sgt, %get3A_2730, %sign3A_2733 : i32
    %sign3A_2735 = arith.extui %sign3A_2734 : i1 to i32
    %sign3A_2736 = arith.constant 0 : i32
    %sign3A_2737 = arith.cmpi slt, %get3A_2730, %sign3A_2736 : i32
    %sign3A_2738 = arith.extui %sign3A_2737 : i1 to i32
    %sign3A_2739 = arith.subi %sign3A_2735, %sign3A_2738 : i32
    %sign3A_2740 = arith.constant 0 : i32
    %sign3A_2741 = arith.cmpi sgt, %jit3A_2731, %sign3A_2740 : i32
    %sign3A_2742 = arith.extui %sign3A_2741 : i1 to i32
    %sign3A_2743 = arith.constant 0 : i32
    %sign3A_2744 = arith.cmpi slt, %jit3A_2731, %sign3A_2743 : i32
    %sign3A_2745 = arith.extui %sign3A_2744 : i1 to i32
    %sign3A_2746 = arith.subi %sign3A_2742, %sign3A_2745 : i32
    %ne3A_2747 = arith.cmpi ne, %sign3A_2739, %sign3A_2746 : i32
    %rem3A_2748 = arith.remsi %get3A_2730, %jit3A_2731 : i32
    %ne3A_2749 = arith.constant 0 : i32
    %ne3A_2750 = arith.cmpi ne, %rem3A_2748, %ne3A_2749 : i32
    %and3A_2751 = arith.andi %ne3A_2747, %ne3A_2750 : i1
    %sub3A_2752 = arith.constant 1 : i32
    %sub3A_2753 = arith.subi %div3A_2732, %sub3A_2752 : i32
    %select_n3A_2754 = arith.select %and3A_2751, %sub3A_2753, %div3A_2732 : i32
    %mul3A_2755 = arith.constant 128 : i32
    %mul3A_2756 = arith.muli %select_n3A_2754, %mul3A_2755 : i32
    %multiple_of3A_2757 = tpu.assume_multiple %mul3A_2756, 128 : i32
    %dma_start3A_2758 = arith.constant 78 : i32
    %dma_start3A_2759 = tpu.memref_slice %arg3[%dma_start3A_2758, %multiple_of3A_2757] : memref<128x32768xf32, #tpu.memory_space<any>> -> memref<1x128xf32, #tpu.memory_space<any>>
    %dma_start3A_2760 = arith.constant 78 : i32
    %dma_start3A_2761 = arith.constant 0 : i32
    %dma_start3A_2762 = tpu.memref_slice %arg4[%dma_start3A_2760, %dma_start3A_2761] : memref<128x128xf32, #tpu.memory_space<vmem>> -> memref<1x128xf32, #tpu.memory_space<vmem>>
    tpu.enqueue_dma source(%dma_start3A_2762 : memref<1x128xf32, #tpu.memory_space<vmem>>) target(%dma_start3A_2759 : memref<1x128xf32, #tpu.memory_space<any>>) target_semaphore(%arg5 : memref<!tpu.dma_semaphore, #tpu.memory_space<semaphore_mem>>)
    %get3A_2763 = arith.constant 79 : index
    %get3A_2764 = arith.constant 0 : index
    %get3A_2765 = memref.load %arg0[%get3A_2763, %get3A_2764] : memref<128x1xi32, #tpu.memory_space<smem>>
    %jit3A_2766 = arith.constant 128 : i32
    %div3A_2767 = arith.divsi %get3A_2765, %jit3A_2766 : i32
    %sign3A_2768 = arith.constant 0 : i32
    %sign3A_2769 = arith.cmpi sgt, %get3A_2765, %sign3A_2768 : i32
    %sign3A_2770 = arith.extui %sign3A_2769 : i1 to i32
    %sign3A_2771 = arith.constant 0 : i32
    %sign3A_2772 = arith.cmpi slt, %get3A_2765, %sign3A_2771 : i32
    %sign3A_2773 = arith.extui %sign3A_2772 : i1 to i32
    %sign3A_2774 = arith.subi %sign3A_2770, %sign3A_2773 : i32
    %sign3A_2775 = arith.constant 0 : i32
    %sign3A_2776 = arith.cmpi sgt, %jit3A_2766, %sign3A_2775 : i32
    %sign3A_2777 = arith.extui %sign3A_2776 : i1 to i32
    %sign3A_2778 = arith.constant 0 : i32
    %sign3A_2779 = arith.cmpi slt, %jit3A_2766, %sign3A_2778 : i32
    %sign3A_2780 = arith.extui %sign3A_2779 : i1 to i32
    %sign3A_2781 = arith.subi %sign3A_2777, %sign3A_2780 : i32
    %ne3A_2782 = arith.cmpi ne, %sign3A_2774, %sign3A_2781 : i32
    %rem3A_2783 = arith.remsi %get3A_2765, %jit3A_2766 : i32
    %ne3A_2784 = arith.constant 0 : i32
    %ne3A_2785 = arith.cmpi ne, %rem3A_2783, %ne3A_2784 : i32
    %and3A_2786 = arith.andi %ne3A_2782, %ne3A_2785 : i1
    %sub3A_2787 = arith.constant 1 : i32
    %sub3A_2788 = arith.subi %div3A_2767, %sub3A_2787 : i32
    %select_n3A_2789 = arith.select %and3A_2786, %sub3A_2788, %div3A_2767 : i32
    %mul3A_2790 = arith.constant 128 : i32
    %mul3A_2791 = arith.muli %select_n3A_2789, %mul3A_2790 : i32
    %multiple_of3A_2792 = tpu.assume_multiple %mul3A_2791, 128 : i32
    %dma_start3A_2793 = arith.constant 79 : i32
    %dma_start3A_2794 = tpu.memref_slice %arg3[%dma_start3A_2793, %multiple_of3A_2792] : memref<128x32768xf32, #tpu.memory_space<any>> -> memref<1x128xf32, #tpu.memory_space<any>>
    %dma_start3A_2795 = arith.constant 79 : i32
    %dma_start3A_2796 = arith.constant 0 : i32
    %dma_start3A_2797 = tpu.memref_slice %arg4[%dma_start3A_2795, %dma_start3A_2796] : memref<128x128xf32, #tpu.memory_space<vmem>> -> memref<1x128xf32, #tpu.memory_space<vmem>>
    tpu.enqueue_dma source(%dma_start3A_2797 : memref<1x128xf32, #tpu.memory_space<vmem>>) target(%dma_start3A_2794 : memref<1x128xf32, #tpu.memory_space<any>>) target_semaphore(%arg5 : memref<!tpu.dma_semaphore, #tpu.memory_space<semaphore_mem>>)
    %get3A_2798 = arith.constant 80 : index
    %get3A_2799 = arith.constant 0 : index
    %get3A_2800 = memref.load %arg0[%get3A_2798, %get3A_2799] : memref<128x1xi32, #tpu.memory_space<smem>>
    %jit3A_2801 = arith.constant 128 : i32
    %div3A_2802 = arith.divsi %get3A_2800, %jit3A_2801 : i32
    %sign3A_2803 = arith.constant 0 : i32
    %sign3A_2804 = arith.cmpi sgt, %get3A_2800, %sign3A_2803 : i32
    %sign3A_2805 = arith.extui %sign3A_2804 : i1 to i32
    %sign3A_2806 = arith.constant 0 : i32
    %sign3A_2807 = arith.cmpi slt, %get3A_2800, %sign3A_2806 : i32
    %sign3A_2808 = arith.extui %sign3A_2807 : i1 to i32
    %sign3A_2809 = arith.subi %sign3A_2805, %sign3A_2808 : i32
    %sign3A_2810 = arith.constant 0 : i32
    %sign3A_2811 = arith.cmpi sgt, %jit3A_2801, %sign3A_2810 : i32
    %sign3A_2812 = arith.extui %sign3A_2811 : i1 to i32
    %sign3A_2813 = arith.constant 0 : i32
    %sign3A_2814 = arith.cmpi slt, %jit3A_2801, %sign3A_2813 : i32
    %sign3A_2815 = arith.extui %sign3A_2814 : i1 to i32
    %sign3A_2816 = arith.subi %sign3A_2812, %sign3A_2815 : i32
    %ne3A_2817 = arith.cmpi ne, %sign3A_2809, %sign3A_2816 : i32
    %rem3A_2818 = arith.remsi %get3A_2800, %jit3A_2801 : i32
    %ne3A_2819 = arith.constant 0 : i32
    %ne3A_2820 = arith.cmpi ne, %rem3A_2818, %ne3A_2819 : i32
    %and3A_2821 = arith.andi %ne3A_2817, %ne3A_2820 : i1
    %sub3A_2822 = arith.constant 1 : i32
    %sub3A_2823 = arith.subi %div3A_2802, %sub3A_2822 : i32
    %select_n3A_2824 = arith.select %and3A_2821, %sub3A_2823, %div3A_2802 : i32
    %mul3A_2825 = arith.constant 128 : i32
    %mul3A_2826 = arith.muli %select_n3A_2824, %mul3A_2825 : i32
    %multiple_of3A_2827 = tpu.assume_multiple %mul3A_2826, 128 : i32
    %dma_start3A_2828 = arith.constant 80 : i32
    %dma_start3A_2829 = tpu.memref_slice %arg3[%dma_start3A_2828, %multiple_of3A_2827] : memref<128x32768xf32, #tpu.memory_space<any>> -> memref<1x128xf32, #tpu.memory_space<any>>
    %dma_start3A_2830 = arith.constant 80 : i32
    %dma_start3A_2831 = arith.constant 0 : i32
    %dma_start3A_2832 = tpu.memref_slice %arg4[%dma_start3A_2830, %dma_start3A_2831] : memref<128x128xf32, #tpu.memory_space<vmem>> -> memref<1x128xf32, #tpu.memory_space<vmem>>
    tpu.enqueue_dma source(%dma_start3A_2832 : memref<1x128xf32, #tpu.memory_space<vmem>>) target(%dma_start3A_2829 : memref<1x128xf32, #tpu.memory_space<any>>) target_semaphore(%arg5 : memref<!tpu.dma_semaphore, #tpu.memory_space<semaphore_mem>>)
    %get3A_2833 = arith.constant 81 : index
    %get3A_2834 = arith.constant 0 : index
    %get3A_2835 = memref.load %arg0[%get3A_2833, %get3A_2834] : memref<128x1xi32, #tpu.memory_space<smem>>
    %jit3A_2836 = arith.constant 128 : i32
    %div3A_2837 = arith.divsi %get3A_2835, %jit3A_2836 : i32
    %sign3A_2838 = arith.constant 0 : i32
    %sign3A_2839 = arith.cmpi sgt, %get3A_2835, %sign3A_2838 : i32
    %sign3A_2840 = arith.extui %sign3A_2839 : i1 to i32
    %sign3A_2841 = arith.constant 0 : i32
    %sign3A_2842 = arith.cmpi slt, %get3A_2835, %sign3A_2841 : i32
    %sign3A_2843 = arith.extui %sign3A_2842 : i1 to i32
    %sign3A_2844 = arith.subi %sign3A_2840, %sign3A_2843 : i32
    %sign3A_2845 = arith.constant 0 : i32
    %sign3A_2846 = arith.cmpi sgt, %jit3A_2836, %sign3A_2845 : i32
    %sign3A_2847 = arith.extui %sign3A_2846 : i1 to i32
    %sign3A_2848 = arith.constant 0 : i32
    %sign3A_2849 = arith.cmpi slt, %jit3A_2836, %sign3A_2848 : i32
    %sign3A_2850 = arith.extui %sign3A_2849 : i1 to i32
    %sign3A_2851 = arith.subi %sign3A_2847, %sign3A_2850 : i32
    %ne3A_2852 = arith.cmpi ne, %sign3A_2844, %sign3A_2851 : i32
    %rem3A_2853 = arith.remsi %get3A_2835, %jit3A_2836 : i32
    %ne3A_2854 = arith.constant 0 : i32
    %ne3A_2855 = arith.cmpi ne, %rem3A_2853, %ne3A_2854 : i32
    %and3A_2856 = arith.andi %ne3A_2852, %ne3A_2855 : i1
    %sub3A_2857 = arith.constant 1 : i32
    %sub3A_2858 = arith.subi %div3A_2837, %sub3A_2857 : i32
    %select_n3A_2859 = arith.select %and3A_2856, %sub3A_2858, %div3A_2837 : i32
    %mul3A_2860 = arith.constant 128 : i32
    %mul3A_2861 = arith.muli %select_n3A_2859, %mul3A_2860 : i32
    %multiple_of3A_2862 = tpu.assume_multiple %mul3A_2861, 128 : i32
    %dma_start3A_2863 = arith.constant 81 : i32
    %dma_start3A_2864 = tpu.memref_slice %arg3[%dma_start3A_2863, %multiple_of3A_2862] : memref<128x32768xf32, #tpu.memory_space<any>> -> memref<1x128xf32, #tpu.memory_space<any>>
    %dma_start3A_2865 = arith.constant 81 : i32
    %dma_start3A_2866 = arith.constant 0 : i32
    %dma_start3A_2867 = tpu.memref_slice %arg4[%dma_start3A_2865, %dma_start3A_2866] : memref<128x128xf32, #tpu.memory_space<vmem>> -> memref<1x128xf32, #tpu.memory_space<vmem>>
    tpu.enqueue_dma source(%dma_start3A_2867 : memref<1x128xf32, #tpu.memory_space<vmem>>) target(%dma_start3A_2864 : memref<1x128xf32, #tpu.memory_space<any>>) target_semaphore(%arg5 : memref<!tpu.dma_semaphore, #tpu.memory_space<semaphore_mem>>)
    %get3A_2868 = arith.constant 82 : index
    %get3A_2869 = arith.constant 0 : index
    %get3A_2870 = memref.load %arg0[%get3A_2868, %get3A_2869] : memref<128x1xi32, #tpu.memory_space<smem>>
    %jit3A_2871 = arith.constant 128 : i32
    %div3A_2872 = arith.divsi %get3A_2870, %jit3A_2871 : i32
    %sign3A_2873 = arith.constant 0 : i32
    %sign3A_2874 = arith.cmpi sgt, %get3A_2870, %sign3A_2873 : i32
    %sign3A_2875 = arith.extui %sign3A_2874 : i1 to i32
    %sign3A_2876 = arith.constant 0 : i32
    %sign3A_2877 = arith.cmpi slt, %get3A_2870, %sign3A_2876 : i32
    %sign3A_2878 = arith.extui %sign3A_2877 : i1 to i32
    %sign3A_2879 = arith.subi %sign3A_2875, %sign3A_2878 : i32
    %sign3A_2880 = arith.constant 0 : i32
    %sign3A_2881 = arith.cmpi sgt, %jit3A_2871, %sign3A_2880 : i32
    %sign3A_2882 = arith.extui %sign3A_2881 : i1 to i32
    %sign3A_2883 = arith.constant 0 : i32
    %sign3A_2884 = arith.cmpi slt, %jit3A_2871, %sign3A_2883 : i32
    %sign3A_2885 = arith.extui %sign3A_2884 : i1 to i32
    %sign3A_2886 = arith.subi %sign3A_2882, %sign3A_2885 : i32
    %ne3A_2887 = arith.cmpi ne, %sign3A_2879, %sign3A_2886 : i32
    %rem3A_2888 = arith.remsi %get3A_2870, %jit3A_2871 : i32
    %ne3A_2889 = arith.constant 0 : i32
    %ne3A_2890 = arith.cmpi ne, %rem3A_2888, %ne3A_2889 : i32
    %and3A_2891 = arith.andi %ne3A_2887, %ne3A_2890 : i1
    %sub3A_2892 = arith.constant 1 : i32
    %sub3A_2893 = arith.subi %div3A_2872, %sub3A_2892 : i32
    %select_n3A_2894 = arith.select %and3A_2891, %sub3A_2893, %div3A_2872 : i32
    %mul3A_2895 = arith.constant 128 : i32
    %mul3A_2896 = arith.muli %select_n3A_2894, %mul3A_2895 : i32
    %multiple_of3A_2897 = tpu.assume_multiple %mul3A_2896, 128 : i32
    %dma_start3A_2898 = arith.constant 82 : i32
    %dma_start3A_2899 = tpu.memref_slice %arg3[%dma_start3A_2898, %multiple_of3A_2897] : memref<128x32768xf32, #tpu.memory_space<any>> -> memref<1x128xf32, #tpu.memory_space<any>>
    %dma_start3A_2900 = arith.constant 82 : i32
    %dma_start3A_2901 = arith.constant 0 : i32
    %dma_start3A_2902 = tpu.memref_slice %arg4[%dma_start3A_2900, %dma_start3A_2901] : memref<128x128xf32, #tpu.memory_space<vmem>> -> memref<1x128xf32, #tpu.memory_space<vmem>>
    tpu.enqueue_dma source(%dma_start3A_2902 : memref<1x128xf32, #tpu.memory_space<vmem>>) target(%dma_start3A_2899 : memref<1x128xf32, #tpu.memory_space<any>>) target_semaphore(%arg5 : memref<!tpu.dma_semaphore, #tpu.memory_space<semaphore_mem>>)
    %get3A_2903 = arith.constant 83 : index
    %get3A_2904 = arith.constant 0 : index
    %get3A_2905 = memref.load %arg0[%get3A_2903, %get3A_2904] : memref<128x1xi32, #tpu.memory_space<smem>>
    %jit3A_2906 = arith.constant 128 : i32
    %div3A_2907 = arith.divsi %get3A_2905, %jit3A_2906 : i32
    %sign3A_2908 = arith.constant 0 : i32
    %sign3A_2909 = arith.cmpi sgt, %get3A_2905, %sign3A_2908 : i32
    %sign3A_2910 = arith.extui %sign3A_2909 : i1 to i32
    %sign3A_2911 = arith.constant 0 : i32
    %sign3A_2912 = arith.cmpi slt, %get3A_2905, %sign3A_2911 : i32
    %sign3A_2913 = arith.extui %sign3A_2912 : i1 to i32
    %sign3A_2914 = arith.subi %sign3A_2910, %sign3A_2913 : i32
    %sign3A_2915 = arith.constant 0 : i32
    %sign3A_2916 = arith.cmpi sgt, %jit3A_2906, %sign3A_2915 : i32
    %sign3A_2917 = arith.extui %sign3A_2916 : i1 to i32
    %sign3A_2918 = arith.constant 0 : i32
    %sign3A_2919 = arith.cmpi slt, %jit3A_2906, %sign3A_2918 : i32
    %sign3A_2920 = arith.extui %sign3A_2919 : i1 to i32
    %sign3A_2921 = arith.subi %sign3A_2917, %sign3A_2920 : i32
    %ne3A_2922 = arith.cmpi ne, %sign3A_2914, %sign3A_2921 : i32
    %rem3A_2923 = arith.remsi %get3A_2905, %jit3A_2906 : i32
    %ne3A_2924 = arith.constant 0 : i32
    %ne3A_2925 = arith.cmpi ne, %rem3A_2923, %ne3A_2924 : i32
    %and3A_2926 = arith.andi %ne3A_2922, %ne3A_2925 : i1
    %sub3A_2927 = arith.constant 1 : i32
    %sub3A_2928 = arith.subi %div3A_2907, %sub3A_2927 : i32
    %select_n3A_2929 = arith.select %and3A_2926, %sub3A_2928, %div3A_2907 : i32
    %mul3A_2930 = arith.constant 128 : i32
    %mul3A_2931 = arith.muli %select_n3A_2929, %mul3A_2930 : i32
    %multiple_of3A_2932 = tpu.assume_multiple %mul3A_2931, 128 : i32
    %dma_start3A_2933 = arith.constant 83 : i32
    %dma_start3A_2934 = tpu.memref_slice %arg3[%dma_start3A_2933, %multiple_of3A_2932] : memref<128x32768xf32, #tpu.memory_space<any>> -> memref<1x128xf32, #tpu.memory_space<any>>
    %dma_start3A_2935 = arith.constant 83 : i32
    %dma_start3A_2936 = arith.constant 0 : i32
    %dma_start3A_2937 = tpu.memref_slice %arg4[%dma_start3A_2935, %dma_start3A_2936] : memref<128x128xf32, #tpu.memory_space<vmem>> -> memref<1x128xf32, #tpu.memory_space<vmem>>
    tpu.enqueue_dma source(%dma_start3A_2937 : memref<1x128xf32, #tpu.memory_space<vmem>>) target(%dma_start3A_2934 : memref<1x128xf32, #tpu.memory_space<any>>) target_semaphore(%arg5 : memref<!tpu.dma_semaphore, #tpu.memory_space<semaphore_mem>>)
    %get3A_2938 = arith.constant 84 : index
    %get3A_2939 = arith.constant 0 : index
    %get3A_2940 = memref.load %arg0[%get3A_2938, %get3A_2939] : memref<128x1xi32, #tpu.memory_space<smem>>
    %jit3A_2941 = arith.constant 128 : i32
    %div3A_2942 = arith.divsi %get3A_2940, %jit3A_2941 : i32
    %sign3A_2943 = arith.constant 0 : i32
    %sign3A_2944 = arith.cmpi sgt, %get3A_2940, %sign3A_2943 : i32
    %sign3A_2945 = arith.extui %sign3A_2944 : i1 to i32
    %sign3A_2946 = arith.constant 0 : i32
    %sign3A_2947 = arith.cmpi slt, %get3A_2940, %sign3A_2946 : i32
    %sign3A_2948 = arith.extui %sign3A_2947 : i1 to i32
    %sign3A_2949 = arith.subi %sign3A_2945, %sign3A_2948 : i32
    %sign3A_2950 = arith.constant 0 : i32
    %sign3A_2951 = arith.cmpi sgt, %jit3A_2941, %sign3A_2950 : i32
    %sign3A_2952 = arith.extui %sign3A_2951 : i1 to i32
    %sign3A_2953 = arith.constant 0 : i32
    %sign3A_2954 = arith.cmpi slt, %jit3A_2941, %sign3A_2953 : i32
    %sign3A_2955 = arith.extui %sign3A_2954 : i1 to i32
    %sign3A_2956 = arith.subi %sign3A_2952, %sign3A_2955 : i32
    %ne3A_2957 = arith.cmpi ne, %sign3A_2949, %sign3A_2956 : i32
    %rem3A_2958 = arith.remsi %get3A_2940, %jit3A_2941 : i32
    %ne3A_2959 = arith.constant 0 : i32
    %ne3A_2960 = arith.cmpi ne, %rem3A_2958, %ne3A_2959 : i32
    %and3A_2961 = arith.andi %ne3A_2957, %ne3A_2960 : i1
    %sub3A_2962 = arith.constant 1 : i32
    %sub3A_2963 = arith.subi %div3A_2942, %sub3A_2962 : i32
    %select_n3A_2964 = arith.select %and3A_2961, %sub3A_2963, %div3A_2942 : i32
    %mul3A_2965 = arith.constant 128 : i32
    %mul3A_2966 = arith.muli %select_n3A_2964, %mul3A_2965 : i32
    %multiple_of3A_2967 = tpu.assume_multiple %mul3A_2966, 128 : i32
    %dma_start3A_2968 = arith.constant 84 : i32
    %dma_start3A_2969 = tpu.memref_slice %arg3[%dma_start3A_2968, %multiple_of3A_2967] : memref<128x32768xf32, #tpu.memory_space<any>> -> memref<1x128xf32, #tpu.memory_space<any>>
    %dma_start3A_2970 = arith.constant 84 : i32
    %dma_start3A_2971 = arith.constant 0 : i32
    %dma_start3A_2972 = tpu.memref_slice %arg4[%dma_start3A_2970, %dma_start3A_2971] : memref<128x128xf32, #tpu.memory_space<vmem>> -> memref<1x128xf32, #tpu.memory_space<vmem>>
    tpu.enqueue_dma source(%dma_start3A_2972 : memref<1x128xf32, #tpu.memory_space<vmem>>) target(%dma_start3A_2969 : memref<1x128xf32, #tpu.memory_space<any>>) target_semaphore(%arg5 : memref<!tpu.dma_semaphore, #tpu.memory_space<semaphore_mem>>)
    %get3A_2973 = arith.constant 85 : index
    %get3A_2974 = arith.constant 0 : index
    %get3A_2975 = memref.load %arg0[%get3A_2973, %get3A_2974] : memref<128x1xi32, #tpu.memory_space<smem>>
    %jit3A_2976 = arith.constant 128 : i32
    %div3A_2977 = arith.divsi %get3A_2975, %jit3A_2976 : i32
    %sign3A_2978 = arith.constant 0 : i32
    %sign3A_2979 = arith.cmpi sgt, %get3A_2975, %sign3A_2978 : i32
    %sign3A_2980 = arith.extui %sign3A_2979 : i1 to i32
    %sign3A_2981 = arith.constant 0 : i32
    %sign3A_2982 = arith.cmpi slt, %get3A_2975, %sign3A_2981 : i32
    %sign3A_2983 = arith.extui %sign3A_2982 : i1 to i32
    %sign3A_2984 = arith.subi %sign3A_2980, %sign3A_2983 : i32
    %sign3A_2985 = arith.constant 0 : i32
    %sign3A_2986 = arith.cmpi sgt, %jit3A_2976, %sign3A_2985 : i32
    %sign3A_2987 = arith.extui %sign3A_2986 : i1 to i32
    %sign3A_2988 = arith.constant 0 : i32
    %sign3A_2989 = arith.cmpi slt, %jit3A_2976, %sign3A_2988 : i32
    %sign3A_2990 = arith.extui %sign3A_2989 : i1 to i32
    %sign3A_2991 = arith.subi %sign3A_2987, %sign3A_2990 : i32
    %ne3A_2992 = arith.cmpi ne, %sign3A_2984, %sign3A_2991 : i32
    %rem3A_2993 = arith.remsi %get3A_2975, %jit3A_2976 : i32
    %ne3A_2994 = arith.constant 0 : i32
    %ne3A_2995 = arith.cmpi ne, %rem3A_2993, %ne3A_2994 : i32
    %and3A_2996 = arith.andi %ne3A_2992, %ne3A_2995 : i1
    %sub3A_2997 = arith.constant 1 : i32
    %sub3A_2998 = arith.subi %div3A_2977, %sub3A_2997 : i32
    %select_n3A_2999 = arith.select %and3A_2996, %sub3A_2998, %div3A_2977 : i32
    %mul3A_3000 = arith.constant 128 : i32
    %mul3A_3001 = arith.muli %select_n3A_2999, %mul3A_3000 : i32
    %multiple_of3A_3002 = tpu.assume_multiple %mul3A_3001, 128 : i32
    %dma_start3A_3003 = arith.constant 85 : i32
    %dma_start3A_3004 = tpu.memref_slice %arg3[%dma_start3A_3003, %multiple_of3A_3002] : memref<128x32768xf32, #tpu.memory_space<any>> -> memref<1x128xf32, #tpu.memory_space<any>>
    %dma_start3A_3005 = arith.constant 85 : i32
    %dma_start3A_3006 = arith.constant 0 : i32
    %dma_start3A_3007 = tpu.memref_slice %arg4[%dma_start3A_3005, %dma_start3A_3006] : memref<128x128xf32, #tpu.memory_space<vmem>> -> memref<1x128xf32, #tpu.memory_space<vmem>>
    tpu.enqueue_dma source(%dma_start3A_3007 : memref<1x128xf32, #tpu.memory_space<vmem>>) target(%dma_start3A_3004 : memref<1x128xf32, #tpu.memory_space<any>>) target_semaphore(%arg5 : memref<!tpu.dma_semaphore, #tpu.memory_space<semaphore_mem>>)
    %get3A_3008 = arith.constant 86 : index
    %get3A_3009 = arith.constant 0 : index
    %get3A_3010 = memref.load %arg0[%get3A_3008, %get3A_3009] : memref<128x1xi32, #tpu.memory_space<smem>>
    %jit3A_3011 = arith.constant 128 : i32
    %div3A_3012 = arith.divsi %get3A_3010, %jit3A_3011 : i32
    %sign3A_3013 = arith.constant 0 : i32
    %sign3A_3014 = arith.cmpi sgt, %get3A_3010, %sign3A_3013 : i32
    %sign3A_3015 = arith.extui %sign3A_3014 : i1 to i32
    %sign3A_3016 = arith.constant 0 : i32
    %sign3A_3017 = arith.cmpi slt, %get3A_3010, %sign3A_3016 : i32
    %sign3A_3018 = arith.extui %sign3A_3017 : i1 to i32
    %sign3A_3019 = arith.subi %sign3A_3015, %sign3A_3018 : i32
    %sign3A_3020 = arith.constant 0 : i32
    %sign3A_3021 = arith.cmpi sgt, %jit3A_3011, %sign3A_3020 : i32
    %sign3A_3022 = arith.extui %sign3A_3021 : i1 to i32
    %sign3A_3023 = arith.constant 0 : i32
    %sign3A_3024 = arith.cmpi slt, %jit3A_3011, %sign3A_3023 : i32
    %sign3A_3025 = arith.extui %sign3A_3024 : i1 to i32
    %sign3A_3026 = arith.subi %sign3A_3022, %sign3A_3025 : i32
    %ne3A_3027 = arith.cmpi ne, %sign3A_3019, %sign3A_3026 : i32
    %rem3A_3028 = arith.remsi %get3A_3010, %jit3A_3011 : i32
    %ne3A_3029 = arith.constant 0 : i32
    %ne3A_3030 = arith.cmpi ne, %rem3A_3028, %ne3A_3029 : i32
    %and3A_3031 = arith.andi %ne3A_3027, %ne3A_3030 : i1
    %sub3A_3032 = arith.constant 1 : i32
    %sub3A_3033 = arith.subi %div3A_3012, %sub3A_3032 : i32
    %select_n3A_3034 = arith.select %and3A_3031, %sub3A_3033, %div3A_3012 : i32
    %mul3A_3035 = arith.constant 128 : i32
    %mul3A_3036 = arith.muli %select_n3A_3034, %mul3A_3035 : i32
    %multiple_of3A_3037 = tpu.assume_multiple %mul3A_3036, 128 : i32
    %dma_start3A_3038 = arith.constant 86 : i32
    %dma_start3A_3039 = tpu.memref_slice %arg3[%dma_start3A_3038, %multiple_of3A_3037] : memref<128x32768xf32, #tpu.memory_space<any>> -> memref<1x128xf32, #tpu.memory_space<any>>
    %dma_start3A_3040 = arith.constant 86 : i32
    %dma_start3A_3041 = arith.constant 0 : i32
    %dma_start3A_3042 = tpu.memref_slice %arg4[%dma_start3A_3040, %dma_start3A_3041] : memref<128x128xf32, #tpu.memory_space<vmem>> -> memref<1x128xf32, #tpu.memory_space<vmem>>
    tpu.enqueue_dma source(%dma_start3A_3042 : memref<1x128xf32, #tpu.memory_space<vmem>>) target(%dma_start3A_3039 : memref<1x128xf32, #tpu.memory_space<any>>) target_semaphore(%arg5 : memref<!tpu.dma_semaphore, #tpu.memory_space<semaphore_mem>>)
    %get3A_3043 = arith.constant 87 : index
    %get3A_3044 = arith.constant 0 : index
    %get3A_3045 = memref.load %arg0[%get3A_3043, %get3A_3044] : memref<128x1xi32, #tpu.memory_space<smem>>
    %jit3A_3046 = arith.constant 128 : i32
    %div3A_3047 = arith.divsi %get3A_3045, %jit3A_3046 : i32
    %sign3A_3048 = arith.constant 0 : i32
    %sign3A_3049 = arith.cmpi sgt, %get3A_3045, %sign3A_3048 : i32
    %sign3A_3050 = arith.extui %sign3A_3049 : i1 to i32
    %sign3A_3051 = arith.constant 0 : i32
    %sign3A_3052 = arith.cmpi slt, %get3A_3045, %sign3A_3051 : i32
    %sign3A_3053 = arith.extui %sign3A_3052 : i1 to i32
    %sign3A_3054 = arith.subi %sign3A_3050, %sign3A_3053 : i32
    %sign3A_3055 = arith.constant 0 : i32
    %sign3A_3056 = arith.cmpi sgt, %jit3A_3046, %sign3A_3055 : i32
    %sign3A_3057 = arith.extui %sign3A_3056 : i1 to i32
    %sign3A_3058 = arith.constant 0 : i32
    %sign3A_3059 = arith.cmpi slt, %jit3A_3046, %sign3A_3058 : i32
    %sign3A_3060 = arith.extui %sign3A_3059 : i1 to i32
    %sign3A_3061 = arith.subi %sign3A_3057, %sign3A_3060 : i32
    %ne3A_3062 = arith.cmpi ne, %sign3A_3054, %sign3A_3061 : i32
    %rem3A_3063 = arith.remsi %get3A_3045, %jit3A_3046 : i32
    %ne3A_3064 = arith.constant 0 : i32
    %ne3A_3065 = arith.cmpi ne, %rem3A_3063, %ne3A_3064 : i32
    %and3A_3066 = arith.andi %ne3A_3062, %ne3A_3065 : i1
    %sub3A_3067 = arith.constant 1 : i32
    %sub3A_3068 = arith.subi %div3A_3047, %sub3A_3067 : i32
    %select_n3A_3069 = arith.select %and3A_3066, %sub3A_3068, %div3A_3047 : i32
    %mul3A_3070 = arith.constant 128 : i32
    %mul3A_3071 = arith.muli %select_n3A_3069, %mul3A_3070 : i32
    %multiple_of3A_3072 = tpu.assume_multiple %mul3A_3071, 128 : i32
    %dma_start3A_3073 = arith.constant 87 : i32
    %dma_start3A_3074 = tpu.memref_slice %arg3[%dma_start3A_3073, %multiple_of3A_3072] : memref<128x32768xf32, #tpu.memory_space<any>> -> memref<1x128xf32, #tpu.memory_space<any>>
    %dma_start3A_3075 = arith.constant 87 : i32
    %dma_start3A_3076 = arith.constant 0 : i32
    %dma_start3A_3077 = tpu.memref_slice %arg4[%dma_start3A_3075, %dma_start3A_3076] : memref<128x128xf32, #tpu.memory_space<vmem>> -> memref<1x128xf32, #tpu.memory_space<vmem>>
    tpu.enqueue_dma source(%dma_start3A_3077 : memref<1x128xf32, #tpu.memory_space<vmem>>) target(%dma_start3A_3074 : memref<1x128xf32, #tpu.memory_space<any>>) target_semaphore(%arg5 : memref<!tpu.dma_semaphore, #tpu.memory_space<semaphore_mem>>)
    %get3A_3078 = arith.constant 88 : index
    %get3A_3079 = arith.constant 0 : index
    %get3A_3080 = memref.load %arg0[%get3A_3078, %get3A_3079] : memref<128x1xi32, #tpu.memory_space<smem>>
    %jit3A_3081 = arith.constant 128 : i32
    %div3A_3082 = arith.divsi %get3A_3080, %jit3A_3081 : i32
    %sign3A_3083 = arith.constant 0 : i32
    %sign3A_3084 = arith.cmpi sgt, %get3A_3080, %sign3A_3083 : i32
    %sign3A_3085 = arith.extui %sign3A_3084 : i1 to i32
    %sign3A_3086 = arith.constant 0 : i32
    %sign3A_3087 = arith.cmpi slt, %get3A_3080, %sign3A_3086 : i32
    %sign3A_3088 = arith.extui %sign3A_3087 : i1 to i32
    %sign3A_3089 = arith.subi %sign3A_3085, %sign3A_3088 : i32
    %sign3A_3090 = arith.constant 0 : i32
    %sign3A_3091 = arith.cmpi sgt, %jit3A_3081, %sign3A_3090 : i32
    %sign3A_3092 = arith.extui %sign3A_3091 : i1 to i32
    %sign3A_3093 = arith.constant 0 : i32
    %sign3A_3094 = arith.cmpi slt, %jit3A_3081, %sign3A_3093 : i32
    %sign3A_3095 = arith.extui %sign3A_3094 : i1 to i32
    %sign3A_3096 = arith.subi %sign3A_3092, %sign3A_3095 : i32
    %ne3A_3097 = arith.cmpi ne, %sign3A_3089, %sign3A_3096 : i32
    %rem3A_3098 = arith.remsi %get3A_3080, %jit3A_3081 : i32
    %ne3A_3099 = arith.constant 0 : i32
    %ne3A_3100 = arith.cmpi ne, %rem3A_3098, %ne3A_3099 : i32
    %and3A_3101 = arith.andi %ne3A_3097, %ne3A_3100 : i1
    %sub3A_3102 = arith.constant 1 : i32
    %sub3A_3103 = arith.subi %div3A_3082, %sub3A_3102 : i32
    %select_n3A_3104 = arith.select %and3A_3101, %sub3A_3103, %div3A_3082 : i32
    %mul3A_3105 = arith.constant 128 : i32
    %mul3A_3106 = arith.muli %select_n3A_3104, %mul3A_3105 : i32
    %multiple_of3A_3107 = tpu.assume_multiple %mul3A_3106, 128 : i32
    %dma_start3A_3108 = arith.constant 88 : i32
    %dma_start3A_3109 = tpu.memref_slice %arg3[%dma_start3A_3108, %multiple_of3A_3107] : memref<128x32768xf32, #tpu.memory_space<any>> -> memref<1x128xf32, #tpu.memory_space<any>>
    %dma_start3A_3110 = arith.constant 88 : i32
    %dma_start3A_3111 = arith.constant 0 : i32
    %dma_start3A_3112 = tpu.memref_slice %arg4[%dma_start3A_3110, %dma_start3A_3111] : memref<128x128xf32, #tpu.memory_space<vmem>> -> memref<1x128xf32, #tpu.memory_space<vmem>>
    tpu.enqueue_dma source(%dma_start3A_3112 : memref<1x128xf32, #tpu.memory_space<vmem>>) target(%dma_start3A_3109 : memref<1x128xf32, #tpu.memory_space<any>>) target_semaphore(%arg5 : memref<!tpu.dma_semaphore, #tpu.memory_space<semaphore_mem>>)
    %get3A_3113 = arith.constant 89 : index
    %get3A_3114 = arith.constant 0 : index
    %get3A_3115 = memref.load %arg0[%get3A_3113, %get3A_3114] : memref<128x1xi32, #tpu.memory_space<smem>>
    %jit3A_3116 = arith.constant 128 : i32
    %div3A_3117 = arith.divsi %get3A_3115, %jit3A_3116 : i32
    %sign3A_3118 = arith.constant 0 : i32
    %sign3A_3119 = arith.cmpi sgt, %get3A_3115, %sign3A_3118 : i32
    %sign3A_3120 = arith.extui %sign3A_3119 : i1 to i32
    %sign3A_3121 = arith.constant 0 : i32
    %sign3A_3122 = arith.cmpi slt, %get3A_3115, %sign3A_3121 : i32
    %sign3A_3123 = arith.extui %sign3A_3122 : i1 to i32
    %sign3A_3124 = arith.subi %sign3A_3120, %sign3A_3123 : i32
    %sign3A_3125 = arith.constant 0 : i32
    %sign3A_3126 = arith.cmpi sgt, %jit3A_3116, %sign3A_3125 : i32
    %sign3A_3127 = arith.extui %sign3A_3126 : i1 to i32
    %sign3A_3128 = arith.constant 0 : i32
    %sign3A_3129 = arith.cmpi slt, %jit3A_3116, %sign3A_3128 : i32
    %sign3A_3130 = arith.extui %sign3A_3129 : i1 to i32
    %sign3A_3131 = arith.subi %sign3A_3127, %sign3A_3130 : i32
    %ne3A_3132 = arith.cmpi ne, %sign3A_3124, %sign3A_3131 : i32
    %rem3A_3133 = arith.remsi %get3A_3115, %jit3A_3116 : i32
    %ne3A_3134 = arith.constant 0 : i32
    %ne3A_3135 = arith.cmpi ne, %rem3A_3133, %ne3A_3134 : i32
    %and3A_3136 = arith.andi %ne3A_3132, %ne3A_3135 : i1
    %sub3A_3137 = arith.constant 1 : i32
    %sub3A_3138 = arith.subi %div3A_3117, %sub3A_3137 : i32
    %select_n3A_3139 = arith.select %and3A_3136, %sub3A_3138, %div3A_3117 : i32
    %mul3A_3140 = arith.constant 128 : i32
    %mul3A_3141 = arith.muli %select_n3A_3139, %mul3A_3140 : i32
    %multiple_of3A_3142 = tpu.assume_multiple %mul3A_3141, 128 : i32
    %dma_start3A_3143 = arith.constant 89 : i32
    %dma_start3A_3144 = tpu.memref_slice %arg3[%dma_start3A_3143, %multiple_of3A_3142] : memref<128x32768xf32, #tpu.memory_space<any>> -> memref<1x128xf32, #tpu.memory_space<any>>
    %dma_start3A_3145 = arith.constant 89 : i32
    %dma_start3A_3146 = arith.constant 0 : i32
    %dma_start3A_3147 = tpu.memref_slice %arg4[%dma_start3A_3145, %dma_start3A_3146] : memref<128x128xf32, #tpu.memory_space<vmem>> -> memref<1x128xf32, #tpu.memory_space<vmem>>
    tpu.enqueue_dma source(%dma_start3A_3147 : memref<1x128xf32, #tpu.memory_space<vmem>>) target(%dma_start3A_3144 : memref<1x128xf32, #tpu.memory_space<any>>) target_semaphore(%arg5 : memref<!tpu.dma_semaphore, #tpu.memory_space<semaphore_mem>>)
    %get3A_3148 = arith.constant 90 : index
    %get3A_3149 = arith.constant 0 : index
    %get3A_3150 = memref.load %arg0[%get3A_3148, %get3A_3149] : memref<128x1xi32, #tpu.memory_space<smem>>
    %jit3A_3151 = arith.constant 128 : i32
    %div3A_3152 = arith.divsi %get3A_3150, %jit3A_3151 : i32
    %sign3A_3153 = arith.constant 0 : i32
    %sign3A_3154 = arith.cmpi sgt, %get3A_3150, %sign3A_3153 : i32
    %sign3A_3155 = arith.extui %sign3A_3154 : i1 to i32
    %sign3A_3156 = arith.constant 0 : i32
    %sign3A_3157 = arith.cmpi slt, %get3A_3150, %sign3A_3156 : i32
    %sign3A_3158 = arith.extui %sign3A_3157 : i1 to i32
    %sign3A_3159 = arith.subi %sign3A_3155, %sign3A_3158 : i32
    %sign3A_3160 = arith.constant 0 : i32
    %sign3A_3161 = arith.cmpi sgt, %jit3A_3151, %sign3A_3160 : i32
    %sign3A_3162 = arith.extui %sign3A_3161 : i1 to i32
    %sign3A_3163 = arith.constant 0 : i32
    %sign3A_3164 = arith.cmpi slt, %jit3A_3151, %sign3A_3163 : i32
    %sign3A_3165 = arith.extui %sign3A_3164 : i1 to i32
    %sign3A_3166 = arith.subi %sign3A_3162, %sign3A_3165 : i32
    %ne3A_3167 = arith.cmpi ne, %sign3A_3159, %sign3A_3166 : i32
    %rem3A_3168 = arith.remsi %get3A_3150, %jit3A_3151 : i32
    %ne3A_3169 = arith.constant 0 : i32
    %ne3A_3170 = arith.cmpi ne, %rem3A_3168, %ne3A_3169 : i32
    %and3A_3171 = arith.andi %ne3A_3167, %ne3A_3170 : i1
    %sub3A_3172 = arith.constant 1 : i32
    %sub3A_3173 = arith.subi %div3A_3152, %sub3A_3172 : i32
    %select_n3A_3174 = arith.select %and3A_3171, %sub3A_3173, %div3A_3152 : i32
    %mul3A_3175 = arith.constant 128 : i32
    %mul3A_3176 = arith.muli %select_n3A_3174, %mul3A_3175 : i32
    %multiple_of3A_3177 = tpu.assume_multiple %mul3A_3176, 128 : i32
    %dma_start3A_3178 = arith.constant 90 : i32
    %dma_start3A_3179 = tpu.memref_slice %arg3[%dma_start3A_3178, %multiple_of3A_3177] : memref<128x32768xf32, #tpu.memory_space<any>> -> memref<1x128xf32, #tpu.memory_space<any>>
    %dma_start3A_3180 = arith.constant 90 : i32
    %dma_start3A_3181 = arith.constant 0 : i32
    %dma_start3A_3182 = tpu.memref_slice %arg4[%dma_start3A_3180, %dma_start3A_3181] : memref<128x128xf32, #tpu.memory_space<vmem>> -> memref<1x128xf32, #tpu.memory_space<vmem>>
    tpu.enqueue_dma source(%dma_start3A_3182 : memref<1x128xf32, #tpu.memory_space<vmem>>) target(%dma_start3A_3179 : memref<1x128xf32, #tpu.memory_space<any>>) target_semaphore(%arg5 : memref<!tpu.dma_semaphore, #tpu.memory_space<semaphore_mem>>)
    %get3A_3183 = arith.constant 91 : index
    %get3A_3184 = arith.constant 0 : index
    %get3A_3185 = memref.load %arg0[%get3A_3183, %get3A_3184] : memref<128x1xi32, #tpu.memory_space<smem>>
    %jit3A_3186 = arith.constant 128 : i32
    %div3A_3187 = arith.divsi %get3A_3185, %jit3A_3186 : i32
    %sign3A_3188 = arith.constant 0 : i32
    %sign3A_3189 = arith.cmpi sgt, %get3A_3185, %sign3A_3188 : i32
    %sign3A_3190 = arith.extui %sign3A_3189 : i1 to i32
    %sign3A_3191 = arith.constant 0 : i32
    %sign3A_3192 = arith.cmpi slt, %get3A_3185, %sign3A_3191 : i32
    %sign3A_3193 = arith.extui %sign3A_3192 : i1 to i32
    %sign3A_3194 = arith.subi %sign3A_3190, %sign3A_3193 : i32
    %sign3A_3195 = arith.constant 0 : i32
    %sign3A_3196 = arith.cmpi sgt, %jit3A_3186, %sign3A_3195 : i32
    %sign3A_3197 = arith.extui %sign3A_3196 : i1 to i32
    %sign3A_3198 = arith.constant 0 : i32
    %sign3A_3199 = arith.cmpi slt, %jit3A_3186, %sign3A_3198 : i32
    %sign3A_3200 = arith.extui %sign3A_3199 : i1 to i32
    %sign3A_3201 = arith.subi %sign3A_3197, %sign3A_3200 : i32
    %ne3A_3202 = arith.cmpi ne, %sign3A_3194, %sign3A_3201 : i32
    %rem3A_3203 = arith.remsi %get3A_3185, %jit3A_3186 : i32
    %ne3A_3204 = arith.constant 0 : i32
    %ne3A_3205 = arith.cmpi ne, %rem3A_3203, %ne3A_3204 : i32
    %and3A_3206 = arith.andi %ne3A_3202, %ne3A_3205 : i1
    %sub3A_3207 = arith.constant 1 : i32
    %sub3A_3208 = arith.subi %div3A_3187, %sub3A_3207 : i32
    %select_n3A_3209 = arith.select %and3A_3206, %sub3A_3208, %div3A_3187 : i32
    %mul3A_3210 = arith.constant 128 : i32
    %mul3A_3211 = arith.muli %select_n3A_3209, %mul3A_3210 : i32
    %multiple_of3A_3212 = tpu.assume_multiple %mul3A_3211, 128 : i32
    %dma_start3A_3213 = arith.constant 91 : i32
    %dma_start3A_3214 = tpu.memref_slice %arg3[%dma_start3A_3213, %multiple_of3A_3212] : memref<128x32768xf32, #tpu.memory_space<any>> -> memref<1x128xf32, #tpu.memory_space<any>>
    %dma_start3A_3215 = arith.constant 91 : i32
    %dma_start3A_3216 = arith.constant 0 : i32
    %dma_start3A_3217 = tpu.memref_slice %arg4[%dma_start3A_3215, %dma_start3A_3216] : memref<128x128xf32, #tpu.memory_space<vmem>> -> memref<1x128xf32, #tpu.memory_space<vmem>>
    tpu.enqueue_dma source(%dma_start3A_3217 : memref<1x128xf32, #tpu.memory_space<vmem>>) target(%dma_start3A_3214 : memref<1x128xf32, #tpu.memory_space<any>>) target_semaphore(%arg5 : memref<!tpu.dma_semaphore, #tpu.memory_space<semaphore_mem>>)
    %get3A_3218 = arith.constant 92 : index
    %get3A_3219 = arith.constant 0 : index
    %get3A_3220 = memref.load %arg0[%get3A_3218, %get3A_3219] : memref<128x1xi32, #tpu.memory_space<smem>>
    %jit3A_3221 = arith.constant 128 : i32
    %div3A_3222 = arith.divsi %get3A_3220, %jit3A_3221 : i32
    %sign3A_3223 = arith.constant 0 : i32
    %sign3A_3224 = arith.cmpi sgt, %get3A_3220, %sign3A_3223 : i32
    %sign3A_3225 = arith.extui %sign3A_3224 : i1 to i32
    %sign3A_3226 = arith.constant 0 : i32
    %sign3A_3227 = arith.cmpi slt, %get3A_3220, %sign3A_3226 : i32
    %sign3A_3228 = arith.extui %sign3A_3227 : i1 to i32
    %sign3A_3229 = arith.subi %sign3A_3225, %sign3A_3228 : i32
    %sign3A_3230 = arith.constant 0 : i32
    %sign3A_3231 = arith.cmpi sgt, %jit3A_3221, %sign3A_3230 : i32
    %sign3A_3232 = arith.extui %sign3A_3231 : i1 to i32
    %sign3A_3233 = arith.constant 0 : i32
    %sign3A_3234 = arith.cmpi slt, %jit3A_3221, %sign3A_3233 : i32
    %sign3A_3235 = arith.extui %sign3A_3234 : i1 to i32
    %sign3A_3236 = arith.subi %sign3A_3232, %sign3A_3235 : i32
    %ne3A_3237 = arith.cmpi ne, %sign3A_3229, %sign3A_3236 : i32
    %rem3A_3238 = arith.remsi %get3A_3220, %jit3A_3221 : i32
    %ne3A_3239 = arith.constant 0 : i32
    %ne3A_3240 = arith.cmpi ne, %rem3A_3238, %ne3A_3239 : i32
    %and3A_3241 = arith.andi %ne3A_3237, %ne3A_3240 : i1
    %sub3A_3242 = arith.constant 1 : i32
    %sub3A_3243 = arith.subi %div3A_3222, %sub3A_3242 : i32
    %select_n3A_3244 = arith.select %and3A_3241, %sub3A_3243, %div3A_3222 : i32
    %mul3A_3245 = arith.constant 128 : i32
    %mul3A_3246 = arith.muli %select_n3A_3244, %mul3A_3245 : i32
    %multiple_of3A_3247 = tpu.assume_multiple %mul3A_3246, 128 : i32
    %dma_start3A_3248 = arith.constant 92 : i32
    %dma_start3A_3249 = tpu.memref_slice %arg3[%dma_start3A_3248, %multiple_of3A_3247] : memref<128x32768xf32, #tpu.memory_space<any>> -> memref<1x128xf32, #tpu.memory_space<any>>
    %dma_start3A_3250 = arith.constant 92 : i32
    %dma_start3A_3251 = arith.constant 0 : i32
    %dma_start3A_3252 = tpu.memref_slice %arg4[%dma_start3A_3250, %dma_start3A_3251] : memref<128x128xf32, #tpu.memory_space<vmem>> -> memref<1x128xf32, #tpu.memory_space<vmem>>
    tpu.enqueue_dma source(%dma_start3A_3252 : memref<1x128xf32, #tpu.memory_space<vmem>>) target(%dma_start3A_3249 : memref<1x128xf32, #tpu.memory_space<any>>) target_semaphore(%arg5 : memref<!tpu.dma_semaphore, #tpu.memory_space<semaphore_mem>>)
    %get3A_3253 = arith.constant 93 : index
    %get3A_3254 = arith.constant 0 : index
    %get3A_3255 = memref.load %arg0[%get3A_3253, %get3A_3254] : memref<128x1xi32, #tpu.memory_space<smem>>
    %jit3A_3256 = arith.constant 128 : i32
    %div3A_3257 = arith.divsi %get3A_3255, %jit3A_3256 : i32
    %sign3A_3258 = arith.constant 0 : i32
    %sign3A_3259 = arith.cmpi sgt, %get3A_3255, %sign3A_3258 : i32
    %sign3A_3260 = arith.extui %sign3A_3259 : i1 to i32
    %sign3A_3261 = arith.constant 0 : i32
    %sign3A_3262 = arith.cmpi slt, %get3A_3255, %sign3A_3261 : i32
    %sign3A_3263 = arith.extui %sign3A_3262 : i1 to i32
    %sign3A_3264 = arith.subi %sign3A_3260, %sign3A_3263 : i32
    %sign3A_3265 = arith.constant 0 : i32
    %sign3A_3266 = arith.cmpi sgt, %jit3A_3256, %sign3A_3265 : i32
    %sign3A_3267 = arith.extui %sign3A_3266 : i1 to i32
    %sign3A_3268 = arith.constant 0 : i32
    %sign3A_3269 = arith.cmpi slt, %jit3A_3256, %sign3A_3268 : i32
    %sign3A_3270 = arith.extui %sign3A_3269 : i1 to i32
    %sign3A_3271 = arith.subi %sign3A_3267, %sign3A_3270 : i32
    %ne3A_3272 = arith.cmpi ne, %sign3A_3264, %sign3A_3271 : i32
    %rem3A_3273 = arith.remsi %get3A_3255, %jit3A_3256 : i32
    %ne3A_3274 = arith.constant 0 : i32
    %ne3A_3275 = arith.cmpi ne, %rem3A_3273, %ne3A_3274 : i32
    %and3A_3276 = arith.andi %ne3A_3272, %ne3A_3275 : i1
    %sub3A_3277 = arith.constant 1 : i32
    %sub3A_3278 = arith.subi %div3A_3257, %sub3A_3277 : i32
    %select_n3A_3279 = arith.select %and3A_3276, %sub3A_3278, %div3A_3257 : i32
    %mul3A_3280 = arith.constant 128 : i32
    %mul3A_3281 = arith.muli %select_n3A_3279, %mul3A_3280 : i32
    %multiple_of3A_3282 = tpu.assume_multiple %mul3A_3281, 128 : i32
    %dma_start3A_3283 = arith.constant 93 : i32
    %dma_start3A_3284 = tpu.memref_slice %arg3[%dma_start3A_3283, %multiple_of3A_3282] : memref<128x32768xf32, #tpu.memory_space<any>> -> memref<1x128xf32, #tpu.memory_space<any>>
    %dma_start3A_3285 = arith.constant 93 : i32
    %dma_start3A_3286 = arith.constant 0 : i32
    %dma_start3A_3287 = tpu.memref_slice %arg4[%dma_start3A_3285, %dma_start3A_3286] : memref<128x128xf32, #tpu.memory_space<vmem>> -> memref<1x128xf32, #tpu.memory_space<vmem>>
    tpu.enqueue_dma source(%dma_start3A_3287 : memref<1x128xf32, #tpu.memory_space<vmem>>) target(%dma_start3A_3284 : memref<1x128xf32, #tpu.memory_space<any>>) target_semaphore(%arg5 : memref<!tpu.dma_semaphore, #tpu.memory_space<semaphore_mem>>)
    %get3A_3288 = arith.constant 94 : index
    %get3A_3289 = arith.constant 0 : index
    %get3A_3290 = memref.load %arg0[%get3A_3288, %get3A_3289] : memref<128x1xi32, #tpu.memory_space<smem>>
    %jit3A_3291 = arith.constant 128 : i32
    %div3A_3292 = arith.divsi %get3A_3290, %jit3A_3291 : i32
    %sign3A_3293 = arith.constant 0 : i32
    %sign3A_3294 = arith.cmpi sgt, %get3A_3290, %sign3A_3293 : i32
    %sign3A_3295 = arith.extui %sign3A_3294 : i1 to i32
    %sign3A_3296 = arith.constant 0 : i32
    %sign3A_3297 = arith.cmpi slt, %get3A_3290, %sign3A_3296 : i32
    %sign3A_3298 = arith.extui %sign3A_3297 : i1 to i32
    %sign3A_3299 = arith.subi %sign3A_3295, %sign3A_3298 : i32
    %sign3A_3300 = arith.constant 0 : i32
    %sign3A_3301 = arith.cmpi sgt, %jit3A_3291, %sign3A_3300 : i32
    %sign3A_3302 = arith.extui %sign3A_3301 : i1 to i32
    %sign3A_3303 = arith.constant 0 : i32
    %sign3A_3304 = arith.cmpi slt, %jit3A_3291, %sign3A_3303 : i32
    %sign3A_3305 = arith.extui %sign3A_3304 : i1 to i32
    %sign3A_3306 = arith.subi %sign3A_3302, %sign3A_3305 : i32
    %ne3A_3307 = arith.cmpi ne, %sign3A_3299, %sign3A_3306 : i32
    %rem3A_3308 = arith.remsi %get3A_3290, %jit3A_3291 : i32
    %ne3A_3309 = arith.constant 0 : i32
    %ne3A_3310 = arith.cmpi ne, %rem3A_3308, %ne3A_3309 : i32
    %and3A_3311 = arith.andi %ne3A_3307, %ne3A_3310 : i1
    %sub3A_3312 = arith.constant 1 : i32
    %sub3A_3313 = arith.subi %div3A_3292, %sub3A_3312 : i32
    %select_n3A_3314 = arith.select %and3A_3311, %sub3A_3313, %div3A_3292 : i32
    %mul3A_3315 = arith.constant 128 : i32
    %mul3A_3316 = arith.muli %select_n3A_3314, %mul3A_3315 : i32
    %multiple_of3A_3317 = tpu.assume_multiple %mul3A_3316, 128 : i32
    %dma_start3A_3318 = arith.constant 94 : i32
    %dma_start3A_3319 = tpu.memref_slice %arg3[%dma_start3A_3318, %multiple_of3A_3317] : memref<128x32768xf32, #tpu.memory_space<any>> -> memref<1x128xf32, #tpu.memory_space<any>>
    %dma_start3A_3320 = arith.constant 94 : i32
    %dma_start3A_3321 = arith.constant 0 : i32
    %dma_start3A_3322 = tpu.memref_slice %arg4[%dma_start3A_3320, %dma_start3A_3321] : memref<128x128xf32, #tpu.memory_space<vmem>> -> memref<1x128xf32, #tpu.memory_space<vmem>>
    tpu.enqueue_dma source(%dma_start3A_3322 : memref<1x128xf32, #tpu.memory_space<vmem>>) target(%dma_start3A_3319 : memref<1x128xf32, #tpu.memory_space<any>>) target_semaphore(%arg5 : memref<!tpu.dma_semaphore, #tpu.memory_space<semaphore_mem>>)
    %get3A_3323 = arith.constant 95 : index
    %get3A_3324 = arith.constant 0 : index
    %get3A_3325 = memref.load %arg0[%get3A_3323, %get3A_3324] : memref<128x1xi32, #tpu.memory_space<smem>>
    %jit3A_3326 = arith.constant 128 : i32
    %div3A_3327 = arith.divsi %get3A_3325, %jit3A_3326 : i32
    %sign3A_3328 = arith.constant 0 : i32
    %sign3A_3329 = arith.cmpi sgt, %get3A_3325, %sign3A_3328 : i32
    %sign3A_3330 = arith.extui %sign3A_3329 : i1 to i32
    %sign3A_3331 = arith.constant 0 : i32
    %sign3A_3332 = arith.cmpi slt, %get3A_3325, %sign3A_3331 : i32
    %sign3A_3333 = arith.extui %sign3A_3332 : i1 to i32
    %sign3A_3334 = arith.subi %sign3A_3330, %sign3A_3333 : i32
    %sign3A_3335 = arith.constant 0 : i32
    %sign3A_3336 = arith.cmpi sgt, %jit3A_3326, %sign3A_3335 : i32
    %sign3A_3337 = arith.extui %sign3A_3336 : i1 to i32
    %sign3A_3338 = arith.constant 0 : i32
    %sign3A_3339 = arith.cmpi slt, %jit3A_3326, %sign3A_3338 : i32
    %sign3A_3340 = arith.extui %sign3A_3339 : i1 to i32
    %sign3A_3341 = arith.subi %sign3A_3337, %sign3A_3340 : i32
    %ne3A_3342 = arith.cmpi ne, %sign3A_3334, %sign3A_3341 : i32
    %rem3A_3343 = arith.remsi %get3A_3325, %jit3A_3326 : i32
    %ne3A_3344 = arith.constant 0 : i32
    %ne3A_3345 = arith.cmpi ne, %rem3A_3343, %ne3A_3344 : i32
    %and3A_3346 = arith.andi %ne3A_3342, %ne3A_3345 : i1
    %sub3A_3347 = arith.constant 1 : i32
    %sub3A_3348 = arith.subi %div3A_3327, %sub3A_3347 : i32
    %select_n3A_3349 = arith.select %and3A_3346, %sub3A_3348, %div3A_3327 : i32
    %mul3A_3350 = arith.constant 128 : i32
    %mul3A_3351 = arith.muli %select_n3A_3349, %mul3A_3350 : i32
    %multiple_of3A_3352 = tpu.assume_multiple %mul3A_3351, 128 : i32
    %dma_start3A_3353 = arith.constant 95 : i32
    %dma_start3A_3354 = tpu.memref_slice %arg3[%dma_start3A_3353, %multiple_of3A_3352] : memref<128x32768xf32, #tpu.memory_space<any>> -> memref<1x128xf32, #tpu.memory_space<any>>
    %dma_start3A_3355 = arith.constant 95 : i32
    %dma_start3A_3356 = arith.constant 0 : i32
    %dma_start3A_3357 = tpu.memref_slice %arg4[%dma_start3A_3355, %dma_start3A_3356] : memref<128x128xf32, #tpu.memory_space<vmem>> -> memref<1x128xf32, #tpu.memory_space<vmem>>
    tpu.enqueue_dma source(%dma_start3A_3357 : memref<1x128xf32, #tpu.memory_space<vmem>>) target(%dma_start3A_3354 : memref<1x128xf32, #tpu.memory_space<any>>) target_semaphore(%arg5 : memref<!tpu.dma_semaphore, #tpu.memory_space<semaphore_mem>>)
    %get3A_3358 = arith.constant 96 : index
    %get3A_3359 = arith.constant 0 : index
    %get3A_3360 = memref.load %arg0[%get3A_3358, %get3A_3359] : memref<128x1xi32, #tpu.memory_space<smem>>
    %jit3A_3361 = arith.constant 128 : i32
    %div3A_3362 = arith.divsi %get3A_3360, %jit3A_3361 : i32
    %sign3A_3363 = arith.constant 0 : i32
    %sign3A_3364 = arith.cmpi sgt, %get3A_3360, %sign3A_3363 : i32
    %sign3A_3365 = arith.extui %sign3A_3364 : i1 to i32
    %sign3A_3366 = arith.constant 0 : i32
    %sign3A_3367 = arith.cmpi slt, %get3A_3360, %sign3A_3366 : i32
    %sign3A_3368 = arith.extui %sign3A_3367 : i1 to i32
    %sign3A_3369 = arith.subi %sign3A_3365, %sign3A_3368 : i32
    %sign3A_3370 = arith.constant 0 : i32
    %sign3A_3371 = arith.cmpi sgt, %jit3A_3361, %sign3A_3370 : i32
    %sign3A_3372 = arith.extui %sign3A_3371 : i1 to i32
    %sign3A_3373 = arith.constant 0 : i32
    %sign3A_3374 = arith.cmpi slt, %jit3A_3361, %sign3A_3373 : i32
    %sign3A_3375 = arith.extui %sign3A_3374 : i1 to i32
    %sign3A_3376 = arith.subi %sign3A_3372, %sign3A_3375 : i32
    %ne3A_3377 = arith.cmpi ne, %sign3A_3369, %sign3A_3376 : i32
    %rem3A_3378 = arith.remsi %get3A_3360, %jit3A_3361 : i32
    %ne3A_3379 = arith.constant 0 : i32
    %ne3A_3380 = arith.cmpi ne, %rem3A_3378, %ne3A_3379 : i32
    %and3A_3381 = arith.andi %ne3A_3377, %ne3A_3380 : i1
    %sub3A_3382 = arith.constant 1 : i32
    %sub3A_3383 = arith.subi %div3A_3362, %sub3A_3382 : i32
    %select_n3A_3384 = arith.select %and3A_3381, %sub3A_3383, %div3A_3362 : i32
    %mul3A_3385 = arith.constant 128 : i32
    %mul3A_3386 = arith.muli %select_n3A_3384, %mul3A_3385 : i32
    %multiple_of3A_3387 = tpu.assume_multiple %mul3A_3386, 128 : i32
    %dma_start3A_3388 = arith.constant 96 : i32
    %dma_start3A_3389 = tpu.memref_slice %arg3[%dma_start3A_3388, %multiple_of3A_3387] : memref<128x32768xf32, #tpu.memory_space<any>> -> memref<1x128xf32, #tpu.memory_space<any>>
    %dma_start3A_3390 = arith.constant 96 : i32
    %dma_start3A_3391 = arith.constant 0 : i32
    %dma_start3A_3392 = tpu.memref_slice %arg4[%dma_start3A_3390, %dma_start3A_3391] : memref<128x128xf32, #tpu.memory_space<vmem>> -> memref<1x128xf32, #tpu.memory_space<vmem>>
    tpu.enqueue_dma source(%dma_start3A_3392 : memref<1x128xf32, #tpu.memory_space<vmem>>) target(%dma_start3A_3389 : memref<1x128xf32, #tpu.memory_space<any>>) target_semaphore(%arg5 : memref<!tpu.dma_semaphore, #tpu.memory_space<semaphore_mem>>)
    %get3A_3393 = arith.constant 97 : index
    %get3A_3394 = arith.constant 0 : index
    %get3A_3395 = memref.load %arg0[%get3A_3393, %get3A_3394] : memref<128x1xi32, #tpu.memory_space<smem>>
    %jit3A_3396 = arith.constant 128 : i32
    %div3A_3397 = arith.divsi %get3A_3395, %jit3A_3396 : i32
    %sign3A_3398 = arith.constant 0 : i32
    %sign3A_3399 = arith.cmpi sgt, %get3A_3395, %sign3A_3398 : i32
    %sign3A_3400 = arith.extui %sign3A_3399 : i1 to i32
    %sign3A_3401 = arith.constant 0 : i32
    %sign3A_3402 = arith.cmpi slt, %get3A_3395, %sign3A_3401 : i32
    %sign3A_3403 = arith.extui %sign3A_3402 : i1 to i32
    %sign3A_3404 = arith.subi %sign3A_3400, %sign3A_3403 : i32
    %sign3A_3405 = arith.constant 0 : i32
    %sign3A_3406 = arith.cmpi sgt, %jit3A_3396, %sign3A_3405 : i32
    %sign3A_3407 = arith.extui %sign3A_3406 : i1 to i32
    %sign3A_3408 = arith.constant 0 : i32
    %sign3A_3409 = arith.cmpi slt, %jit3A_3396, %sign3A_3408 : i32
    %sign3A_3410 = arith.extui %sign3A_3409 : i1 to i32
    %sign3A_3411 = arith.subi %sign3A_3407, %sign3A_3410 : i32
    %ne3A_3412 = arith.cmpi ne, %sign3A_3404, %sign3A_3411 : i32
    %rem3A_3413 = arith.remsi %get3A_3395, %jit3A_3396 : i32
    %ne3A_3414 = arith.constant 0 : i32
    %ne3A_3415 = arith.cmpi ne, %rem3A_3413, %ne3A_3414 : i32
    %and3A_3416 = arith.andi %ne3A_3412, %ne3A_3415 : i1
    %sub3A_3417 = arith.constant 1 : i32
    %sub3A_3418 = arith.subi %div3A_3397, %sub3A_3417 : i32
    %select_n3A_3419 = arith.select %and3A_3416, %sub3A_3418, %div3A_3397 : i32
    %mul3A_3420 = arith.constant 128 : i32
    %mul3A_3421 = arith.muli %select_n3A_3419, %mul3A_3420 : i32
    %multiple_of3A_3422 = tpu.assume_multiple %mul3A_3421, 128 : i32
    %dma_start3A_3423 = arith.constant 97 : i32
    %dma_start3A_3424 = tpu.memref_slice %arg3[%dma_start3A_3423, %multiple_of3A_3422] : memref<128x32768xf32, #tpu.memory_space<any>> -> memref<1x128xf32, #tpu.memory_space<any>>
    %dma_start3A_3425 = arith.constant 97 : i32
    %dma_start3A_3426 = arith.constant 0 : i32
    %dma_start3A_3427 = tpu.memref_slice %arg4[%dma_start3A_3425, %dma_start3A_3426] : memref<128x128xf32, #tpu.memory_space<vmem>> -> memref<1x128xf32, #tpu.memory_space<vmem>>
    tpu.enqueue_dma source(%dma_start3A_3427 : memref<1x128xf32, #tpu.memory_space<vmem>>) target(%dma_start3A_3424 : memref<1x128xf32, #tpu.memory_space<any>>) target_semaphore(%arg5 : memref<!tpu.dma_semaphore, #tpu.memory_space<semaphore_mem>>)
    %get3A_3428 = arith.constant 98 : index
    %get3A_3429 = arith.constant 0 : index
    %get3A_3430 = memref.load %arg0[%get3A_3428, %get3A_3429] : memref<128x1xi32, #tpu.memory_space<smem>>
    %jit3A_3431 = arith.constant 128 : i32
    %div3A_3432 = arith.divsi %get3A_3430, %jit3A_3431 : i32
    %sign3A_3433 = arith.constant 0 : i32
    %sign3A_3434 = arith.cmpi sgt, %get3A_3430, %sign3A_3433 : i32
    %sign3A_3435 = arith.extui %sign3A_3434 : i1 to i32
    %sign3A_3436 = arith.constant 0 : i32
    %sign3A_3437 = arith.cmpi slt, %get3A_3430, %sign3A_3436 : i32
    %sign3A_3438 = arith.extui %sign3A_3437 : i1 to i32
    %sign3A_3439 = arith.subi %sign3A_3435, %sign3A_3438 : i32
    %sign3A_3440 = arith.constant 0 : i32
    %sign3A_3441 = arith.cmpi sgt, %jit3A_3431, %sign3A_3440 : i32
    %sign3A_3442 = arith.extui %sign3A_3441 : i1 to i32
    %sign3A_3443 = arith.constant 0 : i32
    %sign3A_3444 = arith.cmpi slt, %jit3A_3431, %sign3A_3443 : i32
    %sign3A_3445 = arith.extui %sign3A_3444 : i1 to i32
    %sign3A_3446 = arith.subi %sign3A_3442, %sign3A_3445 : i32
    %ne3A_3447 = arith.cmpi ne, %sign3A_3439, %sign3A_3446 : i32
    %rem3A_3448 = arith.remsi %get3A_3430, %jit3A_3431 : i32
    %ne3A_3449 = arith.constant 0 : i32
    %ne3A_3450 = arith.cmpi ne, %rem3A_3448, %ne3A_3449 : i32
    %and3A_3451 = arith.andi %ne3A_3447, %ne3A_3450 : i1
    %sub3A_3452 = arith.constant 1 : i32
    %sub3A_3453 = arith.subi %div3A_3432, %sub3A_3452 : i32
    %select_n3A_3454 = arith.select %and3A_3451, %sub3A_3453, %div3A_3432 : i32
    %mul3A_3455 = arith.constant 128 : i32
    %mul3A_3456 = arith.muli %select_n3A_3454, %mul3A_3455 : i32
    %multiple_of3A_3457 = tpu.assume_multiple %mul3A_3456, 128 : i32
    %dma_start3A_3458 = arith.constant 98 : i32
    %dma_start3A_3459 = tpu.memref_slice %arg3[%dma_start3A_3458, %multiple_of3A_3457] : memref<128x32768xf32, #tpu.memory_space<any>> -> memref<1x128xf32, #tpu.memory_space<any>>
    %dma_start3A_3460 = arith.constant 98 : i32
    %dma_start3A_3461 = arith.constant 0 : i32
    %dma_start3A_3462 = tpu.memref_slice %arg4[%dma_start3A_3460, %dma_start3A_3461] : memref<128x128xf32, #tpu.memory_space<vmem>> -> memref<1x128xf32, #tpu.memory_space<vmem>>
    tpu.enqueue_dma source(%dma_start3A_3462 : memref<1x128xf32, #tpu.memory_space<vmem>>) target(%dma_start3A_3459 : memref<1x128xf32, #tpu.memory_space<any>>) target_semaphore(%arg5 : memref<!tpu.dma_semaphore, #tpu.memory_space<semaphore_mem>>)
    %get3A_3463 = arith.constant 99 : index
    %get3A_3464 = arith.constant 0 : index
    %get3A_3465 = memref.load %arg0[%get3A_3463, %get3A_3464] : memref<128x1xi32, #tpu.memory_space<smem>>
    %jit3A_3466 = arith.constant 128 : i32
    %div3A_3467 = arith.divsi %get3A_3465, %jit3A_3466 : i32
    %sign3A_3468 = arith.constant 0 : i32
    %sign3A_3469 = arith.cmpi sgt, %get3A_3465, %sign3A_3468 : i32
    %sign3A_3470 = arith.extui %sign3A_3469 : i1 to i32
    %sign3A_3471 = arith.constant 0 : i32
    %sign3A_3472 = arith.cmpi slt, %get3A_3465, %sign3A_3471 : i32
    %sign3A_3473 = arith.extui %sign3A_3472 : i1 to i32
    %sign3A_3474 = arith.subi %sign3A_3470, %sign3A_3473 : i32
    %sign3A_3475 = arith.constant 0 : i32
    %sign3A_3476 = arith.cmpi sgt, %jit3A_3466, %sign3A_3475 : i32
    %sign3A_3477 = arith.extui %sign3A_3476 : i1 to i32
    %sign3A_3478 = arith.constant 0 : i32
    %sign3A_3479 = arith.cmpi slt, %jit3A_3466, %sign3A_3478 : i32
    %sign3A_3480 = arith.extui %sign3A_3479 : i1 to i32
    %sign3A_3481 = arith.subi %sign3A_3477, %sign3A_3480 : i32
    %ne3A_3482 = arith.cmpi ne, %sign3A_3474, %sign3A_3481 : i32
    %rem3A_3483 = arith.remsi %get3A_3465, %jit3A_3466 : i32
    %ne3A_3484 = arith.constant 0 : i32
    %ne3A_3485 = arith.cmpi ne, %rem3A_3483, %ne3A_3484 : i32
    %and3A_3486 = arith.andi %ne3A_3482, %ne3A_3485 : i1
    %sub3A_3487 = arith.constant 1 : i32
    %sub3A_3488 = arith.subi %div3A_3467, %sub3A_3487 : i32
    %select_n3A_3489 = arith.select %and3A_3486, %sub3A_3488, %div3A_3467 : i32
    %mul3A_3490 = arith.constant 128 : i32
    %mul3A_3491 = arith.muli %select_n3A_3489, %mul3A_3490 : i32
    %multiple_of3A_3492 = tpu.assume_multiple %mul3A_3491, 128 : i32
    %dma_start3A_3493 = arith.constant 99 : i32
    %dma_start3A_3494 = tpu.memref_slice %arg3[%dma_start3A_3493, %multiple_of3A_3492] : memref<128x32768xf32, #tpu.memory_space<any>> -> memref<1x128xf32, #tpu.memory_space<any>>
    %dma_start3A_3495 = arith.constant 99 : i32
    %dma_start3A_3496 = arith.constant 0 : i32
    %dma_start3A_3497 = tpu.memref_slice %arg4[%dma_start3A_3495, %dma_start3A_3496] : memref<128x128xf32, #tpu.memory_space<vmem>> -> memref<1x128xf32, #tpu.memory_space<vmem>>
    tpu.enqueue_dma source(%dma_start3A_3497 : memref<1x128xf32, #tpu.memory_space<vmem>>) target(%dma_start3A_3494 : memref<1x128xf32, #tpu.memory_space<any>>) target_semaphore(%arg5 : memref<!tpu.dma_semaphore, #tpu.memory_space<semaphore_mem>>)
    %get3A_3498 = arith.constant 100 : index
    %get3A_3499 = arith.constant 0 : index
    %get3A_3500 = memref.load %arg0[%get3A_3498, %get3A_3499] : memref<128x1xi32, #tpu.memory_space<smem>>
    %jit3A_3501 = arith.constant 128 : i32
    %div3A_3502 = arith.divsi %get3A_3500, %jit3A_3501 : i32
    %sign3A_3503 = arith.constant 0 : i32
    %sign3A_3504 = arith.cmpi sgt, %get3A_3500, %sign3A_3503 : i32
    %sign3A_3505 = arith.extui %sign3A_3504 : i1 to i32
    %sign3A_3506 = arith.constant 0 : i32
    %sign3A_3507 = arith.cmpi slt, %get3A_3500, %sign3A_3506 : i32
    %sign3A_3508 = arith.extui %sign3A_3507 : i1 to i32
    %sign3A_3509 = arith.subi %sign3A_3505, %sign3A_3508 : i32
    %sign3A_3510 = arith.constant 0 : i32
    %sign3A_3511 = arith.cmpi sgt, %jit3A_3501, %sign3A_3510 : i32
    %sign3A_3512 = arith.extui %sign3A_3511 : i1 to i32
    %sign3A_3513 = arith.constant 0 : i32
    %sign3A_3514 = arith.cmpi slt, %jit3A_3501, %sign3A_3513 : i32
    %sign3A_3515 = arith.extui %sign3A_3514 : i1 to i32
    %sign3A_3516 = arith.subi %sign3A_3512, %sign3A_3515 : i32
    %ne3A_3517 = arith.cmpi ne, %sign3A_3509, %sign3A_3516 : i32
    %rem3A_3518 = arith.remsi %get3A_3500, %jit3A_3501 : i32
    %ne3A_3519 = arith.constant 0 : i32
    %ne3A_3520 = arith.cmpi ne, %rem3A_3518, %ne3A_3519 : i32
    %and3A_3521 = arith.andi %ne3A_3517, %ne3A_3520 : i1
    %sub3A_3522 = arith.constant 1 : i32
    %sub3A_3523 = arith.subi %div3A_3502, %sub3A_3522 : i32
    %select_n3A_3524 = arith.select %and3A_3521, %sub3A_3523, %div3A_3502 : i32
    %mul3A_3525 = arith.constant 128 : i32
    %mul3A_3526 = arith.muli %select_n3A_3524, %mul3A_3525 : i32
    %multiple_of3A_3527 = tpu.assume_multiple %mul3A_3526, 128 : i32
    %dma_start3A_3528 = arith.constant 100 : i32
    %dma_start3A_3529 = tpu.memref_slice %arg3[%dma_start3A_3528, %multiple_of3A_3527] : memref<128x32768xf32, #tpu.memory_space<any>> -> memref<1x128xf32, #tpu.memory_space<any>>
    %dma_start3A_3530 = arith.constant 100 : i32
    %dma_start3A_3531 = arith.constant 0 : i32
    %dma_start3A_3532 = tpu.memref_slice %arg4[%dma_start3A_3530, %dma_start3A_3531] : memref<128x128xf32, #tpu.memory_space<vmem>> -> memref<1x128xf32, #tpu.memory_space<vmem>>
    tpu.enqueue_dma source(%dma_start3A_3532 : memref<1x128xf32, #tpu.memory_space<vmem>>) target(%dma_start3A_3529 : memref<1x128xf32, #tpu.memory_space<any>>) target_semaphore(%arg5 : memref<!tpu.dma_semaphore, #tpu.memory_space<semaphore_mem>>)
    %get3A_3533 = arith.constant 101 : index
    %get3A_3534 = arith.constant 0 : index
    %get3A_3535 = memref.load %arg0[%get3A_3533, %get3A_3534] : memref<128x1xi32, #tpu.memory_space<smem>>
    %jit3A_3536 = arith.constant 128 : i32
    %div3A_3537 = arith.divsi %get3A_3535, %jit3A_3536 : i32
    %sign3A_3538 = arith.constant 0 : i32
    %sign3A_3539 = arith.cmpi sgt, %get3A_3535, %sign3A_3538 : i32
    %sign3A_3540 = arith.extui %sign3A_3539 : i1 to i32
    %sign3A_3541 = arith.constant 0 : i32
    %sign3A_3542 = arith.cmpi slt, %get3A_3535, %sign3A_3541 : i32
    %sign3A_3543 = arith.extui %sign3A_3542 : i1 to i32
    %sign3A_3544 = arith.subi %sign3A_3540, %sign3A_3543 : i32
    %sign3A_3545 = arith.constant 0 : i32
    %sign3A_3546 = arith.cmpi sgt, %jit3A_3536, %sign3A_3545 : i32
    %sign3A_3547 = arith.extui %sign3A_3546 : i1 to i32
    %sign3A_3548 = arith.constant 0 : i32
    %sign3A_3549 = arith.cmpi slt, %jit3A_3536, %sign3A_3548 : i32
    %sign3A_3550 = arith.extui %sign3A_3549 : i1 to i32
    %sign3A_3551 = arith.subi %sign3A_3547, %sign3A_3550 : i32
    %ne3A_3552 = arith.cmpi ne, %sign3A_3544, %sign3A_3551 : i32
    %rem3A_3553 = arith.remsi %get3A_3535, %jit3A_3536 : i32
    %ne3A_3554 = arith.constant 0 : i32
    %ne3A_3555 = arith.cmpi ne, %rem3A_3553, %ne3A_3554 : i32
    %and3A_3556 = arith.andi %ne3A_3552, %ne3A_3555 : i1
    %sub3A_3557 = arith.constant 1 : i32
    %sub3A_3558 = arith.subi %div3A_3537, %sub3A_3557 : i32
    %select_n3A_3559 = arith.select %and3A_3556, %sub3A_3558, %div3A_3537 : i32
    %mul3A_3560 = arith.constant 128 : i32
    %mul3A_3561 = arith.muli %select_n3A_3559, %mul3A_3560 : i32
    %multiple_of3A_3562 = tpu.assume_multiple %mul3A_3561, 128 : i32
    %dma_start3A_3563 = arith.constant 101 : i32
    %dma_start3A_3564 = tpu.memref_slice %arg3[%dma_start3A_3563, %multiple_of3A_3562] : memref<128x32768xf32, #tpu.memory_space<any>> -> memref<1x128xf32, #tpu.memory_space<any>>
    %dma_start3A_3565 = arith.constant 101 : i32
    %dma_start3A_3566 = arith.constant 0 : i32
    %dma_start3A_3567 = tpu.memref_slice %arg4[%dma_start3A_3565, %dma_start3A_3566] : memref<128x128xf32, #tpu.memory_space<vmem>> -> memref<1x128xf32, #tpu.memory_space<vmem>>
    tpu.enqueue_dma source(%dma_start3A_3567 : memref<1x128xf32, #tpu.memory_space<vmem>>) target(%dma_start3A_3564 : memref<1x128xf32, #tpu.memory_space<any>>) target_semaphore(%arg5 : memref<!tpu.dma_semaphore, #tpu.memory_space<semaphore_mem>>)
    %get3A_3568 = arith.constant 102 : index
    %get3A_3569 = arith.constant 0 : index
    %get3A_3570 = memref.load %arg0[%get3A_3568, %get3A_3569] : memref<128x1xi32, #tpu.memory_space<smem>>
    %jit3A_3571 = arith.constant 128 : i32
    %div3A_3572 = arith.divsi %get3A_3570, %jit3A_3571 : i32
    %sign3A_3573 = arith.constant 0 : i32
    %sign3A_3574 = arith.cmpi sgt, %get3A_3570, %sign3A_3573 : i32
    %sign3A_3575 = arith.extui %sign3A_3574 : i1 to i32
    %sign3A_3576 = arith.constant 0 : i32
    %sign3A_3577 = arith.cmpi slt, %get3A_3570, %sign3A_3576 : i32
    %sign3A_3578 = arith.extui %sign3A_3577 : i1 to i32
    %sign3A_3579 = arith.subi %sign3A_3575, %sign3A_3578 : i32
    %sign3A_3580 = arith.constant 0 : i32
    %sign3A_3581 = arith.cmpi sgt, %jit3A_3571, %sign3A_3580 : i32
    %sign3A_3582 = arith.extui %sign3A_3581 : i1 to i32
    %sign3A_3583 = arith.constant 0 : i32
    %sign3A_3584 = arith.cmpi slt, %jit3A_3571, %sign3A_3583 : i32
    %sign3A_3585 = arith.extui %sign3A_3584 : i1 to i32
    %sign3A_3586 = arith.subi %sign3A_3582, %sign3A_3585 : i32
    %ne3A_3587 = arith.cmpi ne, %sign3A_3579, %sign3A_3586 : i32
    %rem3A_3588 = arith.remsi %get3A_3570, %jit3A_3571 : i32
    %ne3A_3589 = arith.constant 0 : i32
    %ne3A_3590 = arith.cmpi ne, %rem3A_3588, %ne3A_3589 : i32
    %and3A_3591 = arith.andi %ne3A_3587, %ne3A_3590 : i1
    %sub3A_3592 = arith.constant 1 : i32
    %sub3A_3593 = arith.subi %div3A_3572, %sub3A_3592 : i32
    %select_n3A_3594 = arith.select %and3A_3591, %sub3A_3593, %div3A_3572 : i32
    %mul3A_3595 = arith.constant 128 : i32
    %mul3A_3596 = arith.muli %select_n3A_3594, %mul3A_3595 : i32
    %multiple_of3A_3597 = tpu.assume_multiple %mul3A_3596, 128 : i32
    %dma_start3A_3598 = arith.constant 102 : i32
    %dma_start3A_3599 = tpu.memref_slice %arg3[%dma_start3A_3598, %multiple_of3A_3597] : memref<128x32768xf32, #tpu.memory_space<any>> -> memref<1x128xf32, #tpu.memory_space<any>>
    %dma_start3A_3600 = arith.constant 102 : i32
    %dma_start3A_3601 = arith.constant 0 : i32
    %dma_start3A_3602 = tpu.memref_slice %arg4[%dma_start3A_3600, %dma_start3A_3601] : memref<128x128xf32, #tpu.memory_space<vmem>> -> memref<1x128xf32, #tpu.memory_space<vmem>>
    tpu.enqueue_dma source(%dma_start3A_3602 : memref<1x128xf32, #tpu.memory_space<vmem>>) target(%dma_start3A_3599 : memref<1x128xf32, #tpu.memory_space<any>>) target_semaphore(%arg5 : memref<!tpu.dma_semaphore, #tpu.memory_space<semaphore_mem>>)
    %get3A_3603 = arith.constant 103 : index
    %get3A_3604 = arith.constant 0 : index
    %get3A_3605 = memref.load %arg0[%get3A_3603, %get3A_3604] : memref<128x1xi32, #tpu.memory_space<smem>>
    %jit3A_3606 = arith.constant 128 : i32
    %div3A_3607 = arith.divsi %get3A_3605, %jit3A_3606 : i32
    %sign3A_3608 = arith.constant 0 : i32
    %sign3A_3609 = arith.cmpi sgt, %get3A_3605, %sign3A_3608 : i32
    %sign3A_3610 = arith.extui %sign3A_3609 : i1 to i32
    %sign3A_3611 = arith.constant 0 : i32
    %sign3A_3612 = arith.cmpi slt, %get3A_3605, %sign3A_3611 : i32
    %sign3A_3613 = arith.extui %sign3A_3612 : i1 to i32
    %sign3A_3614 = arith.subi %sign3A_3610, %sign3A_3613 : i32
    %sign3A_3615 = arith.constant 0 : i32
    %sign3A_3616 = arith.cmpi sgt, %jit3A_3606, %sign3A_3615 : i32
    %sign3A_3617 = arith.extui %sign3A_3616 : i1 to i32
    %sign3A_3618 = arith.constant 0 : i32
    %sign3A_3619 = arith.cmpi slt, %jit3A_3606, %sign3A_3618 : i32
    %sign3A_3620 = arith.extui %sign3A_3619 : i1 to i32
    %sign3A_3621 = arith.subi %sign3A_3617, %sign3A_3620 : i32
    %ne3A_3622 = arith.cmpi ne, %sign3A_3614, %sign3A_3621 : i32
    %rem3A_3623 = arith.remsi %get3A_3605, %jit3A_3606 : i32
    %ne3A_3624 = arith.constant 0 : i32
    %ne3A_3625 = arith.cmpi ne, %rem3A_3623, %ne3A_3624 : i32
    %and3A_3626 = arith.andi %ne3A_3622, %ne3A_3625 : i1
    %sub3A_3627 = arith.constant 1 : i32
    %sub3A_3628 = arith.subi %div3A_3607, %sub3A_3627 : i32
    %select_n3A_3629 = arith.select %and3A_3626, %sub3A_3628, %div3A_3607 : i32
    %mul3A_3630 = arith.constant 128 : i32
    %mul3A_3631 = arith.muli %select_n3A_3629, %mul3A_3630 : i32
    %multiple_of3A_3632 = tpu.assume_multiple %mul3A_3631, 128 : i32
    %dma_start3A_3633 = arith.constant 103 : i32
    %dma_start3A_3634 = tpu.memref_slice %arg3[%dma_start3A_3633, %multiple_of3A_3632] : memref<128x32768xf32, #tpu.memory_space<any>> -> memref<1x128xf32, #tpu.memory_space<any>>
    %dma_start3A_3635 = arith.constant 103 : i32
    %dma_start3A_3636 = arith.constant 0 : i32
    %dma_start3A_3637 = tpu.memref_slice %arg4[%dma_start3A_3635, %dma_start3A_3636] : memref<128x128xf32, #tpu.memory_space<vmem>> -> memref<1x128xf32, #tpu.memory_space<vmem>>
    tpu.enqueue_dma source(%dma_start3A_3637 : memref<1x128xf32, #tpu.memory_space<vmem>>) target(%dma_start3A_3634 : memref<1x128xf32, #tpu.memory_space<any>>) target_semaphore(%arg5 : memref<!tpu.dma_semaphore, #tpu.memory_space<semaphore_mem>>)
    %get3A_3638 = arith.constant 104 : index
    %get3A_3639 = arith.constant 0 : index
    %get3A_3640 = memref.load %arg0[%get3A_3638, %get3A_3639] : memref<128x1xi32, #tpu.memory_space<smem>>
    %jit3A_3641 = arith.constant 128 : i32
    %div3A_3642 = arith.divsi %get3A_3640, %jit3A_3641 : i32
    %sign3A_3643 = arith.constant 0 : i32
    %sign3A_3644 = arith.cmpi sgt, %get3A_3640, %sign3A_3643 : i32
    %sign3A_3645 = arith.extui %sign3A_3644 : i1 to i32
    %sign3A_3646 = arith.constant 0 : i32
    %sign3A_3647 = arith.cmpi slt, %get3A_3640, %sign3A_3646 : i32
    %sign3A_3648 = arith.extui %sign3A_3647 : i1 to i32
    %sign3A_3649 = arith.subi %sign3A_3645, %sign3A_3648 : i32
    %sign3A_3650 = arith.constant 0 : i32
    %sign3A_3651 = arith.cmpi sgt, %jit3A_3641, %sign3A_3650 : i32
    %sign3A_3652 = arith.extui %sign3A_3651 : i1 to i32
    %sign3A_3653 = arith.constant 0 : i32
    %sign3A_3654 = arith.cmpi slt, %jit3A_3641, %sign3A_3653 : i32
    %sign3A_3655 = arith.extui %sign3A_3654 : i1 to i32
    %sign3A_3656 = arith.subi %sign3A_3652, %sign3A_3655 : i32
    %ne3A_3657 = arith.cmpi ne, %sign3A_3649, %sign3A_3656 : i32
    %rem3A_3658 = arith.remsi %get3A_3640, %jit3A_3641 : i32
    %ne3A_3659 = arith.constant 0 : i32
    %ne3A_3660 = arith.cmpi ne, %rem3A_3658, %ne3A_3659 : i32
    %and3A_3661 = arith.andi %ne3A_3657, %ne3A_3660 : i1
    %sub3A_3662 = arith.constant 1 : i32
    %sub3A_3663 = arith.subi %div3A_3642, %sub3A_3662 : i32
    %select_n3A_3664 = arith.select %and3A_3661, %sub3A_3663, %div3A_3642 : i32
    %mul3A_3665 = arith.constant 128 : i32
    %mul3A_3666 = arith.muli %select_n3A_3664, %mul3A_3665 : i32
    %multiple_of3A_3667 = tpu.assume_multiple %mul3A_3666, 128 : i32
    %dma_start3A_3668 = arith.constant 104 : i32
    %dma_start3A_3669 = tpu.memref_slice %arg3[%dma_start3A_3668, %multiple_of3A_3667] : memref<128x32768xf32, #tpu.memory_space<any>> -> memref<1x128xf32, #tpu.memory_space<any>>
    %dma_start3A_3670 = arith.constant 104 : i32
    %dma_start3A_3671 = arith.constant 0 : i32
    %dma_start3A_3672 = tpu.memref_slice %arg4[%dma_start3A_3670, %dma_start3A_3671] : memref<128x128xf32, #tpu.memory_space<vmem>> -> memref<1x128xf32, #tpu.memory_space<vmem>>
    tpu.enqueue_dma source(%dma_start3A_3672 : memref<1x128xf32, #tpu.memory_space<vmem>>) target(%dma_start3A_3669 : memref<1x128xf32, #tpu.memory_space<any>>) target_semaphore(%arg5 : memref<!tpu.dma_semaphore, #tpu.memory_space<semaphore_mem>>)
    %get3A_3673 = arith.constant 105 : index
    %get3A_3674 = arith.constant 0 : index
    %get3A_3675 = memref.load %arg0[%get3A_3673, %get3A_3674] : memref<128x1xi32, #tpu.memory_space<smem>>
    %jit3A_3676 = arith.constant 128 : i32
    %div3A_3677 = arith.divsi %get3A_3675, %jit3A_3676 : i32
    %sign3A_3678 = arith.constant 0 : i32
    %sign3A_3679 = arith.cmpi sgt, %get3A_3675, %sign3A_3678 : i32
    %sign3A_3680 = arith.extui %sign3A_3679 : i1 to i32
    %sign3A_3681 = arith.constant 0 : i32
    %sign3A_3682 = arith.cmpi slt, %get3A_3675, %sign3A_3681 : i32
    %sign3A_3683 = arith.extui %sign3A_3682 : i1 to i32
    %sign3A_3684 = arith.subi %sign3A_3680, %sign3A_3683 : i32
    %sign3A_3685 = arith.constant 0 : i32
    %sign3A_3686 = arith.cmpi sgt, %jit3A_3676, %sign3A_3685 : i32
    %sign3A_3687 = arith.extui %sign3A_3686 : i1 to i32
    %sign3A_3688 = arith.constant 0 : i32
    %sign3A_3689 = arith.cmpi slt, %jit3A_3676, %sign3A_3688 : i32
    %sign3A_3690 = arith.extui %sign3A_3689 : i1 to i32
    %sign3A_3691 = arith.subi %sign3A_3687, %sign3A_3690 : i32
    %ne3A_3692 = arith.cmpi ne, %sign3A_3684, %sign3A_3691 : i32
    %rem3A_3693 = arith.remsi %get3A_3675, %jit3A_3676 : i32
    %ne3A_3694 = arith.constant 0 : i32
    %ne3A_3695 = arith.cmpi ne, %rem3A_3693, %ne3A_3694 : i32
    %and3A_3696 = arith.andi %ne3A_3692, %ne3A_3695 : i1
    %sub3A_3697 = arith.constant 1 : i32
    %sub3A_3698 = arith.subi %div3A_3677, %sub3A_3697 : i32
    %select_n3A_3699 = arith.select %and3A_3696, %sub3A_3698, %div3A_3677 : i32
    %mul3A_3700 = arith.constant 128 : i32
    %mul3A_3701 = arith.muli %select_n3A_3699, %mul3A_3700 : i32
    %multiple_of3A_3702 = tpu.assume_multiple %mul3A_3701, 128 : i32
    %dma_start3A_3703 = arith.constant 105 : i32
    %dma_start3A_3704 = tpu.memref_slice %arg3[%dma_start3A_3703, %multiple_of3A_3702] : memref<128x32768xf32, #tpu.memory_space<any>> -> memref<1x128xf32, #tpu.memory_space<any>>
    %dma_start3A_3705 = arith.constant 105 : i32
    %dma_start3A_3706 = arith.constant 0 : i32
    %dma_start3A_3707 = tpu.memref_slice %arg4[%dma_start3A_3705, %dma_start3A_3706] : memref<128x128xf32, #tpu.memory_space<vmem>> -> memref<1x128xf32, #tpu.memory_space<vmem>>
    tpu.enqueue_dma source(%dma_start3A_3707 : memref<1x128xf32, #tpu.memory_space<vmem>>) target(%dma_start3A_3704 : memref<1x128xf32, #tpu.memory_space<any>>) target_semaphore(%arg5 : memref<!tpu.dma_semaphore, #tpu.memory_space<semaphore_mem>>)
    %get3A_3708 = arith.constant 106 : index
    %get3A_3709 = arith.constant 0 : index
    %get3A_3710 = memref.load %arg0[%get3A_3708, %get3A_3709] : memref<128x1xi32, #tpu.memory_space<smem>>
    %jit3A_3711 = arith.constant 128 : i32
    %div3A_3712 = arith.divsi %get3A_3710, %jit3A_3711 : i32
    %sign3A_3713 = arith.constant 0 : i32
    %sign3A_3714 = arith.cmpi sgt, %get3A_3710, %sign3A_3713 : i32
    %sign3A_3715 = arith.extui %sign3A_3714 : i1 to i32
    %sign3A_3716 = arith.constant 0 : i32
    %sign3A_3717 = arith.cmpi slt, %get3A_3710, %sign3A_3716 : i32
    %sign3A_3718 = arith.extui %sign3A_3717 : i1 to i32
    %sign3A_3719 = arith.subi %sign3A_3715, %sign3A_3718 : i32
    %sign3A_3720 = arith.constant 0 : i32
    %sign3A_3721 = arith.cmpi sgt, %jit3A_3711, %sign3A_3720 : i32
    %sign3A_3722 = arith.extui %sign3A_3721 : i1 to i32
    %sign3A_3723 = arith.constant 0 : i32
    %sign3A_3724 = arith.cmpi slt, %jit3A_3711, %sign3A_3723 : i32
    %sign3A_3725 = arith.extui %sign3A_3724 : i1 to i32
    %sign3A_3726 = arith.subi %sign3A_3722, %sign3A_3725 : i32
    %ne3A_3727 = arith.cmpi ne, %sign3A_3719, %sign3A_3726 : i32
    %rem3A_3728 = arith.remsi %get3A_3710, %jit3A_3711 : i32
    %ne3A_3729 = arith.constant 0 : i32
    %ne3A_3730 = arith.cmpi ne, %rem3A_3728, %ne3A_3729 : i32
    %and3A_3731 = arith.andi %ne3A_3727, %ne3A_3730 : i1
    %sub3A_3732 = arith.constant 1 : i32
    %sub3A_3733 = arith.subi %div3A_3712, %sub3A_3732 : i32
    %select_n3A_3734 = arith.select %and3A_3731, %sub3A_3733, %div3A_3712 : i32
    %mul3A_3735 = arith.constant 128 : i32
    %mul3A_3736 = arith.muli %select_n3A_3734, %mul3A_3735 : i32
    %multiple_of3A_3737 = tpu.assume_multiple %mul3A_3736, 128 : i32
    %dma_start3A_3738 = arith.constant 106 : i32
    %dma_start3A_3739 = tpu.memref_slice %arg3[%dma_start3A_3738, %multiple_of3A_3737] : memref<128x32768xf32, #tpu.memory_space<any>> -> memref<1x128xf32, #tpu.memory_space<any>>
    %dma_start3A_3740 = arith.constant 106 : i32
    %dma_start3A_3741 = arith.constant 0 : i32
    %dma_start3A_3742 = tpu.memref_slice %arg4[%dma_start3A_3740, %dma_start3A_3741] : memref<128x128xf32, #tpu.memory_space<vmem>> -> memref<1x128xf32, #tpu.memory_space<vmem>>
    tpu.enqueue_dma source(%dma_start3A_3742 : memref<1x128xf32, #tpu.memory_space<vmem>>) target(%dma_start3A_3739 : memref<1x128xf32, #tpu.memory_space<any>>) target_semaphore(%arg5 : memref<!tpu.dma_semaphore, #tpu.memory_space<semaphore_mem>>)
    %get3A_3743 = arith.constant 107 : index
    %get3A_3744 = arith.constant 0 : index
    %get3A_3745 = memref.load %arg0[%get3A_3743, %get3A_3744] : memref<128x1xi32, #tpu.memory_space<smem>>
    %jit3A_3746 = arith.constant 128 : i32
    %div3A_3747 = arith.divsi %get3A_3745, %jit3A_3746 : i32
    %sign3A_3748 = arith.constant 0 : i32
    %sign3A_3749 = arith.cmpi sgt, %get3A_3745, %sign3A_3748 : i32
    %sign3A_3750 = arith.extui %sign3A_3749 : i1 to i32
    %sign3A_3751 = arith.constant 0 : i32
    %sign3A_3752 = arith.cmpi slt, %get3A_3745, %sign3A_3751 : i32
    %sign3A_3753 = arith.extui %sign3A_3752 : i1 to i32
    %sign3A_3754 = arith.subi %sign3A_3750, %sign3A_3753 : i32
    %sign3A_3755 = arith.constant 0 : i32
    %sign3A_3756 = arith.cmpi sgt, %jit3A_3746, %sign3A_3755 : i32
    %sign3A_3757 = arith.extui %sign3A_3756 : i1 to i32
    %sign3A_3758 = arith.constant 0 : i32
    %sign3A_3759 = arith.cmpi slt, %jit3A_3746, %sign3A_3758 : i32
    %sign3A_3760 = arith.extui %sign3A_3759 : i1 to i32
    %sign3A_3761 = arith.subi %sign3A_3757, %sign3A_3760 : i32
    %ne3A_3762 = arith.cmpi ne, %sign3A_3754, %sign3A_3761 : i32
    %rem3A_3763 = arith.remsi %get3A_3745, %jit3A_3746 : i32
    %ne3A_3764 = arith.constant 0 : i32
    %ne3A_3765 = arith.cmpi ne, %rem3A_3763, %ne3A_3764 : i32
    %and3A_3766 = arith.andi %ne3A_3762, %ne3A_3765 : i1
    %sub3A_3767 = arith.constant 1 : i32
    %sub3A_3768 = arith.subi %div3A_3747, %sub3A_3767 : i32
    %select_n3A_3769 = arith.select %and3A_3766, %sub3A_3768, %div3A_3747 : i32
    %mul3A_3770 = arith.constant 128 : i32
    %mul3A_3771 = arith.muli %select_n3A_3769, %mul3A_3770 : i32
    %multiple_of3A_3772 = tpu.assume_multiple %mul3A_3771, 128 : i32
    %dma_start3A_3773 = arith.constant 107 : i32
    %dma_start3A_3774 = tpu.memref_slice %arg3[%dma_start3A_3773, %multiple_of3A_3772] : memref<128x32768xf32, #tpu.memory_space<any>> -> memref<1x128xf32, #tpu.memory_space<any>>
    %dma_start3A_3775 = arith.constant 107 : i32
    %dma_start3A_3776 = arith.constant 0 : i32
    %dma_start3A_3777 = tpu.memref_slice %arg4[%dma_start3A_3775, %dma_start3A_3776] : memref<128x128xf32, #tpu.memory_space<vmem>> -> memref<1x128xf32, #tpu.memory_space<vmem>>
    tpu.enqueue_dma source(%dma_start3A_3777 : memref<1x128xf32, #tpu.memory_space<vmem>>) target(%dma_start3A_3774 : memref<1x128xf32, #tpu.memory_space<any>>) target_semaphore(%arg5 : memref<!tpu.dma_semaphore, #tpu.memory_space<semaphore_mem>>)
    %get3A_3778 = arith.constant 108 : index
    %get3A_3779 = arith.constant 0 : index
    %get3A_3780 = memref.load %arg0[%get3A_3778, %get3A_3779] : memref<128x1xi32, #tpu.memory_space<smem>>
    %jit3A_3781 = arith.constant 128 : i32
    %div3A_3782 = arith.divsi %get3A_3780, %jit3A_3781 : i32
    %sign3A_3783 = arith.constant 0 : i32
    %sign3A_3784 = arith.cmpi sgt, %get3A_3780, %sign3A_3783 : i32
    %sign3A_3785 = arith.extui %sign3A_3784 : i1 to i32
    %sign3A_3786 = arith.constant 0 : i32
    %sign3A_3787 = arith.cmpi slt, %get3A_3780, %sign3A_3786 : i32
    %sign3A_3788 = arith.extui %sign3A_3787 : i1 to i32
    %sign3A_3789 = arith.subi %sign3A_3785, %sign3A_3788 : i32
    %sign3A_3790 = arith.constant 0 : i32
    %sign3A_3791 = arith.cmpi sgt, %jit3A_3781, %sign3A_3790 : i32
    %sign3A_3792 = arith.extui %sign3A_3791 : i1 to i32
    %sign3A_3793 = arith.constant 0 : i32
    %sign3A_3794 = arith.cmpi slt, %jit3A_3781, %sign3A_3793 : i32
    %sign3A_3795 = arith.extui %sign3A_3794 : i1 to i32
    %sign3A_3796 = arith.subi %sign3A_3792, %sign3A_3795 : i32
    %ne3A_3797 = arith.cmpi ne, %sign3A_3789, %sign3A_3796 : i32
    %rem3A_3798 = arith.remsi %get3A_3780, %jit3A_3781 : i32
    %ne3A_3799 = arith.constant 0 : i32
    %ne3A_3800 = arith.cmpi ne, %rem3A_3798, %ne3A_3799 : i32
    %and3A_3801 = arith.andi %ne3A_3797, %ne3A_3800 : i1
    %sub3A_3802 = arith.constant 1 : i32
    %sub3A_3803 = arith.subi %div3A_3782, %sub3A_3802 : i32
    %select_n3A_3804 = arith.select %and3A_3801, %sub3A_3803, %div3A_3782 : i32
    %mul3A_3805 = arith.constant 128 : i32
    %mul3A_3806 = arith.muli %select_n3A_3804, %mul3A_3805 : i32
    %multiple_of3A_3807 = tpu.assume_multiple %mul3A_3806, 128 : i32
    %dma_start3A_3808 = arith.constant 108 : i32
    %dma_start3A_3809 = tpu.memref_slice %arg3[%dma_start3A_3808, %multiple_of3A_3807] : memref<128x32768xf32, #tpu.memory_space<any>> -> memref<1x128xf32, #tpu.memory_space<any>>
    %dma_start3A_3810 = arith.constant 108 : i32
    %dma_start3A_3811 = arith.constant 0 : i32
    %dma_start3A_3812 = tpu.memref_slice %arg4[%dma_start3A_3810, %dma_start3A_3811] : memref<128x128xf32, #tpu.memory_space<vmem>> -> memref<1x128xf32, #tpu.memory_space<vmem>>
    tpu.enqueue_dma source(%dma_start3A_3812 : memref<1x128xf32, #tpu.memory_space<vmem>>) target(%dma_start3A_3809 : memref<1x128xf32, #tpu.memory_space<any>>) target_semaphore(%arg5 : memref<!tpu.dma_semaphore, #tpu.memory_space<semaphore_mem>>)
    %get3A_3813 = arith.constant 109 : index
    %get3A_3814 = arith.constant 0 : index
    %get3A_3815 = memref.load %arg0[%get3A_3813, %get3A_3814] : memref<128x1xi32, #tpu.memory_space<smem>>
    %jit3A_3816 = arith.constant 128 : i32
    %div3A_3817 = arith.divsi %get3A_3815, %jit3A_3816 : i32
    %sign3A_3818 = arith.constant 0 : i32
    %sign3A_3819 = arith.cmpi sgt, %get3A_3815, %sign3A_3818 : i32
    %sign3A_3820 = arith.extui %sign3A_3819 : i1 to i32
    %sign3A_3821 = arith.constant 0 : i32
    %sign3A_3822 = arith.cmpi slt, %get3A_3815, %sign3A_3821 : i32
    %sign3A_3823 = arith.extui %sign3A_3822 : i1 to i32
    %sign3A_3824 = arith.subi %sign3A_3820, %sign3A_3823 : i32
    %sign3A_3825 = arith.constant 0 : i32
    %sign3A_3826 = arith.cmpi sgt, %jit3A_3816, %sign3A_3825 : i32
    %sign3A_3827 = arith.extui %sign3A_3826 : i1 to i32
    %sign3A_3828 = arith.constant 0 : i32
    %sign3A_3829 = arith.cmpi slt, %jit3A_3816, %sign3A_3828 : i32
    %sign3A_3830 = arith.extui %sign3A_3829 : i1 to i32
    %sign3A_3831 = arith.subi %sign3A_3827, %sign3A_3830 : i32
    %ne3A_3832 = arith.cmpi ne, %sign3A_3824, %sign3A_3831 : i32
    %rem3A_3833 = arith.remsi %get3A_3815, %jit3A_3816 : i32
    %ne3A_3834 = arith.constant 0 : i32
    %ne3A_3835 = arith.cmpi ne, %rem3A_3833, %ne3A_3834 : i32
    %and3A_3836 = arith.andi %ne3A_3832, %ne3A_3835 : i1
    %sub3A_3837 = arith.constant 1 : i32
    %sub3A_3838 = arith.subi %div3A_3817, %sub3A_3837 : i32
    %select_n3A_3839 = arith.select %and3A_3836, %sub3A_3838, %div3A_3817 : i32
    %mul3A_3840 = arith.constant 128 : i32
    %mul3A_3841 = arith.muli %select_n3A_3839, %mul3A_3840 : i32
    %multiple_of3A_3842 = tpu.assume_multiple %mul3A_3841, 128 : i32
    %dma_start3A_3843 = arith.constant 109 : i32
    %dma_start3A_3844 = tpu.memref_slice %arg3[%dma_start3A_3843, %multiple_of3A_3842] : memref<128x32768xf32, #tpu.memory_space<any>> -> memref<1x128xf32, #tpu.memory_space<any>>
    %dma_start3A_3845 = arith.constant 109 : i32
    %dma_start3A_3846 = arith.constant 0 : i32
    %dma_start3A_3847 = tpu.memref_slice %arg4[%dma_start3A_3845, %dma_start3A_3846] : memref<128x128xf32, #tpu.memory_space<vmem>> -> memref<1x128xf32, #tpu.memory_space<vmem>>
    tpu.enqueue_dma source(%dma_start3A_3847 : memref<1x128xf32, #tpu.memory_space<vmem>>) target(%dma_start3A_3844 : memref<1x128xf32, #tpu.memory_space<any>>) target_semaphore(%arg5 : memref<!tpu.dma_semaphore, #tpu.memory_space<semaphore_mem>>)
    %get3A_3848 = arith.constant 110 : index
    %get3A_3849 = arith.constant 0 : index
    %get3A_3850 = memref.load %arg0[%get3A_3848, %get3A_3849] : memref<128x1xi32, #tpu.memory_space<smem>>
    %jit3A_3851 = arith.constant 128 : i32
    %div3A_3852 = arith.divsi %get3A_3850, %jit3A_3851 : i32
    %sign3A_3853 = arith.constant 0 : i32
    %sign3A_3854 = arith.cmpi sgt, %get3A_3850, %sign3A_3853 : i32
    %sign3A_3855 = arith.extui %sign3A_3854 : i1 to i32
    %sign3A_3856 = arith.constant 0 : i32
    %sign3A_3857 = arith.cmpi slt, %get3A_3850, %sign3A_3856 : i32
    %sign3A_3858 = arith.extui %sign3A_3857 : i1 to i32
    %sign3A_3859 = arith.subi %sign3A_3855, %sign3A_3858 : i32
    %sign3A_3860 = arith.constant 0 : i32
    %sign3A_3861 = arith.cmpi sgt, %jit3A_3851, %sign3A_3860 : i32
    %sign3A_3862 = arith.extui %sign3A_3861 : i1 to i32
    %sign3A_3863 = arith.constant 0 : i32
    %sign3A_3864 = arith.cmpi slt, %jit3A_3851, %sign3A_3863 : i32
    %sign3A_3865 = arith.extui %sign3A_3864 : i1 to i32
    %sign3A_3866 = arith.subi %sign3A_3862, %sign3A_3865 : i32
    %ne3A_3867 = arith.cmpi ne, %sign3A_3859, %sign3A_3866 : i32
    %rem3A_3868 = arith.remsi %get3A_3850, %jit3A_3851 : i32
    %ne3A_3869 = arith.constant 0 : i32
    %ne3A_3870 = arith.cmpi ne, %rem3A_3868, %ne3A_3869 : i32
    %and3A_3871 = arith.andi %ne3A_3867, %ne3A_3870 : i1
    %sub3A_3872 = arith.constant 1 : i32
    %sub3A_3873 = arith.subi %div3A_3852, %sub3A_3872 : i32
    %select_n3A_3874 = arith.select %and3A_3871, %sub3A_3873, %div3A_3852 : i32
    %mul3A_3875 = arith.constant 128 : i32
    %mul3A_3876 = arith.muli %select_n3A_3874, %mul3A_3875 : i32
    %multiple_of3A_3877 = tpu.assume_multiple %mul3A_3876, 128 : i32
    %dma_start3A_3878 = arith.constant 110 : i32
    %dma_start3A_3879 = tpu.memref_slice %arg3[%dma_start3A_3878, %multiple_of3A_3877] : memref<128x32768xf32, #tpu.memory_space<any>> -> memref<1x128xf32, #tpu.memory_space<any>>
    %dma_start3A_3880 = arith.constant 110 : i32
    %dma_start3A_3881 = arith.constant 0 : i32
    %dma_start3A_3882 = tpu.memref_slice %arg4[%dma_start3A_3880, %dma_start3A_3881] : memref<128x128xf32, #tpu.memory_space<vmem>> -> memref<1x128xf32, #tpu.memory_space<vmem>>
    tpu.enqueue_dma source(%dma_start3A_3882 : memref<1x128xf32, #tpu.memory_space<vmem>>) target(%dma_start3A_3879 : memref<1x128xf32, #tpu.memory_space<any>>) target_semaphore(%arg5 : memref<!tpu.dma_semaphore, #tpu.memory_space<semaphore_mem>>)
    %get3A_3883 = arith.constant 111 : index
    %get3A_3884 = arith.constant 0 : index
    %get3A_3885 = memref.load %arg0[%get3A_3883, %get3A_3884] : memref<128x1xi32, #tpu.memory_space<smem>>
    %jit3A_3886 = arith.constant 128 : i32
    %div3A_3887 = arith.divsi %get3A_3885, %jit3A_3886 : i32
    %sign3A_3888 = arith.constant 0 : i32
    %sign3A_3889 = arith.cmpi sgt, %get3A_3885, %sign3A_3888 : i32
    %sign3A_3890 = arith.extui %sign3A_3889 : i1 to i32
    %sign3A_3891 = arith.constant 0 : i32
    %sign3A_3892 = arith.cmpi slt, %get3A_3885, %sign3A_3891 : i32
    %sign3A_3893 = arith.extui %sign3A_3892 : i1 to i32
    %sign3A_3894 = arith.subi %sign3A_3890, %sign3A_3893 : i32
    %sign3A_3895 = arith.constant 0 : i32
    %sign3A_3896 = arith.cmpi sgt, %jit3A_3886, %sign3A_3895 : i32
    %sign3A_3897 = arith.extui %sign3A_3896 : i1 to i32
    %sign3A_3898 = arith.constant 0 : i32
    %sign3A_3899 = arith.cmpi slt, %jit3A_3886, %sign3A_3898 : i32
    %sign3A_3900 = arith.extui %sign3A_3899 : i1 to i32
    %sign3A_3901 = arith.subi %sign3A_3897, %sign3A_3900 : i32
    %ne3A_3902 = arith.cmpi ne, %sign3A_3894, %sign3A_3901 : i32
    %rem3A_3903 = arith.remsi %get3A_3885, %jit3A_3886 : i32
    %ne3A_3904 = arith.constant 0 : i32
    %ne3A_3905 = arith.cmpi ne, %rem3A_3903, %ne3A_3904 : i32
    %and3A_3906 = arith.andi %ne3A_3902, %ne3A_3905 : i1
    %sub3A_3907 = arith.constant 1 : i32
    %sub3A_3908 = arith.subi %div3A_3887, %sub3A_3907 : i32
    %select_n3A_3909 = arith.select %and3A_3906, %sub3A_3908, %div3A_3887 : i32
    %mul3A_3910 = arith.constant 128 : i32
    %mul3A_3911 = arith.muli %select_n3A_3909, %mul3A_3910 : i32
    %multiple_of3A_3912 = tpu.assume_multiple %mul3A_3911, 128 : i32
    %dma_start3A_3913 = arith.constant 111 : i32
    %dma_start3A_3914 = tpu.memref_slice %arg3[%dma_start3A_3913, %multiple_of3A_3912] : memref<128x32768xf32, #tpu.memory_space<any>> -> memref<1x128xf32, #tpu.memory_space<any>>
    %dma_start3A_3915 = arith.constant 111 : i32
    %dma_start3A_3916 = arith.constant 0 : i32
    %dma_start3A_3917 = tpu.memref_slice %arg4[%dma_start3A_3915, %dma_start3A_3916] : memref<128x128xf32, #tpu.memory_space<vmem>> -> memref<1x128xf32, #tpu.memory_space<vmem>>
    tpu.enqueue_dma source(%dma_start3A_3917 : memref<1x128xf32, #tpu.memory_space<vmem>>) target(%dma_start3A_3914 : memref<1x128xf32, #tpu.memory_space<any>>) target_semaphore(%arg5 : memref<!tpu.dma_semaphore, #tpu.memory_space<semaphore_mem>>)
    %get3A_3918 = arith.constant 112 : index
    %get3A_3919 = arith.constant 0 : index
    %get3A_3920 = memref.load %arg0[%get3A_3918, %get3A_3919] : memref<128x1xi32, #tpu.memory_space<smem>>
    %jit3A_3921 = arith.constant 128 : i32
    %div3A_3922 = arith.divsi %get3A_3920, %jit3A_3921 : i32
    %sign3A_3923 = arith.constant 0 : i32
    %sign3A_3924 = arith.cmpi sgt, %get3A_3920, %sign3A_3923 : i32
    %sign3A_3925 = arith.extui %sign3A_3924 : i1 to i32
    %sign3A_3926 = arith.constant 0 : i32
    %sign3A_3927 = arith.cmpi slt, %get3A_3920, %sign3A_3926 : i32
    %sign3A_3928 = arith.extui %sign3A_3927 : i1 to i32
    %sign3A_3929 = arith.subi %sign3A_3925, %sign3A_3928 : i32
    %sign3A_3930 = arith.constant 0 : i32
    %sign3A_3931 = arith.cmpi sgt, %jit3A_3921, %sign3A_3930 : i32
    %sign3A_3932 = arith.extui %sign3A_3931 : i1 to i32
    %sign3A_3933 = arith.constant 0 : i32
    %sign3A_3934 = arith.cmpi slt, %jit3A_3921, %sign3A_3933 : i32
    %sign3A_3935 = arith.extui %sign3A_3934 : i1 to i32
    %sign3A_3936 = arith.subi %sign3A_3932, %sign3A_3935 : i32
    %ne3A_3937 = arith.cmpi ne, %sign3A_3929, %sign3A_3936 : i32
    %rem3A_3938 = arith.remsi %get3A_3920, %jit3A_3921 : i32
    %ne3A_3939 = arith.constant 0 : i32
    %ne3A_3940 = arith.cmpi ne, %rem3A_3938, %ne3A_3939 : i32
    %and3A_3941 = arith.andi %ne3A_3937, %ne3A_3940 : i1
    %sub3A_3942 = arith.constant 1 : i32
    %sub3A_3943 = arith.subi %div3A_3922, %sub3A_3942 : i32
    %select_n3A_3944 = arith.select %and3A_3941, %sub3A_3943, %div3A_3922 : i32
    %mul3A_3945 = arith.constant 128 : i32
    %mul3A_3946 = arith.muli %select_n3A_3944, %mul3A_3945 : i32
    %multiple_of3A_3947 = tpu.assume_multiple %mul3A_3946, 128 : i32
    %dma_start3A_3948 = arith.constant 112 : i32
    %dma_start3A_3949 = tpu.memref_slice %arg3[%dma_start3A_3948, %multiple_of3A_3947] : memref<128x32768xf32, #tpu.memory_space<any>> -> memref<1x128xf32, #tpu.memory_space<any>>
    %dma_start3A_3950 = arith.constant 112 : i32
    %dma_start3A_3951 = arith.constant 0 : i32
    %dma_start3A_3952 = tpu.memref_slice %arg4[%dma_start3A_3950, %dma_start3A_3951] : memref<128x128xf32, #tpu.memory_space<vmem>> -> memref<1x128xf32, #tpu.memory_space<vmem>>
    tpu.enqueue_dma source(%dma_start3A_3952 : memref<1x128xf32, #tpu.memory_space<vmem>>) target(%dma_start3A_3949 : memref<1x128xf32, #tpu.memory_space<any>>) target_semaphore(%arg5 : memref<!tpu.dma_semaphore, #tpu.memory_space<semaphore_mem>>)
    %get3A_3953 = arith.constant 113 : index
    %get3A_3954 = arith.constant 0 : index
    %get3A_3955 = memref.load %arg0[%get3A_3953, %get3A_3954] : memref<128x1xi32, #tpu.memory_space<smem>>
    %jit3A_3956 = arith.constant 128 : i32
    %div3A_3957 = arith.divsi %get3A_3955, %jit3A_3956 : i32
    %sign3A_3958 = arith.constant 0 : i32
    %sign3A_3959 = arith.cmpi sgt, %get3A_3955, %sign3A_3958 : i32
    %sign3A_3960 = arith.extui %sign3A_3959 : i1 to i32
    %sign3A_3961 = arith.constant 0 : i32
    %sign3A_3962 = arith.cmpi slt, %get3A_3955, %sign3A_3961 : i32
    %sign3A_3963 = arith.extui %sign3A_3962 : i1 to i32
    %sign3A_3964 = arith.subi %sign3A_3960, %sign3A_3963 : i32
    %sign3A_3965 = arith.constant 0 : i32
    %sign3A_3966 = arith.cmpi sgt, %jit3A_3956, %sign3A_3965 : i32
    %sign3A_3967 = arith.extui %sign3A_3966 : i1 to i32
    %sign3A_3968 = arith.constant 0 : i32
    %sign3A_3969 = arith.cmpi slt, %jit3A_3956, %sign3A_3968 : i32
    %sign3A_3970 = arith.extui %sign3A_3969 : i1 to i32
    %sign3A_3971 = arith.subi %sign3A_3967, %sign3A_3970 : i32
    %ne3A_3972 = arith.cmpi ne, %sign3A_3964, %sign3A_3971 : i32
    %rem3A_3973 = arith.remsi %get3A_3955, %jit3A_3956 : i32
    %ne3A_3974 = arith.constant 0 : i32
    %ne3A_3975 = arith.cmpi ne, %rem3A_3973, %ne3A_3974 : i32
    %and3A_3976 = arith.andi %ne3A_3972, %ne3A_3975 : i1
    %sub3A_3977 = arith.constant 1 : i32
    %sub3A_3978 = arith.subi %div3A_3957, %sub3A_3977 : i32
    %select_n3A_3979 = arith.select %and3A_3976, %sub3A_3978, %div3A_3957 : i32
    %mul3A_3980 = arith.constant 128 : i32
    %mul3A_3981 = arith.muli %select_n3A_3979, %mul3A_3980 : i32
    %multiple_of3A_3982 = tpu.assume_multiple %mul3A_3981, 128 : i32
    %dma_start3A_3983 = arith.constant 113 : i32
    %dma_start3A_3984 = tpu.memref_slice %arg3[%dma_start3A_3983, %multiple_of3A_3982] : memref<128x32768xf32, #tpu.memory_space<any>> -> memref<1x128xf32, #tpu.memory_space<any>>
    %dma_start3A_3985 = arith.constant 113 : i32
    %dma_start3A_3986 = arith.constant 0 : i32
    %dma_start3A_3987 = tpu.memref_slice %arg4[%dma_start3A_3985, %dma_start3A_3986] : memref<128x128xf32, #tpu.memory_space<vmem>> -> memref<1x128xf32, #tpu.memory_space<vmem>>
    tpu.enqueue_dma source(%dma_start3A_3987 : memref<1x128xf32, #tpu.memory_space<vmem>>) target(%dma_start3A_3984 : memref<1x128xf32, #tpu.memory_space<any>>) target_semaphore(%arg5 : memref<!tpu.dma_semaphore, #tpu.memory_space<semaphore_mem>>)
    %get3A_3988 = arith.constant 114 : index
    %get3A_3989 = arith.constant 0 : index
    %get3A_3990 = memref.load %arg0[%get3A_3988, %get3A_3989] : memref<128x1xi32, #tpu.memory_space<smem>>
    %jit3A_3991 = arith.constant 128 : i32
    %div3A_3992 = arith.divsi %get3A_3990, %jit3A_3991 : i32
    %sign3A_3993 = arith.constant 0 : i32
    %sign3A_3994 = arith.cmpi sgt, %get3A_3990, %sign3A_3993 : i32
    %sign3A_3995 = arith.extui %sign3A_3994 : i1 to i32
    %sign3A_3996 = arith.constant 0 : i32
    %sign3A_3997 = arith.cmpi slt, %get3A_3990, %sign3A_3996 : i32
    %sign3A_3998 = arith.extui %sign3A_3997 : i1 to i32
    %sign3A_3999 = arith.subi %sign3A_3995, %sign3A_3998 : i32
    %sign3A_4000 = arith.constant 0 : i32
    %sign3A_4001 = arith.cmpi sgt, %jit3A_3991, %sign3A_4000 : i32
    %sign3A_4002 = arith.extui %sign3A_4001 : i1 to i32
    %sign3A_4003 = arith.constant 0 : i32
    %sign3A_4004 = arith.cmpi slt, %jit3A_3991, %sign3A_4003 : i32
    %sign3A_4005 = arith.extui %sign3A_4004 : i1 to i32
    %sign3A_4006 = arith.subi %sign3A_4002, %sign3A_4005 : i32
    %ne3A_4007 = arith.cmpi ne, %sign3A_3999, %sign3A_4006 : i32
    %rem3A_4008 = arith.remsi %get3A_3990, %jit3A_3991 : i32
    %ne3A_4009 = arith.constant 0 : i32
    %ne3A_4010 = arith.cmpi ne, %rem3A_4008, %ne3A_4009 : i32
    %and3A_4011 = arith.andi %ne3A_4007, %ne3A_4010 : i1
    %sub3A_4012 = arith.constant 1 : i32
    %sub3A_4013 = arith.subi %div3A_3992, %sub3A_4012 : i32
    %select_n3A_4014 = arith.select %and3A_4011, %sub3A_4013, %div3A_3992 : i32
    %mul3A_4015 = arith.constant 128 : i32
    %mul3A_4016 = arith.muli %select_n3A_4014, %mul3A_4015 : i32
    %multiple_of3A_4017 = tpu.assume_multiple %mul3A_4016, 128 : i32
    %dma_start3A_4018 = arith.constant 114 : i32
    %dma_start3A_4019 = tpu.memref_slice %arg3[%dma_start3A_4018, %multiple_of3A_4017] : memref<128x32768xf32, #tpu.memory_space<any>> -> memref<1x128xf32, #tpu.memory_space<any>>
    %dma_start3A_4020 = arith.constant 114 : i32
    %dma_start3A_4021 = arith.constant 0 : i32
    %dma_start3A_4022 = tpu.memref_slice %arg4[%dma_start3A_4020, %dma_start3A_4021] : memref<128x128xf32, #tpu.memory_space<vmem>> -> memref<1x128xf32, #tpu.memory_space<vmem>>
    tpu.enqueue_dma source(%dma_start3A_4022 : memref<1x128xf32, #tpu.memory_space<vmem>>) target(%dma_start3A_4019 : memref<1x128xf32, #tpu.memory_space<any>>) target_semaphore(%arg5 : memref<!tpu.dma_semaphore, #tpu.memory_space<semaphore_mem>>)
    %get3A_4023 = arith.constant 115 : index
    %get3A_4024 = arith.constant 0 : index
    %get3A_4025 = memref.load %arg0[%get3A_4023, %get3A_4024] : memref<128x1xi32, #tpu.memory_space<smem>>
    %jit3A_4026 = arith.constant 128 : i32
    %div3A_4027 = arith.divsi %get3A_4025, %jit3A_4026 : i32
    %sign3A_4028 = arith.constant 0 : i32
    %sign3A_4029 = arith.cmpi sgt, %get3A_4025, %sign3A_4028 : i32
    %sign3A_4030 = arith.extui %sign3A_4029 : i1 to i32
    %sign3A_4031 = arith.constant 0 : i32
    %sign3A_4032 = arith.cmpi slt, %get3A_4025, %sign3A_4031 : i32
    %sign3A_4033 = arith.extui %sign3A_4032 : i1 to i32
    %sign3A_4034 = arith.subi %sign3A_4030, %sign3A_4033 : i32
    %sign3A_4035 = arith.constant 0 : i32
    %sign3A_4036 = arith.cmpi sgt, %jit3A_4026, %sign3A_4035 : i32
    %sign3A_4037 = arith.extui %sign3A_4036 : i1 to i32
    %sign3A_4038 = arith.constant 0 : i32
    %sign3A_4039 = arith.cmpi slt, %jit3A_4026, %sign3A_4038 : i32
    %sign3A_4040 = arith.extui %sign3A_4039 : i1 to i32
    %sign3A_4041 = arith.subi %sign3A_4037, %sign3A_4040 : i32
    %ne3A_4042 = arith.cmpi ne, %sign3A_4034, %sign3A_4041 : i32
    %rem3A_4043 = arith.remsi %get3A_4025, %jit3A_4026 : i32
    %ne3A_4044 = arith.constant 0 : i32
    %ne3A_4045 = arith.cmpi ne, %rem3A_4043, %ne3A_4044 : i32
    %and3A_4046 = arith.andi %ne3A_4042, %ne3A_4045 : i1
    %sub3A_4047 = arith.constant 1 : i32
    %sub3A_4048 = arith.subi %div3A_4027, %sub3A_4047 : i32
    %select_n3A_4049 = arith.select %and3A_4046, %sub3A_4048, %div3A_4027 : i32
    %mul3A_4050 = arith.constant 128 : i32
    %mul3A_4051 = arith.muli %select_n3A_4049, %mul3A_4050 : i32
    %multiple_of3A_4052 = tpu.assume_multiple %mul3A_4051, 128 : i32
    %dma_start3A_4053 = arith.constant 115 : i32
    %dma_start3A_4054 = tpu.memref_slice %arg3[%dma_start3A_4053, %multiple_of3A_4052] : memref<128x32768xf32, #tpu.memory_space<any>> -> memref<1x128xf32, #tpu.memory_space<any>>
    %dma_start3A_4055 = arith.constant 115 : i32
    %dma_start3A_4056 = arith.constant 0 : i32
    %dma_start3A_4057 = tpu.memref_slice %arg4[%dma_start3A_4055, %dma_start3A_4056] : memref<128x128xf32, #tpu.memory_space<vmem>> -> memref<1x128xf32, #tpu.memory_space<vmem>>
    tpu.enqueue_dma source(%dma_start3A_4057 : memref<1x128xf32, #tpu.memory_space<vmem>>) target(%dma_start3A_4054 : memref<1x128xf32, #tpu.memory_space<any>>) target_semaphore(%arg5 : memref<!tpu.dma_semaphore, #tpu.memory_space<semaphore_mem>>)
    %get3A_4058 = arith.constant 116 : index
    %get3A_4059 = arith.constant 0 : index
    %get3A_4060 = memref.load %arg0[%get3A_4058, %get3A_4059] : memref<128x1xi32, #tpu.memory_space<smem>>
    %jit3A_4061 = arith.constant 128 : i32
    %div3A_4062 = arith.divsi %get3A_4060, %jit3A_4061 : i32
    %sign3A_4063 = arith.constant 0 : i32
    %sign3A_4064 = arith.cmpi sgt, %get3A_4060, %sign3A_4063 : i32
    %sign3A_4065 = arith.extui %sign3A_4064 : i1 to i32
    %sign3A_4066 = arith.constant 0 : i32
    %sign3A_4067 = arith.cmpi slt, %get3A_4060, %sign3A_4066 : i32
    %sign3A_4068 = arith.extui %sign3A_4067 : i1 to i32
    %sign3A_4069 = arith.subi %sign3A_4065, %sign3A_4068 : i32
    %sign3A_4070 = arith.constant 0 : i32
    %sign3A_4071 = arith.cmpi sgt, %jit3A_4061, %sign3A_4070 : i32
    %sign3A_4072 = arith.extui %sign3A_4071 : i1 to i32
    %sign3A_4073 = arith.constant 0 : i32
    %sign3A_4074 = arith.cmpi slt, %jit3A_4061, %sign3A_4073 : i32
    %sign3A_4075 = arith.extui %sign3A_4074 : i1 to i32
    %sign3A_4076 = arith.subi %sign3A_4072, %sign3A_4075 : i32
    %ne3A_4077 = arith.cmpi ne, %sign3A_4069, %sign3A_4076 : i32
    %rem3A_4078 = arith.remsi %get3A_4060, %jit3A_4061 : i32
    %ne3A_4079 = arith.constant 0 : i32
    %ne3A_4080 = arith.cmpi ne, %rem3A_4078, %ne3A_4079 : i32
    %and3A_4081 = arith.andi %ne3A_4077, %ne3A_4080 : i1
    %sub3A_4082 = arith.constant 1 : i32
    %sub3A_4083 = arith.subi %div3A_4062, %sub3A_4082 : i32
    %select_n3A_4084 = arith.select %and3A_4081, %sub3A_4083, %div3A_4062 : i32
    %mul3A_4085 = arith.constant 128 : i32
    %mul3A_4086 = arith.muli %select_n3A_4084, %mul3A_4085 : i32
    %multiple_of3A_4087 = tpu.assume_multiple %mul3A_4086, 128 : i32
    %dma_start3A_4088 = arith.constant 116 : i32
    %dma_start3A_4089 = tpu.memref_slice %arg3[%dma_start3A_4088, %multiple_of3A_4087] : memref<128x32768xf32, #tpu.memory_space<any>> -> memref<1x128xf32, #tpu.memory_space<any>>
    %dma_start3A_4090 = arith.constant 116 : i32
    %dma_start3A_4091 = arith.constant 0 : i32
    %dma_start3A_4092 = tpu.memref_slice %arg4[%dma_start3A_4090, %dma_start3A_4091] : memref<128x128xf32, #tpu.memory_space<vmem>> -> memref<1x128xf32, #tpu.memory_space<vmem>>
    tpu.enqueue_dma source(%dma_start3A_4092 : memref<1x128xf32, #tpu.memory_space<vmem>>) target(%dma_start3A_4089 : memref<1x128xf32, #tpu.memory_space<any>>) target_semaphore(%arg5 : memref<!tpu.dma_semaphore, #tpu.memory_space<semaphore_mem>>)
    %get3A_4093 = arith.constant 117 : index
    %get3A_4094 = arith.constant 0 : index
    %get3A_4095 = memref.load %arg0[%get3A_4093, %get3A_4094] : memref<128x1xi32, #tpu.memory_space<smem>>
    %jit3A_4096 = arith.constant 128 : i32
    %div3A_4097 = arith.divsi %get3A_4095, %jit3A_4096 : i32
    %sign3A_4098 = arith.constant 0 : i32
    %sign3A_4099 = arith.cmpi sgt, %get3A_4095, %sign3A_4098 : i32
    %sign3A_4100 = arith.extui %sign3A_4099 : i1 to i32
    %sign3A_4101 = arith.constant 0 : i32
    %sign3A_4102 = arith.cmpi slt, %get3A_4095, %sign3A_4101 : i32
    %sign3A_4103 = arith.extui %sign3A_4102 : i1 to i32
    %sign3A_4104 = arith.subi %sign3A_4100, %sign3A_4103 : i32
    %sign3A_4105 = arith.constant 0 : i32
    %sign3A_4106 = arith.cmpi sgt, %jit3A_4096, %sign3A_4105 : i32
    %sign3A_4107 = arith.extui %sign3A_4106 : i1 to i32
    %sign3A_4108 = arith.constant 0 : i32
    %sign3A_4109 = arith.cmpi slt, %jit3A_4096, %sign3A_4108 : i32
    %sign3A_4110 = arith.extui %sign3A_4109 : i1 to i32
    %sign3A_4111 = arith.subi %sign3A_4107, %sign3A_4110 : i32
    %ne3A_4112 = arith.cmpi ne, %sign3A_4104, %sign3A_4111 : i32
    %rem3A_4113 = arith.remsi %get3A_4095, %jit3A_4096 : i32
    %ne3A_4114 = arith.constant 0 : i32
    %ne3A_4115 = arith.cmpi ne, %rem3A_4113, %ne3A_4114 : i32
    %and3A_4116 = arith.andi %ne3A_4112, %ne3A_4115 : i1
    %sub3A_4117 = arith.constant 1 : i32
    %sub3A_4118 = arith.subi %div3A_4097, %sub3A_4117 : i32
    %select_n3A_4119 = arith.select %and3A_4116, %sub3A_4118, %div3A_4097 : i32
    %mul3A_4120 = arith.constant 128 : i32
    %mul3A_4121 = arith.muli %select_n3A_4119, %mul3A_4120 : i32
    %multiple_of3A_4122 = tpu.assume_multiple %mul3A_4121, 128 : i32
    %dma_start3A_4123 = arith.constant 117 : i32
    %dma_start3A_4124 = tpu.memref_slice %arg3[%dma_start3A_4123, %multiple_of3A_4122] : memref<128x32768xf32, #tpu.memory_space<any>> -> memref<1x128xf32, #tpu.memory_space<any>>
    %dma_start3A_4125 = arith.constant 117 : i32
    %dma_start3A_4126 = arith.constant 0 : i32
    %dma_start3A_4127 = tpu.memref_slice %arg4[%dma_start3A_4125, %dma_start3A_4126] : memref<128x128xf32, #tpu.memory_space<vmem>> -> memref<1x128xf32, #tpu.memory_space<vmem>>
    tpu.enqueue_dma source(%dma_start3A_4127 : memref<1x128xf32, #tpu.memory_space<vmem>>) target(%dma_start3A_4124 : memref<1x128xf32, #tpu.memory_space<any>>) target_semaphore(%arg5 : memref<!tpu.dma_semaphore, #tpu.memory_space<semaphore_mem>>)
    %get3A_4128 = arith.constant 118 : index
    %get3A_4129 = arith.constant 0 : index
    %get3A_4130 = memref.load %arg0[%get3A_4128, %get3A_4129] : memref<128x1xi32, #tpu.memory_space<smem>>
    %jit3A_4131 = arith.constant 128 : i32
    %div3A_4132 = arith.divsi %get3A_4130, %jit3A_4131 : i32
    %sign3A_4133 = arith.constant 0 : i32
    %sign3A_4134 = arith.cmpi sgt, %get3A_4130, %sign3A_4133 : i32
    %sign3A_4135 = arith.extui %sign3A_4134 : i1 to i32
    %sign3A_4136 = arith.constant 0 : i32
    %sign3A_4137 = arith.cmpi slt, %get3A_4130, %sign3A_4136 : i32
    %sign3A_4138 = arith.extui %sign3A_4137 : i1 to i32
    %sign3A_4139 = arith.subi %sign3A_4135, %sign3A_4138 : i32
    %sign3A_4140 = arith.constant 0 : i32
    %sign3A_4141 = arith.cmpi sgt, %jit3A_4131, %sign3A_4140 : i32
    %sign3A_4142 = arith.extui %sign3A_4141 : i1 to i32
    %sign3A_4143 = arith.constant 0 : i32
    %sign3A_4144 = arith.cmpi slt, %jit3A_4131, %sign3A_4143 : i32
    %sign3A_4145 = arith.extui %sign3A_4144 : i1 to i32
    %sign3A_4146 = arith.subi %sign3A_4142, %sign3A_4145 : i32
    %ne3A_4147 = arith.cmpi ne, %sign3A_4139, %sign3A_4146 : i32
    %rem3A_4148 = arith.remsi %get3A_4130, %jit3A_4131 : i32
    %ne3A_4149 = arith.constant 0 : i32
    %ne3A_4150 = arith.cmpi ne, %rem3A_4148, %ne3A_4149 : i32
    %and3A_4151 = arith.andi %ne3A_4147, %ne3A_4150 : i1
    %sub3A_4152 = arith.constant 1 : i32
    %sub3A_4153 = arith.subi %div3A_4132, %sub3A_4152 : i32
    %select_n3A_4154 = arith.select %and3A_4151, %sub3A_4153, %div3A_4132 : i32
    %mul3A_4155 = arith.constant 128 : i32
    %mul3A_4156 = arith.muli %select_n3A_4154, %mul3A_4155 : i32
    %multiple_of3A_4157 = tpu.assume_multiple %mul3A_4156, 128 : i32
    %dma_start3A_4158 = arith.constant 118 : i32
    %dma_start3A_4159 = tpu.memref_slice %arg3[%dma_start3A_4158, %multiple_of3A_4157] : memref<128x32768xf32, #tpu.memory_space<any>> -> memref<1x128xf32, #tpu.memory_space<any>>
    %dma_start3A_4160 = arith.constant 118 : i32
    %dma_start3A_4161 = arith.constant 0 : i32
    %dma_start3A_4162 = tpu.memref_slice %arg4[%dma_start3A_4160, %dma_start3A_4161] : memref<128x128xf32, #tpu.memory_space<vmem>> -> memref<1x128xf32, #tpu.memory_space<vmem>>
    tpu.enqueue_dma source(%dma_start3A_4162 : memref<1x128xf32, #tpu.memory_space<vmem>>) target(%dma_start3A_4159 : memref<1x128xf32, #tpu.memory_space<any>>) target_semaphore(%arg5 : memref<!tpu.dma_semaphore, #tpu.memory_space<semaphore_mem>>)
    %get3A_4163 = arith.constant 119 : index
    %get3A_4164 = arith.constant 0 : index
    %get3A_4165 = memref.load %arg0[%get3A_4163, %get3A_4164] : memref<128x1xi32, #tpu.memory_space<smem>>
    %jit3A_4166 = arith.constant 128 : i32
    %div3A_4167 = arith.divsi %get3A_4165, %jit3A_4166 : i32
    %sign3A_4168 = arith.constant 0 : i32
    %sign3A_4169 = arith.cmpi sgt, %get3A_4165, %sign3A_4168 : i32
    %sign3A_4170 = arith.extui %sign3A_4169 : i1 to i32
    %sign3A_4171 = arith.constant 0 : i32
    %sign3A_4172 = arith.cmpi slt, %get3A_4165, %sign3A_4171 : i32
    %sign3A_4173 = arith.extui %sign3A_4172 : i1 to i32
    %sign3A_4174 = arith.subi %sign3A_4170, %sign3A_4173 : i32
    %sign3A_4175 = arith.constant 0 : i32
    %sign3A_4176 = arith.cmpi sgt, %jit3A_4166, %sign3A_4175 : i32
    %sign3A_4177 = arith.extui %sign3A_4176 : i1 to i32
    %sign3A_4178 = arith.constant 0 : i32
    %sign3A_4179 = arith.cmpi slt, %jit3A_4166, %sign3A_4178 : i32
    %sign3A_4180 = arith.extui %sign3A_4179 : i1 to i32
    %sign3A_4181 = arith.subi %sign3A_4177, %sign3A_4180 : i32
    %ne3A_4182 = arith.cmpi ne, %sign3A_4174, %sign3A_4181 : i32
    %rem3A_4183 = arith.remsi %get3A_4165, %jit3A_4166 : i32
    %ne3A_4184 = arith.constant 0 : i32
    %ne3A_4185 = arith.cmpi ne, %rem3A_4183, %ne3A_4184 : i32
    %and3A_4186 = arith.andi %ne3A_4182, %ne3A_4185 : i1
    %sub3A_4187 = arith.constant 1 : i32
    %sub3A_4188 = arith.subi %div3A_4167, %sub3A_4187 : i32
    %select_n3A_4189 = arith.select %and3A_4186, %sub3A_4188, %div3A_4167 : i32
    %mul3A_4190 = arith.constant 128 : i32
    %mul3A_4191 = arith.muli %select_n3A_4189, %mul3A_4190 : i32
    %multiple_of3A_4192 = tpu.assume_multiple %mul3A_4191, 128 : i32
    %dma_start3A_4193 = arith.constant 119 : i32
    %dma_start3A_4194 = tpu.memref_slice %arg3[%dma_start3A_4193, %multiple_of3A_4192] : memref<128x32768xf32, #tpu.memory_space<any>> -> memref<1x128xf32, #tpu.memory_space<any>>
    %dma_start3A_4195 = arith.constant 119 : i32
    %dma_start3A_4196 = arith.constant 0 : i32
    %dma_start3A_4197 = tpu.memref_slice %arg4[%dma_start3A_4195, %dma_start3A_4196] : memref<128x128xf32, #tpu.memory_space<vmem>> -> memref<1x128xf32, #tpu.memory_space<vmem>>
    tpu.enqueue_dma source(%dma_start3A_4197 : memref<1x128xf32, #tpu.memory_space<vmem>>) target(%dma_start3A_4194 : memref<1x128xf32, #tpu.memory_space<any>>) target_semaphore(%arg5 : memref<!tpu.dma_semaphore, #tpu.memory_space<semaphore_mem>>)
    %get3A_4198 = arith.constant 120 : index
    %get3A_4199 = arith.constant 0 : index
    %get3A_4200 = memref.load %arg0[%get3A_4198, %get3A_4199] : memref<128x1xi32, #tpu.memory_space<smem>>
    %jit3A_4201 = arith.constant 128 : i32
    %div3A_4202 = arith.divsi %get3A_4200, %jit3A_4201 : i32
    %sign3A_4203 = arith.constant 0 : i32
    %sign3A_4204 = arith.cmpi sgt, %get3A_4200, %sign3A_4203 : i32
    %sign3A_4205 = arith.extui %sign3A_4204 : i1 to i32
    %sign3A_4206 = arith.constant 0 : i32
    %sign3A_4207 = arith.cmpi slt, %get3A_4200, %sign3A_4206 : i32
    %sign3A_4208 = arith.extui %sign3A_4207 : i1 to i32
    %sign3A_4209 = arith.subi %sign3A_4205, %sign3A_4208 : i32
    %sign3A_4210 = arith.constant 0 : i32
    %sign3A_4211 = arith.cmpi sgt, %jit3A_4201, %sign3A_4210 : i32
    %sign3A_4212 = arith.extui %sign3A_4211 : i1 to i32
    %sign3A_4213 = arith.constant 0 : i32
    %sign3A_4214 = arith.cmpi slt, %jit3A_4201, %sign3A_4213 : i32
    %sign3A_4215 = arith.extui %sign3A_4214 : i1 to i32
    %sign3A_4216 = arith.subi %sign3A_4212, %sign3A_4215 : i32
    %ne3A_4217 = arith.cmpi ne, %sign3A_4209, %sign3A_4216 : i32
    %rem3A_4218 = arith.remsi %get3A_4200, %jit3A_4201 : i32
    %ne3A_4219 = arith.constant 0 : i32
    %ne3A_4220 = arith.cmpi ne, %rem3A_4218, %ne3A_4219 : i32
    %and3A_4221 = arith.andi %ne3A_4217, %ne3A_4220 : i1
    %sub3A_4222 = arith.constant 1 : i32
    %sub3A_4223 = arith.subi %div3A_4202, %sub3A_4222 : i32
    %select_n3A_4224 = arith.select %and3A_4221, %sub3A_4223, %div3A_4202 : i32
    %mul3A_4225 = arith.constant 128 : i32
    %mul3A_4226 = arith.muli %select_n3A_4224, %mul3A_4225 : i32
    %multiple_of3A_4227 = tpu.assume_multiple %mul3A_4226, 128 : i32
    %dma_start3A_4228 = arith.constant 120 : i32
    %dma_start3A_4229 = tpu.memref_slice %arg3[%dma_start3A_4228, %multiple_of3A_4227] : memref<128x32768xf32, #tpu.memory_space<any>> -> memref<1x128xf32, #tpu.memory_space<any>>
    %dma_start3A_4230 = arith.constant 120 : i32
    %dma_start3A_4231 = arith.constant 0 : i32
    %dma_start3A_4232 = tpu.memref_slice %arg4[%dma_start3A_4230, %dma_start3A_4231] : memref<128x128xf32, #tpu.memory_space<vmem>> -> memref<1x128xf32, #tpu.memory_space<vmem>>
    tpu.enqueue_dma source(%dma_start3A_4232 : memref<1x128xf32, #tpu.memory_space<vmem>>) target(%dma_start3A_4229 : memref<1x128xf32, #tpu.memory_space<any>>) target_semaphore(%arg5 : memref<!tpu.dma_semaphore, #tpu.memory_space<semaphore_mem>>)
    %get3A_4233 = arith.constant 121 : index
    %get3A_4234 = arith.constant 0 : index
    %get3A_4235 = memref.load %arg0[%get3A_4233, %get3A_4234] : memref<128x1xi32, #tpu.memory_space<smem>>
    %jit3A_4236 = arith.constant 128 : i32
    %div3A_4237 = arith.divsi %get3A_4235, %jit3A_4236 : i32
    %sign3A_4238 = arith.constant 0 : i32
    %sign3A_4239 = arith.cmpi sgt, %get3A_4235, %sign3A_4238 : i32
    %sign3A_4240 = arith.extui %sign3A_4239 : i1 to i32
    %sign3A_4241 = arith.constant 0 : i32
    %sign3A_4242 = arith.cmpi slt, %get3A_4235, %sign3A_4241 : i32
    %sign3A_4243 = arith.extui %sign3A_4242 : i1 to i32
    %sign3A_4244 = arith.subi %sign3A_4240, %sign3A_4243 : i32
    %sign3A_4245 = arith.constant 0 : i32
    %sign3A_4246 = arith.cmpi sgt, %jit3A_4236, %sign3A_4245 : i32
    %sign3A_4247 = arith.extui %sign3A_4246 : i1 to i32
    %sign3A_4248 = arith.constant 0 : i32
    %sign3A_4249 = arith.cmpi slt, %jit3A_4236, %sign3A_4248 : i32
    %sign3A_4250 = arith.extui %sign3A_4249 : i1 to i32
    %sign3A_4251 = arith.subi %sign3A_4247, %sign3A_4250 : i32
    %ne3A_4252 = arith.cmpi ne, %sign3A_4244, %sign3A_4251 : i32
    %rem3A_4253 = arith.remsi %get3A_4235, %jit3A_4236 : i32
    %ne3A_4254 = arith.constant 0 : i32
    %ne3A_4255 = arith.cmpi ne, %rem3A_4253, %ne3A_4254 : i32
    %and3A_4256 = arith.andi %ne3A_4252, %ne3A_4255 : i1
    %sub3A_4257 = arith.constant 1 : i32
    %sub3A_4258 = arith.subi %div3A_4237, %sub3A_4257 : i32
    %select_n3A_4259 = arith.select %and3A_4256, %sub3A_4258, %div3A_4237 : i32
    %mul3A_4260 = arith.constant 128 : i32
    %mul3A_4261 = arith.muli %select_n3A_4259, %mul3A_4260 : i32
    %multiple_of3A_4262 = tpu.assume_multiple %mul3A_4261, 128 : i32
    %dma_start3A_4263 = arith.constant 121 : i32
    %dma_start3A_4264 = tpu.memref_slice %arg3[%dma_start3A_4263, %multiple_of3A_4262] : memref<128x32768xf32, #tpu.memory_space<any>> -> memref<1x128xf32, #tpu.memory_space<any>>
    %dma_start3A_4265 = arith.constant 121 : i32
    %dma_start3A_4266 = arith.constant 0 : i32
    %dma_start3A_4267 = tpu.memref_slice %arg4[%dma_start3A_4265, %dma_start3A_4266] : memref<128x128xf32, #tpu.memory_space<vmem>> -> memref<1x128xf32, #tpu.memory_space<vmem>>
    tpu.enqueue_dma source(%dma_start3A_4267 : memref<1x128xf32, #tpu.memory_space<vmem>>) target(%dma_start3A_4264 : memref<1x128xf32, #tpu.memory_space<any>>) target_semaphore(%arg5 : memref<!tpu.dma_semaphore, #tpu.memory_space<semaphore_mem>>)
    %get3A_4268 = arith.constant 122 : index
    %get3A_4269 = arith.constant 0 : index
    %get3A_4270 = memref.load %arg0[%get3A_4268, %get3A_4269] : memref<128x1xi32, #tpu.memory_space<smem>>
    %jit3A_4271 = arith.constant 128 : i32
    %div3A_4272 = arith.divsi %get3A_4270, %jit3A_4271 : i32
    %sign3A_4273 = arith.constant 0 : i32
    %sign3A_4274 = arith.cmpi sgt, %get3A_4270, %sign3A_4273 : i32
    %sign3A_4275 = arith.extui %sign3A_4274 : i1 to i32
    %sign3A_4276 = arith.constant 0 : i32
    %sign3A_4277 = arith.cmpi slt, %get3A_4270, %sign3A_4276 : i32
    %sign3A_4278 = arith.extui %sign3A_4277 : i1 to i32
    %sign3A_4279 = arith.subi %sign3A_4275, %sign3A_4278 : i32
    %sign3A_4280 = arith.constant 0 : i32
    %sign3A_4281 = arith.cmpi sgt, %jit3A_4271, %sign3A_4280 : i32
    %sign3A_4282 = arith.extui %sign3A_4281 : i1 to i32
    %sign3A_4283 = arith.constant 0 : i32
    %sign3A_4284 = arith.cmpi slt, %jit3A_4271, %sign3A_4283 : i32
    %sign3A_4285 = arith.extui %sign3A_4284 : i1 to i32
    %sign3A_4286 = arith.subi %sign3A_4282, %sign3A_4285 : i32
    %ne3A_4287 = arith.cmpi ne, %sign3A_4279, %sign3A_4286 : i32
    %rem3A_4288 = arith.remsi %get3A_4270, %jit3A_4271 : i32
    %ne3A_4289 = arith.constant 0 : i32
    %ne3A_4290 = arith.cmpi ne, %rem3A_4288, %ne3A_4289 : i32
    %and3A_4291 = arith.andi %ne3A_4287, %ne3A_4290 : i1
    %sub3A_4292 = arith.constant 1 : i32
    %sub3A_4293 = arith.subi %div3A_4272, %sub3A_4292 : i32
    %select_n3A_4294 = arith.select %and3A_4291, %sub3A_4293, %div3A_4272 : i32
    %mul3A_4295 = arith.constant 128 : i32
    %mul3A_4296 = arith.muli %select_n3A_4294, %mul3A_4295 : i32
    %multiple_of3A_4297 = tpu.assume_multiple %mul3A_4296, 128 : i32
    %dma_start3A_4298 = arith.constant 122 : i32
    %dma_start3A_4299 = tpu.memref_slice %arg3[%dma_start3A_4298, %multiple_of3A_4297] : memref<128x32768xf32, #tpu.memory_space<any>> -> memref<1x128xf32, #tpu.memory_space<any>>
    %dma_start3A_4300 = arith.constant 122 : i32
    %dma_start3A_4301 = arith.constant 0 : i32
    %dma_start3A_4302 = tpu.memref_slice %arg4[%dma_start3A_4300, %dma_start3A_4301] : memref<128x128xf32, #tpu.memory_space<vmem>> -> memref<1x128xf32, #tpu.memory_space<vmem>>
    tpu.enqueue_dma source(%dma_start3A_4302 : memref<1x128xf32, #tpu.memory_space<vmem>>) target(%dma_start3A_4299 : memref<1x128xf32, #tpu.memory_space<any>>) target_semaphore(%arg5 : memref<!tpu.dma_semaphore, #tpu.memory_space<semaphore_mem>>)
    %get3A_4303 = arith.constant 123 : index
    %get3A_4304 = arith.constant 0 : index
    %get3A_4305 = memref.load %arg0[%get3A_4303, %get3A_4304] : memref<128x1xi32, #tpu.memory_space<smem>>
    %jit3A_4306 = arith.constant 128 : i32
    %div3A_4307 = arith.divsi %get3A_4305, %jit3A_4306 : i32
    %sign3A_4308 = arith.constant 0 : i32
    %sign3A_4309 = arith.cmpi sgt, %get3A_4305, %sign3A_4308 : i32
    %sign3A_4310 = arith.extui %sign3A_4309 : i1 to i32
    %sign3A_4311 = arith.constant 0 : i32
    %sign3A_4312 = arith.cmpi slt, %get3A_4305, %sign3A_4311 : i32
    %sign3A_4313 = arith.extui %sign3A_4312 : i1 to i32
    %sign3A_4314 = arith.subi %sign3A_4310, %sign3A_4313 : i32
    %sign3A_4315 = arith.constant 0 : i32
    %sign3A_4316 = arith.cmpi sgt, %jit3A_4306, %sign3A_4315 : i32
    %sign3A_4317 = arith.extui %sign3A_4316 : i1 to i32
    %sign3A_4318 = arith.constant 0 : i32
    %sign3A_4319 = arith.cmpi slt, %jit3A_4306, %sign3A_4318 : i32
    %sign3A_4320 = arith.extui %sign3A_4319 : i1 to i32
    %sign3A_4321 = arith.subi %sign3A_4317, %sign3A_4320 : i32
    %ne3A_4322 = arith.cmpi ne, %sign3A_4314, %sign3A_4321 : i32
    %rem3A_4323 = arith.remsi %get3A_4305, %jit3A_4306 : i32
    %ne3A_4324 = arith.constant 0 : i32
    %ne3A_4325 = arith.cmpi ne, %rem3A_4323, %ne3A_4324 : i32
    %and3A_4326 = arith.andi %ne3A_4322, %ne3A_4325 : i1
    %sub3A_4327 = arith.constant 1 : i32
    %sub3A_4328 = arith.subi %div3A_4307, %sub3A_4327 : i32
    %select_n3A_4329 = arith.select %and3A_4326, %sub3A_4328, %div3A_4307 : i32
    %mul3A_4330 = arith.constant 128 : i32
    %mul3A_4331 = arith.muli %select_n3A_4329, %mul3A_4330 : i32
    %multiple_of3A_4332 = tpu.assume_multiple %mul3A_4331, 128 : i32
    %dma_start3A_4333 = arith.constant 123 : i32
    %dma_start3A_4334 = tpu.memref_slice %arg3[%dma_start3A_4333, %multiple_of3A_4332] : memref<128x32768xf32, #tpu.memory_space<any>> -> memref<1x128xf32, #tpu.memory_space<any>>
    %dma_start3A_4335 = arith.constant 123 : i32
    %dma_start3A_4336 = arith.constant 0 : i32
    %dma_start3A_4337 = tpu.memref_slice %arg4[%dma_start3A_4335, %dma_start3A_4336] : memref<128x128xf32, #tpu.memory_space<vmem>> -> memref<1x128xf32, #tpu.memory_space<vmem>>
    tpu.enqueue_dma source(%dma_start3A_4337 : memref<1x128xf32, #tpu.memory_space<vmem>>) target(%dma_start3A_4334 : memref<1x128xf32, #tpu.memory_space<any>>) target_semaphore(%arg5 : memref<!tpu.dma_semaphore, #tpu.memory_space<semaphore_mem>>)
    %get3A_4338 = arith.constant 124 : index
    %get3A_4339 = arith.constant 0 : index
    %get3A_4340 = memref.load %arg0[%get3A_4338, %get3A_4339] : memref<128x1xi32, #tpu.memory_space<smem>>
    %jit3A_4341 = arith.constant 128 : i32
    %div3A_4342 = arith.divsi %get3A_4340, %jit3A_4341 : i32
    %sign3A_4343 = arith.constant 0 : i32
    %sign3A_4344 = arith.cmpi sgt, %get3A_4340, %sign3A_4343 : i32
    %sign3A_4345 = arith.extui %sign3A_4344 : i1 to i32
    %sign3A_4346 = arith.constant 0 : i32
    %sign3A_4347 = arith.cmpi slt, %get3A_4340, %sign3A_4346 : i32
    %sign3A_4348 = arith.extui %sign3A_4347 : i1 to i32
    %sign3A_4349 = arith.subi %sign3A_4345, %sign3A_4348 : i32
    %sign3A_4350 = arith.constant 0 : i32
    %sign3A_4351 = arith.cmpi sgt, %jit3A_4341, %sign3A_4350 : i32
    %sign3A_4352 = arith.extui %sign3A_4351 : i1 to i32
    %sign3A_4353 = arith.constant 0 : i32
    %sign3A_4354 = arith.cmpi slt, %jit3A_4341, %sign3A_4353 : i32
    %sign3A_4355 = arith.extui %sign3A_4354 : i1 to i32
    %sign3A_4356 = arith.subi %sign3A_4352, %sign3A_4355 : i32
    %ne3A_4357 = arith.cmpi ne, %sign3A_4349, %sign3A_4356 : i32
    %rem3A_4358 = arith.remsi %get3A_4340, %jit3A_4341 : i32
    %ne3A_4359 = arith.constant 0 : i32
    %ne3A_4360 = arith.cmpi ne, %rem3A_4358, %ne3A_4359 : i32
    %and3A_4361 = arith.andi %ne3A_4357, %ne3A_4360 : i1
    %sub3A_4362 = arith.constant 1 : i32
    %sub3A_4363 = arith.subi %div3A_4342, %sub3A_4362 : i32
    %select_n3A_4364 = arith.select %and3A_4361, %sub3A_4363, %div3A_4342 : i32
    %mul3A_4365 = arith.constant 128 : i32
    %mul3A_4366 = arith.muli %select_n3A_4364, %mul3A_4365 : i32
    %multiple_of3A_4367 = tpu.assume_multiple %mul3A_4366, 128 : i32
    %dma_start3A_4368 = arith.constant 124 : i32
    %dma_start3A_4369 = tpu.memref_slice %arg3[%dma_start3A_4368, %multiple_of3A_4367] : memref<128x32768xf32, #tpu.memory_space<any>> -> memref<1x128xf32, #tpu.memory_space<any>>
    %dma_start3A_4370 = arith.constant 124 : i32
    %dma_start3A_4371 = arith.constant 0 : i32
    %dma_start3A_4372 = tpu.memref_slice %arg4[%dma_start3A_4370, %dma_start3A_4371] : memref<128x128xf32, #tpu.memory_space<vmem>> -> memref<1x128xf32, #tpu.memory_space<vmem>>
    tpu.enqueue_dma source(%dma_start3A_4372 : memref<1x128xf32, #tpu.memory_space<vmem>>) target(%dma_start3A_4369 : memref<1x128xf32, #tpu.memory_space<any>>) target_semaphore(%arg5 : memref<!tpu.dma_semaphore, #tpu.memory_space<semaphore_mem>>)
    %get3A_4373 = arith.constant 125 : index
    %get3A_4374 = arith.constant 0 : index
    %get3A_4375 = memref.load %arg0[%get3A_4373, %get3A_4374] : memref<128x1xi32, #tpu.memory_space<smem>>
    %jit3A_4376 = arith.constant 128 : i32
    %div3A_4377 = arith.divsi %get3A_4375, %jit3A_4376 : i32
    %sign3A_4378 = arith.constant 0 : i32
    %sign3A_4379 = arith.cmpi sgt, %get3A_4375, %sign3A_4378 : i32
    %sign3A_4380 = arith.extui %sign3A_4379 : i1 to i32
    %sign3A_4381 = arith.constant 0 : i32
    %sign3A_4382 = arith.cmpi slt, %get3A_4375, %sign3A_4381 : i32
    %sign3A_4383 = arith.extui %sign3A_4382 : i1 to i32
    %sign3A_4384 = arith.subi %sign3A_4380, %sign3A_4383 : i32
    %sign3A_4385 = arith.constant 0 : i32
    %sign3A_4386 = arith.cmpi sgt, %jit3A_4376, %sign3A_4385 : i32
    %sign3A_4387 = arith.extui %sign3A_4386 : i1 to i32
    %sign3A_4388 = arith.constant 0 : i32
    %sign3A_4389 = arith.cmpi slt, %jit3A_4376, %sign3A_4388 : i32
    %sign3A_4390 = arith.extui %sign3A_4389 : i1 to i32
    %sign3A_4391 = arith.subi %sign3A_4387, %sign3A_4390 : i32
    %ne3A_4392 = arith.cmpi ne, %sign3A_4384, %sign3A_4391 : i32
    %rem3A_4393 = arith.remsi %get3A_4375, %jit3A_4376 : i32
    %ne3A_4394 = arith.constant 0 : i32
    %ne3A_4395 = arith.cmpi ne, %rem3A_4393, %ne3A_4394 : i32
    %and3A_4396 = arith.andi %ne3A_4392, %ne3A_4395 : i1
    %sub3A_4397 = arith.constant 1 : i32
    %sub3A_4398 = arith.subi %div3A_4377, %sub3A_4397 : i32
    %select_n3A_4399 = arith.select %and3A_4396, %sub3A_4398, %div3A_4377 : i32
    %mul3A_4400 = arith.constant 128 : i32
    %mul3A_4401 = arith.muli %select_n3A_4399, %mul3A_4400 : i32
    %multiple_of3A_4402 = tpu.assume_multiple %mul3A_4401, 128 : i32
    %dma_start3A_4403 = arith.constant 125 : i32
    %dma_start3A_4404 = tpu.memref_slice %arg3[%dma_start3A_4403, %multiple_of3A_4402] : memref<128x32768xf32, #tpu.memory_space<any>> -> memref<1x128xf32, #tpu.memory_space<any>>
    %dma_start3A_4405 = arith.constant 125 : i32
    %dma_start3A_4406 = arith.constant 0 : i32
    %dma_start3A_4407 = tpu.memref_slice %arg4[%dma_start3A_4405, %dma_start3A_4406] : memref<128x128xf32, #tpu.memory_space<vmem>> -> memref<1x128xf32, #tpu.memory_space<vmem>>
    tpu.enqueue_dma source(%dma_start3A_4407 : memref<1x128xf32, #tpu.memory_space<vmem>>) target(%dma_start3A_4404 : memref<1x128xf32, #tpu.memory_space<any>>) target_semaphore(%arg5 : memref<!tpu.dma_semaphore, #tpu.memory_space<semaphore_mem>>)
    %get3A_4408 = arith.constant 126 : index
    %get3A_4409 = arith.constant 0 : index
    %get3A_4410 = memref.load %arg0[%get3A_4408, %get3A_4409] : memref<128x1xi32, #tpu.memory_space<smem>>
    %jit3A_4411 = arith.constant 128 : i32
    %div3A_4412 = arith.divsi %get3A_4410, %jit3A_4411 : i32
    %sign3A_4413 = arith.constant 0 : i32
    %sign3A_4414 = arith.cmpi sgt, %get3A_4410, %sign3A_4413 : i32
    %sign3A_4415 = arith.extui %sign3A_4414 : i1 to i32
    %sign3A_4416 = arith.constant 0 : i32
    %sign3A_4417 = arith.cmpi slt, %get3A_4410, %sign3A_4416 : i32
    %sign3A_4418 = arith.extui %sign3A_4417 : i1 to i32
    %sign3A_4419 = arith.subi %sign3A_4415, %sign3A_4418 : i32
    %sign3A_4420 = arith.constant 0 : i32
    %sign3A_4421 = arith.cmpi sgt, %jit3A_4411, %sign3A_4420 : i32
    %sign3A_4422 = arith.extui %sign3A_4421 : i1 to i32
    %sign3A_4423 = arith.constant 0 : i32
    %sign3A_4424 = arith.cmpi slt, %jit3A_4411, %sign3A_4423 : i32
    %sign3A_4425 = arith.extui %sign3A_4424 : i1 to i32
    %sign3A_4426 = arith.subi %sign3A_4422, %sign3A_4425 : i32
    %ne3A_4427 = arith.cmpi ne, %sign3A_4419, %sign3A_4426 : i32
    %rem3A_4428 = arith.remsi %get3A_4410, %jit3A_4411 : i32
    %ne3A_4429 = arith.constant 0 : i32
    %ne3A_4430 = arith.cmpi ne, %rem3A_4428, %ne3A_4429 : i32
    %and3A_4431 = arith.andi %ne3A_4427, %ne3A_4430 : i1
    %sub3A_4432 = arith.constant 1 : i32
    %sub3A_4433 = arith.subi %div3A_4412, %sub3A_4432 : i32
    %select_n3A_4434 = arith.select %and3A_4431, %sub3A_4433, %div3A_4412 : i32
    %mul3A_4435 = arith.constant 128 : i32
    %mul3A_4436 = arith.muli %select_n3A_4434, %mul3A_4435 : i32
    %multiple_of3A_4437 = tpu.assume_multiple %mul3A_4436, 128 : i32
    %dma_start3A_4438 = arith.constant 126 : i32
    %dma_start3A_4439 = tpu.memref_slice %arg3[%dma_start3A_4438, %multiple_of3A_4437] : memref<128x32768xf32, #tpu.memory_space<any>> -> memref<1x128xf32, #tpu.memory_space<any>>
    %dma_start3A_4440 = arith.constant 126 : i32
    %dma_start3A_4441 = arith.constant 0 : i32
    %dma_start3A_4442 = tpu.memref_slice %arg4[%dma_start3A_4440, %dma_start3A_4441] : memref<128x128xf32, #tpu.memory_space<vmem>> -> memref<1x128xf32, #tpu.memory_space<vmem>>
    tpu.enqueue_dma source(%dma_start3A_4442 : memref<1x128xf32, #tpu.memory_space<vmem>>) target(%dma_start3A_4439 : memref<1x128xf32, #tpu.memory_space<any>>) target_semaphore(%arg5 : memref<!tpu.dma_semaphore, #tpu.memory_space<semaphore_mem>>)
    %get3A_4443 = arith.constant 127 : index
    %get3A_4444 = arith.constant 0 : index
    %get3A_4445 = memref.load %arg0[%get3A_4443, %get3A_4444] : memref<128x1xi32, #tpu.memory_space<smem>>
    %jit3A_4446 = arith.constant 128 : i32
    %div3A_4447 = arith.divsi %get3A_4445, %jit3A_4446 : i32
    %sign3A_4448 = arith.constant 0 : i32
    %sign3A_4449 = arith.cmpi sgt, %get3A_4445, %sign3A_4448 : i32
    %sign3A_4450 = arith.extui %sign3A_4449 : i1 to i32
    %sign3A_4451 = arith.constant 0 : i32
    %sign3A_4452 = arith.cmpi slt, %get3A_4445, %sign3A_4451 : i32
    %sign3A_4453 = arith.extui %sign3A_4452 : i1 to i32
    %sign3A_4454 = arith.subi %sign3A_4450, %sign3A_4453 : i32
    %sign3A_4455 = arith.constant 0 : i32
    %sign3A_4456 = arith.cmpi sgt, %jit3A_4446, %sign3A_4455 : i32
    %sign3A_4457 = arith.extui %sign3A_4456 : i1 to i32
    %sign3A_4458 = arith.constant 0 : i32
    %sign3A_4459 = arith.cmpi slt, %jit3A_4446, %sign3A_4458 : i32
    %sign3A_4460 = arith.extui %sign3A_4459 : i1 to i32
    %sign3A_4461 = arith.subi %sign3A_4457, %sign3A_4460 : i32
    %ne3A_4462 = arith.cmpi ne, %sign3A_4454, %sign3A_4461 : i32
    %rem3A_4463 = arith.remsi %get3A_4445, %jit3A_4446 : i32
    %ne3A_4464 = arith.constant 0 : i32
    %ne3A_4465 = arith.cmpi ne, %rem3A_4463, %ne3A_4464 : i32
    %and3A_4466 = arith.andi %ne3A_4462, %ne3A_4465 : i1
    %sub3A_4467 = arith.constant 1 : i32
    %sub3A_4468 = arith.subi %div3A_4447, %sub3A_4467 : i32
    %select_n3A_4469 = arith.select %and3A_4466, %sub3A_4468, %div3A_4447 : i32
    %mul3A_4470 = arith.constant 128 : i32
    %mul3A_4471 = arith.muli %select_n3A_4469, %mul3A_4470 : i32
    %multiple_of3A_4472 = tpu.assume_multiple %mul3A_4471, 128 : i32
    %dma_start3A_4473 = arith.constant 127 : i32
    %dma_start3A_4474 = tpu.memref_slice %arg3[%dma_start3A_4473, %multiple_of3A_4472] : memref<128x32768xf32, #tpu.memory_space<any>> -> memref<1x128xf32, #tpu.memory_space<any>>
    %dma_start3A_4475 = arith.constant 127 : i32
    %dma_start3A_4476 = arith.constant 0 : i32
    %dma_start3A_4477 = tpu.memref_slice %arg4[%dma_start3A_4475, %dma_start3A_4476] : memref<128x128xf32, #tpu.memory_space<vmem>> -> memref<1x128xf32, #tpu.memory_space<vmem>>
    tpu.enqueue_dma source(%dma_start3A_4477 : memref<1x128xf32, #tpu.memory_space<vmem>>) target(%dma_start3A_4474 : memref<1x128xf32, #tpu.memory_space<any>>) target_semaphore(%arg5 : memref<!tpu.dma_semaphore, #tpu.memory_space<semaphore_mem>>)
    %dma_wait3A = arith.constant 0 : i32
    %dma_wait3A_4478 = arith.constant 0 : i32
    %dma_wait3A_4479 = tpu.memref_slice %arg3[%dma_wait3A, %dma_wait3A_4478] : memref<128x32768xf32, #tpu.memory_space<any>> -> memref<128x128xf32, #tpu.memory_space<any>>
    tpu.wait_dma2 semaphore(%arg5 : memref<!tpu.dma_semaphore, #tpu.memory_space<semaphore_mem>>) src(%arg4 : memref<128x128xf32, #tpu.memory_space<vmem>>) dst(%dma_wait3A_4479 : memref<128x128xf32, #tpu.memory_space<any>>)
    return
  }
}

</mosaic_0001>

<sc_bundles>
// kernel: kernel.5.cloned.1.call-start
scs
__scs_entry_jumppad:
0x0: {  	(pc) =	sbr.rel $0x88, $3  }
0x1: {  	(tag) =	ssettag $0x0;
	lr =	simm.s32 $0x1  }
0x2: {  	[smem:$0x3FA0] =	sst lr;
	_ =	strace $0xD0000000  }
0x3: {  	_ = 	snop  }
0x4: {  	_ = 	snop  }
0x5: {  	_ = 	snop  }
0x6: {  	_ = 	snop  }
0x7: {  	_ = 	snop  }
__scs_overlays_trampoline_lowered:
0x8: {  	[smem:$0x3FAF] =	sst s0  }
0x9: {  	[smem:$0x3FB0] =	sst s1  }
0xa: {  	[smem:$0x3FB1] =	sst s2  }
0xb: {  	[smem:$0x3FB2] =	sst s3  }
0xc: {  	[smem:$0x3FB3] =	sst s4  }
0xd: {  	[smem:$0x3FB4] =	sst s5  }
0xe: {  	[smem:$0x3FB5] =	sst s6  }
0xf: {  	[smem:$0x3FB6] =	sst s7  }
0x10: {  	[smem:$0x3FB7] =	sst s8  }
0x11: {  	[smem:$0x3FB8] =	sst s9;
	s0 =	simm.s32 @!p0 $0x0  }
0x12: {  	s1 =	sld [smem:$0x3F9E];
	s0 =	simm.s32 @p0 $0x1  }
0x13: {  	[smem:$0x3FB9] =	sst s0;
	s0 =	simm.s32 @!p1 $0x0  }
0x14: {  	s2 =	sld [smem:$0x3F9D];
	s0 =	simm.s32 @p1 $0x1  }
0x15: {  	[smem:$0x3FBA] =	sst s0;
	s0 =	simm.s32 @!p2 $0x0  }
0x16: {  	s3 =	sld [smem:$0x3FDB];
	s0 =	simm.s32 @p2 $0x1  }
0x17: {  	s4 =	simm.s32 $0x1BF5;
	[smem:$0x3FBC] =	sst s0  }
0x18: {  	s0 =	sld [smem:$0x3F9F];
	_ =	swait.ge [sflag:s4], $0x0  }
0x19: {  	s7 =	sld [smem:$0x3FA0]  }
0x1a: {  	s8 =	sadd.s32 $0xFFFFE003, lr  }
0x1b: {  	s9 =	sadd.s32 $0xFFFFFEF7, lr;
	s5 =	simm.s32 $0xFFFFFFFF;
	p2 =	slt.u32 s8, $0xFFFFF086  }
0x1c: {  	p1 =	slt.u32 s9, $0xF7A;
	s5 =	simm.s32 @!p2 $0x0  }
0x1d: {  	s5 =	simm.s32 @p1 $0x1;
	p0 =	seq.s32 s7, s2  }
0x1e: {  	s7 =	smul.u32 @!p0 $0xF7A, s2;
	p2 =	seq.s32 @!p0 s5, $0x0  }
0x1f: {  	s9 =	smul.u32 $0xF7A, s1;
	s8 =	simm.s32 @!p0 $0x1BF5;
	p2 =	por !p2, p0  }
0x20: {  	[sflag:s8] =	ssyncset.s32 @!p0 $0xFFFFF086;
	s6 =	sadd.s32 @!p0 s3, s7;
	s7 =	simm.s32 @!p0 $0x108  }
0x21: {  	s3 =	sadd.s32 s3, s9;
	s6 =	sadd.s32 @!p0 $0x88, s6;
	s7 =	simm.s32 @p2 $0x1082  }
0x22: {  	[simem:s7], [sflag:s8] =	dma.local @!p0 [hbm:s6], $0xF7A  }
0x23: {  	s9 =	sor.u32 $0xD0000000, s2;
	s6 =	simm.s32 $0x108;
	_ =	swait.ge @!p0 [sflag:s8], $0x0  }
0x24: {  	s3 =	sadd.s32 $0x88, s3;
	s6 =	simm.s32 @!p1 $0x1082;
	[sflag:s4] =	ssyncset.s32 $0xFFFFF086  }
0x25: {  	[simem:s6], [sflag:s4] =	dma.local [hbm:s3], $0xF7A  }
0x26: {  	[smem:$0x3FA0] =	sst s1;
	(tag) =	ssettag s2;
	_ =	strace s9  }
0x27: {  	s1 =	sld [smem:$0x3FB0]  }
0x28: {  	s2 =	sld [smem:$0x3FB1]  }
0x29: {  	s4 =	sld [smem:$0x3FB3]  }
0x2a: {  	p0 =	seq.s32 s5, $0x0;
	s5 =	sld [smem:$0x3FB4]  }
0x2b: {  	s6 =	sld [smem:$0x3FB5]  }
0x2c: {  	s7 =	sld [smem:$0x3FB6]  }
0x2d: {  	s3 =	simm.s32 $0x108;
	s8 =	sld [smem:$0x3FB7]  }
0x2e: {  	s3 =	simm.s32 @!p0 $0x1082;
	s9 =	sld [smem:$0x3FB8]  }
0x2f: {  	lr =	sadd.s32 s0, s3;
	s0 =	sld [smem:$0x3FAF]  }
0x30: {  	s3 =	sld [smem:$0x3FB2]  }
0x31: {  	[smem:$0x3FBB] =	sst s10  }
0x32: {  	s10 =	sld [smem:$0x3FB9];
	_ =	sdelay $0x3  }
0x33: {  	p0 =	seq.s32 s10, $0x1;
	s10 =	sld [smem:$0x3FBB];
	_ =	sdelay $0x3  }
0x34: {  	[smem:$0x3FBB] =	sst s10  }
0x35: {  	s10 =	sld [smem:$0x3FBA];
	_ =	sdelay $0x3  }
0x36: {  	p1 =	seq.s32 s10, $0x1;
	s10 =	sld [smem:$0x3FBB];
	_ =	sdelay $0x3  }
0x37: {  	[smem:$0x3FBB] =	sst s10  }
0x38: {  	s10 =	sld [smem:$0x3FBC]  }
0x39: {  	_ = 	snop;
	(pc) =	sbr.ind lr, $3  }
0x3a: {  	_ = 	snop  }
0x3b: {  	_ = 	snop  }
0x3c: {  	p2 =	seq.s32 s10, $0x1;
	s10 =	sld [smem:$0x3FBB]  }
0x3d: {  	_ =	shalt  }
0x3e: {  	_ =	shalt  }
0x3f: {  	_ =	shalt  }
0x40: {  	_ =	shalt  }
0x41: {  	_ =	shalt  }
0x42: {  	_ =	shalt  }
0x43: {  	_ =	shalt  }
0x44: {  	_ =	shalt  }
0x45: {  	_ =	shalt  }
0x46: {  	_ =	shalt  }
0x47: {  	_ =	shalt  }
0x48: {  	_ =	shalt  }
0x49: {  	_ =	shalt  }
0x4a: {  	_ =	shalt  }
0x4b: {  	_ =	shalt  }
0x4c: {  	_ =	shalt  }
0x4d: {  	_ =	shalt  }
0x4e: {  	_ =	shalt  }
0x4f: {  	_ =	shalt  }
0x50: {  	_ =	shalt  }
0x51: {  	_ =	shalt  }
0x52: {  	_ =	shalt  }
0x53: {  	_ =	shalt  }
0x54: {  	_ =	shalt  }
0x55: {  	_ =	shalt  }
0x56: {  	_ =	shalt  }
0x57: {  	_ =	shalt  }
0x58: {  	_ =	shalt  }
0x59: {  	_ =	shalt  }
0x5a: {  	_ =	shalt  }
0x5b: {  	_ =	shalt  }
0x5c: {  	_ =	shalt  }
0x5d: {  	_ =	shalt  }
0x5e: {  	_ =	shalt  }
0x5f: {  	_ =	shalt  }
0x60: {  	_ =	shalt  }
0x61: {  	_ =	shalt  }
0x62: {  	_ =	shalt  }
0x63: {  	_ =	shalt  }
0x64: {  	_ =	shalt  }
0x65: {  	_ =	shalt  }
0x66: {  	_ =	shalt  }
0x67: {  	_ =	shalt  }
0x68: {  	_ =	shalt  }
0x69: {  	_ =	shalt  }
0x6a: {  	_ =	shalt  }
0x6b: {  	_ =	shalt  }
0x6c: {  	_ =	shalt  }
0x6d: {  	_ =	shalt  }
0x6e: {  	_ =	shalt  }
0x6f: {  	_ =	shalt  }
0x70: {  	_ =	shalt  }
0x71: {  	_ =	shalt  }
0x72: {  	_ =	shalt  }
0x73: {  	_ =	shalt  }
0x74: {  	_ =	shalt  }
0x75: {  	_ =	shalt  }
0x76: {  	_ =	shalt  }
0x77: {  	_ =	shalt  }
0x78: {  	_ =	shalt  }
0x79: {  	_ =	shalt  }
0x7a: {  	_ =	shalt  }
0x7b: {  	_ =	shalt  }
0x7c: {  	_ =	shalt  }
0x7d: {  	_ =	shalt  }
0x7e: {  	_ =	shalt  }
0x7f: {  	_ =	shalt  }
0x80: {  	_ =	shalt  }
0x81: {  	_ =	shalt  }
0x82: {  	_ =	shalt  }
0x83: {  	_ =	shalt  }
0x84: {  	_ =	shalt  }
0x85: {  	_ =	shalt  }
0x86: {  	_ =	shalt  }
0x87: {  	_ =	shalt  }
.Lfunc_end0:
.L_simem_size_0:
called_computation_lowered:
.L_overlay_start_0:
0x88: {  	s2 =	sld [smem:$0x3FD9]  }
0x89: {  	s3 =	sld [smem:$0x3FFE];
	_ =	sdelay $0x1  }
0x8a: {  	s1 =	srdreg.scid  }
0x8b: {  	s0 =	sand.u32 $0x1, s1  }
0x8c: {  	s18 =	sshll.u32 s0, $0xA;
	s2 =	sadd.s32 s3, s2  }
0x8d: {  	s2 =	sadd.s32 s2, s18  }
0x8e: {  	[smem:$0x3FC7] =	sst s2  }
0x8f: {  	_ = 	snop  }
0x90: {  	s2 =	sld [smem:$0x3FD0];
	(tm) =	ssettm $0x1  }
0x91: {  	s19 =	sld [smem:$0x3FFB];
	_ =	sdelay $0x3  }
0x92: {  	_ =	strace s19  }
0x93: {  	s3 =	sld [smem:$0x3FFC];
	_ =	sdelay $0x3  }
0x94: {  	_ =	strace s3  }
0x95: {  	s3 =	sld [smem:$0x3FFD];
	_ =	sdelay $0x3  }
0x96: {  	_ =	strace s3  }
0x97: {  	_ =	strace $0x8FFFFFFF  }
0x98: {  	s20 =	sld [smem:$0x3FDB];
	_ =	sdelay $0x1  }
0x99: {  	s4 =	simm.s32 $_scs_section_size  }
0x9a: {  	s5 =	simm.s32 $_size__tile_overlayer_lowered;
	s6 =	simm.s32 $_tile_overlayer_lowered  }
0x9b: {  	s23 =	simm.s32 $0x1BFF;
	s22 =	sshll.u32 s6, $0x1;
	s3 =	sadd.s32 s4, s20  }
0x9c: {  	s7 =	simm.s32 $0x0;
	s21 =	sshll.u32 s5, $0x1;
	s5 =	sadd.s32 s22, s3  }
0x9d: {  	[timem:s7], [sflag:s23] =	dma.local [hbm:s5], s21  }
0x9e: {  	_ =	swait.ge [sflag:s23], s21  }
0x9f: {  	s4 =	ssub.s32 $0x0, s21;
	[sflag:s23] =	ssyncset.done $0x0  }
0xa0: {  	[sflag:s23] =	ssyncadd.s32 s4;
	_ =	sdelay $0x1  }
0xa1: {  	s24 =	simm.s32 $0x1B8B  }
0xa2: {  	_ =	swait.ge [sflag:s24], $0x1  }
0xa3: {  	[sflag:s24] =	ssyncset.done $0x0  }
0xa4: {  	s25 =	simm.s32 $0x1B8E;
	[sflag:s24] =	ssyncadd.s32 $0xFFFFFFFF  }
0xa5: {  	s26 =	simm.s32 $execute0_lowered;
	[smem:$0x3FD2] =	sst s25  }
0xa6: {  	s4 =	sshll.u32 s26, $0x1;
	_ =	strace $0x80000046;
	[dreg:$0x1] =	wrdreg $0xFFFFFFFF  }
0xa7: {  	s28 =	simm.s32 $_size_execute0_lowered;
	s3 =	sadd.s32 s3, s4;
	[dreg:$0x0] =	wrdreg $0x0  }
0xa8: {  	s4 =	sshll.u32 s28, $0x1;
	[dreg:$0x2] =	wrdreg s3  }
0xa9: {  	[dreg:$0x3] =	wrdreg s4  }
0xaa: {  	[dreg:$0x4] =	wrdreg $0xC0  }
0xab: {  	_ =	task [dreg:s7], $0x5FFFF  }
0xac: {  	[dreg:$0x1] =	wrdreg $0xFFFFFFFF  }
0xad: {  	[dreg:$0x0] =	wrdreg $0x60  }
0xae: {  	[dreg:$0x2] =	wrdreg s2  }
0xaf: {  	[dreg:$0x3] =	wrdreg $0x9  }
0xb0: {  	_ =	task.clear_ibuf [dreg:s7], $0x4FFFF;
	_ =	strace $0x90000046  }
0xb1: {  	s29 =	simm.s32 $0x9;
	_ =	strace $0x80000048  }
0xb2: {  	_ =	swait.ge [sflag:s29], $0x1  }
0xb3: {  	[sflag:s29] =	ssyncadd.s32 $0xFFFFFFFF  }
0xb4: {  	_ =	strace $0x90000048  }
0xb5: {  	_ =	sfence  }
0xb6: {  	s30 =	sld [smem:$0x0];
	_ =	sdelay $0x2  }
0xb7: {  	s31 =	sshll.u32 s1, $0xD;
	s1 =	sshrl.u32 s1, $0x2  }
0xb8: {  	s3 =	sand.u32 $0x4000, s31;
	s1 =	sadd.s32 s1, s30  }
0xb9: {  	s0 =	sor.u32 s3, s0;
	s1 =	sshll.u32 s1, $0x11  }
0xba: {  	s0 =	sor.u32 s1, s0  }
0xbb: {  	s0 =	sadd.s32 $0x8F2B, s0  }
0xbc: {  	[sflag:s0] =	ssyncadd.remote.s32 $0x1  }
0xbd: {  	_ =	sfence.sel $0xFFFF  }
0xbe: {  	[dreg:$0x0] =	wrdreg $0xFFFFFFFF;
	(pc) =	sbr.abs _section_cstart, $3  }
0xbf: {  	[dreg:$0x1] =	wrdreg $0xFFFFFFFF  }
0xc0: {  	_ =	task.clear_ibuf [dreg:s7], $0x2FFFF;
	_ =	strace $0x9FFFFFFF  }
0xc1: {  	(tm) =	ssettm $0x7FFFFFFF  }
tec
execute0_lowered:
.L_overlay_start_1:
0x0: {  	(tag) =	ssettag $0x1  }
0x1: {  	s3 =	rddreg [dreg:$0x0]  }
0x2: {  	s0 =	rddreg [dreg:$0x1];
	s4 =	srdreg.scid  }
0x3: {  	s2 =	simm.s32 $0x0;
	s1 =	stileid.u32;
	s20 =	simm.s32 $0x1  }
0x4: {  	s21 =	simm.s32 $0x200;
	s22 =	simm.s32 $0x400;
	s23 =	simm.s32 $0x0  }
0x5: {  	s4 =	sand.u32 $0x1, s4;
	s6 =	sshll.u32 s1, $0xE;
	s7 =	sshll.u32 s1, $0x6  }
0x6: {  	[smem:$0x7FF] =	sst s2;
	s5 =	ssub.s32 $0x2, s4;
	s4 =	sshll.u32 s4, $0x12  }
0x7: {  	s6 =	sand.u32 $0x38000, s6;
	s3 =	sadd.s32 s3, s4;
	s31 =	sshrl.u32 s5, $0x1  }
0x8: {  	s7 =	sand.u32 $0x40, s7;
	s3 =	sadd.s32 s6, s3;
	s4 =	ssub.s32 s5, s31  }
0x9: {  	_ =	strace $0x80000047;
	s3 =	sadd.s32 s7, s3;
	s4 =	smax.u32 s4, $0x1  }
0xa: {  	s5 =	sadd.s32 $0x800, s3;
	s6 =	sadd.s32 $0x1000, s3;
	s7 =	sadd.s32 $0x1800, s3  }
0xb: {  	s8 =	sadd.s32 $0x2000, s3;
	s9 =	sadd.s32 $0x2800, s3;
	s10 =	sadd.s32 $0x3000, s3  }
0xc: {  	s11 =	sadd.s32 $0x3800, s3;
	s12 =	sadd.s32 $0x4000, s3;
	s13 =	sadd.s32 $0x4800, s3  }
0xd: {  	s14 =	sadd.s32 $0x5000, s3;
	s15 =	sadd.s32 $0x5800, s3;
	s16 =	sadd.s32 $0x6000, s3  }
0xe: {  	v0 =	vimm.f32 $0.0e+00;
	s17 =	sadd.s32 $0x6800, s3;
	s18 =	sadd.s32 $0x7000, s3;
	s19 =	sadd.s32 $0x7800, s3  }
.LBB2_1:
0xf: {  	p0 =	por $0x0, $0x0;
	s24 =	simm.s32 $0x1  }
0x10: {  	s25 =	sand.u32 $0x40, s2;
	s26 =	sand.u32 $0x1E00, s2;
	s24 =	simm.s32 @!p0 $0x0  }
0x11: {  	s26 =	sor.u32 s25, s26;
	s24 =	sshll.u32 s24, $0x6  }
0x12: {  	[tilespmem:s26+$0x0] =	vst v0;
	s24 =	sadd.s32 $0x0, s24  }
0x13: {  	[tilespmem:s26+$0x80] =	vst v0;
	s31 =	sor.u32 $0x100, s24  }
0x14: {  	s29 =	sor.u32 $0x180, s24;
	[tilespmem:s31+$0x0] =	vst v0  }
0x15: {  	[tilespmem:s29+$0x0] =	vst v0  }
0x16: {  	s30 =	sadd.s32 $0x10, s24;
	[tilespmem:s26+$0x10] =	vst v0  }
0x17: {  	s28 =	sor.u32 $0x100, s30;
	[tilespmem:s26+$0x90] =	vst v0  }
0x18: {  	s25 =	sor.u32 $0x180, s30;
	[tilespmem:s28+$0x0] =	vst v0  }
0x19: {  	[tilespmem:s25+$0x0] =	vst v0  }
0x1a: {  	s31 =	sadd.s32 $0x20, s24;
	[tilespmem:s26+$0x20] =	vst v0  }
0x1b: {  	s28 =	sor.u32 $0x100, s31;
	[tilespmem:s26+$0xA0] =	vst v0  }
0x1c: {  	s25 =	sor.u32 $0x180, s31;
	[tilespmem:s28+$0x0] =	vst v0  }
0x1d: {  	s24 =	sadd.s32 $0x30, s24;
	[tilespmem:s25+$0x0] =	vst v0  }
0x1e: {  	p0 =	por !p0, !p0;
	s28 =	sor.u32 $0x100, s24;
	[tilespmem:s26+$0xB0] =	vst v0  }
0x1f: {  	s25 =	simm.s32 $0x40;
	[tilespmem:s26+$0x30] =	vst v0;
	s26 =	sor.u32 $0x180, s24;
	s24 =	simm.s32 $0x100  }
.LBB2_2:
0x20: {  	s29 =	simm.s32 $0x1;
	s30 =	sand.u32 $0x40, s25  }
0x21: {  	s31 =	sand.u32 $0x1E00, s24;
	[tilespmem:s28+$0x0] =	vst v0;
	s28 =	smov.u32 s25;
	s29 =	simm.s32 @!p0 $0x0  }
0x22: {  	s28 =	sshll.u32 s29, $0x6;
	s29 =	sor.u32 s30, s31;
	s30 =	sadd.s32 $0x40, s25;
	[tilespmem:s26+$0x0] =	vst v0  }
0x23: {  	p1 =	sne.s32 s25, $0x7C0;
	s26 =	sadd.s32 s28, s24;
	[tilespmem:s29+$0x0] =	vst v0  }
0x24: {  	[tilespmem:s29+$0x80] =	vst v0;
	s25 =	sor.u32 $0x100, s26;
	s28 =	sadd.s32 $0x10, s26;
	s31 =	sadd.s32 $0x20, s26  }
0x25: {  	[tilespmem:s25+$0x0] =	vst v0;
	s25 =	sor.u32 $0x180, s26;
	s26 =	sadd.s32 $0x30, s26  }
0x26: {  	[tilespmem:s25+$0x0] =	vst v0  }
0x27: {  	[tilespmem:s29+$0x10] =	vst v0  }
0x28: {  	s25 =	sor.u32 $0x100, s28;
	[tilespmem:s29+$0x90] =	vst v0  }
0x29: {  	[tilespmem:s25+$0x0] =	vst v0;
	s25 =	sor.u32 $0x180, s28  }
0x2a: {  	[tilespmem:s25+$0x0] =	vst v0  }
0x2b: {  	[tilespmem:s29+$0x20] =	vst v0  }
.Ltmp0:
0x2c: {  	s25 =	sor.u32 $0x100, s31;
	[tilespmem:s29+$0xA0] =	vst v0;
	(pc) =	sbr.rel @p1 .LBB2_2-.Ltmp0, $4  }
0x2d: {  	[tilespmem:s25+$0x0] =	vst v0;
	s25 =	sor.u32 $0x180, s31  }
0x2e: {  	[tilespmem:s25+$0x0] =	vst v0  }
0x2f: {  	p0 =	por !p0, !p0;
	s28 =	sor.u32 $0x100, s26;
	[tilespmem:s29+$0xB0] =	vst v0  }
0x30: {  	s24 =	sadd.s32 $0x100, s24;
	s26 =	sor.u32 $0x180, s26;
	s25 =	smov.u32 s30;
	[tilespmem:s29+$0x30] =	vst v0  }
0x31: {  	[tilespmem:s28+$0x0] =	vst v0  }
0x32: {  	[tilespmem:s26+$0x0] =	vst v0  }
0x33: {  	[hbm4b:s3+s21] =	stream.strided.scatter [tilespmem:s2], [sflag:$0x1], $0x2000, s22, s21, $0x38;
	[tilespmem:$0x2000] =	vst v63  }
0x34: {  	_ = 	snop  }
0x35: {  	[hbm4b:s5+s21] =	stream.strided.scatter [tilespmem:s2], [sflag:$0x1], $0x2000, s22, s21, $0x38;
	[tilespmem:$0x2000] =	vst v63  }
0x36: {  	_ = 	snop  }
0x37: {  	[hbm4b:s6+s21] =	stream.strided.scatter [tilespmem:s2], [sflag:$0x1], $0x2000, s22, s21, $0x38;
	[tilespmem:$0x2000] =	vst v63  }
0x38: {  	_ = 	snop  }
0x39: {  	[hbm4b:s7+s21] =	stream.strided.scatter [tilespmem:s2], [sflag:$0x1], $0x2000, s22, s21, $0x38;
	[tilespmem:$0x2000] =	vst v63  }
0x3a: {  	_ = 	snop  }
0x3b: {  	[hbm4b:s8+s21] =	stream.strided.scatter [tilespmem:s2], [sflag:$0x1], $0x2000, s22, s21, $0x38;
	[tilespmem:$0x2000] =	vst v63  }
0x3c: {  	_ = 	snop  }
0x3d: {  	[hbm4b:s9+s21] =	stream.strided.scatter [tilespmem:s2], [sflag:$0x1], $0x2000, s22, s21, $0x38;
	[tilespmem:$0x2000] =	vst v63  }
0x3e: {  	_ = 	snop  }
0x3f: {  	[hbm4b:s10+s21] =	stream.strided.scatter [tilespmem:s2], [sflag:$0x1], $0x2000, s22, s21, $0x38;
	[tilespmem:$0x2000] =	vst v63  }
0x40: {  	_ = 	snop  }
0x41: {  	[hbm4b:s11+s21] =	stream.strided.scatter [tilespmem:s2], [sflag:$0x1], $0x2000, s22, s21, $0x38;
	[tilespmem:$0x2000] =	vst v63  }
0x42: {  	_ = 	snop  }
0x43: {  	[hbm4b:s12+s21] =	stream.strided.scatter [tilespmem:s2], [sflag:$0x1], $0x2000, s22, s21, $0x38;
	[tilespmem:$0x2000] =	vst v63  }
0x44: {  	_ = 	snop  }
0x45: {  	[hbm4b:s13+s21] =	stream.strided.scatter [tilespmem:s2], [sflag:$0x1], $0x2000, s22, s21, $0x38;
	[tilespmem:$0x2000] =	vst v63  }
0x46: {  	_ = 	snop  }
0x47: {  	[hbm4b:s14+s21] =	stream.strided.scatter [tilespmem:s2], [sflag:$0x1], $0x2000, s22, s21, $0x38;
	[tilespmem:$0x2000] =	vst v63  }
0x48: {  	_ = 	snop  }
0x49: {  	[hbm4b:s15+s21] =	stream.strided.scatter [tilespmem:s2], [sflag:$0x1], $0x2000, s22, s21, $0x38;
	[tilespmem:$0x2000] =	vst v63  }
0x4a: {  	_ = 	snop  }
0x4b: {  	[hbm4b:s16+s21] =	stream.strided.scatter [tilespmem:s2], [sflag:$0x1], $0x2000, s22, s21, $0x38;
	[tilespmem:$0x2000] =	vst v63  }
0x4c: {  	_ = 	snop  }
0x4d: {  	[hbm4b:s17+s21] =	stream.strided.scatter [tilespmem:s2], [sflag:$0x1], $0x2000, s22, s21, $0x38;
	[tilespmem:$0x2000] =	vst v63  }
0x4e: {  	_ = 	snop  }
0x4f: {  	[hbm4b:s18+s21] =	stream.strided.scatter [tilespmem:s2], [sflag:$0x1], $0x2000, s22, s21, $0x38;
	[tilespmem:$0x2000] =	vst v63  }
0x50: {  	_ = 	snop  }
0x51: {  	[hbm4b:s19+s21] =	stream.strided.scatter [tilespmem:s2], [sflag:$0x1], $0x2000, s22, s21, $0x38;
	[tilespmem:$0x2000] =	vst v63  }
0x52: {  	_ =	swait.ge [sflag:s20], $0x2000  }
0x53: {  	[sflag:s20] =	ssyncset.done $0x0  }
0x54: {  	[sflag:s20] =	ssyncadd.s32 $0xFFFFE000  }
0x55: {  	_ =	swait.ge [sflag:s20], $0x2000  }
0x56: {  	[sflag:s20] =	ssyncset.done $0x0  }
0x57: {  	[sflag:s20] =	ssyncadd.s32 $0xFFFFE000  }
0x58: {  	_ =	swait.ge [sflag:s20], $0x2000  }
0x59: {  	[sflag:s20] =	ssyncset.done $0x0  }
0x5a: {  	[sflag:s20] =	ssyncadd.s32 $0xFFFFE000  }
0x5b: {  	_ =	swait.ge [sflag:s20], $0x2000  }
0x5c: {  	[sflag:s20] =	ssyncset.done $0x0  }
0x5d: {  	[sflag:s20] =	ssyncadd.s32 $0xFFFFE000  }
0x5e: {  	_ =	swait.ge [sflag:s20], $0x2000  }
0x5f: {  	[sflag:s20] =	ssyncset.done $0x0  }
0x60: {  	[sflag:s20] =	ssyncadd.s32 $0xFFFFE000  }
0x61: {  	_ =	swait.ge [sflag:s20], $0x2000  }
0x62: {  	[sflag:s20] =	ssyncset.done $0x0  }
0x63: {  	[sflag:s20] =	ssyncadd.s32 $0xFFFFE000  }
0x64: {  	_ =	swait.ge [sflag:s20], $0x2000  }
0x65: {  	[sflag:s20] =	ssyncset.done $0x0  }
0x66: {  	[sflag:s20] =	ssyncadd.s32 $0xFFFFE000  }
0x67: {  	_ =	swait.ge [sflag:s20], $0x2000  }
0x68: {  	[sflag:s20] =	ssyncset.done $0x0  }
0x69: {  	[sflag:s20] =	ssyncadd.s32 $0xFFFFE000  }
0x6a: {  	_ =	swait.ge [sflag:s20], $0x2000  }
0x6b: {  	[sflag:s20] =	ssyncset.done $0x0  }
0x6c: {  	[sflag:s20] =	ssyncadd.s32 $0xFFFFE000  }
0x6d: {  	_ =	swait.ge [sflag:s20], $0x2000  }
0x6e: {  	[sflag:s20] =	ssyncset.done $0x0  }
0x6f: {  	[sflag:s20] =	ssyncadd.s32 $0xFFFFE000  }
0x70: {  	_ =	swait.ge [sflag:s20], $0x2000  }
0x71: {  	[sflag:s20] =	ssyncset.done $0x0  }
0x72: {  	[sflag:s20] =	ssyncadd.s32 $0xFFFFE000  }
0x73: {  	_ =	swait.ge [sflag:s20], $0x2000  }
0x74: {  	[sflag:s20] =	ssyncset.done $0x0  }
0x75: {  	[sflag:s20] =	ssyncadd.s32 $0xFFFFE000  }
0x76: {  	_ =	swait.ge [sflag:s20], $0x2000  }
0x77: {  	[sflag:s20] =	ssyncset.done $0x0  }
0x78: {  	[sflag:s20] =	ssyncadd.s32 $0xFFFFE000  }
0x79: {  	_ =	swait.ge [sflag:s20], $0x2000  }
0x7a: {  	[sflag:s20] =	ssyncset.done $0x0  }
0x7b: {  	s23 =	sadd.s32 $0x1, s23;
	[sflag:s20] =	ssyncadd.s32 $0xFFFFE000  }
0x7c: {  	p0 =	sne.s32 s23, s4;
	_ =	swait.ge [sflag:s20], $0x2000  }
.Ltmp1:
0x7d: {  	[sflag:s20] =	ssyncset.done $0x0;
	(pc) =	sbr.rel @p0 .LBB2_1-.Ltmp1, $4  }
0x7e: {  	[sflag:s20] =	ssyncadd.s32 $0xFFFFE000  }
0x7f: {  	_ =	swait.ge [sflag:s20], $0x2000  }
0x80: {  	[sflag:s20] =	ssyncset.done $0x0  }
0x81: {  	[sflag:s20] =	ssyncadd.s32 $0xFFFFE000  }
0x82: {  	_ =	sfence.sel $0x180000  }
0x83: {  	[bflag:$0x0] =	sbarrier.arrive $0xFFFF  }
0x84: {  	p0 =	sne.s32 s1, $0x0;
	_ =	strace $0x90000047  }
0x85: {  	s0 =	sadd.s32 @!p0 $0x100000, s0;
	[bflag:$0x2] =	sbarrier.arrive $0xFFFF  }
0x86: {  	[sflag:s0] =	ssyncadd.tile.s32 @!p0 $0x1;
	_ =	shalt  }
.Lfunc_end2:
_tile_overlayer_lowered:
.L_overlay_start_2:
0x87: {  	(tag) =	ssettag $0x2  }
0x88: {  	s0 =	rddreg [dreg:$0x0];
	s2 =	stileid.u32  }
0x89: {  	s1 =	rddreg [dreg:$0x1];
	p0 =	sne.s32 s2, $0x0  }
0x8a: {  	s3 =	rddreg [dreg:$0x2];
	[bflag:$0x3] =	sbarrier.arrive $0xFFFF;
	s2 =	simm.s32 @!p0 $0x1C02  }
0x8b: {  	[timem:s3], [sflag:s2] =	dma.local @!p0 [hbm:s0], s1  }
0x8c: {  	s0 =	simm.s32 @!p0 $0x2  }
0x8d: {  	_ =	swait.ge @!p0 [sflag:s0], s1  }
0x8e: {  	s1 =	ssub.s32 @!p0 $0x0, s1;
	[sflag:s0] =	ssyncset.done @!p0 $0x0  }
0x8f: {  	[sflag:s0] =	ssyncadd.s32 @!p0 s1  }
0x90: {  	[bflag:$0x3] =	sbarrier.arrive $0xFFFF  }
0x91: {  	_ =	shalt  }

</sc_bundles>
